<compile_context>
chip_gen: v7x
topology: tpu7x:2x2x1
jax: 0.10.2.dev20260603
libtpu: 0.0.44.dev20260713+nightly
codegen_flags: <defaults>
</compile_context>

<pallas_src>
import functools

import jax
import jax.numpy as jnp
from jax import lax
from jax.experimental import pallas as pl
from jax.experimental.pallas import tpu as pltpu
from jax.experimental.pallas import tpu_sc as plsc

N_NODES = 10000
D_HID = 128
D_TGT = 16
N_EDGES = 320000

D_CNT = 16
N_CORES = 2
N_SUBCORES = 16
N_WORKERS = N_CORES * N_SUBCORES
EDGES_PER_W = N_EDGES // N_WORKERS
CHUNK = 80
N_CHUNKS = EDGES_PER_W // CHUNK
N_PHASES = 5
CH_PER_PH = N_CHUNKS // N_PHASES
ROWS_PER_TILE = N_NODES // N_SUBCORES
ZFULL = ROWS_PER_TILE // CHUNK
ZREM = ROWS_PER_TILE - ZFULL * CHUNK

BM = 2000


def _vertex_body(x_ref, w_ref, b_ref, out_ref):
    h = jnp.dot(x_ref[...], w_ref[...], preferred_element_type=jnp.float32)
    out_ref[...] = jnp.maximum(h + b_ref[...], 0.0)


def _vertex_mlp(x, w, b):
    n = x.shape[0]
    return pl.pallas_call(
        _vertex_body,
        grid=(n // BM,),
        in_specs=[
            pl.BlockSpec((BM, D_HID), lambda i: (i, 0)),
            pl.BlockSpec((D_HID, D_HID), lambda i: (0, 0)),
            pl.BlockSpec((1, D_HID), lambda i: (0, 0)),
        ],
        out_specs=pl.BlockSpec((BM, D_HID), lambda i: (i, 0)),
        out_shape=jax.ShapeDtypeStruct((n, D_HID), jnp.float32),
    )(x, w, b.reshape(1, D_HID))


def _sc_body(hp_hbm, ei_hbm, out_hbm, cnt_hbm, colv, rowv,
             rows0, rows1, rows2, ones, acc_sh, cnt_sh, sem0, sem1, sem2,
             ses0, ses1, ses2, semc):
    cid = lax.axis_index("c")
    sid = lax.axis_index("s")
    wid = sid * N_CORES + cid
    base_r = sid * ROWS_PER_TILE

    pltpu.sync_copy(ei_hbm.at[0, wid, 0], rowv)
    pltpu.sync_copy(ei_hbm.at[1, wid, 0], colv)
    pltpu.async_copy(hp_hbm.at[colv.at[0]], rows0, sem0)

    def zrow(i, carry):
        for j in range(D_HID // 16):
            rows1[i, pl.ds(j * 16, 16)] = jnp.zeros((16,), jnp.float32)
        ones[i, :] = jnp.zeros((D_CNT,), jnp.float32)
        return carry

    lax.fori_loop(0, CHUNK, zrow, 0)
    for k in range(ZFULL):
        pltpu.sync_copy(rows1, acc_sh.at[pl.ds(base_r + k * CHUNK, CHUNK)])
        pltpu.sync_copy(ones, cnt_sh.at[pl.ds(base_r + k * CHUNK, CHUNK)])
    pltpu.sync_copy(
        rows1.at[pl.ds(0, ZREM)],
        acc_sh.at[pl.ds(base_r + ZFULL * CHUNK, ZREM)],
    )
    pltpu.sync_copy(
        ones.at[pl.ds(0, ZREM)],
        cnt_sh.at[pl.ds(base_r + ZFULL * CHUNK, ZREM)],
    )

    def orow(i, carry):
        ones[i, :] = jnp.ones((D_CNT,), jnp.float32)
        return carry

    lax.fori_loop(0, CHUNK, orow, 0)
    plsc.subcore_barrier()

    for ph in range(N_PHASES):
        if ph > 0:
            pltpu.sync_copy(ei_hbm.at[0, wid, ph], rowv)
            pltpu.sync_copy(ei_hbm.at[1, wid, ph], colv)
            pltpu.async_copy(hp_hbm.at[colv.at[0]], rows0, sem0)
        pltpu.async_copy(hp_hbm.at[colv.at[1]], rows1, sem1)
        pltpu.async_copy(hp_hbm.at[colv.at[2]], rows2, sem2)
        bufs = ((rows0, sem0, ses0), (rows1, sem1, ses1), (rows2, sem2, ses2))

        def step(i, carry):
            for t in range(3):
                j = 3 * i + t
                buf, sem, ses = bufs[t]
                pltpu.async_copy(ones, cnt_sh.at[rowv.at[j]], semc, add=True)
                pltpu.make_async_copy(hp_hbm.at[colv.at[j]], buf, sem).wait()
                pltpu.async_copy(buf, acc_sh.at[rowv.at[j]], ses, add=True)

                @pl.when(j + 3 < CH_PER_PH)
                def _():
                    pltpu.make_async_copy(
                        buf, acc_sh.at[rowv.at[j]], ses).wait()
                    pltpu.async_copy(hp_hbm.at[colv.at[j + 3]], buf, sem)

            return carry

        lax.fori_loop(0, CH_PER_PH // 3, step, 0)
        jt = CH_PER_PH - 1
        pltpu.async_copy(ones, cnt_sh.at[rowv.at[jt]], semc, add=True)
        pltpu.make_async_copy(hp_hbm.at[colv.at[jt]], rows0, sem0).wait()
        pltpu.async_copy(rows0, acc_sh.at[rowv.at[jt]], ses0, add=True)

        pltpu.make_async_copy(rows0, acc_sh.at[rowv.at[0]], ses0).wait()
        pltpu.make_async_copy(rows1, acc_sh.at[rowv.at[0]], ses1).wait()
        pltpu.make_async_copy(rows2, acc_sh.at[rowv.at[0]], ses2).wait()

        def drain(i, carry):
            pltpu.make_async_copy(ones, cnt_sh.at[rowv.at[0]], semc).wait()
            return carry

        lax.fori_loop(0, CH_PER_PH, drain, 0)
    plsc.subcore_barrier()

    pltpu.sync_copy(
        acc_sh.at[pl.ds(base_r, ROWS_PER_TILE)],
        out_hbm.at[cid, pl.ds(base_r, ROWS_PER_TILE)],
    )
    pltpu.sync_copy(
        cnt_sh.at[pl.ds(base_r, ROWS_PER_TILE)],
        cnt_hbm.at[cid, pl.ds(base_r, ROWS_PER_TILE)],
    )


_sc_aggregate = functools.partial(
    pl.kernel,
    out_type=[
        jax.ShapeDtypeStruct((N_CORES, N_NODES, D_HID), jnp.float32),
        jax.ShapeDtypeStruct((N_CORES, N_NODES, D_CNT), jnp.float32),
    ],
    mesh=plsc.VectorSubcoreMesh(core_axis_name="c", subcore_axis_name="s"),
    compiler_params=pltpu.CompilerParams(use_tc_tiling_on_sc=False),
    scratch_types=[
        pltpu.VMEM((CH_PER_PH, CHUNK), jnp.int32),
        pltpu.VMEM((CH_PER_PH, CHUNK), jnp.int32),
        pltpu.VMEM((CHUNK, D_HID), jnp.float32),
        pltpu.VMEM((CHUNK, D_HID), jnp.float32),
        pltpu.VMEM((CHUNK, D_HID), jnp.float32),
        pltpu.VMEM((CHUNK, D_CNT), jnp.float32),
        pltpu.VMEM_SHARED((N_NODES, D_HID), jnp.float32),
        pltpu.VMEM_SHARED((N_NODES, D_CNT), jnp.float32),
        pltpu.SemaphoreType.DMA,
        pltpu.SemaphoreType.DMA,
        pltpu.SemaphoreType.DMA,
        pltpu.SemaphoreType.DMA,
        pltpu.SemaphoreType.DMA,
        pltpu.SemaphoreType.DMA,
        pltpu.SemaphoreType.DMA,
    ],
)(_sc_body)


def _head_body(p_ref, cnt_ref, w1_ref, b1_ref, w2_ref, b2_ref, out_ref):
    s = p_ref[0] + p_ref[1]
    q = cnt_ref[0] + cnt_ref[1]
    c = jnp.max(q, axis=1, keepdims=True)
    c = jnp.where(c == 0.0, 1.0, c)
    agg = s / c
    g = jnp.dot(agg, w1_ref[...], preferred_element_type=jnp.float32)
    g = jnp.maximum(g + b1_ref[...], 0.0)
    o = jnp.dot(g, w2_ref[...], preferred_element_type=jnp.float32)
    out_ref[...] = o + b2_ref[...]


def _head(p, cnt, w1, b1, w2, b2):
    return pl.pallas_call(
        _head_body,
        grid=(N_NODES // BM,),
        in_specs=[
            pl.BlockSpec((N_CORES, BM, D_HID), lambda i: (0, i, 0)),
            pl.BlockSpec((N_CORES, BM, D_CNT), lambda i: (0, i, 0)),
            pl.BlockSpec((D_HID, D_HID), lambda i: (0, 0)),
            pl.BlockSpec((1, D_HID), lambda i: (0, 0)),
            pl.BlockSpec((D_HID, D_TGT), lambda i: (0, 0)),
            pl.BlockSpec((1, D_TGT), lambda i: (0, 0)),
        ],
        out_specs=pl.BlockSpec((BM, D_TGT), lambda i: (i, 0)),
        out_shape=jax.ShapeDtypeStruct((N_NODES, D_TGT), jnp.float32),
    )(p, cnt, w1, b1.reshape(1, D_HID), w2, b2.reshape(1, D_TGT))


@jax.jit
def kernel(x, edge_index, W_vertex, b_vertex, W_g1, b_g1, W_g2, b_g2):
    ei = edge_index.astype(jnp.int32).reshape(
        2, N_WORKERS, N_PHASES, CH_PER_PH, CHUNK)
    hp = _vertex_mlp(x, W_vertex, b_vertex)
    p, cnt = _sc_aggregate(hp, ei)
    return _head(p, cnt, W_g1, b_g1, W_g2, b_g2)

# --- scband reference (transcript-rebuilt; emitter-appended) ---
"""Pipeline reference for scband-deep-multisets-5050881540297 (READ-ONLY COPY).

The authoritative reference and input builder live on the scoring server;
editing this copy changes nothing except your own understanding.
"""

import jax, jax.numpy as jnp
import numpy as np

N_NODES = 10000
DIM_FEATURES = 128
HIDDEN_UNITS = 128
DIM_TARGET = 16
N_EDGES = 320000


def setup_inputs(seed: int = 0) -> dict:
    key = jax.random.key(seed)
    k_x, k_ei, k1, k2, k3 = jax.random.split(key, 5)
    x = jax.random.normal(k_x, (N_NODES, DIM_FEATURES), dtype=jnp.float32)
    edge_index = jax.random.randint(k_ei, (2, N_EDGES), 0, N_NODES, dtype=jnp.int64 if jax.config.jax_enable_x64 else jnp.int32)
    # Learned parameters (Linear stores weight as [out, in]; we store transposed [in, out] for x @ W)
    s1 = 1.0 / np.sqrt(DIM_FEATURES)
    s2 = 1.0 / np.sqrt(HIDDEN_UNITS)
    W_vertex = jax.random.uniform(jax.random.fold_in(k1, 0), (DIM_FEATURES, HIDDEN_UNITS), minval=-s1, maxval=s1, dtype=jnp.float32)
    b_vertex = jax.random.uniform(jax.random.fold_in(k1, 1), (HIDDEN_UNITS,), minval=-s1, maxval=s1, dtype=jnp.float32)
    W_g1 = jax.random.uniform(jax.random.fold_in(k2, 0), (HIDDEN_UNITS, HIDDEN_UNITS), minval=-s2, maxval=s2, dtype=jnp.float32)
    b_g1 = jax.random.uniform(jax.random.fold_in(k2, 1), (HIDDEN_UNITS,), minval=-s2, maxval=s2, dtype=jnp.float32)
    W_g2 = jax.random.uniform(jax.random.fold_in(k3, 0), (HIDDEN_UNITS, DIM_TARGET), minval=-s2, maxval=s2, dtype=jnp.float32)
    b_g2 = jax.random.uniform(jax.random.fold_in(k3, 1), (DIM_TARGET,), minval=-s2, maxval=s2, dtype=jnp.float32)
    return {"x": x, "edge_index": edge_index, "W_vertex": W_vertex, "b_vertex": b_vertex, "W_g1": W_g1, "b_g1": b_g1, "W_g2": W_g2, "b_g2": b_g2}


def reference(x, edge_index, W_vertex, b_vertex, W_g1, b_g1, W_g2, b_g2):
    num_nodes = x.shape[0]
    # x = F.relu(self.fc_vertex(x))
    h = jax.nn.relu(x @ W_vertex + b_vertex)
    # aggregate: mean over incoming messages (scatter-add + count)
    row = edge_index[0]
    col = edge_index[1]
    row_sum = jnp.zeros((num_nodes, h.shape[1]), dtype=h.dtype).at[row].add(h[col])
    row_count = jnp.zeros((num_nodes,), dtype=jnp.float32).at[row].add(jnp.ones_like(col, dtype=jnp.float32))
    row_count = jnp.where(row_count == 0, 1.0, row_count)
    aggregated = row_sum / row_count[:, None]
    # global MLP head
    g = jax.nn.relu(aggregated @ W_g1 + b_g1)
    out = g @ W_g2 + b_g2
    return out

if __name__ == "__main__":
    import jax
    _d = setup_inputs()
    print(jax.jit(kernel)(*tuple(_d.values())))

</pallas_src>

<mosaic_0001>
#map = affine_map<(d0, d1) -> (0, 0)>
#map1 = affine_map<(d0, d1) -> (0, 0, 0, 0, 0)>
#map2 = affine_map<(d0, d1) -> (0, 0, 0)>
module attributes {stable_mosaic.version = 14 : i64} {
  func.func @_sc_body(%arg0: i32, %arg1: i32, %arg2: memref<10000x128xf32, #tpu.memory_space<hbm>>, %arg3: memref<2x32x5x25x80xi32, #tpu.memory_space<hbm>>, %arg4: memref<2x10000x128xf32, #tpu.memory_space<hbm>>, %arg5: memref<2x10000x16xf32, #tpu.memory_space<hbm>>, %arg6: memref<25x80xi32, #tpu.memory_space<vmem>>, %arg7: memref<25x80xi32, #tpu.memory_space<vmem>>, %arg8: memref<80x128xf32, #tpu.memory_space<vmem>>, %arg9: memref<80x128xf32, #tpu.memory_space<vmem>>, %arg10: memref<80x128xf32, #tpu.memory_space<vmem>>, %arg11: memref<80x16xf32, #tpu.memory_space<vmem>>, %arg12: memref<10000x128xf32, #tpu.memory_space<vmem_shared>>, %arg13: memref<10000x16xf32, #tpu.memory_space<vmem_shared>>, %arg14: memref<!tpu.dma_semaphore, #tpu.memory_space<semaphore_mem>>, %arg15: memref<!tpu.dma_semaphore, #tpu.memory_space<semaphore_mem>>, %arg16: memref<!tpu.dma_semaphore, #tpu.memory_space<semaphore_mem>>, %arg17: memref<!tpu.dma_semaphore, #tpu.memory_space<semaphore_mem>>, %arg18: memref<!tpu.dma_semaphore, #tpu.memory_space<semaphore_mem>>, %arg19: memref<!tpu.dma_semaphore, #tpu.memory_space<semaphore_mem>>, %arg20: memref<!tpu.dma_semaphore, #tpu.memory_space<semaphore_mem>>) attributes {dimension_semantics = [#tpu.dimension_semantics<core_parallel>, #tpu.dimension_semantics<subcore_parallel>], iteration_bounds = array<i64: 2, 16>, scalar_prefetch = 0 : i64, scratch_operands = 15 : i64, tpu.core_type = #tpu.core_type<sc_vector_subcore>, window_params = [{transform_indices = #map}, {transform_indices = #map1}, {transform_indices = #map2}, {transform_indices = #map2}]} {
    %mul3A = arith.constant 2 : i32
    %mul3A_0 = arith.muli %arg1, %mul3A : i32
    %add3A = arith.addi %mul3A_0, %arg0 : i32
    %mul3A_1 = arith.constant 625 : i32
    %mul3A_2 = arith.muli %arg1, %mul3A_1 : i32
    %run_scoped3A = arith.constant 0 : i32
    %run_scoped3A_3 = arith.constant 0 : i32
    "tpu.region"() ({
      %run_scoped3A_439 = tpu.sem_alloc : memref<!tpu.dma_semaphore, #tpu.memory_space<semaphore_mem>>
      %dma_start3A_440 = arith.constant 0 : i32
      %dma_start3A_441 = arith.constant 0 : i32
      %dma_start3A_442 = tpu.memref_slice %arg3[%run_scoped3A, %add3A, %run_scoped3A_3, %dma_start3A_440, %dma_start3A_441] : memref<2x32x5x25x80xi32, #tpu.memory_space<hbm>> -> memref<1x1x1x25x80xi32, #tpu.memory_space<hbm>>
      %dma_start3A_443 = tpu.memref_squeeze %dma_start3A_442 : memref<1x1x1x25x80xi32, #tpu.memory_space<hbm>> -> memref<25x80xi32, #tpu.memory_space<hbm>>
      %dma_start3A_444 = arith.constant 0 : i32
      %dma_start3A_445 = arith.constant 0 : i32
      %dma_start3A_446 = tpu.memref_slice %arg3[%run_scoped3A, %add3A, %run_scoped3A_3, %dma_start3A_444, %dma_start3A_445] : memref<2x32x5x25x80xi32, #tpu.memory_space<hbm>> -> memref<1x1x1x25x80xi32, #tpu.memory_space<hbm>>
      %dma_start3A_447 = tpu.memref_squeeze %dma_start3A_446 : memref<1x1x1x25x80xi32, #tpu.memory_space<hbm>> -> memref<25x80xi32, #tpu.memory_space<hbm>>
      tpu.enqueue_dma source(%dma_start3A_447 : memref<25x80xi32, #tpu.memory_space<hbm>>) target(%arg7 : memref<25x80xi32, #tpu.memory_space<vmem>>) target_semaphore(%run_scoped3A_439 : memref<!tpu.dma_semaphore, #tpu.memory_space<semaphore_mem>>)
      %dma_wait3A_448 = arith.constant 0 : i32
      %dma_wait3A_449 = arith.constant 0 : i32
      %dma_wait3A_450 = tpu.memref_slice %arg3[%run_scoped3A, %add3A, %run_scoped3A_3, %dma_wait3A_448, %dma_wait3A_449] : memref<2x32x5x25x80xi32, #tpu.memory_space<hbm>> -> memref<1x1x1x25x80xi32, #tpu.memory_space<hbm>>
      %dma_wait3A_451 = tpu.memref_squeeze %dma_wait3A_450 : memref<1x1x1x25x80xi32, #tpu.memory_space<hbm>> -> memref<25x80xi32, #tpu.memory_space<hbm>>
      %dma_wait3A_452 = arith.constant 0 : i32
      %dma_wait3A_453 = arith.constant 0 : i32
      %dma_wait3A_454 = tpu.memref_slice %arg3[%run_scoped3A, %add3A, %run_scoped3A_3, %dma_wait3A_452, %dma_wait3A_453] : memref<2x32x5x25x80xi32, #tpu.memory_space<hbm>> -> memref<1x1x1x25x80xi32, #tpu.memory_space<hbm>>
      %dma_wait3A_455 = tpu.memref_squeeze %dma_wait3A_454 : memref<1x1x1x25x80xi32, #tpu.memory_space<hbm>> -> memref<25x80xi32, #tpu.memory_space<hbm>>
      tpu.wait_dma2 semaphore(%run_scoped3A_439 : memref<!tpu.dma_semaphore, #tpu.memory_space<semaphore_mem>>) src(%dma_wait3A_455 : memref<25x80xi32, #tpu.memory_space<hbm>>) dst(%arg7 : memref<25x80xi32, #tpu.memory_space<vmem>>)
      tpu.yield
    }) : () -> ()
    %run_scoped3A_4 = arith.constant 1 : i32
    %run_scoped3A_5 = arith.constant 0 : i32
    "tpu.region"() ({
      %run_scoped3A_439 = tpu.sem_alloc : memref<!tpu.dma_semaphore, #tpu.memory_space<semaphore_mem>>
      %dma_start3A_440 = arith.constant 0 : i32
      %dma_start3A_441 = arith.constant 0 : i32
      %dma_start3A_442 = tpu.memref_slice %arg3[%run_scoped3A_4, %add3A, %run_scoped3A_5, %dma_start3A_440, %dma_start3A_441] : memref<2x32x5x25x80xi32, #tpu.memory_space<hbm>> -> memref<1x1x1x25x80xi32, #tpu.memory_space<hbm>>
      %dma_start3A_443 = tpu.memref_squeeze %dma_start3A_442 : memref<1x1x1x25x80xi32, #tpu.memory_space<hbm>> -> memref<25x80xi32, #tpu.memory_space<hbm>>
      %dma_start3A_444 = arith.constant 0 : i32
      %dma_start3A_445 = arith.constant 0 : i32
      %dma_start3A_446 = tpu.memref_slice %arg3[%run_scoped3A_4, %add3A, %run_scoped3A_5, %dma_start3A_444, %dma_start3A_445] : memref<2x32x5x25x80xi32, #tpu.memory_space<hbm>> -> memref<1x1x1x25x80xi32, #tpu.memory_space<hbm>>
      %dma_start3A_447 = tpu.memref_squeeze %dma_start3A_446 : memref<1x1x1x25x80xi32, #tpu.memory_space<hbm>> -> memref<25x80xi32, #tpu.memory_space<hbm>>
      tpu.enqueue_dma source(%dma_start3A_447 : memref<25x80xi32, #tpu.memory_space<hbm>>) target(%arg6 : memref<25x80xi32, #tpu.memory_space<vmem>>) target_semaphore(%run_scoped3A_439 : memref<!tpu.dma_semaphore, #tpu.memory_space<semaphore_mem>>)
      %dma_wait3A_448 = arith.constant 0 : i32
      %dma_wait3A_449 = arith.constant 0 : i32
      %dma_wait3A_450 = tpu.memref_slice %arg3[%run_scoped3A_4, %add3A, %run_scoped3A_5, %dma_wait3A_448, %dma_wait3A_449] : memref<2x32x5x25x80xi32, #tpu.memory_space<hbm>> -> memref<1x1x1x25x80xi32, #tpu.memory_space<hbm>>
      %dma_wait3A_451 = tpu.memref_squeeze %dma_wait3A_450 : memref<1x1x1x25x80xi32, #tpu.memory_space<hbm>> -> memref<25x80xi32, #tpu.memory_space<hbm>>
      %dma_wait3A_452 = arith.constant 0 : i32
      %dma_wait3A_453 = arith.constant 0 : i32
      %dma_wait3A_454 = tpu.memref_slice %arg3[%run_scoped3A_4, %add3A, %run_scoped3A_5, %dma_wait3A_452, %dma_wait3A_453] : memref<2x32x5x25x80xi32, #tpu.memory_space<hbm>> -> memref<1x1x1x25x80xi32, #tpu.memory_space<hbm>>
      %dma_wait3A_455 = tpu.memref_squeeze %dma_wait3A_454 : memref<1x1x1x25x80xi32, #tpu.memory_space<hbm>> -> memref<25x80xi32, #tpu.memory_space<hbm>>
      tpu.wait_dma2 semaphore(%run_scoped3A_439 : memref<!tpu.dma_semaphore, #tpu.memory_space<semaphore_mem>>) src(%dma_wait3A_455 : memref<25x80xi32, #tpu.memory_space<hbm>>) dst(%arg6 : memref<25x80xi32, #tpu.memory_space<vmem>>)
      tpu.yield
    }) : () -> ()
    %dma_start3A = arith.constant 0 : i32
    %dma_start3A_6 = arith.constant 0 : i32
    %dma_start3A_7 = tpu.memref_slice %arg6[%dma_start3A, %dma_start3A_6] : memref<25x80xi32, #tpu.memory_space<vmem>> -> memref<1x80xi32, #tpu.memory_space<vmem>>
    %dma_start3A_8 = tpu.memref_squeeze %dma_start3A_7 : memref<1x80xi32, #tpu.memory_space<vmem>> -> memref<80xi32, #tpu.memory_space<vmem>>
    %dma_start3A_9 = arith.constant 0 : i32
    %dma_start3A_10 = arith.constant 0 : i32
    %dma_start3A_11 = tpu.memref_slice %arg2[%dma_start3A_9, %dma_start3A_10] : memref<10000x128xf32, #tpu.memory_space<hbm>> -> memref<10000x128xf32, #tpu.memory_space<hbm>>
    tpu.enqueue_indirect_dma source(%dma_start3A_11 : memref<10000x128xf32, #tpu.memory_space<hbm>>) target(%arg8 : memref<80x128xf32, #tpu.memory_space<vmem>>) offsets(%dma_start3A_8 : memref<80xi32, #tpu.memory_space<vmem>>) semaphore(%arg14 : memref<!tpu.dma_semaphore, #tpu.memory_space<semaphore_mem>>)
    %scan3A = arith.constant 0 : i32
    %scan3A_12 = arith.constant 0 : i32
    %scan3A_13 = arith.constant 80 : i32
    %scan3A_14 = arith.addi %scan3A_12, %scan3A_13 : i32
    %scan3A_15 = arith.constant 1 : i32
    scf.for %scan3A_439 = %scan3A_12 to %scan3A_14 step %scan3A_15  : i32 {
      %broadcast_in_dim3A = arith.constant 0.000000e+00 : f32
      %broadcast_in_dim3A_440 = vector.broadcast %broadcast_in_dim3A : f32 to vector<16xf32>
      %swap3A = arith.index_cast %scan3A_439 : i32 to index
      %swap3A_441 = arith.constant 0 : index
      %swap3A_442 = tpu.vector_load %arg9[%swap3A, %swap3A_441] {strides = array<i32>} : memref<80x128xf32, #tpu.memory_space<vmem>>, vector<1x16xf32>,
      %swap3A_443 = vector.shape_cast %swap3A_442 : vector<1x16xf32> to vector<16xf32>
      %swap3A_444 = vector.shape_cast %broadcast_in_dim3A_440 : vector<16xf32> to vector<1x16xf32>
      tpu.vector_store %arg9[%swap3A, %swap3A_441], %swap3A_444 {strides = array<i32>} : memref<80x128xf32, #tpu.memory_space<vmem>>, vector<1x16xf32>,
      %broadcast_in_dim3A_445 = arith.constant 0.000000e+00 : f32
      %broadcast_in_dim3A_446 = vector.broadcast %broadcast_in_dim3A_445 : f32 to vector<16xf32>
      %swap3A_447 = arith.index_cast %scan3A_439 : i32 to index
      %swap3A_448 = arith.constant 16 : index
      %swap3A_449 = tpu.vector_load %arg9[%swap3A_447, %swap3A_448] {strides = array<i32>} : memref<80x128xf32, #tpu.memory_space<vmem>>, vector<1x16xf32>,
      %swap3A_450 = vector.shape_cast %swap3A_449 : vector<1x16xf32> to vector<16xf32>
      %swap3A_451 = vector.shape_cast %broadcast_in_dim3A_446 : vector<16xf32> to vector<1x16xf32>
      tpu.vector_store %arg9[%swap3A_447, %swap3A_448], %swap3A_451 {strides = array<i32>} : memref<80x128xf32, #tpu.memory_space<vmem>>, vector<1x16xf32>,
      %broadcast_in_dim3A_452 = arith.constant 0.000000e+00 : f32
      %broadcast_in_dim3A_453 = vector.broadcast %broadcast_in_dim3A_452 : f32 to vector<16xf32>
      %swap3A_454 = arith.index_cast %scan3A_439 : i32 to index
      %swap3A_455 = arith.constant 32 : index
      %swap3A_456 = tpu.vector_load %arg9[%swap3A_454, %swap3A_455] {strides = array<i32>} : memref<80x128xf32, #tpu.memory_space<vmem>>, vector<1x16xf32>,
      %swap3A_457 = vector.shape_cast %swap3A_456 : vector<1x16xf32> to vector<16xf32>
      %swap3A_458 = vector.shape_cast %broadcast_in_dim3A_453 : vector<16xf32> to vector<1x16xf32>
      tpu.vector_store %arg9[%swap3A_454, %swap3A_455], %swap3A_458 {strides = array<i32>} : memref<80x128xf32, #tpu.memory_space<vmem>>, vector<1x16xf32>,
      %broadcast_in_dim3A_459 = arith.constant 0.000000e+00 : f32
      %broadcast_in_dim3A_460 = vector.broadcast %broadcast_in_dim3A_459 : f32 to vector<16xf32>
      %swap3A_461 = arith.index_cast %scan3A_439 : i32 to index
      %swap3A_462 = arith.constant 48 : index
      %swap3A_463 = tpu.vector_load %arg9[%swap3A_461, %swap3A_462] {strides = array<i32>} : memref<80x128xf32, #tpu.memory_space<vmem>>, vector<1x16xf32>,
      %swap3A_464 = vector.shape_cast %swap3A_463 : vector<1x16xf32> to vector<16xf32>
      %swap3A_465 = vector.shape_cast %broadcast_in_dim3A_460 : vector<16xf32> to vector<1x16xf32>
      tpu.vector_store %arg9[%swap3A_461, %swap3A_462], %swap3A_465 {strides = array<i32>} : memref<80x128xf32, #tpu.memory_space<vmem>>, vector<1x16xf32>,
      %broadcast_in_dim3A_466 = arith.constant 0.000000e+00 : f32
      %broadcast_in_dim3A_467 = vector.broadcast %broadcast_in_dim3A_466 : f32 to vector<16xf32>
      %swap3A_468 = arith.index_cast %scan3A_439 : i32 to index
      %swap3A_469 = arith.constant 64 : index
      %swap3A_470 = tpu.vector_load %arg9[%swap3A_468, %swap3A_469] {strides = array<i32>} : memref<80x128xf32, #tpu.memory_space<vmem>>, vector<1x16xf32>,
      %swap3A_471 = vector.shape_cast %swap3A_470 : vector<1x16xf32> to vector<16xf32>
      %swap3A_472 = vector.shape_cast %broadcast_in_dim3A_467 : vector<16xf32> to vector<1x16xf32>
      tpu.vector_store %arg9[%swap3A_468, %swap3A_469], %swap3A_472 {strides = array<i32>} : memref<80x128xf32, #tpu.memory_space<vmem>>, vector<1x16xf32>,
      %broadcast_in_dim3A_473 = arith.constant 0.000000e+00 : f32
      %broadcast_in_dim3A_474 = vector.broadcast %broadcast_in_dim3A_473 : f32 to vector<16xf32>
      %swap3A_475 = arith.index_cast %scan3A_439 : i32 to index
      %swap3A_476 = arith.constant 80 : index
      %swap3A_477 = tpu.vector_load %arg9[%swap3A_475, %swap3A_476] {strides = array<i32>} : memref<80x128xf32, #tpu.memory_space<vmem>>, vector<1x16xf32>,
      %swap3A_478 = vector.shape_cast %swap3A_477 : vector<1x16xf32> to vector<16xf32>
      %swap3A_479 = vector.shape_cast %broadcast_in_dim3A_474 : vector<16xf32> to vector<1x16xf32>
      tpu.vector_store %arg9[%swap3A_475, %swap3A_476], %swap3A_479 {strides = array<i32>} : memref<80x128xf32, #tpu.memory_space<vmem>>, vector<1x16xf32>,
      %broadcast_in_dim3A_480 = arith.constant 0.000000e+00 : f32
      %broadcast_in_dim3A_481 = vector.broadcast %broadcast_in_dim3A_480 : f32 to vector<16xf32>
      %swap3A_482 = arith.index_cast %scan3A_439 : i32 to index
      %swap3A_483 = arith.constant 96 : index
      %swap3A_484 = tpu.vector_load %arg9[%swap3A_482, %swap3A_483] {strides = array<i32>} : memref<80x128xf32, #tpu.memory_space<vmem>>, vector<1x16xf32>,
      %swap3A_485 = vector.shape_cast %swap3A_484 : vector<1x16xf32> to vector<16xf32>
      %swap3A_486 = vector.shape_cast %broadcast_in_dim3A_481 : vector<16xf32> to vector<1x16xf32>
      tpu.vector_store %arg9[%swap3A_482, %swap3A_483], %swap3A_486 {strides = array<i32>} : memref<80x128xf32, #tpu.memory_space<vmem>>, vector<1x16xf32>,
      %broadcast_in_dim3A_487 = arith.constant 0.000000e+00 : f32
      %broadcast_in_dim3A_488 = vector.broadcast %broadcast_in_dim3A_487 : f32 to vector<16xf32>
      %swap3A_489 = arith.index_cast %scan3A_439 : i32 to index
      %swap3A_490 = arith.constant 112 : index
      %swap3A_491 = tpu.vector_load %arg9[%swap3A_489, %swap3A_490] {strides = array<i32>} : memref<80x128xf32, #tpu.memory_space<vmem>>, vector<1x16xf32>,
      %swap3A_492 = vector.shape_cast %swap3A_491 : vector<1x16xf32> to vector<16xf32>
      %swap3A_493 = vector.shape_cast %broadcast_in_dim3A_488 : vector<16xf32> to vector<1x16xf32>
      tpu.vector_store %arg9[%swap3A_489, %swap3A_490], %swap3A_493 {strides = array<i32>} : memref<80x128xf32, #tpu.memory_space<vmem>>, vector<1x16xf32>,
      %broadcast_in_dim3A_494 = arith.constant 0.000000e+00 : f32
      %broadcast_in_dim3A_495 = vector.broadcast %broadcast_in_dim3A_494 : f32 to vector<16xf32>
      %swap3A_496 = arith.index_cast %scan3A_439 : i32 to index
      %swap3A_497 = arith.constant 0 : index
      %swap3A_498 = tpu.vector_load %arg11[%swap3A_496, %swap3A_497] {strides = array<i32>} : memref<80x16xf32, #tpu.memory_space<vmem>>, vector<1x16xf32>,
      %swap3A_499 = vector.shape_cast %swap3A_498 : vector<1x16xf32> to vector<16xf32>
      %swap3A_500 = vector.shape_cast %broadcast_in_dim3A_495 : vector<16xf32> to vector<1x16xf32>
      tpu.vector_store %arg11[%swap3A_496, %swap3A_497], %swap3A_500 {strides = array<i32>} : memref<80x16xf32, #tpu.memory_space<vmem>>, vector<1x16xf32>,
    }
    %scan3A_16 = arith.constant 80 : i32
    %add3A_17 = arith.constant 0 : i32
    %add3A_18 = arith.addi %mul3A_2, %add3A_17 : i32
    "tpu.region"() ({
      %run_scoped3A_439 = tpu.sem_alloc : memref<!tpu.dma_semaphore, #tpu.memory_space<semaphore_mem>>
      %dma_start3A_440 = arith.constant 0 : i32
      %dma_start3A_441 = tpu.memref_slice %arg12[%add3A_18, %dma_start3A_440] : memref<10000x128xf32, #tpu.memory_space<vmem_shared>> -> memref<80x128xf32, #tpu.memory_space<vmem_shared>>
      %dma_start3A_442 = arith.constant 0 : i32
      %dma_start3A_443 = tpu.memref_slice %arg12[%add3A_18, %dma_start3A_442] : memref<10000x128xf32, #tpu.memory_space<vmem_shared>> -> memref<80x128xf32, #tpu.memory_space<vmem_shared>>
      tpu.enqueue_dma source(%arg9 : memref<80x128xf32, #tpu.memory_space<vmem>>) target(%dma_start3A_443 : memref<80x128xf32, #tpu.memory_space<vmem_shared>>) target_semaphore(%run_scoped3A_439 : memref<!tpu.dma_semaphore, #tpu.memory_space<semaphore_mem>>)
      %dma_wait3A_444 = arith.constant 0 : i32
      %dma_wait3A_445 = tpu.memref_slice %arg12[%add3A_18, %dma_wait3A_444] : memref<10000x128xf32, #tpu.memory_space<vmem_shared>> -> memref<80x128xf32, #tpu.memory_space<vmem_shared>>
      %dma_wait3A_446 = arith.constant 0 : i32
      %dma_wait3A_447 = tpu.memref_slice %arg12[%add3A_18, %dma_wait3A_446] : memref<10000x128xf32, #tpu.memory_space<vmem_shared>> -> memref<80x128xf32, #tpu.memory_space<vmem_shared>>
      tpu.wait_dma2 semaphore(%run_scoped3A_439 : memref<!tpu.dma_semaphore, #tpu.memory_space<semaphore_mem>>) src(%arg9 : memref<80x128xf32, #tpu.memory_space<vmem>>) dst(%dma_wait3A_447 : memref<80x128xf32, #tpu.memory_space<vmem_shared>>)
      tpu.yield
    }) : () -> ()
    %add3A_19 = arith.constant 0 : i32
    %add3A_20 = arith.addi %mul3A_2, %add3A_19 : i32
    "tpu.region"() ({
      %run_scoped3A_439 = tpu.sem_alloc : memref<!tpu.dma_semaphore, #tpu.memory_space<semaphore_mem>>
      %dma_start3A_440 = arith.constant 0 : i32
      %dma_start3A_441 = tpu.memref_slice %arg13[%add3A_20, %dma_start3A_440] : memref<10000x16xf32, #tpu.memory_space<vmem_shared>> -> memref<80x16xf32, #tpu.memory_space<vmem_shared>>
      %dma_start3A_442 = arith.constant 0 : i32
      %dma_start3A_443 = tpu.memref_slice %arg13[%add3A_20, %dma_start3A_442] : memref<10000x16xf32, #tpu.memory_space<vmem_shared>> -> memref<80x16xf32, #tpu.memory_space<vmem_shared>>
      tpu.enqueue_dma source(%arg11 : memref<80x16xf32, #tpu.memory_space<vmem>>) target(%dma_start3A_443 : memref<80x16xf32, #tpu.memory_space<vmem_shared>>) target_semaphore(%run_scoped3A_439 : memref<!tpu.dma_semaphore, #tpu.memory_space<semaphore_mem>>)
      %dma_wait3A_444 = arith.constant 0 : i32
      %dma_wait3A_445 = tpu.memref_slice %arg13[%add3A_20, %dma_wait3A_444] : memref<10000x16xf32, #tpu.memory_space<vmem_shared>> -> memref<80x16xf32, #tpu.memory_space<vmem_shared>>
      %dma_wait3A_446 = arith.constant 0 : i32
      %dma_wait3A_447 = tpu.memref_slice %arg13[%add3A_20, %dma_wait3A_446] : memref<10000x16xf32, #tpu.memory_space<vmem_shared>> -> memref<80x16xf32, #tpu.memory_space<vmem_shared>>
      tpu.wait_dma2 semaphore(%run_scoped3A_439 : memref<!tpu.dma_semaphore, #tpu.memory_space<semaphore_mem>>) src(%arg11 : memref<80x16xf32, #tpu.memory_space<vmem>>) dst(%dma_wait3A_447 : memref<80x16xf32, #tpu.memory_space<vmem_shared>>)
      tpu.yield
    }) : () -> ()
    %add3A_21 = arith.constant 80 : i32
    %add3A_22 = arith.addi %mul3A_2, %add3A_21 : i32
    "tpu.region"() ({
      %run_scoped3A_439 = tpu.sem_alloc : memref<!tpu.dma_semaphore, #tpu.memory_space<semaphore_mem>>
      %dma_start3A_440 = arith.constant 0 : i32
      %dma_start3A_441 = tpu.memref_slice %arg12[%add3A_22, %dma_start3A_440] : memref<10000x128xf32, #tpu.memory_space<vmem_shared>> -> memref<80x128xf32, #tpu.memory_space<vmem_shared>>
      %dma_start3A_442 = arith.constant 0 : i32
      %dma_start3A_443 = tpu.memref_slice %arg12[%add3A_22, %dma_start3A_442] : memref<10000x128xf32, #tpu.memory_space<vmem_shared>> -> memref<80x128xf32, #tpu.memory_space<vmem_shared>>
      tpu.enqueue_dma source(%arg9 : memref<80x128xf32, #tpu.memory_space<vmem>>) target(%dma_start3A_443 : memref<80x128xf32, #tpu.memory_space<vmem_shared>>) target_semaphore(%run_scoped3A_439 : memref<!tpu.dma_semaphore, #tpu.memory_space<semaphore_mem>>)
      %dma_wait3A_444 = arith.constant 0 : i32
      %dma_wait3A_445 = tpu.memref_slice %arg12[%add3A_22, %dma_wait3A_444] : memref<10000x128xf32, #tpu.memory_space<vmem_shared>> -> memref<80x128xf32, #tpu.memory_space<vmem_shared>>
      %dma_wait3A_446 = arith.constant 0 : i32
      %dma_wait3A_447 = tpu.memref_slice %arg12[%add3A_22, %dma_wait3A_446] : memref<10000x128xf32, #tpu.memory_space<vmem_shared>> -> memref<80x128xf32, #tpu.memory_space<vmem_shared>>
      tpu.wait_dma2 semaphore(%run_scoped3A_439 : memref<!tpu.dma_semaphore, #tpu.memory_space<semaphore_mem>>) src(%arg9 : memref<80x128xf32, #tpu.memory_space<vmem>>) dst(%dma_wait3A_447 : memref<80x128xf32, #tpu.memory_space<vmem_shared>>)
      tpu.yield
    }) : () -> ()
    %add3A_23 = arith.constant 80 : i32
    %add3A_24 = arith.addi %mul3A_2, %add3A_23 : i32
    "tpu.region"() ({
      %run_scoped3A_439 = tpu.sem_alloc : memref<!tpu.dma_semaphore, #tpu.memory_space<semaphore_mem>>
      %dma_start3A_440 = arith.constant 0 : i32
      %dma_start3A_441 = tpu.memref_slice %arg13[%add3A_24, %dma_start3A_440] : memref<10000x16xf32, #tpu.memory_space<vmem_shared>> -> memref<80x16xf32, #tpu.memory_space<vmem_shared>>
      %dma_start3A_442 = arith.constant 0 : i32
      %dma_start3A_443 = tpu.memref_slice %arg13[%add3A_24, %dma_start3A_442] : memref<10000x16xf32, #tpu.memory_space<vmem_shared>> -> memref<80x16xf32, #tpu.memory_space<vmem_shared>>
      tpu.enqueue_dma source(%arg11 : memref<80x16xf32, #tpu.memory_space<vmem>>) target(%dma_start3A_443 : memref<80x16xf32, #tpu.memory_space<vmem_shared>>) target_semaphore(%run_scoped3A_439 : memref<!tpu.dma_semaphore, #tpu.memory_space<semaphore_mem>>)
      %dma_wait3A_444 = arith.constant 0 : i32
      %dma_wait3A_445 = tpu.memref_slice %arg13[%add3A_24, %dma_wait3A_444] : memref<10000x16xf32, #tpu.memory_space<vmem_shared>> -> memref<80x16xf32, #tpu.memory_space<vmem_shared>>
      %dma_wait3A_446 = arith.constant 0 : i32
      %dma_wait3A_447 = tpu.memref_slice %arg13[%add3A_24, %dma_wait3A_446] : memref<10000x16xf32, #tpu.memory_space<vmem_shared>> -> memref<80x16xf32, #tpu.memory_space<vmem_shared>>
      tpu.wait_dma2 semaphore(%run_scoped3A_439 : memref<!tpu.dma_semaphore, #tpu.memory_space<semaphore_mem>>) src(%arg11 : memref<80x16xf32, #tpu.memory_space<vmem>>) dst(%dma_wait3A_447 : memref<80x16xf32, #tpu.memory_space<vmem_shared>>)
      tpu.yield
    }) : () -> ()
    %add3A_25 = arith.constant 160 : i32
    %add3A_26 = arith.addi %mul3A_2, %add3A_25 : i32
    "tpu.region"() ({
      %run_scoped3A_439 = tpu.sem_alloc : memref<!tpu.dma_semaphore, #tpu.memory_space<semaphore_mem>>
      %dma_start3A_440 = arith.constant 0 : i32
      %dma_start3A_441 = tpu.memref_slice %arg12[%add3A_26, %dma_start3A_440] : memref<10000x128xf32, #tpu.memory_space<vmem_shared>> -> memref<80x128xf32, #tpu.memory_space<vmem_shared>>
      %dma_start3A_442 = arith.constant 0 : i32
      %dma_start3A_443 = tpu.memref_slice %arg12[%add3A_26, %dma_start3A_442] : memref<10000x128xf32, #tpu.memory_space<vmem_shared>> -> memref<80x128xf32, #tpu.memory_space<vmem_shared>>
      tpu.enqueue_dma source(%arg9 : memref<80x128xf32, #tpu.memory_space<vmem>>) target(%dma_start3A_443 : memref<80x128xf32, #tpu.memory_space<vmem_shared>>) target_semaphore(%run_scoped3A_439 : memref<!tpu.dma_semaphore, #tpu.memory_space<semaphore_mem>>)
      %dma_wait3A_444 = arith.constant 0 : i32
      %dma_wait3A_445 = tpu.memref_slice %arg12[%add3A_26, %dma_wait3A_444] : memref<10000x128xf32, #tpu.memory_space<vmem_shared>> -> memref<80x128xf32, #tpu.memory_space<vmem_shared>>
      %dma_wait3A_446 = arith.constant 0 : i32
      %dma_wait3A_447 = tpu.memref_slice %arg12[%add3A_26, %dma_wait3A_446] : memref<10000x128xf32, #tpu.memory_space<vmem_shared>> -> memref<80x128xf32, #tpu.memory_space<vmem_shared>>
      tpu.wait_dma2 semaphore(%run_scoped3A_439 : memref<!tpu.dma_semaphore, #tpu.memory_space<semaphore_mem>>) src(%arg9 : memref<80x128xf32, #tpu.memory_space<vmem>>) dst(%dma_wait3A_447 : memref<80x128xf32, #tpu.memory_space<vmem_shared>>)
      tpu.yield
    }) : () -> ()
    %add3A_27 = arith.constant 160 : i32
    %add3A_28 = arith.addi %mul3A_2, %add3A_27 : i32
    "tpu.region"() ({
      %run_scoped3A_439 = tpu.sem_alloc : memref<!tpu.dma_semaphore, #tpu.memory_space<semaphore_mem>>
      %dma_start3A_440 = arith.constant 0 : i32
      %dma_start3A_441 = tpu.memref_slice %arg13[%add3A_28, %dma_start3A_440] : memref<10000x16xf32, #tpu.memory_space<vmem_shared>> -> memref<80x16xf32, #tpu.memory_space<vmem_shared>>
      %dma_start3A_442 = arith.constant 0 : i32
      %dma_start3A_443 = tpu.memref_slice %arg13[%add3A_28, %dma_start3A_442] : memref<10000x16xf32, #tpu.memory_space<vmem_shared>> -> memref<80x16xf32, #tpu.memory_space<vmem_shared>>
      tpu.enqueue_dma source(%arg11 : memref<80x16xf32, #tpu.memory_space<vmem>>) target(%dma_start3A_443 : memref<80x16xf32, #tpu.memory_space<vmem_shared>>) target_semaphore(%run_scoped3A_439 : memref<!tpu.dma_semaphore, #tpu.memory_space<semaphore_mem>>)
      %dma_wait3A_444 = arith.constant 0 : i32
      %dma_wait3A_445 = tpu.memref_slice %arg13[%add3A_28, %dma_wait3A_444] : memref<10000x16xf32, #tpu.memory_space<vmem_shared>> -> memref<80x16xf32, #tpu.memory_space<vmem_shared>>
      %dma_wait3A_446 = arith.constant 0 : i32
      %dma_wait3A_447 = tpu.memref_slice %arg13[%add3A_28, %dma_wait3A_446] : memref<10000x16xf32, #tpu.memory_space<vmem_shared>> -> memref<80x16xf32, #tpu.memory_space<vmem_shared>>
      tpu.wait_dma2 semaphore(%run_scoped3A_439 : memref<!tpu.dma_semaphore, #tpu.memory_space<semaphore_mem>>) src(%arg11 : memref<80x16xf32, #tpu.memory_space<vmem>>) dst(%dma_wait3A_447 : memref<80x16xf32, #tpu.memory_space<vmem_shared>>)
      tpu.yield
    }) : () -> ()
    %add3A_29 = arith.constant 240 : i32
    %add3A_30 = arith.addi %mul3A_2, %add3A_29 : i32
    "tpu.region"() ({
      %run_scoped3A_439 = tpu.sem_alloc : memref<!tpu.dma_semaphore, #tpu.memory_space<semaphore_mem>>
      %dma_start3A_440 = arith.constant 0 : i32
      %dma_start3A_441 = tpu.memref_slice %arg12[%add3A_30, %dma_start3A_440] : memref<10000x128xf32, #tpu.memory_space<vmem_shared>> -> memref<80x128xf32, #tpu.memory_space<vmem_shared>>
      %dma_start3A_442 = arith.constant 0 : i32
      %dma_start3A_443 = tpu.memref_slice %arg12[%add3A_30, %dma_start3A_442] : memref<10000x128xf32, #tpu.memory_space<vmem_shared>> -> memref<80x128xf32, #tpu.memory_space<vmem_shared>>
      tpu.enqueue_dma source(%arg9 : memref<80x128xf32, #tpu.memory_space<vmem>>) target(%dma_start3A_443 : memref<80x128xf32, #tpu.memory_space<vmem_shared>>) target_semaphore(%run_scoped3A_439 : memref<!tpu.dma_semaphore, #tpu.memory_space<semaphore_mem>>)
      %dma_wait3A_444 = arith.constant 0 : i32
      %dma_wait3A_445 = tpu.memref_slice %arg12[%add3A_30, %dma_wait3A_444] : memref<10000x128xf32, #tpu.memory_space<vmem_shared>> -> memref<80x128xf32, #tpu.memory_space<vmem_shared>>
      %dma_wait3A_446 = arith.constant 0 : i32
      %dma_wait3A_447 = tpu.memref_slice %arg12[%add3A_30, %dma_wait3A_446] : memref<10000x128xf32, #tpu.memory_space<vmem_shared>> -> memref<80x128xf32, #tpu.memory_space<vmem_shared>>
      tpu.wait_dma2 semaphore(%run_scoped3A_439 : memref<!tpu.dma_semaphore, #tpu.memory_space<semaphore_mem>>) src(%arg9 : memref<80x128xf32, #tpu.memory_space<vmem>>) dst(%dma_wait3A_447 : memref<80x128xf32, #tpu.memory_space<vmem_shared>>)
      tpu.yield
    }) : () -> ()
    %add3A_31 = arith.constant 240 : i32
    %add3A_32 = arith.addi %mul3A_2, %add3A_31 : i32
    "tpu.region"() ({
      %run_scoped3A_439 = tpu.sem_alloc : memref<!tpu.dma_semaphore, #tpu.memory_space<semaphore_mem>>
      %dma_start3A_440 = arith.constant 0 : i32
      %dma_start3A_441 = tpu.memref_slice %arg13[%add3A_32, %dma_start3A_440] : memref<10000x16xf32, #tpu.memory_space<vmem_shared>> -> memref<80x16xf32, #tpu.memory_space<vmem_shared>>
      %dma_start3A_442 = arith.constant 0 : i32
      %dma_start3A_443 = tpu.memref_slice %arg13[%add3A_32, %dma_start3A_442] : memref<10000x16xf32, #tpu.memory_space<vmem_shared>> -> memref<80x16xf32, #tpu.memory_space<vmem_shared>>
      tpu.enqueue_dma source(%arg11 : memref<80x16xf32, #tpu.memory_space<vmem>>) target(%dma_start3A_443 : memref<80x16xf32, #tpu.memory_space<vmem_shared>>) target_semaphore(%run_scoped3A_439 : memref<!tpu.dma_semaphore, #tpu.memory_space<semaphore_mem>>)
      %dma_wait3A_444 = arith.constant 0 : i32
      %dma_wait3A_445 = tpu.memref_slice %arg13[%add3A_32, %dma_wait3A_444] : memref<10000x16xf32, #tpu.memory_space<vmem_shared>> -> memref<80x16xf32, #tpu.memory_space<vmem_shared>>
      %dma_wait3A_446 = arith.constant 0 : i32
      %dma_wait3A_447 = tpu.memref_slice %arg13[%add3A_32, %dma_wait3A_446] : memref<10000x16xf32, #tpu.memory_space<vmem_shared>> -> memref<80x16xf32, #tpu.memory_space<vmem_shared>>
      tpu.wait_dma2 semaphore(%run_scoped3A_439 : memref<!tpu.dma_semaphore, #tpu.memory_space<semaphore_mem>>) src(%arg11 : memref<80x16xf32, #tpu.memory_space<vmem>>) dst(%dma_wait3A_447 : memref<80x16xf32, #tpu.memory_space<vmem_shared>>)
      tpu.yield
    }) : () -> ()
    %add3A_33 = arith.constant 320 : i32
    %add3A_34 = arith.addi %mul3A_2, %add3A_33 : i32
    "tpu.region"() ({
      %run_scoped3A_439 = tpu.sem_alloc : memref<!tpu.dma_semaphore, #tpu.memory_space<semaphore_mem>>
      %dma_start3A_440 = arith.constant 0 : i32
      %dma_start3A_441 = tpu.memref_slice %arg12[%add3A_34, %dma_start3A_440] : memref<10000x128xf32, #tpu.memory_space<vmem_shared>> -> memref<80x128xf32, #tpu.memory_space<vmem_shared>>
      %dma_start3A_442 = arith.constant 0 : i32
      %dma_start3A_443 = tpu.memref_slice %arg12[%add3A_34, %dma_start3A_442] : memref<10000x128xf32, #tpu.memory_space<vmem_shared>> -> memref<80x128xf32, #tpu.memory_space<vmem_shared>>
      tpu.enqueue_dma source(%arg9 : memref<80x128xf32, #tpu.memory_space<vmem>>) target(%dma_start3A_443 : memref<80x128xf32, #tpu.memory_space<vmem_shared>>) target_semaphore(%run_scoped3A_439 : memref<!tpu.dma_semaphore, #tpu.memory_space<semaphore_mem>>)
      %dma_wait3A_444 = arith.constant 0 : i32
      %dma_wait3A_445 = tpu.memref_slice %arg12[%add3A_34, %dma_wait3A_444] : memref<10000x128xf32, #tpu.memory_space<vmem_shared>> -> memref<80x128xf32, #tpu.memory_space<vmem_shared>>
      %dma_wait3A_446 = arith.constant 0 : i32
      %dma_wait3A_447 = tpu.memref_slice %arg12[%add3A_34, %dma_wait3A_446] : memref<10000x128xf32, #tpu.memory_space<vmem_shared>> -> memref<80x128xf32, #tpu.memory_space<vmem_shared>>
      tpu.wait_dma2 semaphore(%run_scoped3A_439 : memref<!tpu.dma_semaphore, #tpu.memory_space<semaphore_mem>>) src(%arg9 : memref<80x128xf32, #tpu.memory_space<vmem>>) dst(%dma_wait3A_447 : memref<80x128xf32, #tpu.memory_space<vmem_shared>>)
      tpu.yield
    }) : () -> ()
    %add3A_35 = arith.constant 320 : i32
    %add3A_36 = arith.addi %mul3A_2, %add3A_35 : i32
    "tpu.region"() ({
      %run_scoped3A_439 = tpu.sem_alloc : memref<!tpu.dma_semaphore, #tpu.memory_space<semaphore_mem>>
      %dma_start3A_440 = arith.constant 0 : i32
      %dma_start3A_441 = tpu.memref_slice %arg13[%add3A_36, %dma_start3A_440] : memref<10000x16xf32, #tpu.memory_space<vmem_shared>> -> memref<80x16xf32, #tpu.memory_space<vmem_shared>>
      %dma_start3A_442 = arith.constant 0 : i32
      %dma_start3A_443 = tpu.memref_slice %arg13[%add3A_36, %dma_start3A_442] : memref<10000x16xf32, #tpu.memory_space<vmem_shared>> -> memref<80x16xf32, #tpu.memory_space<vmem_shared>>
      tpu.enqueue_dma source(%arg11 : memref<80x16xf32, #tpu.memory_space<vmem>>) target(%dma_start3A_443 : memref<80x16xf32, #tpu.memory_space<vmem_shared>>) target_semaphore(%run_scoped3A_439 : memref<!tpu.dma_semaphore, #tpu.memory_space<semaphore_mem>>)
      %dma_wait3A_444 = arith.constant 0 : i32
      %dma_wait3A_445 = tpu.memref_slice %arg13[%add3A_36, %dma_wait3A_444] : memref<10000x16xf32, #tpu.memory_space<vmem_shared>> -> memref<80x16xf32, #tpu.memory_space<vmem_shared>>
      %dma_wait3A_446 = arith.constant 0 : i32
      %dma_wait3A_447 = tpu.memref_slice %arg13[%add3A_36, %dma_wait3A_446] : memref<10000x16xf32, #tpu.memory_space<vmem_shared>> -> memref<80x16xf32, #tpu.memory_space<vmem_shared>>
      tpu.wait_dma2 semaphore(%run_scoped3A_439 : memref<!tpu.dma_semaphore, #tpu.memory_space<semaphore_mem>>) src(%arg11 : memref<80x16xf32, #tpu.memory_space<vmem>>) dst(%dma_wait3A_447 : memref<80x16xf32, #tpu.memory_space<vmem_shared>>)
      tpu.yield
    }) : () -> ()
    %add3A_37 = arith.constant 400 : i32
    %add3A_38 = arith.addi %mul3A_2, %add3A_37 : i32
    "tpu.region"() ({
      %run_scoped3A_439 = tpu.sem_alloc : memref<!tpu.dma_semaphore, #tpu.memory_space<semaphore_mem>>
      %dma_start3A_440 = arith.constant 0 : i32
      %dma_start3A_441 = tpu.memref_slice %arg12[%add3A_38, %dma_start3A_440] : memref<10000x128xf32, #tpu.memory_space<vmem_shared>> -> memref<80x128xf32, #tpu.memory_space<vmem_shared>>
      %dma_start3A_442 = arith.constant 0 : i32
      %dma_start3A_443 = tpu.memref_slice %arg12[%add3A_38, %dma_start3A_442] : memref<10000x128xf32, #tpu.memory_space<vmem_shared>> -> memref<80x128xf32, #tpu.memory_space<vmem_shared>>
      tpu.enqueue_dma source(%arg9 : memref<80x128xf32, #tpu.memory_space<vmem>>) target(%dma_start3A_443 : memref<80x128xf32, #tpu.memory_space<vmem_shared>>) target_semaphore(%run_scoped3A_439 : memref<!tpu.dma_semaphore, #tpu.memory_space<semaphore_mem>>)
      %dma_wait3A_444 = arith.constant 0 : i32
      %dma_wait3A_445 = tpu.memref_slice %arg12[%add3A_38, %dma_wait3A_444] : memref<10000x128xf32, #tpu.memory_space<vmem_shared>> -> memref<80x128xf32, #tpu.memory_space<vmem_shared>>
      %dma_wait3A_446 = arith.constant 0 : i32
      %dma_wait3A_447 = tpu.memref_slice %arg12[%add3A_38, %dma_wait3A_446] : memref<10000x128xf32, #tpu.memory_space<vmem_shared>> -> memref<80x128xf32, #tpu.memory_space<vmem_shared>>
      tpu.wait_dma2 semaphore(%run_scoped3A_439 : memref<!tpu.dma_semaphore, #tpu.memory_space<semaphore_mem>>) src(%arg9 : memref<80x128xf32, #tpu.memory_space<vmem>>) dst(%dma_wait3A_447 : memref<80x128xf32, #tpu.memory_space<vmem_shared>>)
      tpu.yield
    }) : () -> ()
    %add3A_39 = arith.constant 400 : i32
    %add3A_40 = arith.addi %mul3A_2, %add3A_39 : i32
    "tpu.region"() ({
      %run_scoped3A_439 = tpu.sem_alloc : memref<!tpu.dma_semaphore, #tpu.memory_space<semaphore_mem>>
      %dma_start3A_440 = arith.constant 0 : i32
      %dma_start3A_441 = tpu.memref_slice %arg13[%add3A_40, %dma_start3A_440] : memref<10000x16xf32, #tpu.memory_space<vmem_shared>> -> memref<80x16xf32, #tpu.memory_space<vmem_shared>>
      %dma_start3A_442 = arith.constant 0 : i32
      %dma_start3A_443 = tpu.memref_slice %arg13[%add3A_40, %dma_start3A_442] : memref<10000x16xf32, #tpu.memory_space<vmem_shared>> -> memref<80x16xf32, #tpu.memory_space<vmem_shared>>
      tpu.enqueue_dma source(%arg11 : memref<80x16xf32, #tpu.memory_space<vmem>>) target(%dma_start3A_443 : memref<80x16xf32, #tpu.memory_space<vmem_shared>>) target_semaphore(%run_scoped3A_439 : memref<!tpu.dma_semaphore, #tpu.memory_space<semaphore_mem>>)
      %dma_wait3A_444 = arith.constant 0 : i32
      %dma_wait3A_445 = tpu.memref_slice %arg13[%add3A_40, %dma_wait3A_444] : memref<10000x16xf32, #tpu.memory_space<vmem_shared>> -> memref<80x16xf32, #tpu.memory_space<vmem_shared>>
      %dma_wait3A_446 = arith.constant 0 : i32
      %dma_wait3A_447 = tpu.memref_slice %arg13[%add3A_40, %dma_wait3A_446] : memref<10000x16xf32, #tpu.memory_space<vmem_shared>> -> memref<80x16xf32, #tpu.memory_space<vmem_shared>>
      tpu.wait_dma2 semaphore(%run_scoped3A_439 : memref<!tpu.dma_semaphore, #tpu.memory_space<semaphore_mem>>) src(%arg11 : memref<80x16xf32, #tpu.memory_space<vmem>>) dst(%dma_wait3A_447 : memref<80x16xf32, #tpu.memory_space<vmem_shared>>)
      tpu.yield
    }) : () -> ()
    %add3A_41 = arith.constant 480 : i32
    %add3A_42 = arith.addi %mul3A_2, %add3A_41 : i32
    "tpu.region"() ({
      %run_scoped3A_439 = tpu.sem_alloc : memref<!tpu.dma_semaphore, #tpu.memory_space<semaphore_mem>>
      %dma_start3A_440 = arith.constant 0 : i32
      %dma_start3A_441 = tpu.memref_slice %arg12[%add3A_42, %dma_start3A_440] : memref<10000x128xf32, #tpu.memory_space<vmem_shared>> -> memref<80x128xf32, #tpu.memory_space<vmem_shared>>
      %dma_start3A_442 = arith.constant 0 : i32
      %dma_start3A_443 = tpu.memref_slice %arg12[%add3A_42, %dma_start3A_442] : memref<10000x128xf32, #tpu.memory_space<vmem_shared>> -> memref<80x128xf32, #tpu.memory_space<vmem_shared>>
      tpu.enqueue_dma source(%arg9 : memref<80x128xf32, #tpu.memory_space<vmem>>) target(%dma_start3A_443 : memref<80x128xf32, #tpu.memory_space<vmem_shared>>) target_semaphore(%run_scoped3A_439 : memref<!tpu.dma_semaphore, #tpu.memory_space<semaphore_mem>>)
      %dma_wait3A_444 = arith.constant 0 : i32
      %dma_wait3A_445 = tpu.memref_slice %arg12[%add3A_42, %dma_wait3A_444] : memref<10000x128xf32, #tpu.memory_space<vmem_shared>> -> memref<80x128xf32, #tpu.memory_space<vmem_shared>>
      %dma_wait3A_446 = arith.constant 0 : i32
      %dma_wait3A_447 = tpu.memref_slice %arg12[%add3A_42, %dma_wait3A_446] : memref<10000x128xf32, #tpu.memory_space<vmem_shared>> -> memref<80x128xf32, #tpu.memory_space<vmem_shared>>
      tpu.wait_dma2 semaphore(%run_scoped3A_439 : memref<!tpu.dma_semaphore, #tpu.memory_space<semaphore_mem>>) src(%arg9 : memref<80x128xf32, #tpu.memory_space<vmem>>) dst(%dma_wait3A_447 : memref<80x128xf32, #tpu.memory_space<vmem_shared>>)
      tpu.yield
    }) : () -> ()
    %add3A_43 = arith.constant 480 : i32
    %add3A_44 = arith.addi %mul3A_2, %add3A_43 : i32
    "tpu.region"() ({
      %run_scoped3A_439 = tpu.sem_alloc : memref<!tpu.dma_semaphore, #tpu.memory_space<semaphore_mem>>
      %dma_start3A_440 = arith.constant 0 : i32
      %dma_start3A_441 = tpu.memref_slice %arg13[%add3A_44, %dma_start3A_440] : memref<10000x16xf32, #tpu.memory_space<vmem_shared>> -> memref<80x16xf32, #tpu.memory_space<vmem_shared>>
      %dma_start3A_442 = arith.constant 0 : i32
      %dma_start3A_443 = tpu.memref_slice %arg13[%add3A_44, %dma_start3A_442] : memref<10000x16xf32, #tpu.memory_space<vmem_shared>> -> memref<80x16xf32, #tpu.memory_space<vmem_shared>>
      tpu.enqueue_dma source(%arg11 : memref<80x16xf32, #tpu.memory_space<vmem>>) target(%dma_start3A_443 : memref<80x16xf32, #tpu.memory_space<vmem_shared>>) target_semaphore(%run_scoped3A_439 : memref<!tpu.dma_semaphore, #tpu.memory_space<semaphore_mem>>)
      %dma_wait3A_444 = arith.constant 0 : i32
      %dma_wait3A_445 = tpu.memref_slice %arg13[%add3A_44, %dma_wait3A_444] : memref<10000x16xf32, #tpu.memory_space<vmem_shared>> -> memref<80x16xf32, #tpu.memory_space<vmem_shared>>
      %dma_wait3A_446 = arith.constant 0 : i32
      %dma_wait3A_447 = tpu.memref_slice %arg13[%add3A_44, %dma_wait3A_446] : memref<10000x16xf32, #tpu.memory_space<vmem_shared>> -> memref<80x16xf32, #tpu.memory_space<vmem_shared>>
      tpu.wait_dma2 semaphore(%run_scoped3A_439 : memref<!tpu.dma_semaphore, #tpu.memory_space<semaphore_mem>>) src(%arg11 : memref<80x16xf32, #tpu.memory_space<vmem>>) dst(%dma_wait3A_447 : memref<80x16xf32, #tpu.memory_space<vmem_shared>>)
      tpu.yield
    }) : () -> ()
    %add3A_45 = arith.constant 560 : i32
    %add3A_46 = arith.addi %mul3A_2, %add3A_45 : i32
    "tpu.region"() ({
      %run_scoped3A_439 = tpu.sem_alloc : memref<!tpu.dma_semaphore, #tpu.memory_space<semaphore_mem>>
      %dma_start3A_440 = arith.constant 0 : i32
      %dma_start3A_441 = arith.constant 0 : i32
      %dma_start3A_442 = tpu.memref_slice %arg9[%dma_start3A_440, %dma_start3A_441] : memref<80x128xf32, #tpu.memory_space<vmem>> -> memref<65x128xf32, #tpu.memory_space<vmem>>
      %dma_start3A_443 = arith.constant 0 : i32
      %dma_start3A_444 = tpu.memref_slice %arg12[%add3A_46, %dma_start3A_443] : memref<10000x128xf32, #tpu.memory_space<vmem_shared>> -> memref<65x128xf32, #tpu.memory_space<vmem_shared>>
      %dma_start3A_445 = arith.constant 0 : i32
      %dma_start3A_446 = tpu.memref_slice %arg12[%add3A_46, %dma_start3A_445] : memref<10000x128xf32, #tpu.memory_space<vmem_shared>> -> memref<65x128xf32, #tpu.memory_space<vmem_shared>>
      %dma_start3A_447 = arith.constant 0 : i32
      %dma_start3A_448 = arith.constant 0 : i32
      %dma_start3A_449 = tpu.memref_slice %arg9[%dma_start3A_447, %dma_start3A_448] : memref<80x128xf32, #tpu.memory_space<vmem>> -> memref<65x128xf32, #tpu.memory_space<vmem>>
      tpu.enqueue_dma source(%dma_start3A_449 : memref<65x128xf32, #tpu.memory_space<vmem>>) target(%dma_start3A_446 : memref<65x128xf32, #tpu.memory_space<vmem_shared>>) target_semaphore(%run_scoped3A_439 : memref<!tpu.dma_semaphore, #tpu.memory_space<semaphore_mem>>)
      %dma_wait3A_450 = arith.constant 0 : i32
      %dma_wait3A_451 = arith.constant 0 : i32
      %dma_wait3A_452 = tpu.memref_slice %arg9[%dma_wait3A_450, %dma_wait3A_451] : memref<80x128xf32, #tpu.memory_space<vmem>> -> memref<65x128xf32, #tpu.memory_space<vmem>>
      %dma_wait3A_453 = arith.constant 0 : i32
      %dma_wait3A_454 = tpu.memref_slice %arg12[%add3A_46, %dma_wait3A_453] : memref<10000x128xf32, #tpu.memory_space<vmem_shared>> -> memref<65x128xf32, #tpu.memory_space<vmem_shared>>
      %dma_wait3A_455 = arith.constant 0 : i32
      %dma_wait3A_456 = tpu.memref_slice %arg12[%add3A_46, %dma_wait3A_455] : memref<10000x128xf32, #tpu.memory_space<vmem_shared>> -> memref<65x128xf32, #tpu.memory_space<vmem_shared>>
      %dma_wait3A_457 = arith.constant 0 : i32
      %dma_wait3A_458 = arith.constant 0 : i32
      %dma_wait3A_459 = tpu.memref_slice %arg9[%dma_wait3A_457, %dma_wait3A_458] : memref<80x128xf32, #tpu.memory_space<vmem>> -> memref<65x128xf32, #tpu.memory_space<vmem>>
      tpu.wait_dma2 semaphore(%run_scoped3A_439 : memref<!tpu.dma_semaphore, #tpu.memory_space<semaphore_mem>>) src(%dma_wait3A_459 : memref<65x128xf32, #tpu.memory_space<vmem>>) dst(%dma_wait3A_456 : memref<65x128xf32, #tpu.memory_space<vmem_shared>>)
      tpu.yield
    }) : () -> ()
    %add3A_47 = arith.constant 560 : i32
    %add3A_48 = arith.addi %mul3A_2, %add3A_47 : i32
    "tpu.region"() ({
      %run_scoped3A_439 = tpu.sem_alloc : memref<!tpu.dma_semaphore, #tpu.memory_space<semaphore_mem>>
      %dma_start3A_440 = arith.constant 0 : i32
      %dma_start3A_441 = arith.constant 0 : i32
      %dma_start3A_442 = tpu.memref_slice %arg11[%dma_start3A_440, %dma_start3A_441] : memref<80x16xf32, #tpu.memory_space<vmem>> -> memref<65x16xf32, #tpu.memory_space<vmem>>
      %dma_start3A_443 = arith.constant 0 : i32
      %dma_start3A_444 = tpu.memref_slice %arg13[%add3A_48, %dma_start3A_443] : memref<10000x16xf32, #tpu.memory_space<vmem_shared>> -> memref<65x16xf32, #tpu.memory_space<vmem_shared>>
      %dma_start3A_445 = arith.constant 0 : i32
      %dma_start3A_446 = tpu.memref_slice %arg13[%add3A_48, %dma_start3A_445] : memref<10000x16xf32, #tpu.memory_space<vmem_shared>> -> memref<65x16xf32, #tpu.memory_space<vmem_shared>>
      %dma_start3A_447 = arith.constant 0 : i32
      %dma_start3A_448 = arith.constant 0 : i32
      %dma_start3A_449 = tpu.memref_slice %arg11[%dma_start3A_447, %dma_start3A_448] : memref<80x16xf32, #tpu.memory_space<vmem>> -> memref<65x16xf32, #tpu.memory_space<vmem>>
      tpu.enqueue_dma source(%dma_start3A_449 : memref<65x16xf32, #tpu.memory_space<vmem>>) target(%dma_start3A_446 : memref<65x16xf32, #tpu.memory_space<vmem_shared>>) target_semaphore(%run_scoped3A_439 : memref<!tpu.dma_semaphore, #tpu.memory_space<semaphore_mem>>)
      %dma_wait3A_450 = arith.constant 0 : i32
      %dma_wait3A_451 = arith.constant 0 : i32
      %dma_wait3A_452 = tpu.memref_slice %arg11[%dma_wait3A_450, %dma_wait3A_451] : memref<80x16xf32, #tpu.memory_space<vmem>> -> memref<65x16xf32, #tpu.memory_space<vmem>>
      %dma_wait3A_453 = arith.constant 0 : i32
      %dma_wait3A_454 = tpu.memref_slice %arg13[%add3A_48, %dma_wait3A_453] : memref<10000x16xf32, #tpu.memory_space<vmem_shared>> -> memref<65x16xf32, #tpu.memory_space<vmem_shared>>
      %dma_wait3A_455 = arith.constant 0 : i32
      %dma_wait3A_456 = tpu.memref_slice %arg13[%add3A_48, %dma_wait3A_455] : memref<10000x16xf32, #tpu.memory_space<vmem_shared>> -> memref<65x16xf32, #tpu.memory_space<vmem_shared>>
      %dma_wait3A_457 = arith.constant 0 : i32
      %dma_wait3A_458 = arith.constant 0 : i32
      %dma_wait3A_459 = tpu.memref_slice %arg11[%dma_wait3A_457, %dma_wait3A_458] : memref<80x16xf32, #tpu.memory_space<vmem>> -> memref<65x16xf32, #tpu.memory_space<vmem>>
      tpu.wait_dma2 semaphore(%run_scoped3A_439 : memref<!tpu.dma_semaphore, #tpu.memory_space<semaphore_mem>>) src(%dma_wait3A_459 : memref<65x16xf32, #tpu.memory_space<vmem>>) dst(%dma_wait3A_456 : memref<65x16xf32, #tpu.memory_space<vmem_shared>>)
      tpu.yield
    }) : () -> ()
    %scan3A_49 = arith.constant 0 : i32
    %scan3A_50 = arith.constant 0 : i32
    %scan3A_51 = arith.constant 80 : i32
    %scan3A_52 = arith.addi %scan3A_50, %scan3A_51 : i32
    %scan3A_53 = arith.constant 1 : i32
    scf.for %scan3A_439 = %scan3A_50 to %scan3A_52 step %scan3A_53  : i32 {
      %broadcast_in_dim3A = arith.constant 1.000000e+00 : f32
      %broadcast_in_dim3A_440 = vector.broadcast %broadcast_in_dim3A : f32 to vector<16xf32>
      %swap3A = arith.index_cast %scan3A_439 : i32 to index
      %swap3A_441 = arith.constant 0 : index
      %swap3A_442 = tpu.vector_load %arg11[%swap3A, %swap3A_441] {strides = array<i32>} : memref<80x16xf32, #tpu.memory_space<vmem>>, vector<1x16xf32>,
      %swap3A_443 = vector.shape_cast %swap3A_442 : vector<1x16xf32> to vector<16xf32>
      %swap3A_444 = vector.shape_cast %broadcast_in_dim3A_440 : vector<16xf32> to vector<1x16xf32>
      tpu.vector_store %arg11[%swap3A, %swap3A_441], %swap3A_444 {strides = array<i32>} : memref<80x16xf32, #tpu.memory_space<vmem>>, vector<1x16xf32>,
    }
    %scan3A_54 = arith.constant 80 : i32
    %barrier3A = arith.constant 0 : index
    tpu.barrier barrier_id(%barrier3A)
    %dma_start3A_55 = arith.constant 1 : i32
    %dma_start3A_56 = arith.constant 0 : i32
    %dma_start3A_57 = tpu.memref_slice %arg6[%dma_start3A_55, %dma_start3A_56] : memref<25x80xi32, #tpu.memory_space<vmem>> -> memref<1x80xi32, #tpu.memory_space<vmem>>
    %dma_start3A_58 = tpu.memref_squeeze %dma_start3A_57 : memref<1x80xi32, #tpu.memory_space<vmem>> -> memref<80xi32, #tpu.memory_space<vmem>>
    %dma_start3A_59 = arith.constant 0 : i32
    %dma_start3A_60 = arith.constant 0 : i32
    %dma_start3A_61 = tpu.memref_slice %arg2[%dma_start3A_59, %dma_start3A_60] : memref<10000x128xf32, #tpu.memory_space<hbm>> -> memref<10000x128xf32, #tpu.memory_space<hbm>>
    tpu.enqueue_indirect_dma source(%dma_start3A_61 : memref<10000x128xf32, #tpu.memory_space<hbm>>) target(%arg9 : memref<80x128xf32, #tpu.memory_space<vmem>>) offsets(%dma_start3A_58 : memref<80xi32, #tpu.memory_space<vmem>>) semaphore(%arg15 : memref<!tpu.dma_semaphore, #tpu.memory_space<semaphore_mem>>)
    %dma_start3A_62 = arith.constant 2 : i32
    %dma_start3A_63 = arith.constant 0 : i32
    %dma_start3A_64 = tpu.memref_slice %arg6[%dma_start3A_62, %dma_start3A_63] : memref<25x80xi32, #tpu.memory_space<vmem>> -> memref<1x80xi32, #tpu.memory_space<vmem>>
    %dma_start3A_65 = tpu.memref_squeeze %dma_start3A_64 : memref<1x80xi32, #tpu.memory_space<vmem>> -> memref<80xi32, #tpu.memory_space<vmem>>
    %dma_start3A_66 = arith.constant 0 : i32
    %dma_start3A_67 = arith.constant 0 : i32
    %dma_start3A_68 = tpu.memref_slice %arg2[%dma_start3A_66, %dma_start3A_67] : memref<10000x128xf32, #tpu.memory_space<hbm>> -> memref<10000x128xf32, #tpu.memory_space<hbm>>
    tpu.enqueue_indirect_dma source(%dma_start3A_68 : memref<10000x128xf32, #tpu.memory_space<hbm>>) target(%arg10 : memref<80x128xf32, #tpu.memory_space<vmem>>) offsets(%dma_start3A_65 : memref<80xi32, #tpu.memory_space<vmem>>) semaphore(%arg16 : memref<!tpu.dma_semaphore, #tpu.memory_space<semaphore_mem>>)
    %scan3A_69 = arith.constant 0 : i32
    %scan3A_70 = arith.constant 0 : i32
    %scan3A_71 = arith.constant 8 : i32
    %scan3A_72 = arith.addi %scan3A_70, %scan3A_71 : i32
    %scan3A_73 = arith.constant 1 : i32
    scf.for %scan3A_439 = %scan3A_70 to %scan3A_72 step %scan3A_73  : i32 {
      %mul3A_440 = arith.constant 3 : i32
      %mul3A_441 = arith.muli %mul3A_440, %scan3A_439 : i32
      %add3A_442 = arith.constant 0 : i32
      %add3A_443 = arith.addi %mul3A_441, %add3A_442 : i32
      %dma_start3A_444 = arith.constant 0 : i32
      %dma_start3A_445 = tpu.memref_slice %arg7[%add3A_443, %dma_start3A_444] : memref<25x80xi32, #tpu.memory_space<vmem>> -> memref<1x80xi32, #tpu.memory_space<vmem>>
      %dma_start3A_446 = tpu.memref_squeeze %dma_start3A_445 : memref<1x80xi32, #tpu.memory_space<vmem>> -> memref<80xi32, #tpu.memory_space<vmem>>
      %dma_start3A_447 = arith.constant 0 : i32
      %dma_start3A_448 = arith.constant 0 : i32
      %dma_start3A_449 = tpu.memref_slice %arg13[%dma_start3A_447, %dma_start3A_448] : memref<10000x16xf32, #tpu.memory_space<vmem_shared>> -> memref<10000x16xf32, #tpu.memory_space<vmem_shared>>
      tpu.enqueue_indirect_dma source(%arg11 : memref<80x16xf32, #tpu.memory_space<vmem>>) target(%dma_start3A_449 : memref<10000x16xf32, #tpu.memory_space<vmem_shared>>) offsets(%dma_start3A_446 : memref<80xi32, #tpu.memory_space<vmem>>) semaphore(%arg20 : memref<!tpu.dma_semaphore, #tpu.memory_space<semaphore_mem>>) {add = true}
      %dma_wait3A_450 = arith.constant 0 : i32
      %dma_wait3A_451 = tpu.memref_slice %arg6[%add3A_443, %dma_wait3A_450] : memref<25x80xi32, #tpu.memory_space<vmem>> -> memref<1x80xi32, #tpu.memory_space<vmem>>
      %dma_wait3A_452 = tpu.memref_squeeze %dma_wait3A_451 : memref<1x80xi32, #tpu.memory_space<vmem>> -> memref<80xi32, #tpu.memory_space<vmem>>
      %dma_wait3A_453 = arith.constant 0 : i32
      %dma_wait3A_454 = arith.constant 0 : i32
      %dma_wait3A_455 = tpu.memref_slice %arg2[%dma_wait3A_453, %dma_wait3A_454] : memref<10000x128xf32, #tpu.memory_space<hbm>> -> memref<10000x128xf32, #tpu.memory_space<hbm>>
      tpu.wait_indirect_dma semaphore(%arg14 : memref<!tpu.dma_semaphore, #tpu.memory_space<semaphore_mem>>) src(%dma_wait3A_455 : memref<10000x128xf32, #tpu.memory_space<hbm>>) dst(%arg8 : memref<80x128xf32, #tpu.memory_space<vmem>>)
      %dma_start3A_456 = arith.constant 0 : i32
      %dma_start3A_457 = tpu.memref_slice %arg7[%add3A_443, %dma_start3A_456] : memref<25x80xi32, #tpu.memory_space<vmem>> -> memref<1x80xi32, #tpu.memory_space<vmem>>
      %dma_start3A_458 = tpu.memref_squeeze %dma_start3A_457 : memref<1x80xi32, #tpu.memory_space<vmem>> -> memref<80xi32, #tpu.memory_space<vmem>>
      %dma_start3A_459 = arith.constant 0 : i32
      %dma_start3A_460 = arith.constant 0 : i32
      %dma_start3A_461 = tpu.memref_slice %arg12[%dma_start3A_459, %dma_start3A_460] : memref<10000x128xf32, #tpu.memory_space<vmem_shared>> -> memref<10000x128xf32, #tpu.memory_space<vmem_shared>>
      tpu.enqueue_indirect_dma source(%arg8 : memref<80x128xf32, #tpu.memory_space<vmem>>) target(%dma_start3A_461 : memref<10000x128xf32, #tpu.memory_space<vmem_shared>>) offsets(%dma_start3A_458 : memref<80xi32, #tpu.memory_space<vmem>>) semaphore(%arg17 : memref<!tpu.dma_semaphore, #tpu.memory_space<semaphore_mem>>) {add = true}
      %add3A_462 = arith.constant 3 : i32
      %add3A_463 = arith.addi %add3A_443, %add3A_462 : i32
      %lt3A = arith.constant 25 : i32
      %lt3A_464 = arith.cmpi slt, %add3A_463, %lt3A : i32
      %convert_element_type3A = arith.extui %lt3A_464 : i1 to i32
      %cond3A = arith.constant 0 : i32
      %cond3A_465 = arith.cmpi ne, %convert_element_type3A, %cond3A : i32
      scf.if %cond3A_465 {
        %dma_wait3A_524 = arith.constant 0 : i32
        %dma_wait3A_525 = tpu.memref_slice %arg7[%add3A_443, %dma_wait3A_524] : memref<25x80xi32, #tpu.memory_space<vmem>> -> memref<1x80xi32, #tpu.memory_space<vmem>>
        %dma_wait3A_526 = tpu.memref_squeeze %dma_wait3A_525 : memref<1x80xi32, #tpu.memory_space<vmem>> -> memref<80xi32, #tpu.memory_space<vmem>>
        %dma_wait3A_527 = arith.constant 0 : i32
        %dma_wait3A_528 = arith.constant 0 : i32
        %dma_wait3A_529 = tpu.memref_slice %arg12[%dma_wait3A_527, %dma_wait3A_528] : memref<10000x128xf32, #tpu.memory_space<vmem_shared>> -> memref<10000x128xf32, #tpu.memory_space<vmem_shared>>
        tpu.wait_indirect_dma semaphore(%arg17 : memref<!tpu.dma_semaphore, #tpu.memory_space<semaphore_mem>>) src(%arg8 : memref<80x128xf32, #tpu.memory_space<vmem>>) dst(%dma_wait3A_529 : memref<10000x128xf32, #tpu.memory_space<vmem_shared>>)
        %add3A_530 = arith.constant 3 : i32
        %add3A_531 = arith.addi %add3A_443, %add3A_530 : i32
        %dma_start3A_532 = arith.constant 0 : i32
        %dma_start3A_533 = tpu.memref_slice %arg6[%add3A_531, %dma_start3A_532] : memref<25x80xi32, #tpu.memory_space<vmem>> -> memref<1x80xi32, #tpu.memory_space<vmem>>
        %dma_start3A_534 = tpu.memref_squeeze %dma_start3A_533 : memref<1x80xi32, #tpu.memory_space<vmem>> -> memref<80xi32, #tpu.memory_space<vmem>>
        %dma_start3A_535 = arith.constant 0 : i32
        %dma_start3A_536 = arith.constant 0 : i32
        %dma_start3A_537 = tpu.memref_slice %arg2[%dma_start3A_535, %dma_start3A_536] : memref<10000x128xf32, #tpu.memory_space<hbm>> -> memref<10000x128xf32, #tpu.memory_space<hbm>>
        tpu.enqueue_indirect_dma source(%dma_start3A_537 : memref<10000x128xf32, #tpu.memory_space<hbm>>) target(%arg8 : memref<80x128xf32, #tpu.memory_space<vmem>>) offsets(%dma_start3A_534 : memref<80xi32, #tpu.memory_space<vmem>>) semaphore(%arg14 : memref<!tpu.dma_semaphore, #tpu.memory_space<semaphore_mem>>)
      } else {
      }
      %mul3A_466 = arith.constant 3 : i32
      %mul3A_467 = arith.muli %mul3A_466, %scan3A_439 : i32
      %add3A_468 = arith.constant 1 : i32
      %add3A_469 = arith.addi %mul3A_467, %add3A_468 : i32
      %dma_start3A_470 = arith.constant 0 : i32
      %dma_start3A_471 = tpu.memref_slice %arg7[%add3A_469, %dma_start3A_470] : memref<25x80xi32, #tpu.memory_space<vmem>> -> memref<1x80xi32, #tpu.memory_space<vmem>>
      %dma_start3A_472 = tpu.memref_squeeze %dma_start3A_471 : memref<1x80xi32, #tpu.memory_space<vmem>> -> memref<80xi32, #tpu.memory_space<vmem>>
      %dma_start3A_473 = arith.constant 0 : i32
      %dma_start3A_474 = arith.constant 0 : i32
      %dma_start3A_475 = tpu.memref_slice %arg13[%dma_start3A_473, %dma_start3A_474] : memref<10000x16xf32, #tpu.memory_space<vmem_shared>> -> memref<10000x16xf32, #tpu.memory_space<vmem_shared>>
      tpu.enqueue_indirect_dma source(%arg11 : memref<80x16xf32, #tpu.memory_space<vmem>>) target(%dma_start3A_475 : memref<10000x16xf32, #tpu.memory_space<vmem_shared>>) offsets(%dma_start3A_472 : memref<80xi32, #tpu.memory_space<vmem>>) semaphore(%arg20 : memref<!tpu.dma_semaphore, #tpu.memory_space<semaphore_mem>>) {add = true}
      %dma_wait3A_476 = arith.constant 0 : i32
      %dma_wait3A_477 = tpu.memref_slice %arg6[%add3A_469, %dma_wait3A_476] : memref<25x80xi32, #tpu.memory_space<vmem>> -> memref<1x80xi32, #tpu.memory_space<vmem>>
      %dma_wait3A_478 = tpu.memref_squeeze %dma_wait3A_477 : memref<1x80xi32, #tpu.memory_space<vmem>> -> memref<80xi32, #tpu.memory_space<vmem>>
      %dma_wait3A_479 = arith.constant 0 : i32
      %dma_wait3A_480 = arith.constant 0 : i32
      %dma_wait3A_481 = tpu.memref_slice %arg2[%dma_wait3A_479, %dma_wait3A_480] : memref<10000x128xf32, #tpu.memory_space<hbm>> -> memref<10000x128xf32, #tpu.memory_space<hbm>>
      tpu.wait_indirect_dma semaphore(%arg15 : memref<!tpu.dma_semaphore, #tpu.memory_space<semaphore_mem>>) src(%dma_wait3A_481 : memref<10000x128xf32, #tpu.memory_space<hbm>>) dst(%arg9 : memref<80x128xf32, #tpu.memory_space<vmem>>)
      %dma_start3A_482 = arith.constant 0 : i32
      %dma_start3A_483 = tpu.memref_slice %arg7[%add3A_469, %dma_start3A_482] : memref<25x80xi32, #tpu.memory_space<vmem>> -> memref<1x80xi32, #tpu.memory_space<vmem>>
      %dma_start3A_484 = tpu.memref_squeeze %dma_start3A_483 : memref<1x80xi32, #tpu.memory_space<vmem>> -> memref<80xi32, #tpu.memory_space<vmem>>
      %dma_start3A_485 = arith.constant 0 : i32
      %dma_start3A_486 = arith.constant 0 : i32
      %dma_start3A_487 = tpu.memref_slice %arg12[%dma_start3A_485, %dma_start3A_486] : memref<10000x128xf32, #tpu.memory_space<vmem_shared>> -> memref<10000x128xf32, #tpu.memory_space<vmem_shared>>
      tpu.enqueue_indirect_dma source(%arg9 : memref<80x128xf32, #tpu.memory_space<vmem>>) target(%dma_start3A_487 : memref<10000x128xf32, #tpu.memory_space<vmem_shared>>) offsets(%dma_start3A_484 : memref<80xi32, #tpu.memory_space<vmem>>) semaphore(%arg18 : memref<!tpu.dma_semaphore, #tpu.memory_space<semaphore_mem>>) {add = true}
      %add3A_488 = arith.constant 3 : i32
      %add3A_489 = arith.addi %add3A_469, %add3A_488 : i32
      %lt3A_490 = arith.constant 25 : i32
      %lt3A_491 = arith.cmpi slt, %add3A_489, %lt3A_490 : i32
      %convert_element_type3A_492 = arith.extui %lt3A_491 : i1 to i32
      %cond3A_493 = arith.constant 0 : i32
      %cond3A_494 = arith.cmpi ne, %convert_element_type3A_492, %cond3A_493 : i32
      scf.if %cond3A_494 {
        %dma_wait3A_524 = arith.constant 0 : i32
        %dma_wait3A_525 = tpu.memref_slice %arg7[%add3A_469, %dma_wait3A_524] : memref<25x80xi32, #tpu.memory_space<vmem>> -> memref<1x80xi32, #tpu.memory_space<vmem>>
        %dma_wait3A_526 = tpu.memref_squeeze %dma_wait3A_525 : memref<1x80xi32, #tpu.memory_space<vmem>> -> memref<80xi32, #tpu.memory_space<vmem>>
        %dma_wait3A_527 = arith.constant 0 : i32
        %dma_wait3A_528 = arith.constant 0 : i32
        %dma_wait3A_529 = tpu.memref_slice %arg12[%dma_wait3A_527, %dma_wait3A_528] : memref<10000x128xf32, #tpu.memory_space<vmem_shared>> -> memref<10000x128xf32, #tpu.memory_space<vmem_shared>>
        tpu.wait_indirect_dma semaphore(%arg18 : memref<!tpu.dma_semaphore, #tpu.memory_space<semaphore_mem>>) src(%arg9 : memref<80x128xf32, #tpu.memory_space<vmem>>) dst(%dma_wait3A_529 : memref<10000x128xf32, #tpu.memory_space<vmem_shared>>)
        %add3A_530 = arith.constant 3 : i32
        %add3A_531 = arith.addi %add3A_469, %add3A_530 : i32
        %dma_start3A_532 = arith.constant 0 : i32
        %dma_start3A_533 = tpu.memref_slice %arg6[%add3A_531, %dma_start3A_532] : memref<25x80xi32, #tpu.memory_space<vmem>> -> memref<1x80xi32, #tpu.memory_space<vmem>>
        %dma_start3A_534 = tpu.memref_squeeze %dma_start3A_533 : memref<1x80xi32, #tpu.memory_space<vmem>> -> memref<80xi32, #tpu.memory_space<vmem>>
        %dma_start3A_535 = arith.constant 0 : i32
        %dma_start3A_536 = arith.constant 0 : i32
        %dma_start3A_537 = tpu.memref_slice %arg2[%dma_start3A_535, %dma_start3A_536] : memref<10000x128xf32, #tpu.memory_space<hbm>> -> memref<10000x128xf32, #tpu.memory_space<hbm>>
        tpu.enqueue_indirect_dma source(%dma_start3A_537 : memref<10000x128xf32, #tpu.memory_space<hbm>>) target(%arg9 : memref<80x128xf32, #tpu.memory_space<vmem>>) offsets(%dma_start3A_534 : memref<80xi32, #tpu.memory_space<vmem>>) semaphore(%arg15 : memref<!tpu.dma_semaphore, #tpu.memory_space<semaphore_mem>>)
      } else {
      }
      %mul3A_495 = arith.constant 3 : i32
      %mul3A_496 = arith.muli %mul3A_495, %scan3A_439 : i32
      %add3A_497 = arith.constant 2 : i32
      %add3A_498 = arith.addi %mul3A_496, %add3A_497 : i32
      %dma_start3A_499 = arith.constant 0 : i32
      %dma_start3A_500 = tpu.memref_slice %arg7[%add3A_498, %dma_start3A_499] : memref<25x80xi32, #tpu.memory_space<vmem>> -> memref<1x80xi32, #tpu.memory_space<vmem>>
      %dma_start3A_501 = tpu.memref_squeeze %dma_start3A_500 : memref<1x80xi32, #tpu.memory_space<vmem>> -> memref<80xi32, #tpu.memory_space<vmem>>
      %dma_start3A_502 = arith.constant 0 : i32
      %dma_start3A_503 = arith.constant 0 : i32
      %dma_start3A_504 = tpu.memref_slice %arg13[%dma_start3A_502, %dma_start3A_503] : memref<10000x16xf32, #tpu.memory_space<vmem_shared>> -> memref<10000x16xf32, #tpu.memory_space<vmem_shared>>
      tpu.enqueue_indirect_dma source(%arg11 : memref<80x16xf32, #tpu.memory_space<vmem>>) target(%dma_start3A_504 : memref<10000x16xf32, #tpu.memory_space<vmem_shared>>) offsets(%dma_start3A_501 : memref<80xi32, #tpu.memory_space<vmem>>) semaphore(%arg20 : memref<!tpu.dma_semaphore, #tpu.memory_space<semaphore_mem>>) {add = true}
      %dma_wait3A_505 = arith.constant 0 : i32
      %dma_wait3A_506 = tpu.memref_slice %arg6[%add3A_498, %dma_wait3A_505] : memref<25x80xi32, #tpu.memory_space<vmem>> -> memref<1x80xi32, #tpu.memory_space<vmem>>
      %dma_wait3A_507 = tpu.memref_squeeze %dma_wait3A_506 : memref<1x80xi32, #tpu.memory_space<vmem>> -> memref<80xi32, #tpu.memory_space<vmem>>
      %dma_wait3A_508 = arith.constant 0 : i32
      %dma_wait3A_509 = arith.constant 0 : i32
      %dma_wait3A_510 = tpu.memref_slice %arg2[%dma_wait3A_508, %dma_wait3A_509] : memref<10000x128xf32, #tpu.memory_space<hbm>> -> memref<10000x128xf32, #tpu.memory_space<hbm>>
      tpu.wait_indirect_dma semaphore(%arg16 : memref<!tpu.dma_semaphore, #tpu.memory_space<semaphore_mem>>) src(%dma_wait3A_510 : memref<10000x128xf32, #tpu.memory_space<hbm>>) dst(%arg10 : memref<80x128xf32, #tpu.memory_space<vmem>>)
      %dma_start3A_511 = arith.constant 0 : i32
      %dma_start3A_512 = tpu.memref_slice %arg7[%add3A_498, %dma_start3A_511] : memref<25x80xi32, #tpu.memory_space<vmem>> -> memref<1x80xi32, #tpu.memory_space<vmem>>
      %dma_start3A_513 = tpu.memref_squeeze %dma_start3A_512 : memref<1x80xi32, #tpu.memory_space<vmem>> -> memref<80xi32, #tpu.memory_space<vmem>>
      %dma_start3A_514 = arith.constant 0 : i32
      %dma_start3A_515 = arith.constant 0 : i32
      %dma_start3A_516 = tpu.memref_slice %arg12[%dma_start3A_514, %dma_start3A_515] : memref<10000x128xf32, #tpu.memory_space<vmem_shared>> -> memref<10000x128xf32, #tpu.memory_space<vmem_shared>>
      tpu.enqueue_indirect_dma source(%arg10 : memref<80x128xf32, #tpu.memory_space<vmem>>) target(%dma_start3A_516 : memref<10000x128xf32, #tpu.memory_space<vmem_shared>>) offsets(%dma_start3A_513 : memref<80xi32, #tpu.memory_space<vmem>>) semaphore(%arg19 : memref<!tpu.dma_semaphore, #tpu.memory_space<semaphore_mem>>) {add = true}
      %add3A_517 = arith.constant 3 : i32
      %add3A_518 = arith.addi %add3A_498, %add3A_517 : i32
      %lt3A_519 = arith.constant 25 : i32
      %lt3A_520 = arith.cmpi slt, %add3A_518, %lt3A_519 : i32
      %convert_element_type3A_521 = arith.extui %lt3A_520 : i1 to i32
      %cond3A_522 = arith.constant 0 : i32
      %cond3A_523 = arith.cmpi ne, %convert_element_type3A_521, %cond3A_522 : i32
      scf.if %cond3A_523 {
        %dma_wait3A_524 = arith.constant 0 : i32
        %dma_wait3A_525 = tpu.memref_slice %arg7[%add3A_498, %dma_wait3A_524] : memref<25x80xi32, #tpu.memory_space<vmem>> -> memref<1x80xi32, #tpu.memory_space<vmem>>
        %dma_wait3A_526 = tpu.memref_squeeze %dma_wait3A_525 : memref<1x80xi32, #tpu.memory_space<vmem>> -> memref<80xi32, #tpu.memory_space<vmem>>
        %dma_wait3A_527 = arith.constant 0 : i32
        %dma_wait3A_528 = arith.constant 0 : i32
        %dma_wait3A_529 = tpu.memref_slice %arg12[%dma_wait3A_527, %dma_wait3A_528] : memref<10000x128xf32, #tpu.memory_space<vmem_shared>> -> memref<10000x128xf32, #tpu.memory_space<vmem_shared>>
        tpu.wait_indirect_dma semaphore(%arg19 : memref<!tpu.dma_semaphore, #tpu.memory_space<semaphore_mem>>) src(%arg10 : memref<80x128xf32, #tpu.memory_space<vmem>>) dst(%dma_wait3A_529 : memref<10000x128xf32, #tpu.memory_space<vmem_shared>>)
        %add3A_530 = arith.constant 3 : i32
        %add3A_531 = arith.addi %add3A_498, %add3A_530 : i32
        %dma_start3A_532 = arith.constant 0 : i32
        %dma_start3A_533 = tpu.memref_slice %arg6[%add3A_531, %dma_start3A_532] : memref<25x80xi32, #tpu.memory_space<vmem>> -> memref<1x80xi32, #tpu.memory_space<vmem>>
        %dma_start3A_534 = tpu.memref_squeeze %dma_start3A_533 : memref<1x80xi32, #tpu.memory_space<vmem>> -> memref<80xi32, #tpu.memory_space<vmem>>
        %dma_start3A_535 = arith.constant 0 : i32
        %dma_start3A_536 = arith.constant 0 : i32
        %dma_start3A_537 = tpu.memref_slice %arg2[%dma_start3A_535, %dma_start3A_536] : memref<10000x128xf32, #tpu.memory_space<hbm>> -> memref<10000x128xf32, #tpu.memory_space<hbm>>
        tpu.enqueue_indirect_dma source(%dma_start3A_537 : memref<10000x128xf32, #tpu.memory_space<hbm>>) target(%arg10 : memref<80x128xf32, #tpu.memory_space<vmem>>) offsets(%dma_start3A_534 : memref<80xi32, #tpu.memory_space<vmem>>) semaphore(%arg16 : memref<!tpu.dma_semaphore, #tpu.memory_space<semaphore_mem>>)
      } else {
      }
    }
    %scan3A_74 = arith.constant 8 : i32
    %dma_start3A_75 = arith.constant 24 : i32
    %dma_start3A_76 = arith.constant 0 : i32
    %dma_start3A_77 = tpu.memref_slice %arg7[%dma_start3A_75, %dma_start3A_76] : memref<25x80xi32, #tpu.memory_space<vmem>> -> memref<1x80xi32, #tpu.memory_space<vmem>>
    %dma_start3A_78 = tpu.memref_squeeze %dma_start3A_77 : memref<1x80xi32, #tpu.memory_space<vmem>> -> memref<80xi32, #tpu.memory_space<vmem>>
    %dma_start3A_79 = arith.constant 0 : i32
    %dma_start3A_80 = arith.constant 0 : i32
    %dma_start3A_81 = tpu.memref_slice %arg13[%dma_start3A_79, %dma_start3A_80] : memref<10000x16xf32, #tpu.memory_space<vmem_shared>> -> memref<10000x16xf32, #tpu.memory_space<vmem_shared>>
    tpu.enqueue_indirect_dma source(%arg11 : memref<80x16xf32, #tpu.memory_space<vmem>>) target(%dma_start3A_81 : memref<10000x16xf32, #tpu.memory_space<vmem_shared>>) offsets(%dma_start3A_78 : memref<80xi32, #tpu.memory_space<vmem>>) semaphore(%arg20 : memref<!tpu.dma_semaphore, #tpu.memory_space<semaphore_mem>>) {add = true}
    %dma_wait3A = arith.constant 24 : i32
    %dma_wait3A_82 = arith.constant 0 : i32
    %dma_wait3A_83 = tpu.memref_slice %arg6[%dma_wait3A, %dma_wait3A_82] : memref<25x80xi32, #tpu.memory_space<vmem>> -> memref<1x80xi32, #tpu.memory_space<vmem>>
    %dma_wait3A_84 = tpu.memref_squeeze %dma_wait3A_83 : memref<1x80xi32, #tpu.memory_space<vmem>> -> memref<80xi32, #tpu.memory_space<vmem>>
    %dma_wait3A_85 = arith.constant 0 : i32
    %dma_wait3A_86 = arith.constant 0 : i32
    %dma_wait3A_87 = tpu.memref_slice %arg2[%dma_wait3A_85, %dma_wait3A_86] : memref<10000x128xf32, #tpu.memory_space<hbm>> -> memref<10000x128xf32, #tpu.memory_space<hbm>>
    tpu.wait_indirect_dma semaphore(%arg14 : memref<!tpu.dma_semaphore, #tpu.memory_space<semaphore_mem>>) src(%dma_wait3A_87 : memref<10000x128xf32, #tpu.memory_space<hbm>>) dst(%arg8 : memref<80x128xf32, #tpu.memory_space<vmem>>)
    %dma_start3A_88 = arith.constant 24 : i32
    %dma_start3A_89 = arith.constant 0 : i32
    %dma_start3A_90 = tpu.memref_slice %arg7[%dma_start3A_88, %dma_start3A_89] : memref<25x80xi32, #tpu.memory_space<vmem>> -> memref<1x80xi32, #tpu.memory_space<vmem>>
    %dma_start3A_91 = tpu.memref_squeeze %dma_start3A_90 : memref<1x80xi32, #tpu.memory_space<vmem>> -> memref<80xi32, #tpu.memory_space<vmem>>
    %dma_start3A_92 = arith.constant 0 : i32
    %dma_start3A_93 = arith.constant 0 : i32
    %dma_start3A_94 = tpu.memref_slice %arg12[%dma_start3A_92, %dma_start3A_93] : memref<10000x128xf32, #tpu.memory_space<vmem_shared>> -> memref<10000x128xf32, #tpu.memory_space<vmem_shared>>
    tpu.enqueue_indirect_dma source(%arg8 : memref<80x128xf32, #tpu.memory_space<vmem>>) target(%dma_start3A_94 : memref<10000x128xf32, #tpu.memory_space<vmem_shared>>) offsets(%dma_start3A_91 : memref<80xi32, #tpu.memory_space<vmem>>) semaphore(%arg17 : memref<!tpu.dma_semaphore, #tpu.memory_space<semaphore_mem>>) {add = true}
    %dma_wait3A_95 = arith.constant 0 : i32
    %dma_wait3A_96 = arith.constant 0 : i32
    %dma_wait3A_97 = tpu.memref_slice %arg7[%dma_wait3A_95, %dma_wait3A_96] : memref<25x80xi32, #tpu.memory_space<vmem>> -> memref<1x80xi32, #tpu.memory_space<vmem>>
    %dma_wait3A_98 = tpu.memref_squeeze %dma_wait3A_97 : memref<1x80xi32, #tpu.memory_space<vmem>> -> memref<80xi32, #tpu.memory_space<vmem>>
    %dma_wait3A_99 = arith.constant 0 : i32
    %dma_wait3A_100 = arith.constant 0 : i32
    %dma_wait3A_101 = tpu.memref_slice %arg12[%dma_wait3A_99, %dma_wait3A_100] : memref<10000x128xf32, #tpu.memory_space<vmem_shared>> -> memref<10000x128xf32, #tpu.memory_space<vmem_shared>>
    tpu.wait_indirect_dma semaphore(%arg17 : memref<!tpu.dma_semaphore, #tpu.memory_space<semaphore_mem>>) src(%arg8 : memref<80x128xf32, #tpu.memory_space<vmem>>) dst(%dma_wait3A_101 : memref<10000x128xf32, #tpu.memory_space<vmem_shared>>)
    %dma_wait3A_102 = arith.constant 0 : i32
    %dma_wait3A_103 = arith.constant 0 : i32
    %dma_wait3A_104 = tpu.memref_slice %arg7[%dma_wait3A_102, %dma_wait3A_103] : memref<25x80xi32, #tpu.memory_space<vmem>> -> memref<1x80xi32, #tpu.memory_space<vmem>>
    %dma_wait3A_105 = tpu.memref_squeeze %dma_wait3A_104 : memref<1x80xi32, #tpu.memory_space<vmem>> -> memref<80xi32, #tpu.memory_space<vmem>>
    %dma_wait3A_106 = arith.constant 0 : i32
    %dma_wait3A_107 = arith.constant 0 : i32
    %dma_wait3A_108 = tpu.memref_slice %arg12[%dma_wait3A_106, %dma_wait3A_107] : memref<10000x128xf32, #tpu.memory_space<vmem_shared>> -> memref<10000x128xf32, #tpu.memory_space<vmem_shared>>
    tpu.wait_indirect_dma semaphore(%arg18 : memref<!tpu.dma_semaphore, #tpu.memory_space<semaphore_mem>>) src(%arg9 : memref<80x128xf32, #tpu.memory_space<vmem>>) dst(%dma_wait3A_108 : memref<10000x128xf32, #tpu.memory_space<vmem_shared>>)
    %dma_wait3A_109 = arith.constant 0 : i32
    %dma_wait3A_110 = arith.constant 0 : i32
    %dma_wait3A_111 = tpu.memref_slice %arg7[%dma_wait3A_109, %dma_wait3A_110] : memref<25x80xi32, #tpu.memory_space<vmem>> -> memref<1x80xi32, #tpu.memory_space<vmem>>
    %dma_wait3A_112 = tpu.memref_squeeze %dma_wait3A_111 : memref<1x80xi32, #tpu.memory_space<vmem>> -> memref<80xi32, #tpu.memory_space<vmem>>
    %dma_wait3A_113 = arith.constant 0 : i32
    %dma_wait3A_114 = arith.constant 0 : i32
    %dma_wait3A_115 = tpu.memref_slice %arg12[%dma_wait3A_113, %dma_wait3A_114] : memref<10000x128xf32, #tpu.memory_space<vmem_shared>> -> memref<10000x128xf32, #tpu.memory_space<vmem_shared>>
    tpu.wait_indirect_dma semaphore(%arg19 : memref<!tpu.dma_semaphore, #tpu.memory_space<semaphore_mem>>) src(%arg10 : memref<80x128xf32, #tpu.memory_space<vmem>>) dst(%dma_wait3A_115 : memref<10000x128xf32, #tpu.memory_space<vmem_shared>>)
    %scan3A_116 = arith.constant 0 : i32
    %scan3A_117 = arith.constant 0 : i32
    %scan3A_118 = arith.constant 25 : i32
    %scan3A_119 = arith.addi %scan3A_117, %scan3A_118 : i32
    %scan3A_120 = arith.constant 1 : i32
    scf.for %scan3A_439 = %scan3A_117 to %scan3A_119 step %scan3A_120  : i32 {
      %dma_wait3A_440 = arith.constant 0 : i32
      %dma_wait3A_441 = arith.constant 0 : i32
      %dma_wait3A_442 = tpu.memref_slice %arg7[%dma_wait3A_440, %dma_wait3A_441] : memref<25x80xi32, #tpu.memory_space<vmem>> -> memref<1x80xi32, #tpu.memory_space<vmem>>
      %dma_wait3A_443 = tpu.memref_squeeze %dma_wait3A_442 : memref<1x80xi32, #tpu.memory_space<vmem>> -> memref<80xi32, #tpu.memory_space<vmem>>
      %dma_wait3A_444 = arith.constant 0 : i32
      %dma_wait3A_445 = arith.constant 0 : i32
      %dma_wait3A_446 = tpu.memref_slice %arg13[%dma_wait3A_444, %dma_wait3A_445] : memref<10000x16xf32, #tpu.memory_space<vmem_shared>> -> memref<10000x16xf32, #tpu.memory_space<vmem_shared>>
      tpu.wait_indirect_dma semaphore(%arg20 : memref<!tpu.dma_semaphore, #tpu.memory_space<semaphore_mem>>) src(%arg11 : memref<80x16xf32, #tpu.memory_space<vmem>>) dst(%dma_wait3A_446 : memref<10000x16xf32, #tpu.memory_space<vmem_shared>>)
    }
    %scan3A_121 = arith.constant 25 : i32
    %run_scoped3A_122 = arith.constant 0 : i32
    %run_scoped3A_123 = arith.constant 1 : i32
    "tpu.region"() ({
      %run_scoped3A_439 = tpu.sem_alloc : memref<!tpu.dma_semaphore, #tpu.memory_space<semaphore_mem>>
      %dma_start3A_440 = arith.constant 0 : i32
      %dma_start3A_441 = arith.constant 0 : i32
      %dma_start3A_442 = tpu.memref_slice %arg3[%run_scoped3A_122, %add3A, %run_scoped3A_123, %dma_start3A_440, %dma_start3A_441] : memref<2x32x5x25x80xi32, #tpu.memory_space<hbm>> -> memref<1x1x1x25x80xi32, #tpu.memory_space<hbm>>
      %dma_start3A_443 = tpu.memref_squeeze %dma_start3A_442 : memref<1x1x1x25x80xi32, #tpu.memory_space<hbm>> -> memref<25x80xi32, #tpu.memory_space<hbm>>
      %dma_start3A_444 = arith.constant 0 : i32
      %dma_start3A_445 = arith.constant 0 : i32
      %dma_start3A_446 = tpu.memref_slice %arg3[%run_scoped3A_122, %add3A, %run_scoped3A_123, %dma_start3A_444, %dma_start3A_445] : memref<2x32x5x25x80xi32, #tpu.memory_space<hbm>> -> memref<1x1x1x25x80xi32, #tpu.memory_space<hbm>>
      %dma_start3A_447 = tpu.memref_squeeze %dma_start3A_446 : memref<1x1x1x25x80xi32, #tpu.memory_space<hbm>> -> memref<25x80xi32, #tpu.memory_space<hbm>>
      tpu.enqueue_dma source(%dma_start3A_447 : memref<25x80xi32, #tpu.memory_space<hbm>>) target(%arg7 : memref<25x80xi32, #tpu.memory_space<vmem>>) target_semaphore(%run_scoped3A_439 : memref<!tpu.dma_semaphore, #tpu.memory_space<semaphore_mem>>)
      %dma_wait3A_448 = arith.constant 0 : i32
      %dma_wait3A_449 = arith.constant 0 : i32
      %dma_wait3A_450 = tpu.memref_slice %arg3[%run_scoped3A_122, %add3A, %run_scoped3A_123, %dma_wait3A_448, %dma_wait3A_449] : memref<2x32x5x25x80xi32, #tpu.memory_space<hbm>> -> memref<1x1x1x25x80xi32, #tpu.memory_space<hbm>>
      %dma_wait3A_451 = tpu.memref_squeeze %dma_wait3A_450 : memref<1x1x1x25x80xi32, #tpu.memory_space<hbm>> -> memref<25x80xi32, #tpu.memory_space<hbm>>
      %dma_wait3A_452 = arith.constant 0 : i32
      %dma_wait3A_453 = arith.constant 0 : i32
      %dma_wait3A_454 = tpu.memref_slice %arg3[%run_scoped3A_122, %add3A, %run_scoped3A_123, %dma_wait3A_452, %dma_wait3A_453] : memref<2x32x5x25x80xi32, #tpu.memory_space<hbm>> -> memref<1x1x1x25x80xi32, #tpu.memory_space<hbm>>
      %dma_wait3A_455 = tpu.memref_squeeze %dma_wait3A_454 : memref<1x1x1x25x80xi32, #tpu.memory_space<hbm>> -> memref<25x80xi32, #tpu.memory_space<hbm>>
      tpu.wait_dma2 semaphore(%run_scoped3A_439 : memref<!tpu.dma_semaphore, #tpu.memory_space<semaphore_mem>>) src(%dma_wait3A_455 : memref<25x80xi32, #tpu.memory_space<hbm>>) dst(%arg7 : memref<25x80xi32, #tpu.memory_space<vmem>>)
      tpu.yield
    }) : () -> ()
    %run_scoped3A_124 = arith.constant 1 : i32
    %run_scoped3A_125 = arith.constant 1 : i32
    "tpu.region"() ({
      %run_scoped3A_439 = tpu.sem_alloc : memref<!tpu.dma_semaphore, #tpu.memory_space<semaphore_mem>>
      %dma_start3A_440 = arith.constant 0 : i32
      %dma_start3A_441 = arith.constant 0 : i32
      %dma_start3A_442 = tpu.memref_slice %arg3[%run_scoped3A_124, %add3A, %run_scoped3A_125, %dma_start3A_440, %dma_start3A_441] : memref<2x32x5x25x80xi32, #tpu.memory_space<hbm>> -> memref<1x1x1x25x80xi32, #tpu.memory_space<hbm>>
      %dma_start3A_443 = tpu.memref_squeeze %dma_start3A_442 : memref<1x1x1x25x80xi32, #tpu.memory_space<hbm>> -> memref<25x80xi32, #tpu.memory_space<hbm>>
      %dma_start3A_444 = arith.constant 0 : i32
      %dma_start3A_445 = arith.constant 0 : i32
      %dma_start3A_446 = tpu.memref_slice %arg3[%run_scoped3A_124, %add3A, %run_scoped3A_125, %dma_start3A_444, %dma_start3A_445] : memref<2x32x5x25x80xi32, #tpu.memory_space<hbm>> -> memref<1x1x1x25x80xi32, #tpu.memory_space<hbm>>
      %dma_start3A_447 = tpu.memref_squeeze %dma_start3A_446 : memref<1x1x1x25x80xi32, #tpu.memory_space<hbm>> -> memref<25x80xi32, #tpu.memory_space<hbm>>
      tpu.enqueue_dma source(%dma_start3A_447 : memref<25x80xi32, #tpu.memory_space<hbm>>) target(%arg6 : memref<25x80xi32, #tpu.memory_space<vmem>>) target_semaphore(%run_scoped3A_439 : memref<!tpu.dma_semaphore, #tpu.memory_space<semaphore_mem>>)
      %dma_wait3A_448 = arith.constant 0 : i32
      %dma_wait3A_449 = arith.constant 0 : i32
      %dma_wait3A_450 = tpu.memref_slice %arg3[%run_scoped3A_124, %add3A, %run_scoped3A_125, %dma_wait3A_448, %dma_wait3A_449] : memref<2x32x5x25x80xi32, #tpu.memory_space<hbm>> -> memref<1x1x1x25x80xi32, #tpu.memory_space<hbm>>
      %dma_wait3A_451 = tpu.memref_squeeze %dma_wait3A_450 : memref<1x1x1x25x80xi32, #tpu.memory_space<hbm>> -> memref<25x80xi32, #tpu.memory_space<hbm>>
      %dma_wait3A_452 = arith.constant 0 : i32
      %dma_wait3A_453 = arith.constant 0 : i32
      %dma_wait3A_454 = tpu.memref_slice %arg3[%run_scoped3A_124, %add3A, %run_scoped3A_125, %dma_wait3A_452, %dma_wait3A_453] : memref<2x32x5x25x80xi32, #tpu.memory_space<hbm>> -> memref<1x1x1x25x80xi32, #tpu.memory_space<hbm>>
      %dma_wait3A_455 = tpu.memref_squeeze %dma_wait3A_454 : memref<1x1x1x25x80xi32, #tpu.memory_space<hbm>> -> memref<25x80xi32, #tpu.memory_space<hbm>>
      tpu.wait_dma2 semaphore(%run_scoped3A_439 : memref<!tpu.dma_semaphore, #tpu.memory_space<semaphore_mem>>) src(%dma_wait3A_455 : memref<25x80xi32, #tpu.memory_space<hbm>>) dst(%arg6 : memref<25x80xi32, #tpu.memory_space<vmem>>)
      tpu.yield
    }) : () -> ()
    %dma_start3A_126 = arith.constant 0 : i32
    %dma_start3A_127 = arith.constant 0 : i32
    %dma_start3A_128 = tpu.memref_slice %arg6[%dma_start3A_126, %dma_start3A_127] : memref<25x80xi32, #tpu.memory_space<vmem>> -> memref<1x80xi32, #tpu.memory_space<vmem>>
    %dma_start3A_129 = tpu.memref_squeeze %dma_start3A_128 : memref<1x80xi32, #tpu.memory_space<vmem>> -> memref<80xi32, #tpu.memory_space<vmem>>
    %dma_start3A_130 = arith.constant 0 : i32
    %dma_start3A_131 = arith.constant 0 : i32
    %dma_start3A_132 = tpu.memref_slice %arg2[%dma_start3A_130, %dma_start3A_131] : memref<10000x128xf32, #tpu.memory_space<hbm>> -> memref<10000x128xf32, #tpu.memory_space<hbm>>
    tpu.enqueue_indirect_dma source(%dma_start3A_132 : memref<10000x128xf32, #tpu.memory_space<hbm>>) target(%arg8 : memref<80x128xf32, #tpu.memory_space<vmem>>) offsets(%dma_start3A_129 : memref<80xi32, #tpu.memory_space<vmem>>) semaphore(%arg14 : memref<!tpu.dma_semaphore, #tpu.memory_space<semaphore_mem>>)
    %dma_start3A_133 = arith.constant 1 : i32
    %dma_start3A_134 = arith.constant 0 : i32
    %dma_start3A_135 = tpu.memref_slice %arg6[%dma_start3A_133, %dma_start3A_134] : memref<25x80xi32, #tpu.memory_space<vmem>> -> memref<1x80xi32, #tpu.memory_space<vmem>>
    %dma_start3A_136 = tpu.memref_squeeze %dma_start3A_135 : memref<1x80xi32, #tpu.memory_space<vmem>> -> memref<80xi32, #tpu.memory_space<vmem>>
    %dma_start3A_137 = arith.constant 0 : i32
    %dma_start3A_138 = arith.constant 0 : i32
    %dma_start3A_139 = tpu.memref_slice %arg2[%dma_start3A_137, %dma_start3A_138] : memref<10000x128xf32, #tpu.memory_space<hbm>> -> memref<10000x128xf32, #tpu.memory_space<hbm>>
    tpu.enqueue_indirect_dma source(%dma_start3A_139 : memref<10000x128xf32, #tpu.memory_space<hbm>>) target(%arg9 : memref<80x128xf32, #tpu.memory_space<vmem>>) offsets(%dma_start3A_136 : memref<80xi32, #tpu.memory_space<vmem>>) semaphore(%arg15 : memref<!tpu.dma_semaphore, #tpu.memory_space<semaphore_mem>>)
    %dma_start3A_140 = arith.constant 2 : i32
    %dma_start3A_141 = arith.constant 0 : i32
    %dma_start3A_142 = tpu.memref_slice %arg6[%dma_start3A_140, %dma_start3A_141] : memref<25x80xi32, #tpu.memory_space<vmem>> -> memref<1x80xi32, #tpu.memory_space<vmem>>
    %dma_start3A_143 = tpu.memref_squeeze %dma_start3A_142 : memref<1x80xi32, #tpu.memory_space<vmem>> -> memref<80xi32, #tpu.memory_space<vmem>>
    %dma_start3A_144 = arith.constant 0 : i32
    %dma_start3A_145 = arith.constant 0 : i32
    %dma_start3A_146 = tpu.memref_slice %arg2[%dma_start3A_144, %dma_start3A_145] : memref<10000x128xf32, #tpu.memory_space<hbm>> -> memref<10000x128xf32, #tpu.memory_space<hbm>>
    tpu.enqueue_indirect_dma source(%dma_start3A_146 : memref<10000x128xf32, #tpu.memory_space<hbm>>) target(%arg10 : memref<80x128xf32, #tpu.memory_space<vmem>>) offsets(%dma_start3A_143 : memref<80xi32, #tpu.memory_space<vmem>>) semaphore(%arg16 : memref<!tpu.dma_semaphore, #tpu.memory_space<semaphore_mem>>)
    %scan3A_147 = arith.constant 0 : i32
    %scan3A_148 = arith.constant 0 : i32
    %scan3A_149 = arith.constant 8 : i32
    %scan3A_150 = arith.addi %scan3A_148, %scan3A_149 : i32
    %scan3A_151 = arith.constant 1 : i32
    scf.for %scan3A_439 = %scan3A_148 to %scan3A_150 step %scan3A_151  : i32 {
      %mul3A_440 = arith.constant 3 : i32
      %mul3A_441 = arith.muli %mul3A_440, %scan3A_439 : i32
      %add3A_442 = arith.constant 0 : i32
      %add3A_443 = arith.addi %mul3A_441, %add3A_442 : i32
      %dma_start3A_444 = arith.constant 0 : i32
      %dma_start3A_445 = tpu.memref_slice %arg7[%add3A_443, %dma_start3A_444] : memref<25x80xi32, #tpu.memory_space<vmem>> -> memref<1x80xi32, #tpu.memory_space<vmem>>
      %dma_start3A_446 = tpu.memref_squeeze %dma_start3A_445 : memref<1x80xi32, #tpu.memory_space<vmem>> -> memref<80xi32, #tpu.memory_space<vmem>>
      %dma_start3A_447 = arith.constant 0 : i32
      %dma_start3A_448 = arith.constant 0 : i32
      %dma_start3A_449 = tpu.memref_slice %arg13[%dma_start3A_447, %dma_start3A_448] : memref<10000x16xf32, #tpu.memory_space<vmem_shared>> -> memref<10000x16xf32, #tpu.memory_space<vmem_shared>>
      tpu.enqueue_indirect_dma source(%arg11 : memref<80x16xf32, #tpu.memory_space<vmem>>) target(%dma_start3A_449 : memref<10000x16xf32, #tpu.memory_space<vmem_shared>>) offsets(%dma_start3A_446 : memref<80xi32, #tpu.memory_space<vmem>>) semaphore(%arg20 : memref<!tpu.dma_semaphore, #tpu.memory_space<semaphore_mem>>) {add = true}
      %dma_wait3A_450 = arith.constant 0 : i32
      %dma_wait3A_451 = tpu.memref_slice %arg6[%add3A_443, %dma_wait3A_450] : memref<25x80xi32, #tpu.memory_space<vmem>> -> memref<1x80xi32, #tpu.memory_space<vmem>>
      %dma_wait3A_452 = tpu.memref_squeeze %dma_wait3A_451 : memref<1x80xi32, #tpu.memory_space<vmem>> -> memref<80xi32, #tpu.memory_space<vmem>>
      %dma_wait3A_453 = arith.constant 0 : i32
      %dma_wait3A_454 = arith.constant 0 : i32
      %dma_wait3A_455 = tpu.memref_slice %arg2[%dma_wait3A_453, %dma_wait3A_454] : memref<10000x128xf32, #tpu.memory_space<hbm>> -> memref<10000x128xf32, #tpu.memory_space<hbm>>
      tpu.wait_indirect_dma semaphore(%arg14 : memref<!tpu.dma_semaphore, #tpu.memory_space<semaphore_mem>>) src(%dma_wait3A_455 : memref<10000x128xf32, #tpu.memory_space<hbm>>) dst(%arg8 : memref<80x128xf32, #tpu.memory_space<vmem>>)
      %dma_start3A_456 = arith.constant 0 : i32
      %dma_start3A_457 = tpu.memref_slice %arg7[%add3A_443, %dma_start3A_456] : memref<25x80xi32, #tpu.memory_space<vmem>> -> memref<1x80xi32, #tpu.memory_space<vmem>>
      %dma_start3A_458 = tpu.memref_squeeze %dma_start3A_457 : memref<1x80xi32, #tpu.memory_space<vmem>> -> memref<80xi32, #tpu.memory_space<vmem>>
      %dma_start3A_459 = arith.constant 0 : i32
      %dma_start3A_460 = arith.constant 0 : i32
      %dma_start3A_461 = tpu.memref_slice %arg12[%dma_start3A_459, %dma_start3A_460] : memref<10000x128xf32, #tpu.memory_space<vmem_shared>> -> memref<10000x128xf32, #tpu.memory_space<vmem_shared>>
      tpu.enqueue_indirect_dma source(%arg8 : memref<80x128xf32, #tpu.memory_space<vmem>>) target(%dma_start3A_461 : memref<10000x128xf32, #tpu.memory_space<vmem_shared>>) offsets(%dma_start3A_458 : memref<80xi32, #tpu.memory_space<vmem>>) semaphore(%arg17 : memref<!tpu.dma_semaphore, #tpu.memory_space<semaphore_mem>>) {add = true}
      %add3A_462 = arith.constant 3 : i32
      %add3A_463 = arith.addi %add3A_443, %add3A_462 : i32
      %lt3A = arith.constant 25 : i32
      %lt3A_464 = arith.cmpi slt, %add3A_463, %lt3A : i32
      %convert_element_type3A = arith.extui %lt3A_464 : i1 to i32
      %cond3A = arith.constant 0 : i32
      %cond3A_465 = arith.cmpi ne, %convert_element_type3A, %cond3A : i32
      scf.if %cond3A_465 {
        %dma_wait3A_524 = arith.constant 0 : i32
        %dma_wait3A_525 = tpu.memref_slice %arg7[%add3A_443, %dma_wait3A_524] : memref<25x80xi32, #tpu.memory_space<vmem>> -> memref<1x80xi32, #tpu.memory_space<vmem>>
        %dma_wait3A_526 = tpu.memref_squeeze %dma_wait3A_525 : memref<1x80xi32, #tpu.memory_space<vmem>> -> memref<80xi32, #tpu.memory_space<vmem>>
        %dma_wait3A_527 = arith.constant 0 : i32
        %dma_wait3A_528 = arith.constant 0 : i32
        %dma_wait3A_529 = tpu.memref_slice %arg12[%dma_wait3A_527, %dma_wait3A_528] : memref<10000x128xf32, #tpu.memory_space<vmem_shared>> -> memref<10000x128xf32, #tpu.memory_space<vmem_shared>>
        tpu.wait_indirect_dma semaphore(%arg17 : memref<!tpu.dma_semaphore, #tpu.memory_space<semaphore_mem>>) src(%arg8 : memref<80x128xf32, #tpu.memory_space<vmem>>) dst(%dma_wait3A_529 : memref<10000x128xf32, #tpu.memory_space<vmem_shared>>)
        %add3A_530 = arith.constant 3 : i32
        %add3A_531 = arith.addi %add3A_443, %add3A_530 : i32
        %dma_start3A_532 = arith.constant 0 : i32
        %dma_start3A_533 = tpu.memref_slice %arg6[%add3A_531, %dma_start3A_532] : memref<25x80xi32, #tpu.memory_space<vmem>> -> memref<1x80xi32, #tpu.memory_space<vmem>>
        %dma_start3A_534 = tpu.memref_squeeze %dma_start3A_533 : memref<1x80xi32, #tpu.memory_space<vmem>> -> memref<80xi32, #tpu.memory_space<vmem>>
        %dma_start3A_535 = arith.constant 0 : i32
        %dma_start3A_536 = arith.constant 0 : i32
        %dma_start3A_537 = tpu.memref_slice %arg2[%dma_start3A_535, %dma_start3A_536] : memref<10000x128xf32, #tpu.memory_space<hbm>> -> memref<10000x128xf32, #tpu.memory_space<hbm>>
        tpu.enqueue_indirect_dma source(%dma_start3A_537 : memref<10000x128xf32, #tpu.memory_space<hbm>>) target(%arg8 : memref<80x128xf32, #tpu.memory_space<vmem>>) offsets(%dma_start3A_534 : memref<80xi32, #tpu.memory_space<vmem>>) semaphore(%arg14 : memref<!tpu.dma_semaphore, #tpu.memory_space<semaphore_mem>>)
      } else {
      }
      %mul3A_466 = arith.constant 3 : i32
      %mul3A_467 = arith.muli %mul3A_466, %scan3A_439 : i32
      %add3A_468 = arith.constant 1 : i32
      %add3A_469 = arith.addi %mul3A_467, %add3A_468 : i32
      %dma_start3A_470 = arith.constant 0 : i32
      %dma_start3A_471 = tpu.memref_slice %arg7[%add3A_469, %dma_start3A_470] : memref<25x80xi32, #tpu.memory_space<vmem>> -> memref<1x80xi32, #tpu.memory_space<vmem>>
      %dma_start3A_472 = tpu.memref_squeeze %dma_start3A_471 : memref<1x80xi32, #tpu.memory_space<vmem>> -> memref<80xi32, #tpu.memory_space<vmem>>
      %dma_start3A_473 = arith.constant 0 : i32
      %dma_start3A_474 = arith.constant 0 : i32
      %dma_start3A_475 = tpu.memref_slice %arg13[%dma_start3A_473, %dma_start3A_474] : memref<10000x16xf32, #tpu.memory_space<vmem_shared>> -> memref<10000x16xf32, #tpu.memory_space<vmem_shared>>
      tpu.enqueue_indirect_dma source(%arg11 : memref<80x16xf32, #tpu.memory_space<vmem>>) target(%dma_start3A_475 : memref<10000x16xf32, #tpu.memory_space<vmem_shared>>) offsets(%dma_start3A_472 : memref<80xi32, #tpu.memory_space<vmem>>) semaphore(%arg20 : memref<!tpu.dma_semaphore, #tpu.memory_space<semaphore_mem>>) {add = true}
      %dma_wait3A_476 = arith.constant 0 : i32
      %dma_wait3A_477 = tpu.memref_slice %arg6[%add3A_469, %dma_wait3A_476] : memref<25x80xi32, #tpu.memory_space<vmem>> -> memref<1x80xi32, #tpu.memory_space<vmem>>
      %dma_wait3A_478 = tpu.memref_squeeze %dma_wait3A_477 : memref<1x80xi32, #tpu.memory_space<vmem>> -> memref<80xi32, #tpu.memory_space<vmem>>
      %dma_wait3A_479 = arith.constant 0 : i32
      %dma_wait3A_480 = arith.constant 0 : i32
      %dma_wait3A_481 = tpu.memref_slice %arg2[%dma_wait3A_479, %dma_wait3A_480] : memref<10000x128xf32, #tpu.memory_space<hbm>> -> memref<10000x128xf32, #tpu.memory_space<hbm>>
      tpu.wait_indirect_dma semaphore(%arg15 : memref<!tpu.dma_semaphore, #tpu.memory_space<semaphore_mem>>) src(%dma_wait3A_481 : memref<10000x128xf32, #tpu.memory_space<hbm>>) dst(%arg9 : memref<80x128xf32, #tpu.memory_space<vmem>>)
      %dma_start3A_482 = arith.constant 0 : i32
      %dma_start3A_483 = tpu.memref_slice %arg7[%add3A_469, %dma_start3A_482] : memref<25x80xi32, #tpu.memory_space<vmem>> -> memref<1x80xi32, #tpu.memory_space<vmem>>
      %dma_start3A_484 = tpu.memref_squeeze %dma_start3A_483 : memref<1x80xi32, #tpu.memory_space<vmem>> -> memref<80xi32, #tpu.memory_space<vmem>>
      %dma_start3A_485 = arith.constant 0 : i32
      %dma_start3A_486 = arith.constant 0 : i32
      %dma_start3A_487 = tpu.memref_slice %arg12[%dma_start3A_485, %dma_start3A_486] : memref<10000x128xf32, #tpu.memory_space<vmem_shared>> -> memref<10000x128xf32, #tpu.memory_space<vmem_shared>>
      tpu.enqueue_indirect_dma source(%arg9 : memref<80x128xf32, #tpu.memory_space<vmem>>) target(%dma_start3A_487 : memref<10000x128xf32, #tpu.memory_space<vmem_shared>>) offsets(%dma_start3A_484 : memref<80xi32, #tpu.memory_space<vmem>>) semaphore(%arg18 : memref<!tpu.dma_semaphore, #tpu.memory_space<semaphore_mem>>) {add = true}
      %add3A_488 = arith.constant 3 : i32
      %add3A_489 = arith.addi %add3A_469, %add3A_488 : i32
      %lt3A_490 = arith.constant 25 : i32
      %lt3A_491 = arith.cmpi slt, %add3A_489, %lt3A_490 : i32
      %convert_element_type3A_492 = arith.extui %lt3A_491 : i1 to i32
      %cond3A_493 = arith.constant 0 : i32
      %cond3A_494 = arith.cmpi ne, %convert_element_type3A_492, %cond3A_493 : i32
      scf.if %cond3A_494 {
        %dma_wait3A_524 = arith.constant 0 : i32
        %dma_wait3A_525 = tpu.memref_slice %arg7[%add3A_469, %dma_wait3A_524] : memref<25x80xi32, #tpu.memory_space<vmem>> -> memref<1x80xi32, #tpu.memory_space<vmem>>
        %dma_wait3A_526 = tpu.memref_squeeze %dma_wait3A_525 : memref<1x80xi32, #tpu.memory_space<vmem>> -> memref<80xi32, #tpu.memory_space<vmem>>
        %dma_wait3A_527 = arith.constant 0 : i32
        %dma_wait3A_528 = arith.constant 0 : i32
        %dma_wait3A_529 = tpu.memref_slice %arg12[%dma_wait3A_527, %dma_wait3A_528] : memref<10000x128xf32, #tpu.memory_space<vmem_shared>> -> memref<10000x128xf32, #tpu.memory_space<vmem_shared>>
        tpu.wait_indirect_dma semaphore(%arg18 : memref<!tpu.dma_semaphore, #tpu.memory_space<semaphore_mem>>) src(%arg9 : memref<80x128xf32, #tpu.memory_space<vmem>>) dst(%dma_wait3A_529 : memref<10000x128xf32, #tpu.memory_space<vmem_shared>>)
        %add3A_530 = arith.constant 3 : i32
        %add3A_531 = arith.addi %add3A_469, %add3A_530 : i32
        %dma_start3A_532 = arith.constant 0 : i32
        %dma_start3A_533 = tpu.memref_slice %arg6[%add3A_531, %dma_start3A_532] : memref<25x80xi32, #tpu.memory_space<vmem>> -> memref<1x80xi32, #tpu.memory_space<vmem>>
        %dma_start3A_534 = tpu.memref_squeeze %dma_start3A_533 : memref<1x80xi32, #tpu.memory_space<vmem>> -> memref<80xi32, #tpu.memory_space<vmem>>
        %dma_start3A_535 = arith.constant 0 : i32
        %dma_start3A_536 = arith.constant 0 : i32
        %dma_start3A_537 = tpu.memref_slice %arg2[%dma_start3A_535, %dma_start3A_536] : memref<10000x128xf32, #tpu.memory_space<hbm>> -> memref<10000x128xf32, #tpu.memory_space<hbm>>
        tpu.enqueue_indirect_dma source(%dma_start3A_537 : memref<10000x128xf32, #tpu.memory_space<hbm>>) target(%arg9 : memref<80x128xf32, #tpu.memory_space<vmem>>) offsets(%dma_start3A_534 : memref<80xi32, #tpu.memory_space<vmem>>) semaphore(%arg15 : memref<!tpu.dma_semaphore, #tpu.memory_space<semaphore_mem>>)
      } else {
      }
      %mul3A_495 = arith.constant 3 : i32
      %mul3A_496 = arith.muli %mul3A_495, %scan3A_439 : i32
      %add3A_497 = arith.constant 2 : i32
      %add3A_498 = arith.addi %mul3A_496, %add3A_497 : i32
      %dma_start3A_499 = arith.constant 0 : i32
      %dma_start3A_500 = tpu.memref_slice %arg7[%add3A_498, %dma_start3A_499] : memref<25x80xi32, #tpu.memory_space<vmem>> -> memref<1x80xi32, #tpu.memory_space<vmem>>
      %dma_start3A_501 = tpu.memref_squeeze %dma_start3A_500 : memref<1x80xi32, #tpu.memory_space<vmem>> -> memref<80xi32, #tpu.memory_space<vmem>>
      %dma_start3A_502 = arith.constant 0 : i32
      %dma_start3A_503 = arith.constant 0 : i32
      %dma_start3A_504 = tpu.memref_slice %arg13[%dma_start3A_502, %dma_start3A_503] : memref<10000x16xf32, #tpu.memory_space<vmem_shared>> -> memref<10000x16xf32, #tpu.memory_space<vmem_shared>>
      tpu.enqueue_indirect_dma source(%arg11 : memref<80x16xf32, #tpu.memory_space<vmem>>) target(%dma_start3A_504 : memref<10000x16xf32, #tpu.memory_space<vmem_shared>>) offsets(%dma_start3A_501 : memref<80xi32, #tpu.memory_space<vmem>>) semaphore(%arg20 : memref<!tpu.dma_semaphore, #tpu.memory_space<semaphore_mem>>) {add = true}
      %dma_wait3A_505 = arith.constant 0 : i32
      %dma_wait3A_506 = tpu.memref_slice %arg6[%add3A_498, %dma_wait3A_505] : memref<25x80xi32, #tpu.memory_space<vmem>> -> memref<1x80xi32, #tpu.memory_space<vmem>>
      %dma_wait3A_507 = tpu.memref_squeeze %dma_wait3A_506 : memref<1x80xi32, #tpu.memory_space<vmem>> -> memref<80xi32, #tpu.memory_space<vmem>>
      %dma_wait3A_508 = arith.constant 0 : i32
      %dma_wait3A_509 = arith.constant 0 : i32
      %dma_wait3A_510 = tpu.memref_slice %arg2[%dma_wait3A_508, %dma_wait3A_509] : memref<10000x128xf32, #tpu.memory_space<hbm>> -> memref<10000x128xf32, #tpu.memory_space<hbm>>
      tpu.wait_indirect_dma semaphore(%arg16 : memref<!tpu.dma_semaphore, #tpu.memory_space<semaphore_mem>>) src(%dma_wait3A_510 : memref<10000x128xf32, #tpu.memory_space<hbm>>) dst(%arg10 : memref<80x128xf32, #tpu.memory_space<vmem>>)
      %dma_start3A_511 = arith.constant 0 : i32
      %dma_start3A_512 = tpu.memref_slice %arg7[%add3A_498, %dma_start3A_511] : memref<25x80xi32, #tpu.memory_space<vmem>> -> memref<1x80xi32, #tpu.memory_space<vmem>>
      %dma_start3A_513 = tpu.memref_squeeze %dma_start3A_512 : memref<1x80xi32, #tpu.memory_space<vmem>> -> memref<80xi32, #tpu.memory_space<vmem>>
      %dma_start3A_514 = arith.constant 0 : i32
      %dma_start3A_515 = arith.constant 0 : i32
      %dma_start3A_516 = tpu.memref_slice %arg12[%dma_start3A_514, %dma_start3A_515] : memref<10000x128xf32, #tpu.memory_space<vmem_shared>> -> memref<10000x128xf32, #tpu.memory_space<vmem_shared>>
      tpu.enqueue_indirect_dma source(%arg10 : memref<80x128xf32, #tpu.memory_space<vmem>>) target(%dma_start3A_516 : memref<10000x128xf32, #tpu.memory_space<vmem_shared>>) offsets(%dma_start3A_513 : memref<80xi32, #tpu.memory_space<vmem>>) semaphore(%arg19 : memref<!tpu.dma_semaphore, #tpu.memory_space<semaphore_mem>>) {add = true}
      %add3A_517 = arith.constant 3 : i32
      %add3A_518 = arith.addi %add3A_498, %add3A_517 : i32
      %lt3A_519 = arith.constant 25 : i32
      %lt3A_520 = arith.cmpi slt, %add3A_518, %lt3A_519 : i32
      %convert_element_type3A_521 = arith.extui %lt3A_520 : i1 to i32
      %cond3A_522 = arith.constant 0 : i32
      %cond3A_523 = arith.cmpi ne, %convert_element_type3A_521, %cond3A_522 : i32
      scf.if %cond3A_523 {
        %dma_wait3A_524 = arith.constant 0 : i32
        %dma_wait3A_525 = tpu.memref_slice %arg7[%add3A_498, %dma_wait3A_524] : memref<25x80xi32, #tpu.memory_space<vmem>> -> memref<1x80xi32, #tpu.memory_space<vmem>>
        %dma_wait3A_526 = tpu.memref_squeeze %dma_wait3A_525 : memref<1x80xi32, #tpu.memory_space<vmem>> -> memref<80xi32, #tpu.memory_space<vmem>>
        %dma_wait3A_527 = arith.constant 0 : i32
        %dma_wait3A_528 = arith.constant 0 : i32
        %dma_wait3A_529 = tpu.memref_slice %arg12[%dma_wait3A_527, %dma_wait3A_528] : memref<10000x128xf32, #tpu.memory_space<vmem_shared>> -> memref<10000x128xf32, #tpu.memory_space<vmem_shared>>
        tpu.wait_indirect_dma semaphore(%arg19 : memref<!tpu.dma_semaphore, #tpu.memory_space<semaphore_mem>>) src(%arg10 : memref<80x128xf32, #tpu.memory_space<vmem>>) dst(%dma_wait3A_529 : memref<10000x128xf32, #tpu.memory_space<vmem_shared>>)
        %add3A_530 = arith.constant 3 : i32
        %add3A_531 = arith.addi %add3A_498, %add3A_530 : i32
        %dma_start3A_532 = arith.constant 0 : i32
        %dma_start3A_533 = tpu.memref_slice %arg6[%add3A_531, %dma_start3A_532] : memref<25x80xi32, #tpu.memory_space<vmem>> -> memref<1x80xi32, #tpu.memory_space<vmem>>
        %dma_start3A_534 = tpu.memref_squeeze %dma_start3A_533 : memref<1x80xi32, #tpu.memory_space<vmem>> -> memref<80xi32, #tpu.memory_space<vmem>>
        %dma_start3A_535 = arith.constant 0 : i32
        %dma_start3A_536 = arith.constant 0 : i32
        %dma_start3A_537 = tpu.memref_slice %arg2[%dma_start3A_535, %dma_start3A_536] : memref<10000x128xf32, #tpu.memory_space<hbm>> -> memref<10000x128xf32, #tpu.memory_space<hbm>>
        tpu.enqueue_indirect_dma source(%dma_start3A_537 : memref<10000x128xf32, #tpu.memory_space<hbm>>) target(%arg10 : memref<80x128xf32, #tpu.memory_space<vmem>>) offsets(%dma_start3A_534 : memref<80xi32, #tpu.memory_space<vmem>>) semaphore(%arg16 : memref<!tpu.dma_semaphore, #tpu.memory_space<semaphore_mem>>)
      } else {
      }
    }
    %scan3A_152 = arith.constant 8 : i32
    %dma_start3A_153 = arith.constant 24 : i32
    %dma_start3A_154 = arith.constant 0 : i32
    %dma_start3A_155 = tpu.memref_slice %arg7[%dma_start3A_153, %dma_start3A_154] : memref<25x80xi32, #tpu.memory_space<vmem>> -> memref<1x80xi32, #tpu.memory_space<vmem>>
    %dma_start3A_156 = tpu.memref_squeeze %dma_start3A_155 : memref<1x80xi32, #tpu.memory_space<vmem>> -> memref<80xi32, #tpu.memory_space<vmem>>
    %dma_start3A_157 = arith.constant 0 : i32
    %dma_start3A_158 = arith.constant 0 : i32
    %dma_start3A_159 = tpu.memref_slice %arg13[%dma_start3A_157, %dma_start3A_158] : memref<10000x16xf32, #tpu.memory_space<vmem_shared>> -> memref<10000x16xf32, #tpu.memory_space<vmem_shared>>
    tpu.enqueue_indirect_dma source(%arg11 : memref<80x16xf32, #tpu.memory_space<vmem>>) target(%dma_start3A_159 : memref<10000x16xf32, #tpu.memory_space<vmem_shared>>) offsets(%dma_start3A_156 : memref<80xi32, #tpu.memory_space<vmem>>) semaphore(%arg20 : memref<!tpu.dma_semaphore, #tpu.memory_space<semaphore_mem>>) {add = true}
    %dma_wait3A_160 = arith.constant 24 : i32
    %dma_wait3A_161 = arith.constant 0 : i32
    %dma_wait3A_162 = tpu.memref_slice %arg6[%dma_wait3A_160, %dma_wait3A_161] : memref<25x80xi32, #tpu.memory_space<vmem>> -> memref<1x80xi32, #tpu.memory_space<vmem>>
    %dma_wait3A_163 = tpu.memref_squeeze %dma_wait3A_162 : memref<1x80xi32, #tpu.memory_space<vmem>> -> memref<80xi32, #tpu.memory_space<vmem>>
    %dma_wait3A_164 = arith.constant 0 : i32
    %dma_wait3A_165 = arith.constant 0 : i32
    %dma_wait3A_166 = tpu.memref_slice %arg2[%dma_wait3A_164, %dma_wait3A_165] : memref<10000x128xf32, #tpu.memory_space<hbm>> -> memref<10000x128xf32, #tpu.memory_space<hbm>>
    tpu.wait_indirect_dma semaphore(%arg14 : memref<!tpu.dma_semaphore, #tpu.memory_space<semaphore_mem>>) src(%dma_wait3A_166 : memref<10000x128xf32, #tpu.memory_space<hbm>>) dst(%arg8 : memref<80x128xf32, #tpu.memory_space<vmem>>)
    %dma_start3A_167 = arith.constant 24 : i32
    %dma_start3A_168 = arith.constant 0 : i32
    %dma_start3A_169 = tpu.memref_slice %arg7[%dma_start3A_167, %dma_start3A_168] : memref<25x80xi32, #tpu.memory_space<vmem>> -> memref<1x80xi32, #tpu.memory_space<vmem>>
    %dma_start3A_170 = tpu.memref_squeeze %dma_start3A_169 : memref<1x80xi32, #tpu.memory_space<vmem>> -> memref<80xi32, #tpu.memory_space<vmem>>
    %dma_start3A_171 = arith.constant 0 : i32
    %dma_start3A_172 = arith.constant 0 : i32
    %dma_start3A_173 = tpu.memref_slice %arg12[%dma_start3A_171, %dma_start3A_172] : memref<10000x128xf32, #tpu.memory_space<vmem_shared>> -> memref<10000x128xf32, #tpu.memory_space<vmem_shared>>
    tpu.enqueue_indirect_dma source(%arg8 : memref<80x128xf32, #tpu.memory_space<vmem>>) target(%dma_start3A_173 : memref<10000x128xf32, #tpu.memory_space<vmem_shared>>) offsets(%dma_start3A_170 : memref<80xi32, #tpu.memory_space<vmem>>) semaphore(%arg17 : memref<!tpu.dma_semaphore, #tpu.memory_space<semaphore_mem>>) {add = true}
    %dma_wait3A_174 = arith.constant 0 : i32
    %dma_wait3A_175 = arith.constant 0 : i32
    %dma_wait3A_176 = tpu.memref_slice %arg7[%dma_wait3A_174, %dma_wait3A_175] : memref<25x80xi32, #tpu.memory_space<vmem>> -> memref<1x80xi32, #tpu.memory_space<vmem>>
    %dma_wait3A_177 = tpu.memref_squeeze %dma_wait3A_176 : memref<1x80xi32, #tpu.memory_space<vmem>> -> memref<80xi32, #tpu.memory_space<vmem>>
    %dma_wait3A_178 = arith.constant 0 : i32
    %dma_wait3A_179 = arith.constant 0 : i32
    %dma_wait3A_180 = tpu.memref_slice %arg12[%dma_wait3A_178, %dma_wait3A_179] : memref<10000x128xf32, #tpu.memory_space<vmem_shared>> -> memref<10000x128xf32, #tpu.memory_space<vmem_shared>>
    tpu.wait_indirect_dma semaphore(%arg17 : memref<!tpu.dma_semaphore, #tpu.memory_space<semaphore_mem>>) src(%arg8 : memref<80x128xf32, #tpu.memory_space<vmem>>) dst(%dma_wait3A_180 : memref<10000x128xf32, #tpu.memory_space<vmem_shared>>)
    %dma_wait3A_181 = arith.constant 0 : i32
    %dma_wait3A_182 = arith.constant 0 : i32
    %dma_wait3A_183 = tpu.memref_slice %arg7[%dma_wait3A_181, %dma_wait3A_182] : memref<25x80xi32, #tpu.memory_space<vmem>> -> memref<1x80xi32, #tpu.memory_space<vmem>>
    %dma_wait3A_184 = tpu.memref_squeeze %dma_wait3A_183 : memref<1x80xi32, #tpu.memory_space<vmem>> -> memref<80xi32, #tpu.memory_space<vmem>>
    %dma_wait3A_185 = arith.constant 0 : i32
    %dma_wait3A_186 = arith.constant 0 : i32
    %dma_wait3A_187 = tpu.memref_slice %arg12[%dma_wait3A_185, %dma_wait3A_186] : memref<10000x128xf32, #tpu.memory_space<vmem_shared>> -> memref<10000x128xf32, #tpu.memory_space<vmem_shared>>
    tpu.wait_indirect_dma semaphore(%arg18 : memref<!tpu.dma_semaphore, #tpu.memory_space<semaphore_mem>>) src(%arg9 : memref<80x128xf32, #tpu.memory_space<vmem>>) dst(%dma_wait3A_187 : memref<10000x128xf32, #tpu.memory_space<vmem_shared>>)
    %dma_wait3A_188 = arith.constant 0 : i32
    %dma_wait3A_189 = arith.constant 0 : i32
    %dma_wait3A_190 = tpu.memref_slice %arg7[%dma_wait3A_188, %dma_wait3A_189] : memref<25x80xi32, #tpu.memory_space<vmem>> -> memref<1x80xi32, #tpu.memory_space<vmem>>
    %dma_wait3A_191 = tpu.memref_squeeze %dma_wait3A_190 : memref<1x80xi32, #tpu.memory_space<vmem>> -> memref<80xi32, #tpu.memory_space<vmem>>
    %dma_wait3A_192 = arith.constant 0 : i32
    %dma_wait3A_193 = arith.constant 0 : i32
    %dma_wait3A_194 = tpu.memref_slice %arg12[%dma_wait3A_192, %dma_wait3A_193] : memref<10000x128xf32, #tpu.memory_space<vmem_shared>> -> memref<10000x128xf32, #tpu.memory_space<vmem_shared>>
    tpu.wait_indirect_dma semaphore(%arg19 : memref<!tpu.dma_semaphore, #tpu.memory_space<semaphore_mem>>) src(%arg10 : memref<80x128xf32, #tpu.memory_space<vmem>>) dst(%dma_wait3A_194 : memref<10000x128xf32, #tpu.memory_space<vmem_shared>>)
    %scan3A_195 = arith.constant 0 : i32
    %scan3A_196 = arith.constant 0 : i32
    %scan3A_197 = arith.constant 25 : i32
    %scan3A_198 = arith.addi %scan3A_196, %scan3A_197 : i32
    %scan3A_199 = arith.constant 1 : i32
    scf.for %scan3A_439 = %scan3A_196 to %scan3A_198 step %scan3A_199  : i32 {
      %dma_wait3A_440 = arith.constant 0 : i32
      %dma_wait3A_441 = arith.constant 0 : i32
      %dma_wait3A_442 = tpu.memref_slice %arg7[%dma_wait3A_440, %dma_wait3A_441] : memref<25x80xi32, #tpu.memory_space<vmem>> -> memref<1x80xi32, #tpu.memory_space<vmem>>
      %dma_wait3A_443 = tpu.memref_squeeze %dma_wait3A_442 : memref<1x80xi32, #tpu.memory_space<vmem>> -> memref<80xi32, #tpu.memory_space<vmem>>
      %dma_wait3A_444 = arith.constant 0 : i32
      %dma_wait3A_445 = arith.constant 0 : i32
      %dma_wait3A_446 = tpu.memref_slice %arg13[%dma_wait3A_444, %dma_wait3A_445] : memref<10000x16xf32, #tpu.memory_space<vmem_shared>> -> memref<10000x16xf32, #tpu.memory_space<vmem_shared>>
      tpu.wait_indirect_dma semaphore(%arg20 : memref<!tpu.dma_semaphore, #tpu.memory_space<semaphore_mem>>) src(%arg11 : memref<80x16xf32, #tpu.memory_space<vmem>>) dst(%dma_wait3A_446 : memref<10000x16xf32, #tpu.memory_space<vmem_shared>>)
    }
    %scan3A_200 = arith.constant 25 : i32
    %run_scoped3A_201 = arith.constant 0 : i32
    %run_scoped3A_202 = arith.constant 2 : i32
    "tpu.region"() ({
      %run_scoped3A_439 = tpu.sem_alloc : memref<!tpu.dma_semaphore, #tpu.memory_space<semaphore_mem>>
      %dma_start3A_440 = arith.constant 0 : i32
      %dma_start3A_441 = arith.constant 0 : i32
      %dma_start3A_442 = tpu.memref_slice %arg3[%run_scoped3A_201, %add3A, %run_scoped3A_202, %dma_start3A_440, %dma_start3A_441] : memref<2x32x5x25x80xi32, #tpu.memory_space<hbm>> -> memref<1x1x1x25x80xi32, #tpu.memory_space<hbm>>
      %dma_start3A_443 = tpu.memref_squeeze %dma_start3A_442 : memref<1x1x1x25x80xi32, #tpu.memory_space<hbm>> -> memref<25x80xi32, #tpu.memory_space<hbm>>
      %dma_start3A_444 = arith.constant 0 : i32
      %dma_start3A_445 = arith.constant 0 : i32
      %dma_start3A_446 = tpu.memref_slice %arg3[%run_scoped3A_201, %add3A, %run_scoped3A_202, %dma_start3A_444, %dma_start3A_445] : memref<2x32x5x25x80xi32, #tpu.memory_space<hbm>> -> memref<1x1x1x25x80xi32, #tpu.memory_space<hbm>>
      %dma_start3A_447 = tpu.memref_squeeze %dma_start3A_446 : memref<1x1x1x25x80xi32, #tpu.memory_space<hbm>> -> memref<25x80xi32, #tpu.memory_space<hbm>>
      tpu.enqueue_dma source(%dma_start3A_447 : memref<25x80xi32, #tpu.memory_space<hbm>>) target(%arg7 : memref<25x80xi32, #tpu.memory_space<vmem>>) target_semaphore(%run_scoped3A_439 : memref<!tpu.dma_semaphore, #tpu.memory_space<semaphore_mem>>)
      %dma_wait3A_448 = arith.constant 0 : i32
      %dma_wait3A_449 = arith.constant 0 : i32
      %dma_wait3A_450 = tpu.memref_slice %arg3[%run_scoped3A_201, %add3A, %run_scoped3A_202, %dma_wait3A_448, %dma_wait3A_449] : memref<2x32x5x25x80xi32, #tpu.memory_space<hbm>> -> memref<1x1x1x25x80xi32, #tpu.memory_space<hbm>>
      %dma_wait3A_451 = tpu.memref_squeeze %dma_wait3A_450 : memref<1x1x1x25x80xi32, #tpu.memory_space<hbm>> -> memref<25x80xi32, #tpu.memory_space<hbm>>
      %dma_wait3A_452 = arith.constant 0 : i32
      %dma_wait3A_453 = arith.constant 0 : i32
      %dma_wait3A_454 = tpu.memref_slice %arg3[%run_scoped3A_201, %add3A, %run_scoped3A_202, %dma_wait3A_452, %dma_wait3A_453] : memref<2x32x5x25x80xi32, #tpu.memory_space<hbm>> -> memref<1x1x1x25x80xi32, #tpu.memory_space<hbm>>
      %dma_wait3A_455 = tpu.memref_squeeze %dma_wait3A_454 : memref<1x1x1x25x80xi32, #tpu.memory_space<hbm>> -> memref<25x80xi32, #tpu.memory_space<hbm>>
      tpu.wait_dma2 semaphore(%run_scoped3A_439 : memref<!tpu.dma_semaphore, #tpu.memory_space<semaphore_mem>>) src(%dma_wait3A_455 : memref<25x80xi32, #tpu.memory_space<hbm>>) dst(%arg7 : memref<25x80xi32, #tpu.memory_space<vmem>>)
      tpu.yield
    }) : () -> ()
    %run_scoped3A_203 = arith.constant 1 : i32
    %run_scoped3A_204 = arith.constant 2 : i32
    "tpu.region"() ({
      %run_scoped3A_439 = tpu.sem_alloc : memref<!tpu.dma_semaphore, #tpu.memory_space<semaphore_mem>>
      %dma_start3A_440 = arith.constant 0 : i32
      %dma_start3A_441 = arith.constant 0 : i32
      %dma_start3A_442 = tpu.memref_slice %arg3[%run_scoped3A_203, %add3A, %run_scoped3A_204, %dma_start3A_440, %dma_start3A_441] : memref<2x32x5x25x80xi32, #tpu.memory_space<hbm>> -> memref<1x1x1x25x80xi32, #tpu.memory_space<hbm>>
      %dma_start3A_443 = tpu.memref_squeeze %dma_start3A_442 : memref<1x1x1x25x80xi32, #tpu.memory_space<hbm>> -> memref<25x80xi32, #tpu.memory_space<hbm>>
      %dma_start3A_444 = arith.constant 0 : i32
      %dma_start3A_445 = arith.constant 0 : i32
      %dma_start3A_446 = tpu.memref_slice %arg3[%run_scoped3A_203, %add3A, %run_scoped3A_204, %dma_start3A_444, %dma_start3A_445] : memref<2x32x5x25x80xi32, #tpu.memory_space<hbm>> -> memref<1x1x1x25x80xi32, #tpu.memory_space<hbm>>
      %dma_start3A_447 = tpu.memref_squeeze %dma_start3A_446 : memref<1x1x1x25x80xi32, #tpu.memory_space<hbm>> -> memref<25x80xi32, #tpu.memory_space<hbm>>
      tpu.enqueue_dma source(%dma_start3A_447 : memref<25x80xi32, #tpu.memory_space<hbm>>) target(%arg6 : memref<25x80xi32, #tpu.memory_space<vmem>>) target_semaphore(%run_scoped3A_439 : memref<!tpu.dma_semaphore, #tpu.memory_space<semaphore_mem>>)
      %dma_wait3A_448 = arith.constant 0 : i32
      %dma_wait3A_449 = arith.constant 0 : i32
      %dma_wait3A_450 = tpu.memref_slice %arg3[%run_scoped3A_203, %add3A, %run_scoped3A_204, %dma_wait3A_448, %dma_wait3A_449] : memref<2x32x5x25x80xi32, #tpu.memory_space<hbm>> -> memref<1x1x1x25x80xi32, #tpu.memory_space<hbm>>
      %dma_wait3A_451 = tpu.memref_squeeze %dma_wait3A_450 : memref<1x1x1x25x80xi32, #tpu.memory_space<hbm>> -> memref<25x80xi32, #tpu.memory_space<hbm>>
      %dma_wait3A_452 = arith.constant 0 : i32
      %dma_wait3A_453 = arith.constant 0 : i32
      %dma_wait3A_454 = tpu.memref_slice %arg3[%run_scoped3A_203, %add3A, %run_scoped3A_204, %dma_wait3A_452, %dma_wait3A_453] : memref<2x32x5x25x80xi32, #tpu.memory_space<hbm>> -> memref<1x1x1x25x80xi32, #tpu.memory_space<hbm>>
      %dma_wait3A_455 = tpu.memref_squeeze %dma_wait3A_454 : memref<1x1x1x25x80xi32, #tpu.memory_space<hbm>> -> memref<25x80xi32, #tpu.memory_space<hbm>>
      tpu.wait_dma2 semaphore(%run_scoped3A_439 : memref<!tpu.dma_semaphore, #tpu.memory_space<semaphore_mem>>) src(%dma_wait3A_455 : memref<25x80xi32, #tpu.memory_space<hbm>>) dst(%arg6 : memref<25x80xi32, #tpu.memory_space<vmem>>)
      tpu.yield
    }) : () -> ()
    %dma_start3A_205 = arith.constant 0 : i32
    %dma_start3A_206 = arith.constant 0 : i32
    %dma_start3A_207 = tpu.memref_slice %arg6[%dma_start3A_205, %dma_start3A_206] : memref<25x80xi32, #tpu.memory_space<vmem>> -> memref<1x80xi32, #tpu.memory_space<vmem>>
    %dma_start3A_208 = tpu.memref_squeeze %dma_start3A_207 : memref<1x80xi32, #tpu.memory_space<vmem>> -> memref<80xi32, #tpu.memory_space<vmem>>
    %dma_start3A_209 = arith.constant 0 : i32
    %dma_start3A_210 = arith.constant 0 : i32
    %dma_start3A_211 = tpu.memref_slice %arg2[%dma_start3A_209, %dma_start3A_210] : memref<10000x128xf32, #tpu.memory_space<hbm>> -> memref<10000x128xf32, #tpu.memory_space<hbm>>
    tpu.enqueue_indirect_dma source(%dma_start3A_211 : memref<10000x128xf32, #tpu.memory_space<hbm>>) target(%arg8 : memref<80x128xf32, #tpu.memory_space<vmem>>) offsets(%dma_start3A_208 : memref<80xi32, #tpu.memory_space<vmem>>) semaphore(%arg14 : memref<!tpu.dma_semaphore, #tpu.memory_space<semaphore_mem>>)
    %dma_start3A_212 = arith.constant 1 : i32
    %dma_start3A_213 = arith.constant 0 : i32
    %dma_start3A_214 = tpu.memref_slice %arg6[%dma_start3A_212, %dma_start3A_213] : memref<25x80xi32, #tpu.memory_space<vmem>> -> memref<1x80xi32, #tpu.memory_space<vmem>>
    %dma_start3A_215 = tpu.memref_squeeze %dma_start3A_214 : memref<1x80xi32, #tpu.memory_space<vmem>> -> memref<80xi32, #tpu.memory_space<vmem>>
    %dma_start3A_216 = arith.constant 0 : i32
    %dma_start3A_217 = arith.constant 0 : i32
    %dma_start3A_218 = tpu.memref_slice %arg2[%dma_start3A_216, %dma_start3A_217] : memref<10000x128xf32, #tpu.memory_space<hbm>> -> memref<10000x128xf32, #tpu.memory_space<hbm>>
    tpu.enqueue_indirect_dma source(%dma_start3A_218 : memref<10000x128xf32, #tpu.memory_space<hbm>>) target(%arg9 : memref<80x128xf32, #tpu.memory_space<vmem>>) offsets(%dma_start3A_215 : memref<80xi32, #tpu.memory_space<vmem>>) semaphore(%arg15 : memref<!tpu.dma_semaphore, #tpu.memory_space<semaphore_mem>>)
    %dma_start3A_219 = arith.constant 2 : i32
    %dma_start3A_220 = arith.constant 0 : i32
    %dma_start3A_221 = tpu.memref_slice %arg6[%dma_start3A_219, %dma_start3A_220] : memref<25x80xi32, #tpu.memory_space<vmem>> -> memref<1x80xi32, #tpu.memory_space<vmem>>
    %dma_start3A_222 = tpu.memref_squeeze %dma_start3A_221 : memref<1x80xi32, #tpu.memory_space<vmem>> -> memref<80xi32, #tpu.memory_space<vmem>>
    %dma_start3A_223 = arith.constant 0 : i32
    %dma_start3A_224 = arith.constant 0 : i32
    %dma_start3A_225 = tpu.memref_slice %arg2[%dma_start3A_223, %dma_start3A_224] : memref<10000x128xf32, #tpu.memory_space<hbm>> -> memref<10000x128xf32, #tpu.memory_space<hbm>>
    tpu.enqueue_indirect_dma source(%dma_start3A_225 : memref<10000x128xf32, #tpu.memory_space<hbm>>) target(%arg10 : memref<80x128xf32, #tpu.memory_space<vmem>>) offsets(%dma_start3A_222 : memref<80xi32, #tpu.memory_space<vmem>>) semaphore(%arg16 : memref<!tpu.dma_semaphore, #tpu.memory_space<semaphore_mem>>)
    %scan3A_226 = arith.constant 0 : i32
    %scan3A_227 = arith.constant 0 : i32
    %scan3A_228 = arith.constant 8 : i32
    %scan3A_229 = arith.addi %scan3A_227, %scan3A_228 : i32
    %scan3A_230 = arith.constant 1 : i32
    scf.for %scan3A_439 = %scan3A_227 to %scan3A_229 step %scan3A_230  : i32 {
      %mul3A_440 = arith.constant 3 : i32
      %mul3A_441 = arith.muli %mul3A_440, %scan3A_439 : i32
      %add3A_442 = arith.constant 0 : i32
      %add3A_443 = arith.addi %mul3A_441, %add3A_442 : i32
      %dma_start3A_444 = arith.constant 0 : i32
      %dma_start3A_445 = tpu.memref_slice %arg7[%add3A_443, %dma_start3A_444] : memref<25x80xi32, #tpu.memory_space<vmem>> -> memref<1x80xi32, #tpu.memory_space<vmem>>
      %dma_start3A_446 = tpu.memref_squeeze %dma_start3A_445 : memref<1x80xi32, #tpu.memory_space<vmem>> -> memref<80xi32, #tpu.memory_space<vmem>>
      %dma_start3A_447 = arith.constant 0 : i32
      %dma_start3A_448 = arith.constant 0 : i32
      %dma_start3A_449 = tpu.memref_slice %arg13[%dma_start3A_447, %dma_start3A_448] : memref<10000x16xf32, #tpu.memory_space<vmem_shared>> -> memref<10000x16xf32, #tpu.memory_space<vmem_shared>>
      tpu.enqueue_indirect_dma source(%arg11 : memref<80x16xf32, #tpu.memory_space<vmem>>) target(%dma_start3A_449 : memref<10000x16xf32, #tpu.memory_space<vmem_shared>>) offsets(%dma_start3A_446 : memref<80xi32, #tpu.memory_space<vmem>>) semaphore(%arg20 : memref<!tpu.dma_semaphore, #tpu.memory_space<semaphore_mem>>) {add = true}
      %dma_wait3A_450 = arith.constant 0 : i32
      %dma_wait3A_451 = tpu.memref_slice %arg6[%add3A_443, %dma_wait3A_450] : memref<25x80xi32, #tpu.memory_space<vmem>> -> memref<1x80xi32, #tpu.memory_space<vmem>>
      %dma_wait3A_452 = tpu.memref_squeeze %dma_wait3A_451 : memref<1x80xi32, #tpu.memory_space<vmem>> -> memref<80xi32, #tpu.memory_space<vmem>>
      %dma_wait3A_453 = arith.constant 0 : i32
      %dma_wait3A_454 = arith.constant 0 : i32
      %dma_wait3A_455 = tpu.memref_slice %arg2[%dma_wait3A_453, %dma_wait3A_454] : memref<10000x128xf32, #tpu.memory_space<hbm>> -> memref<10000x128xf32, #tpu.memory_space<hbm>>
      tpu.wait_indirect_dma semaphore(%arg14 : memref<!tpu.dma_semaphore, #tpu.memory_space<semaphore_mem>>) src(%dma_wait3A_455 : memref<10000x128xf32, #tpu.memory_space<hbm>>) dst(%arg8 : memref<80x128xf32, #tpu.memory_space<vmem>>)
      %dma_start3A_456 = arith.constant 0 : i32
      %dma_start3A_457 = tpu.memref_slice %arg7[%add3A_443, %dma_start3A_456] : memref<25x80xi32, #tpu.memory_space<vmem>> -> memref<1x80xi32, #tpu.memory_space<vmem>>
      %dma_start3A_458 = tpu.memref_squeeze %dma_start3A_457 : memref<1x80xi32, #tpu.memory_space<vmem>> -> memref<80xi32, #tpu.memory_space<vmem>>
      %dma_start3A_459 = arith.constant 0 : i32
      %dma_start3A_460 = arith.constant 0 : i32
      %dma_start3A_461 = tpu.memref_slice %arg12[%dma_start3A_459, %dma_start3A_460] : memref<10000x128xf32, #tpu.memory_space<vmem_shared>> -> memref<10000x128xf32, #tpu.memory_space<vmem_shared>>
      tpu.enqueue_indirect_dma source(%arg8 : memref<80x128xf32, #tpu.memory_space<vmem>>) target(%dma_start3A_461 : memref<10000x128xf32, #tpu.memory_space<vmem_shared>>) offsets(%dma_start3A_458 : memref<80xi32, #tpu.memory_space<vmem>>) semaphore(%arg17 : memref<!tpu.dma_semaphore, #tpu.memory_space<semaphore_mem>>) {add = true}
      %add3A_462 = arith.constant 3 : i32
      %add3A_463 = arith.addi %add3A_443, %add3A_462 : i32
      %lt3A = arith.constant 25 : i32
      %lt3A_464 = arith.cmpi slt, %add3A_463, %lt3A : i32
      %convert_element_type3A = arith.extui %lt3A_464 : i1 to i32
      %cond3A = arith.constant 0 : i32
      %cond3A_465 = arith.cmpi ne, %convert_element_type3A, %cond3A : i32
      scf.if %cond3A_465 {
        %dma_wait3A_524 = arith.constant 0 : i32
        %dma_wait3A_525 = tpu.memref_slice %arg7[%add3A_443, %dma_wait3A_524] : memref<25x80xi32, #tpu.memory_space<vmem>> -> memref<1x80xi32, #tpu.memory_space<vmem>>
        %dma_wait3A_526 = tpu.memref_squeeze %dma_wait3A_525 : memref<1x80xi32, #tpu.memory_space<vmem>> -> memref<80xi32, #tpu.memory_space<vmem>>
        %dma_wait3A_527 = arith.constant 0 : i32
        %dma_wait3A_528 = arith.constant 0 : i32
        %dma_wait3A_529 = tpu.memref_slice %arg12[%dma_wait3A_527, %dma_wait3A_528] : memref<10000x128xf32, #tpu.memory_space<vmem_shared>> -> memref<10000x128xf32, #tpu.memory_space<vmem_shared>>
        tpu.wait_indirect_dma semaphore(%arg17 : memref<!tpu.dma_semaphore, #tpu.memory_space<semaphore_mem>>) src(%arg8 : memref<80x128xf32, #tpu.memory_space<vmem>>) dst(%dma_wait3A_529 : memref<10000x128xf32, #tpu.memory_space<vmem_shared>>)
        %add3A_530 = arith.constant 3 : i32
        %add3A_531 = arith.addi %add3A_443, %add3A_530 : i32
        %dma_start3A_532 = arith.constant 0 : i32
        %dma_start3A_533 = tpu.memref_slice %arg6[%add3A_531, %dma_start3A_532] : memref<25x80xi32, #tpu.memory_space<vmem>> -> memref<1x80xi32, #tpu.memory_space<vmem>>
        %dma_start3A_534 = tpu.memref_squeeze %dma_start3A_533 : memref<1x80xi32, #tpu.memory_space<vmem>> -> memref<80xi32, #tpu.memory_space<vmem>>
        %dma_start3A_535 = arith.constant 0 : i32
        %dma_start3A_536 = arith.constant 0 : i32
        %dma_start3A_537 = tpu.memref_slice %arg2[%dma_start3A_535, %dma_start3A_536] : memref<10000x128xf32, #tpu.memory_space<hbm>> -> memref<10000x128xf32, #tpu.memory_space<hbm>>
        tpu.enqueue_indirect_dma source(%dma_start3A_537 : memref<10000x128xf32, #tpu.memory_space<hbm>>) target(%arg8 : memref<80x128xf32, #tpu.memory_space<vmem>>) offsets(%dma_start3A_534 : memref<80xi32, #tpu.memory_space<vmem>>) semaphore(%arg14 : memref<!tpu.dma_semaphore, #tpu.memory_space<semaphore_mem>>)
      } else {
      }
      %mul3A_466 = arith.constant 3 : i32
      %mul3A_467 = arith.muli %mul3A_466, %scan3A_439 : i32
      %add3A_468 = arith.constant 1 : i32
      %add3A_469 = arith.addi %mul3A_467, %add3A_468 : i32
      %dma_start3A_470 = arith.constant 0 : i32
      %dma_start3A_471 = tpu.memref_slice %arg7[%add3A_469, %dma_start3A_470] : memref<25x80xi32, #tpu.memory_space<vmem>> -> memref<1x80xi32, #tpu.memory_space<vmem>>
      %dma_start3A_472 = tpu.memref_squeeze %dma_start3A_471 : memref<1x80xi32, #tpu.memory_space<vmem>> -> memref<80xi32, #tpu.memory_space<vmem>>
      %dma_start3A_473 = arith.constant 0 : i32
      %dma_start3A_474 = arith.constant 0 : i32
      %dma_start3A_475 = tpu.memref_slice %arg13[%dma_start3A_473, %dma_start3A_474] : memref<10000x16xf32, #tpu.memory_space<vmem_shared>> -> memref<10000x16xf32, #tpu.memory_space<vmem_shared>>
      tpu.enqueue_indirect_dma source(%arg11 : memref<80x16xf32, #tpu.memory_space<vmem>>) target(%dma_start3A_475 : memref<10000x16xf32, #tpu.memory_space<vmem_shared>>) offsets(%dma_start3A_472 : memref<80xi32, #tpu.memory_space<vmem>>) semaphore(%arg20 : memref<!tpu.dma_semaphore, #tpu.memory_space<semaphore_mem>>) {add = true}
      %dma_wait3A_476 = arith.constant 0 : i32
      %dma_wait3A_477 = tpu.memref_slice %arg6[%add3A_469, %dma_wait3A_476] : memref<25x80xi32, #tpu.memory_space<vmem>> -> memref<1x80xi32, #tpu.memory_space<vmem>>
      %dma_wait3A_478 = tpu.memref_squeeze %dma_wait3A_477 : memref<1x80xi32, #tpu.memory_space<vmem>> -> memref<80xi32, #tpu.memory_space<vmem>>
      %dma_wait3A_479 = arith.constant 0 : i32
      %dma_wait3A_480 = arith.constant 0 : i32
      %dma_wait3A_481 = tpu.memref_slice %arg2[%dma_wait3A_479, %dma_wait3A_480] : memref<10000x128xf32, #tpu.memory_space<hbm>> -> memref<10000x128xf32, #tpu.memory_space<hbm>>
      tpu.wait_indirect_dma semaphore(%arg15 : memref<!tpu.dma_semaphore, #tpu.memory_space<semaphore_mem>>) src(%dma_wait3A_481 : memref<10000x128xf32, #tpu.memory_space<hbm>>) dst(%arg9 : memref<80x128xf32, #tpu.memory_space<vmem>>)
      %dma_start3A_482 = arith.constant 0 : i32
      %dma_start3A_483 = tpu.memref_slice %arg7[%add3A_469, %dma_start3A_482] : memref<25x80xi32, #tpu.memory_space<vmem>> -> memref<1x80xi32, #tpu.memory_space<vmem>>
      %dma_start3A_484 = tpu.memref_squeeze %dma_start3A_483 : memref<1x80xi32, #tpu.memory_space<vmem>> -> memref<80xi32, #tpu.memory_space<vmem>>
      %dma_start3A_485 = arith.constant 0 : i32
      %dma_start3A_486 = arith.constant 0 : i32
      %dma_start3A_487 = tpu.memref_slice %arg12[%dma_start3A_485, %dma_start3A_486] : memref<10000x128xf32, #tpu.memory_space<vmem_shared>> -> memref<10000x128xf32, #tpu.memory_space<vmem_shared>>
      tpu.enqueue_indirect_dma source(%arg9 : memref<80x128xf32, #tpu.memory_space<vmem>>) target(%dma_start3A_487 : memref<10000x128xf32, #tpu.memory_space<vmem_shared>>) offsets(%dma_start3A_484 : memref<80xi32, #tpu.memory_space<vmem>>) semaphore(%arg18 : memref<!tpu.dma_semaphore, #tpu.memory_space<semaphore_mem>>) {add = true}
      %add3A_488 = arith.constant 3 : i32
      %add3A_489 = arith.addi %add3A_469, %add3A_488 : i32
      %lt3A_490 = arith.constant 25 : i32
      %lt3A_491 = arith.cmpi slt, %add3A_489, %lt3A_490 : i32
      %convert_element_type3A_492 = arith.extui %lt3A_491 : i1 to i32
      %cond3A_493 = arith.constant 0 : i32
      %cond3A_494 = arith.cmpi ne, %convert_element_type3A_492, %cond3A_493 : i32
      scf.if %cond3A_494 {
        %dma_wait3A_524 = arith.constant 0 : i32
        %dma_wait3A_525 = tpu.memref_slice %arg7[%add3A_469, %dma_wait3A_524] : memref<25x80xi32, #tpu.memory_space<vmem>> -> memref<1x80xi32, #tpu.memory_space<vmem>>
        %dma_wait3A_526 = tpu.memref_squeeze %dma_wait3A_525 : memref<1x80xi32, #tpu.memory_space<vmem>> -> memref<80xi32, #tpu.memory_space<vmem>>
        %dma_wait3A_527 = arith.constant 0 : i32
        %dma_wait3A_528 = arith.constant 0 : i32
        %dma_wait3A_529 = tpu.memref_slice %arg12[%dma_wait3A_527, %dma_wait3A_528] : memref<10000x128xf32, #tpu.memory_space<vmem_shared>> -> memref<10000x128xf32, #tpu.memory_space<vmem_shared>>
        tpu.wait_indirect_dma semaphore(%arg18 : memref<!tpu.dma_semaphore, #tpu.memory_space<semaphore_mem>>) src(%arg9 : memref<80x128xf32, #tpu.memory_space<vmem>>) dst(%dma_wait3A_529 : memref<10000x128xf32, #tpu.memory_space<vmem_shared>>)
        %add3A_530 = arith.constant 3 : i32
        %add3A_531 = arith.addi %add3A_469, %add3A_530 : i32
        %dma_start3A_532 = arith.constant 0 : i32
        %dma_start3A_533 = tpu.memref_slice %arg6[%add3A_531, %dma_start3A_532] : memref<25x80xi32, #tpu.memory_space<vmem>> -> memref<1x80xi32, #tpu.memory_space<vmem>>
        %dma_start3A_534 = tpu.memref_squeeze %dma_start3A_533 : memref<1x80xi32, #tpu.memory_space<vmem>> -> memref<80xi32, #tpu.memory_space<vmem>>
        %dma_start3A_535 = arith.constant 0 : i32
        %dma_start3A_536 = arith.constant 0 : i32
        %dma_start3A_537 = tpu.memref_slice %arg2[%dma_start3A_535, %dma_start3A_536] : memref<10000x128xf32, #tpu.memory_space<hbm>> -> memref<10000x128xf32, #tpu.memory_space<hbm>>
        tpu.enqueue_indirect_dma source(%dma_start3A_537 : memref<10000x128xf32, #tpu.memory_space<hbm>>) target(%arg9 : memref<80x128xf32, #tpu.memory_space<vmem>>) offsets(%dma_start3A_534 : memref<80xi32, #tpu.memory_space<vmem>>) semaphore(%arg15 : memref<!tpu.dma_semaphore, #tpu.memory_space<semaphore_mem>>)
      } else {
      }
      %mul3A_495 = arith.constant 3 : i32
      %mul3A_496 = arith.muli %mul3A_495, %scan3A_439 : i32
      %add3A_497 = arith.constant 2 : i32
      %add3A_498 = arith.addi %mul3A_496, %add3A_497 : i32
      %dma_start3A_499 = arith.constant 0 : i32
      %dma_start3A_500 = tpu.memref_slice %arg7[%add3A_498, %dma_start3A_499] : memref<25x80xi32, #tpu.memory_space<vmem>> -> memref<1x80xi32, #tpu.memory_space<vmem>>
      %dma_start3A_501 = tpu.memref_squeeze %dma_start3A_500 : memref<1x80xi32, #tpu.memory_space<vmem>> -> memref<80xi32, #tpu.memory_space<vmem>>
      %dma_start3A_502 = arith.constant 0 : i32
      %dma_start3A_503 = arith.constant 0 : i32
      %dma_start3A_504 = tpu.memref_slice %arg13[%dma_start3A_502, %dma_start3A_503] : memref<10000x16xf32, #tpu.memory_space<vmem_shared>> -> memref<10000x16xf32, #tpu.memory_space<vmem_shared>>
      tpu.enqueue_indirect_dma source(%arg11 : memref<80x16xf32, #tpu.memory_space<vmem>>) target(%dma_start3A_504 : memref<10000x16xf32, #tpu.memory_space<vmem_shared>>) offsets(%dma_start3A_501 : memref<80xi32, #tpu.memory_space<vmem>>) semaphore(%arg20 : memref<!tpu.dma_semaphore, #tpu.memory_space<semaphore_mem>>) {add = true}
      %dma_wait3A_505 = arith.constant 0 : i32
      %dma_wait3A_506 = tpu.memref_slice %arg6[%add3A_498, %dma_wait3A_505] : memref<25x80xi32, #tpu.memory_space<vmem>> -> memref<1x80xi32, #tpu.memory_space<vmem>>
      %dma_wait3A_507 = tpu.memref_squeeze %dma_wait3A_506 : memref<1x80xi32, #tpu.memory_space<vmem>> -> memref<80xi32, #tpu.memory_space<vmem>>
      %dma_wait3A_508 = arith.constant 0 : i32
      %dma_wait3A_509 = arith.constant 0 : i32
      %dma_wait3A_510 = tpu.memref_slice %arg2[%dma_wait3A_508, %dma_wait3A_509] : memref<10000x128xf32, #tpu.memory_space<hbm>> -> memref<10000x128xf32, #tpu.memory_space<hbm>>
      tpu.wait_indirect_dma semaphore(%arg16 : memref<!tpu.dma_semaphore, #tpu.memory_space<semaphore_mem>>) src(%dma_wait3A_510 : memref<10000x128xf32, #tpu.memory_space<hbm>>) dst(%arg10 : memref<80x128xf32, #tpu.memory_space<vmem>>)
      %dma_start3A_511 = arith.constant 0 : i32
      %dma_start3A_512 = tpu.memref_slice %arg7[%add3A_498, %dma_start3A_511] : memref<25x80xi32, #tpu.memory_space<vmem>> -> memref<1x80xi32, #tpu.memory_space<vmem>>
      %dma_start3A_513 = tpu.memref_squeeze %dma_start3A_512 : memref<1x80xi32, #tpu.memory_space<vmem>> -> memref<80xi32, #tpu.memory_space<vmem>>
      %dma_start3A_514 = arith.constant 0 : i32
      %dma_start3A_515 = arith.constant 0 : i32
      %dma_start3A_516 = tpu.memref_slice %arg12[%dma_start3A_514, %dma_start3A_515] : memref<10000x128xf32, #tpu.memory_space<vmem_shared>> -> memref<10000x128xf32, #tpu.memory_space<vmem_shared>>
      tpu.enqueue_indirect_dma source(%arg10 : memref<80x128xf32, #tpu.memory_space<vmem>>) target(%dma_start3A_516 : memref<10000x128xf32, #tpu.memory_space<vmem_shared>>) offsets(%dma_start3A_513 : memref<80xi32, #tpu.memory_space<vmem>>) semaphore(%arg19 : memref<!tpu.dma_semaphore, #tpu.memory_space<semaphore_mem>>) {add = true}
      %add3A_517 = arith.constant 3 : i32
      %add3A_518 = arith.addi %add3A_498, %add3A_517 : i32
      %lt3A_519 = arith.constant 25 : i32
      %lt3A_520 = arith.cmpi slt, %add3A_518, %lt3A_519 : i32
      %convert_element_type3A_521 = arith.extui %lt3A_520 : i1 to i32
      %cond3A_522 = arith.constant 0 : i32
      %cond3A_523 = arith.cmpi ne, %convert_element_type3A_521, %cond3A_522 : i32
      scf.if %cond3A_523 {
        %dma_wait3A_524 = arith.constant 0 : i32
        %dma_wait3A_525 = tpu.memref_slice %arg7[%add3A_498, %dma_wait3A_524] : memref<25x80xi32, #tpu.memory_space<vmem>> -> memref<1x80xi32, #tpu.memory_space<vmem>>
        %dma_wait3A_526 = tpu.memref_squeeze %dma_wait3A_525 : memref<1x80xi32, #tpu.memory_space<vmem>> -> memref<80xi32, #tpu.memory_space<vmem>>
        %dma_wait3A_527 = arith.constant 0 : i32
        %dma_wait3A_528 = arith.constant 0 : i32
        %dma_wait3A_529 = tpu.memref_slice %arg12[%dma_wait3A_527, %dma_wait3A_528] : memref<10000x128xf32, #tpu.memory_space<vmem_shared>> -> memref<10000x128xf32, #tpu.memory_space<vmem_shared>>
        tpu.wait_indirect_dma semaphore(%arg19 : memref<!tpu.dma_semaphore, #tpu.memory_space<semaphore_mem>>) src(%arg10 : memref<80x128xf32, #tpu.memory_space<vmem>>) dst(%dma_wait3A_529 : memref<10000x128xf32, #tpu.memory_space<vmem_shared>>)
        %add3A_530 = arith.constant 3 : i32
        %add3A_531 = arith.addi %add3A_498, %add3A_530 : i32
        %dma_start3A_532 = arith.constant 0 : i32
        %dma_start3A_533 = tpu.memref_slice %arg6[%add3A_531, %dma_start3A_532] : memref<25x80xi32, #tpu.memory_space<vmem>> -> memref<1x80xi32, #tpu.memory_space<vmem>>
        %dma_start3A_534 = tpu.memref_squeeze %dma_start3A_533 : memref<1x80xi32, #tpu.memory_space<vmem>> -> memref<80xi32, #tpu.memory_space<vmem>>
        %dma_start3A_535 = arith.constant 0 : i32
        %dma_start3A_536 = arith.constant 0 : i32
        %dma_start3A_537 = tpu.memref_slice %arg2[%dma_start3A_535, %dma_start3A_536] : memref<10000x128xf32, #tpu.memory_space<hbm>> -> memref<10000x128xf32, #tpu.memory_space<hbm>>
        tpu.enqueue_indirect_dma source(%dma_start3A_537 : memref<10000x128xf32, #tpu.memory_space<hbm>>) target(%arg10 : memref<80x128xf32, #tpu.memory_space<vmem>>) offsets(%dma_start3A_534 : memref<80xi32, #tpu.memory_space<vmem>>) semaphore(%arg16 : memref<!tpu.dma_semaphore, #tpu.memory_space<semaphore_mem>>)
      } else {
      }
    }
    %scan3A_231 = arith.constant 8 : i32
    %dma_start3A_232 = arith.constant 24 : i32
    %dma_start3A_233 = arith.constant 0 : i32
    %dma_start3A_234 = tpu.memref_slice %arg7[%dma_start3A_232, %dma_start3A_233] : memref<25x80xi32, #tpu.memory_space<vmem>> -> memref<1x80xi32, #tpu.memory_space<vmem>>
    %dma_start3A_235 = tpu.memref_squeeze %dma_start3A_234 : memref<1x80xi32, #tpu.memory_space<vmem>> -> memref<80xi32, #tpu.memory_space<vmem>>
    %dma_start3A_236 = arith.constant 0 : i32
    %dma_start3A_237 = arith.constant 0 : i32
    %dma_start3A_238 = tpu.memref_slice %arg13[%dma_start3A_236, %dma_start3A_237] : memref<10000x16xf32, #tpu.memory_space<vmem_shared>> -> memref<10000x16xf32, #tpu.memory_space<vmem_shared>>
    tpu.enqueue_indirect_dma source(%arg11 : memref<80x16xf32, #tpu.memory_space<vmem>>) target(%dma_start3A_238 : memref<10000x16xf32, #tpu.memory_space<vmem_shared>>) offsets(%dma_start3A_235 : memref<80xi32, #tpu.memory_space<vmem>>) semaphore(%arg20 : memref<!tpu.dma_semaphore, #tpu.memory_space<semaphore_mem>>) {add = true}
    %dma_wait3A_239 = arith.constant 24 : i32
    %dma_wait3A_240 = arith.constant 0 : i32
    %dma_wait3A_241 = tpu.memref_slice %arg6[%dma_wait3A_239, %dma_wait3A_240] : memref<25x80xi32, #tpu.memory_space<vmem>> -> memref<1x80xi32, #tpu.memory_space<vmem>>
    %dma_wait3A_242 = tpu.memref_squeeze %dma_wait3A_241 : memref<1x80xi32, #tpu.memory_space<vmem>> -> memref<80xi32, #tpu.memory_space<vmem>>
    %dma_wait3A_243 = arith.constant 0 : i32
    %dma_wait3A_244 = arith.constant 0 : i32
    %dma_wait3A_245 = tpu.memref_slice %arg2[%dma_wait3A_243, %dma_wait3A_244] : memref<10000x128xf32, #tpu.memory_space<hbm>> -> memref<10000x128xf32, #tpu.memory_space<hbm>>
    tpu.wait_indirect_dma semaphore(%arg14 : memref<!tpu.dma_semaphore, #tpu.memory_space<semaphore_mem>>) src(%dma_wait3A_245 : memref<10000x128xf32, #tpu.memory_space<hbm>>) dst(%arg8 : memref<80x128xf32, #tpu.memory_space<vmem>>)
    %dma_start3A_246 = arith.constant 24 : i32
    %dma_start3A_247 = arith.constant 0 : i32
    %dma_start3A_248 = tpu.memref_slice %arg7[%dma_start3A_246, %dma_start3A_247] : memref<25x80xi32, #tpu.memory_space<vmem>> -> memref<1x80xi32, #tpu.memory_space<vmem>>
    %dma_start3A_249 = tpu.memref_squeeze %dma_start3A_248 : memref<1x80xi32, #tpu.memory_space<vmem>> -> memref<80xi32, #tpu.memory_space<vmem>>
    %dma_start3A_250 = arith.constant 0 : i32
    %dma_start3A_251 = arith.constant 0 : i32
    %dma_start3A_252 = tpu.memref_slice %arg12[%dma_start3A_250, %dma_start3A_251] : memref<10000x128xf32, #tpu.memory_space<vmem_shared>> -> memref<10000x128xf32, #tpu.memory_space<vmem_shared>>
    tpu.enqueue_indirect_dma source(%arg8 : memref<80x128xf32, #tpu.memory_space<vmem>>) target(%dma_start3A_252 : memref<10000x128xf32, #tpu.memory_space<vmem_shared>>) offsets(%dma_start3A_249 : memref<80xi32, #tpu.memory_space<vmem>>) semaphore(%arg17 : memref<!tpu.dma_semaphore, #tpu.memory_space<semaphore_mem>>) {add = true}
    %dma_wait3A_253 = arith.constant 0 : i32
    %dma_wait3A_254 = arith.constant 0 : i32
    %dma_wait3A_255 = tpu.memref_slice %arg7[%dma_wait3A_253, %dma_wait3A_254] : memref<25x80xi32, #tpu.memory_space<vmem>> -> memref<1x80xi32, #tpu.memory_space<vmem>>
    %dma_wait3A_256 = tpu.memref_squeeze %dma_wait3A_255 : memref<1x80xi32, #tpu.memory_space<vmem>> -> memref<80xi32, #tpu.memory_space<vmem>>
    %dma_wait3A_257 = arith.constant 0 : i32
    %dma_wait3A_258 = arith.constant 0 : i32
    %dma_wait3A_259 = tpu.memref_slice %arg12[%dma_wait3A_257, %dma_wait3A_258] : memref<10000x128xf32, #tpu.memory_space<vmem_shared>> -> memref<10000x128xf32, #tpu.memory_space<vmem_shared>>
    tpu.wait_indirect_dma semaphore(%arg17 : memref<!tpu.dma_semaphore, #tpu.memory_space<semaphore_mem>>) src(%arg8 : memref<80x128xf32, #tpu.memory_space<vmem>>) dst(%dma_wait3A_259 : memref<10000x128xf32, #tpu.memory_space<vmem_shared>>)
    %dma_wait3A_260 = arith.constant 0 : i32
    %dma_wait3A_261 = arith.constant 0 : i32
    %dma_wait3A_262 = tpu.memref_slice %arg7[%dma_wait3A_260, %dma_wait3A_261] : memref<25x80xi32, #tpu.memory_space<vmem>> -> memref<1x80xi32, #tpu.memory_space<vmem>>
    %dma_wait3A_263 = tpu.memref_squeeze %dma_wait3A_262 : memref<1x80xi32, #tpu.memory_space<vmem>> -> memref<80xi32, #tpu.memory_space<vmem>>
    %dma_wait3A_264 = arith.constant 0 : i32
    %dma_wait3A_265 = arith.constant 0 : i32
    %dma_wait3A_266 = tpu.memref_slice %arg12[%dma_wait3A_264, %dma_wait3A_265] : memref<10000x128xf32, #tpu.memory_space<vmem_shared>> -> memref<10000x128xf32, #tpu.memory_space<vmem_shared>>
    tpu.wait_indirect_dma semaphore(%arg18 : memref<!tpu.dma_semaphore, #tpu.memory_space<semaphore_mem>>) src(%arg9 : memref<80x128xf32, #tpu.memory_space<vmem>>) dst(%dma_wait3A_266 : memref<10000x128xf32, #tpu.memory_space<vmem_shared>>)
    %dma_wait3A_267 = arith.constant 0 : i32
    %dma_wait3A_268 = arith.constant 0 : i32
    %dma_wait3A_269 = tpu.memref_slice %arg7[%dma_wait3A_267, %dma_wait3A_268] : memref<25x80xi32, #tpu.memory_space<vmem>> -> memref<1x80xi32, #tpu.memory_space<vmem>>
    %dma_wait3A_270 = tpu.memref_squeeze %dma_wait3A_269 : memref<1x80xi32, #tpu.memory_space<vmem>> -> memref<80xi32, #tpu.memory_space<vmem>>
    %dma_wait3A_271 = arith.constant 0 : i32
    %dma_wait3A_272 = arith.constant 0 : i32
    %dma_wait3A_273 = tpu.memref_slice %arg12[%dma_wait3A_271, %dma_wait3A_272] : memref<10000x128xf32, #tpu.memory_space<vmem_shared>> -> memref<10000x128xf32, #tpu.memory_space<vmem_shared>>
    tpu.wait_indirect_dma semaphore(%arg19 : memref<!tpu.dma_semaphore, #tpu.memory_space<semaphore_mem>>) src(%arg10 : memref<80x128xf32, #tpu.memory_space<vmem>>) dst(%dma_wait3A_273 : memref<10000x128xf32, #tpu.memory_space<vmem_shared>>)
    %scan3A_274 = arith.constant 0 : i32
    %scan3A_275 = arith.constant 0 : i32
    %scan3A_276 = arith.constant 25 : i32
    %scan3A_277 = arith.addi %scan3A_275, %scan3A_276 : i32
    %scan3A_278 = arith.constant 1 : i32
    scf.for %scan3A_439 = %scan3A_275 to %scan3A_277 step %scan3A_278  : i32 {
      %dma_wait3A_440 = arith.constant 0 : i32
      %dma_wait3A_441 = arith.constant 0 : i32
      %dma_wait3A_442 = tpu.memref_slice %arg7[%dma_wait3A_440, %dma_wait3A_441] : memref<25x80xi32, #tpu.memory_space<vmem>> -> memref<1x80xi32, #tpu.memory_space<vmem>>
      %dma_wait3A_443 = tpu.memref_squeeze %dma_wait3A_442 : memref<1x80xi32, #tpu.memory_space<vmem>> -> memref<80xi32, #tpu.memory_space<vmem>>
      %dma_wait3A_444 = arith.constant 0 : i32
      %dma_wait3A_445 = arith.constant 0 : i32
      %dma_wait3A_446 = tpu.memref_slice %arg13[%dma_wait3A_444, %dma_wait3A_445] : memref<10000x16xf32, #tpu.memory_space<vmem_shared>> -> memref<10000x16xf32, #tpu.memory_space<vmem_shared>>
      tpu.wait_indirect_dma semaphore(%arg20 : memref<!tpu.dma_semaphore, #tpu.memory_space<semaphore_mem>>) src(%arg11 : memref<80x16xf32, #tpu.memory_space<vmem>>) dst(%dma_wait3A_446 : memref<10000x16xf32, #tpu.memory_space<vmem_shared>>)
    }
    %scan3A_279 = arith.constant 25 : i32
    %run_scoped3A_280 = arith.constant 0 : i32
    %run_scoped3A_281 = arith.constant 3 : i32
    "tpu.region"() ({
      %run_scoped3A_439 = tpu.sem_alloc : memref<!tpu.dma_semaphore, #tpu.memory_space<semaphore_mem>>
      %dma_start3A_440 = arith.constant 0 : i32
      %dma_start3A_441 = arith.constant 0 : i32
      %dma_start3A_442 = tpu.memref_slice %arg3[%run_scoped3A_280, %add3A, %run_scoped3A_281, %dma_start3A_440, %dma_start3A_441] : memref<2x32x5x25x80xi32, #tpu.memory_space<hbm>> -> memref<1x1x1x25x80xi32, #tpu.memory_space<hbm>>
      %dma_start3A_443 = tpu.memref_squeeze %dma_start3A_442 : memref<1x1x1x25x80xi32, #tpu.memory_space<hbm>> -> memref<25x80xi32, #tpu.memory_space<hbm>>
      %dma_start3A_444 = arith.constant 0 : i32
      %dma_start3A_445 = arith.constant 0 : i32
      %dma_start3A_446 = tpu.memref_slice %arg3[%run_scoped3A_280, %add3A, %run_scoped3A_281, %dma_start3A_444, %dma_start3A_445] : memref<2x32x5x25x80xi32, #tpu.memory_space<hbm>> -> memref<1x1x1x25x80xi32, #tpu.memory_space<hbm>>
      %dma_start3A_447 = tpu.memref_squeeze %dma_start3A_446 : memref<1x1x1x25x80xi32, #tpu.memory_space<hbm>> -> memref<25x80xi32, #tpu.memory_space<hbm>>
      tpu.enqueue_dma source(%dma_start3A_447 : memref<25x80xi32, #tpu.memory_space<hbm>>) target(%arg7 : memref<25x80xi32, #tpu.memory_space<vmem>>) target_semaphore(%run_scoped3A_439 : memref<!tpu.dma_semaphore, #tpu.memory_space<semaphore_mem>>)
      %dma_wait3A_448 = arith.constant 0 : i32
      %dma_wait3A_449 = arith.constant 0 : i32
      %dma_wait3A_450 = tpu.memref_slice %arg3[%run_scoped3A_280, %add3A, %run_scoped3A_281, %dma_wait3A_448, %dma_wait3A_449] : memref<2x32x5x25x80xi32, #tpu.memory_space<hbm>> -> memref<1x1x1x25x80xi32, #tpu.memory_space<hbm>>
      %dma_wait3A_451 = tpu.memref_squeeze %dma_wait3A_450 : memref<1x1x1x25x80xi32, #tpu.memory_space<hbm>> -> memref<25x80xi32, #tpu.memory_space<hbm>>
      %dma_wait3A_452 = arith.constant 0 : i32
      %dma_wait3A_453 = arith.constant 0 : i32
      %dma_wait3A_454 = tpu.memref_slice %arg3[%run_scoped3A_280, %add3A, %run_scoped3A_281, %dma_wait3A_452, %dma_wait3A_453] : memref<2x32x5x25x80xi32, #tpu.memory_space<hbm>> -> memref<1x1x1x25x80xi32, #tpu.memory_space<hbm>>
      %dma_wait3A_455 = tpu.memref_squeeze %dma_wait3A_454 : memref<1x1x1x25x80xi32, #tpu.memory_space<hbm>> -> memref<25x80xi32, #tpu.memory_space<hbm>>
      tpu.wait_dma2 semaphore(%run_scoped3A_439 : memref<!tpu.dma_semaphore, #tpu.memory_space<semaphore_mem>>) src(%dma_wait3A_455 : memref<25x80xi32, #tpu.memory_space<hbm>>) dst(%arg7 : memref<25x80xi32, #tpu.memory_space<vmem>>)
      tpu.yield
    }) : () -> ()
    %run_scoped3A_282 = arith.constant 1 : i32
    %run_scoped3A_283 = arith.constant 3 : i32
    "tpu.region"() ({
      %run_scoped3A_439 = tpu.sem_alloc : memref<!tpu.dma_semaphore, #tpu.memory_space<semaphore_mem>>
      %dma_start3A_440 = arith.constant 0 : i32
      %dma_start3A_441 = arith.constant 0 : i32
      %dma_start3A_442 = tpu.memref_slice %arg3[%run_scoped3A_282, %add3A, %run_scoped3A_283, %dma_start3A_440, %dma_start3A_441] : memref<2x32x5x25x80xi32, #tpu.memory_space<hbm>> -> memref<1x1x1x25x80xi32, #tpu.memory_space<hbm>>
      %dma_start3A_443 = tpu.memref_squeeze %dma_start3A_442 : memref<1x1x1x25x80xi32, #tpu.memory_space<hbm>> -> memref<25x80xi32, #tpu.memory_space<hbm>>
      %dma_start3A_444 = arith.constant 0 : i32
      %dma_start3A_445 = arith.constant 0 : i32
      %dma_start3A_446 = tpu.memref_slice %arg3[%run_scoped3A_282, %add3A, %run_scoped3A_283, %dma_start3A_444, %dma_start3A_445] : memref<2x32x5x25x80xi32, #tpu.memory_space<hbm>> -> memref<1x1x1x25x80xi32, #tpu.memory_space<hbm>>
      %dma_start3A_447 = tpu.memref_squeeze %dma_start3A_446 : memref<1x1x1x25x80xi32, #tpu.memory_space<hbm>> -> memref<25x80xi32, #tpu.memory_space<hbm>>
      tpu.enqueue_dma source(%dma_start3A_447 : memref<25x80xi32, #tpu.memory_space<hbm>>) target(%arg6 : memref<25x80xi32, #tpu.memory_space<vmem>>) target_semaphore(%run_scoped3A_439 : memref<!tpu.dma_semaphore, #tpu.memory_space<semaphore_mem>>)
      %dma_wait3A_448 = arith.constant 0 : i32
      %dma_wait3A_449 = arith.constant 0 : i32
      %dma_wait3A_450 = tpu.memref_slice %arg3[%run_scoped3A_282, %add3A, %run_scoped3A_283, %dma_wait3A_448, %dma_wait3A_449] : memref<2x32x5x25x80xi32, #tpu.memory_space<hbm>> -> memref<1x1x1x25x80xi32, #tpu.memory_space<hbm>>
      %dma_wait3A_451 = tpu.memref_squeeze %dma_wait3A_450 : memref<1x1x1x25x80xi32, #tpu.memory_space<hbm>> -> memref<25x80xi32, #tpu.memory_space<hbm>>
      %dma_wait3A_452 = arith.constant 0 : i32
      %dma_wait3A_453 = arith.constant 0 : i32
      %dma_wait3A_454 = tpu.memref_slice %arg3[%run_scoped3A_282, %add3A, %run_scoped3A_283, %dma_wait3A_452, %dma_wait3A_453] : memref<2x32x5x25x80xi32, #tpu.memory_space<hbm>> -> memref<1x1x1x25x80xi32, #tpu.memory_space<hbm>>
      %dma_wait3A_455 = tpu.memref_squeeze %dma_wait3A_454 : memref<1x1x1x25x80xi32, #tpu.memory_space<hbm>> -> memref<25x80xi32, #tpu.memory_space<hbm>>
      tpu.wait_dma2 semaphore(%run_scoped3A_439 : memref<!tpu.dma_semaphore, #tpu.memory_space<semaphore_mem>>) src(%dma_wait3A_455 : memref<25x80xi32, #tpu.memory_space<hbm>>) dst(%arg6 : memref<25x80xi32, #tpu.memory_space<vmem>>)
      tpu.yield
    }) : () -> ()
    %dma_start3A_284 = arith.constant 0 : i32
    %dma_start3A_285 = arith.constant 0 : i32
    %dma_start3A_286 = tpu.memref_slice %arg6[%dma_start3A_284, %dma_start3A_285] : memref<25x80xi32, #tpu.memory_space<vmem>> -> memref<1x80xi32, #tpu.memory_space<vmem>>
    %dma_start3A_287 = tpu.memref_squeeze %dma_start3A_286 : memref<1x80xi32, #tpu.memory_space<vmem>> -> memref<80xi32, #tpu.memory_space<vmem>>
    %dma_start3A_288 = arith.constant 0 : i32
    %dma_start3A_289 = arith.constant 0 : i32
    %dma_start3A_290 = tpu.memref_slice %arg2[%dma_start3A_288, %dma_start3A_289] : memref<10000x128xf32, #tpu.memory_space<hbm>> -> memref<10000x128xf32, #tpu.memory_space<hbm>>
    tpu.enqueue_indirect_dma source(%dma_start3A_290 : memref<10000x128xf32, #tpu.memory_space<hbm>>) target(%arg8 : memref<80x128xf32, #tpu.memory_space<vmem>>) offsets(%dma_start3A_287 : memref<80xi32, #tpu.memory_space<vmem>>) semaphore(%arg14 : memref<!tpu.dma_semaphore, #tpu.memory_space<semaphore_mem>>)
    %dma_start3A_291 = arith.constant 1 : i32
    %dma_start3A_292 = arith.constant 0 : i32
    %dma_start3A_293 = tpu.memref_slice %arg6[%dma_start3A_291, %dma_start3A_292] : memref<25x80xi32, #tpu.memory_space<vmem>> -> memref<1x80xi32, #tpu.memory_space<vmem>>
    %dma_start3A_294 = tpu.memref_squeeze %dma_start3A_293 : memref<1x80xi32, #tpu.memory_space<vmem>> -> memref<80xi32, #tpu.memory_space<vmem>>
    %dma_start3A_295 = arith.constant 0 : i32
    %dma_start3A_296 = arith.constant 0 : i32
    %dma_start3A_297 = tpu.memref_slice %arg2[%dma_start3A_295, %dma_start3A_296] : memref<10000x128xf32, #tpu.memory_space<hbm>> -> memref<10000x128xf32, #tpu.memory_space<hbm>>
    tpu.enqueue_indirect_dma source(%dma_start3A_297 : memref<10000x128xf32, #tpu.memory_space<hbm>>) target(%arg9 : memref<80x128xf32, #tpu.memory_space<vmem>>) offsets(%dma_start3A_294 : memref<80xi32, #tpu.memory_space<vmem>>) semaphore(%arg15 : memref<!tpu.dma_semaphore, #tpu.memory_space<semaphore_mem>>)
    %dma_start3A_298 = arith.constant 2 : i32
    %dma_start3A_299 = arith.constant 0 : i32
    %dma_start3A_300 = tpu.memref_slice %arg6[%dma_start3A_298, %dma_start3A_299] : memref<25x80xi32, #tpu.memory_space<vmem>> -> memref<1x80xi32, #tpu.memory_space<vmem>>
    %dma_start3A_301 = tpu.memref_squeeze %dma_start3A_300 : memref<1x80xi32, #tpu.memory_space<vmem>> -> memref<80xi32, #tpu.memory_space<vmem>>
    %dma_start3A_302 = arith.constant 0 : i32
    %dma_start3A_303 = arith.constant 0 : i32
    %dma_start3A_304 = tpu.memref_slice %arg2[%dma_start3A_302, %dma_start3A_303] : memref<10000x128xf32, #tpu.memory_space<hbm>> -> memref<10000x128xf32, #tpu.memory_space<hbm>>
    tpu.enqueue_indirect_dma source(%dma_start3A_304 : memref<10000x128xf32, #tpu.memory_space<hbm>>) target(%arg10 : memref<80x128xf32, #tpu.memory_space<vmem>>) offsets(%dma_start3A_301 : memref<80xi32, #tpu.memory_space<vmem>>) semaphore(%arg16 : memref<!tpu.dma_semaphore, #tpu.memory_space<semaphore_mem>>)
    %scan3A_305 = arith.constant 0 : i32
    %scan3A_306 = arith.constant 0 : i32
    %scan3A_307 = arith.constant 8 : i32
    %scan3A_308 = arith.addi %scan3A_306, %scan3A_307 : i32
    %scan3A_309 = arith.constant 1 : i32
    scf.for %scan3A_439 = %scan3A_306 to %scan3A_308 step %scan3A_309  : i32 {
      %mul3A_440 = arith.constant 3 : i32
      %mul3A_441 = arith.muli %mul3A_440, %scan3A_439 : i32
      %add3A_442 = arith.constant 0 : i32
      %add3A_443 = arith.addi %mul3A_441, %add3A_442 : i32
      %dma_start3A_444 = arith.constant 0 : i32
      %dma_start3A_445 = tpu.memref_slice %arg7[%add3A_443, %dma_start3A_444] : memref<25x80xi32, #tpu.memory_space<vmem>> -> memref<1x80xi32, #tpu.memory_space<vmem>>
      %dma_start3A_446 = tpu.memref_squeeze %dma_start3A_445 : memref<1x80xi32, #tpu.memory_space<vmem>> -> memref<80xi32, #tpu.memory_space<vmem>>
      %dma_start3A_447 = arith.constant 0 : i32
      %dma_start3A_448 = arith.constant 0 : i32
      %dma_start3A_449 = tpu.memref_slice %arg13[%dma_start3A_447, %dma_start3A_448] : memref<10000x16xf32, #tpu.memory_space<vmem_shared>> -> memref<10000x16xf32, #tpu.memory_space<vmem_shared>>
      tpu.enqueue_indirect_dma source(%arg11 : memref<80x16xf32, #tpu.memory_space<vmem>>) target(%dma_start3A_449 : memref<10000x16xf32, #tpu.memory_space<vmem_shared>>) offsets(%dma_start3A_446 : memref<80xi32, #tpu.memory_space<vmem>>) semaphore(%arg20 : memref<!tpu.dma_semaphore, #tpu.memory_space<semaphore_mem>>) {add = true}
      %dma_wait3A_450 = arith.constant 0 : i32
      %dma_wait3A_451 = tpu.memref_slice %arg6[%add3A_443, %dma_wait3A_450] : memref<25x80xi32, #tpu.memory_space<vmem>> -> memref<1x80xi32, #tpu.memory_space<vmem>>
      %dma_wait3A_452 = tpu.memref_squeeze %dma_wait3A_451 : memref<1x80xi32, #tpu.memory_space<vmem>> -> memref<80xi32, #tpu.memory_space<vmem>>
      %dma_wait3A_453 = arith.constant 0 : i32
      %dma_wait3A_454 = arith.constant 0 : i32
      %dma_wait3A_455 = tpu.memref_slice %arg2[%dma_wait3A_453, %dma_wait3A_454] : memref<10000x128xf32, #tpu.memory_space<hbm>> -> memref<10000x128xf32, #tpu.memory_space<hbm>>
      tpu.wait_indirect_dma semaphore(%arg14 : memref<!tpu.dma_semaphore, #tpu.memory_space<semaphore_mem>>) src(%dma_wait3A_455 : memref<10000x128xf32, #tpu.memory_space<hbm>>) dst(%arg8 : memref<80x128xf32, #tpu.memory_space<vmem>>)
      %dma_start3A_456 = arith.constant 0 : i32
      %dma_start3A_457 = tpu.memref_slice %arg7[%add3A_443, %dma_start3A_456] : memref<25x80xi32, #tpu.memory_space<vmem>> -> memref<1x80xi32, #tpu.memory_space<vmem>>
      %dma_start3A_458 = tpu.memref_squeeze %dma_start3A_457 : memref<1x80xi32, #tpu.memory_space<vmem>> -> memref<80xi32, #tpu.memory_space<vmem>>
      %dma_start3A_459 = arith.constant 0 : i32
      %dma_start3A_460 = arith.constant 0 : i32
      %dma_start3A_461 = tpu.memref_slice %arg12[%dma_start3A_459, %dma_start3A_460] : memref<10000x128xf32, #tpu.memory_space<vmem_shared>> -> memref<10000x128xf32, #tpu.memory_space<vmem_shared>>
      tpu.enqueue_indirect_dma source(%arg8 : memref<80x128xf32, #tpu.memory_space<vmem>>) target(%dma_start3A_461 : memref<10000x128xf32, #tpu.memory_space<vmem_shared>>) offsets(%dma_start3A_458 : memref<80xi32, #tpu.memory_space<vmem>>) semaphore(%arg17 : memref<!tpu.dma_semaphore, #tpu.memory_space<semaphore_mem>>) {add = true}
      %add3A_462 = arith.constant 3 : i32
      %add3A_463 = arith.addi %add3A_443, %add3A_462 : i32
      %lt3A = arith.constant 25 : i32
      %lt3A_464 = arith.cmpi slt, %add3A_463, %lt3A : i32
      %convert_element_type3A = arith.extui %lt3A_464 : i1 to i32
      %cond3A = arith.constant 0 : i32
      %cond3A_465 = arith.cmpi ne, %convert_element_type3A, %cond3A : i32
      scf.if %cond3A_465 {
        %dma_wait3A_524 = arith.constant 0 : i32
        %dma_wait3A_525 = tpu.memref_slice %arg7[%add3A_443, %dma_wait3A_524] : memref<25x80xi32, #tpu.memory_space<vmem>> -> memref<1x80xi32, #tpu.memory_space<vmem>>
        %dma_wait3A_526 = tpu.memref_squeeze %dma_wait3A_525 : memref<1x80xi32, #tpu.memory_space<vmem>> -> memref<80xi32, #tpu.memory_space<vmem>>
        %dma_wait3A_527 = arith.constant 0 : i32
        %dma_wait3A_528 = arith.constant 0 : i32
        %dma_wait3A_529 = tpu.memref_slice %arg12[%dma_wait3A_527, %dma_wait3A_528] : memref<10000x128xf32, #tpu.memory_space<vmem_shared>> -> memref<10000x128xf32, #tpu.memory_space<vmem_shared>>
        tpu.wait_indirect_dma semaphore(%arg17 : memref<!tpu.dma_semaphore, #tpu.memory_space<semaphore_mem>>) src(%arg8 : memref<80x128xf32, #tpu.memory_space<vmem>>) dst(%dma_wait3A_529 : memref<10000x128xf32, #tpu.memory_space<vmem_shared>>)
        %add3A_530 = arith.constant 3 : i32
        %add3A_531 = arith.addi %add3A_443, %add3A_530 : i32
        %dma_start3A_532 = arith.constant 0 : i32
        %dma_start3A_533 = tpu.memref_slice %arg6[%add3A_531, %dma_start3A_532] : memref<25x80xi32, #tpu.memory_space<vmem>> -> memref<1x80xi32, #tpu.memory_space<vmem>>
        %dma_start3A_534 = tpu.memref_squeeze %dma_start3A_533 : memref<1x80xi32, #tpu.memory_space<vmem>> -> memref<80xi32, #tpu.memory_space<vmem>>
        %dma_start3A_535 = arith.constant 0 : i32
        %dma_start3A_536 = arith.constant 0 : i32
        %dma_start3A_537 = tpu.memref_slice %arg2[%dma_start3A_535, %dma_start3A_536] : memref<10000x128xf32, #tpu.memory_space<hbm>> -> memref<10000x128xf32, #tpu.memory_space<hbm>>
        tpu.enqueue_indirect_dma source(%dma_start3A_537 : memref<10000x128xf32, #tpu.memory_space<hbm>>) target(%arg8 : memref<80x128xf32, #tpu.memory_space<vmem>>) offsets(%dma_start3A_534 : memref<80xi32, #tpu.memory_space<vmem>>) semaphore(%arg14 : memref<!tpu.dma_semaphore, #tpu.memory_space<semaphore_mem>>)
      } else {
      }
      %mul3A_466 = arith.constant 3 : i32
      %mul3A_467 = arith.muli %mul3A_466, %scan3A_439 : i32
      %add3A_468 = arith.constant 1 : i32
      %add3A_469 = arith.addi %mul3A_467, %add3A_468 : i32
      %dma_start3A_470 = arith.constant 0 : i32
      %dma_start3A_471 = tpu.memref_slice %arg7[%add3A_469, %dma_start3A_470] : memref<25x80xi32, #tpu.memory_space<vmem>> -> memref<1x80xi32, #tpu.memory_space<vmem>>
      %dma_start3A_472 = tpu.memref_squeeze %dma_start3A_471 : memref<1x80xi32, #tpu.memory_space<vmem>> -> memref<80xi32, #tpu.memory_space<vmem>>
      %dma_start3A_473 = arith.constant 0 : i32
      %dma_start3A_474 = arith.constant 0 : i32
      %dma_start3A_475 = tpu.memref_slice %arg13[%dma_start3A_473, %dma_start3A_474] : memref<10000x16xf32, #tpu.memory_space<vmem_shared>> -> memref<10000x16xf32, #tpu.memory_space<vmem_shared>>
      tpu.enqueue_indirect_dma source(%arg11 : memref<80x16xf32, #tpu.memory_space<vmem>>) target(%dma_start3A_475 : memref<10000x16xf32, #tpu.memory_space<vmem_shared>>) offsets(%dma_start3A_472 : memref<80xi32, #tpu.memory_space<vmem>>) semaphore(%arg20 : memref<!tpu.dma_semaphore, #tpu.memory_space<semaphore_mem>>) {add = true}
      %dma_wait3A_476 = arith.constant 0 : i32
      %dma_wait3A_477 = tpu.memref_slice %arg6[%add3A_469, %dma_wait3A_476] : memref<25x80xi32, #tpu.memory_space<vmem>> -> memref<1x80xi32, #tpu.memory_space<vmem>>
      %dma_wait3A_478 = tpu.memref_squeeze %dma_wait3A_477 : memref<1x80xi32, #tpu.memory_space<vmem>> -> memref<80xi32, #tpu.memory_space<vmem>>
      %dma_wait3A_479 = arith.constant 0 : i32
      %dma_wait3A_480 = arith.constant 0 : i32
      %dma_wait3A_481 = tpu.memref_slice %arg2[%dma_wait3A_479, %dma_wait3A_480] : memref<10000x128xf32, #tpu.memory_space<hbm>> -> memref<10000x128xf32, #tpu.memory_space<hbm>>
      tpu.wait_indirect_dma semaphore(%arg15 : memref<!tpu.dma_semaphore, #tpu.memory_space<semaphore_mem>>) src(%dma_wait3A_481 : memref<10000x128xf32, #tpu.memory_space<hbm>>) dst(%arg9 : memref<80x128xf32, #tpu.memory_space<vmem>>)
      %dma_start3A_482 = arith.constant 0 : i32
      %dma_start3A_483 = tpu.memref_slice %arg7[%add3A_469, %dma_start3A_482] : memref<25x80xi32, #tpu.memory_space<vmem>> -> memref<1x80xi32, #tpu.memory_space<vmem>>
      %dma_start3A_484 = tpu.memref_squeeze %dma_start3A_483 : memref<1x80xi32, #tpu.memory_space<vmem>> -> memref<80xi32, #tpu.memory_space<vmem>>
      %dma_start3A_485 = arith.constant 0 : i32
      %dma_start3A_486 = arith.constant 0 : i32
      %dma_start3A_487 = tpu.memref_slice %arg12[%dma_start3A_485, %dma_start3A_486] : memref<10000x128xf32, #tpu.memory_space<vmem_shared>> -> memref<10000x128xf32, #tpu.memory_space<vmem_shared>>
      tpu.enqueue_indirect_dma source(%arg9 : memref<80x128xf32, #tpu.memory_space<vmem>>) target(%dma_start3A_487 : memref<10000x128xf32, #tpu.memory_space<vmem_shared>>) offsets(%dma_start3A_484 : memref<80xi32, #tpu.memory_space<vmem>>) semaphore(%arg18 : memref<!tpu.dma_semaphore, #tpu.memory_space<semaphore_mem>>) {add = true}
      %add3A_488 = arith.constant 3 : i32
      %add3A_489 = arith.addi %add3A_469, %add3A_488 : i32
      %lt3A_490 = arith.constant 25 : i32
      %lt3A_491 = arith.cmpi slt, %add3A_489, %lt3A_490 : i32
      %convert_element_type3A_492 = arith.extui %lt3A_491 : i1 to i32
      %cond3A_493 = arith.constant 0 : i32
      %cond3A_494 = arith.cmpi ne, %convert_element_type3A_492, %cond3A_493 : i32
      scf.if %cond3A_494 {
        %dma_wait3A_524 = arith.constant 0 : i32
        %dma_wait3A_525 = tpu.memref_slice %arg7[%add3A_469, %dma_wait3A_524] : memref<25x80xi32, #tpu.memory_space<vmem>> -> memref<1x80xi32, #tpu.memory_space<vmem>>
        %dma_wait3A_526 = tpu.memref_squeeze %dma_wait3A_525 : memref<1x80xi32, #tpu.memory_space<vmem>> -> memref<80xi32, #tpu.memory_space<vmem>>
        %dma_wait3A_527 = arith.constant 0 : i32
        %dma_wait3A_528 = arith.constant 0 : i32
        %dma_wait3A_529 = tpu.memref_slice %arg12[%dma_wait3A_527, %dma_wait3A_528] : memref<10000x128xf32, #tpu.memory_space<vmem_shared>> -> memref<10000x128xf32, #tpu.memory_space<vmem_shared>>
        tpu.wait_indirect_dma semaphore(%arg18 : memref<!tpu.dma_semaphore, #tpu.memory_space<semaphore_mem>>) src(%arg9 : memref<80x128xf32, #tpu.memory_space<vmem>>) dst(%dma_wait3A_529 : memref<10000x128xf32, #tpu.memory_space<vmem_shared>>)
        %add3A_530 = arith.constant 3 : i32
        %add3A_531 = arith.addi %add3A_469, %add3A_530 : i32
        %dma_start3A_532 = arith.constant 0 : i32
        %dma_start3A_533 = tpu.memref_slice %arg6[%add3A_531, %dma_start3A_532] : memref<25x80xi32, #tpu.memory_space<vmem>> -> memref<1x80xi32, #tpu.memory_space<vmem>>
        %dma_start3A_534 = tpu.memref_squeeze %dma_start3A_533 : memref<1x80xi32, #tpu.memory_space<vmem>> -> memref<80xi32, #tpu.memory_space<vmem>>
        %dma_start3A_535 = arith.constant 0 : i32
        %dma_start3A_536 = arith.constant 0 : i32
        %dma_start3A_537 = tpu.memref_slice %arg2[%dma_start3A_535, %dma_start3A_536] : memref<10000x128xf32, #tpu.memory_space<hbm>> -> memref<10000x128xf32, #tpu.memory_space<hbm>>
        tpu.enqueue_indirect_dma source(%dma_start3A_537 : memref<10000x128xf32, #tpu.memory_space<hbm>>) target(%arg9 : memref<80x128xf32, #tpu.memory_space<vmem>>) offsets(%dma_start3A_534 : memref<80xi32, #tpu.memory_space<vmem>>) semaphore(%arg15 : memref<!tpu.dma_semaphore, #tpu.memory_space<semaphore_mem>>)
      } else {
      }
      %mul3A_495 = arith.constant 3 : i32
      %mul3A_496 = arith.muli %mul3A_495, %scan3A_439 : i32
      %add3A_497 = arith.constant 2 : i32
      %add3A_498 = arith.addi %mul3A_496, %add3A_497 : i32
      %dma_start3A_499 = arith.constant 0 : i32
      %dma_start3A_500 = tpu.memref_slice %arg7[%add3A_498, %dma_start3A_499] : memref<25x80xi32, #tpu.memory_space<vmem>> -> memref<1x80xi32, #tpu.memory_space<vmem>>
      %dma_start3A_501 = tpu.memref_squeeze %dma_start3A_500 : memref<1x80xi32, #tpu.memory_space<vmem>> -> memref<80xi32, #tpu.memory_space<vmem>>
      %dma_start3A_502 = arith.constant 0 : i32
      %dma_start3A_503 = arith.constant 0 : i32
      %dma_start3A_504 = tpu.memref_slice %arg13[%dma_start3A_502, %dma_start3A_503] : memref<10000x16xf32, #tpu.memory_space<vmem_shared>> -> memref<10000x16xf32, #tpu.memory_space<vmem_shared>>
      tpu.enqueue_indirect_dma source(%arg11 : memref<80x16xf32, #tpu.memory_space<vmem>>) target(%dma_start3A_504 : memref<10000x16xf32, #tpu.memory_space<vmem_shared>>) offsets(%dma_start3A_501 : memref<80xi32, #tpu.memory_space<vmem>>) semaphore(%arg20 : memref<!tpu.dma_semaphore, #tpu.memory_space<semaphore_mem>>) {add = true}
      %dma_wait3A_505 = arith.constant 0 : i32
      %dma_wait3A_506 = tpu.memref_slice %arg6[%add3A_498, %dma_wait3A_505] : memref<25x80xi32, #tpu.memory_space<vmem>> -> memref<1x80xi32, #tpu.memory_space<vmem>>
      %dma_wait3A_507 = tpu.memref_squeeze %dma_wait3A_506 : memref<1x80xi32, #tpu.memory_space<vmem>> -> memref<80xi32, #tpu.memory_space<vmem>>
      %dma_wait3A_508 = arith.constant 0 : i32
      %dma_wait3A_509 = arith.constant 0 : i32
      %dma_wait3A_510 = tpu.memref_slice %arg2[%dma_wait3A_508, %dma_wait3A_509] : memref<10000x128xf32, #tpu.memory_space<hbm>> -> memref<10000x128xf32, #tpu.memory_space<hbm>>
      tpu.wait_indirect_dma semaphore(%arg16 : memref<!tpu.dma_semaphore, #tpu.memory_space<semaphore_mem>>) src(%dma_wait3A_510 : memref<10000x128xf32, #tpu.memory_space<hbm>>) dst(%arg10 : memref<80x128xf32, #tpu.memory_space<vmem>>)
      %dma_start3A_511 = arith.constant 0 : i32
      %dma_start3A_512 = tpu.memref_slice %arg7[%add3A_498, %dma_start3A_511] : memref<25x80xi32, #tpu.memory_space<vmem>> -> memref<1x80xi32, #tpu.memory_space<vmem>>
      %dma_start3A_513 = tpu.memref_squeeze %dma_start3A_512 : memref<1x80xi32, #tpu.memory_space<vmem>> -> memref<80xi32, #tpu.memory_space<vmem>>
      %dma_start3A_514 = arith.constant 0 : i32
      %dma_start3A_515 = arith.constant 0 : i32
      %dma_start3A_516 = tpu.memref_slice %arg12[%dma_start3A_514, %dma_start3A_515] : memref<10000x128xf32, #tpu.memory_space<vmem_shared>> -> memref<10000x128xf32, #tpu.memory_space<vmem_shared>>
      tpu.enqueue_indirect_dma source(%arg10 : memref<80x128xf32, #tpu.memory_space<vmem>>) target(%dma_start3A_516 : memref<10000x128xf32, #tpu.memory_space<vmem_shared>>) offsets(%dma_start3A_513 : memref<80xi32, #tpu.memory_space<vmem>>) semaphore(%arg19 : memref<!tpu.dma_semaphore, #tpu.memory_space<semaphore_mem>>) {add = true}
      %add3A_517 = arith.constant 3 : i32
      %add3A_518 = arith.addi %add3A_498, %add3A_517 : i32
      %lt3A_519 = arith.constant 25 : i32
      %lt3A_520 = arith.cmpi slt, %add3A_518, %lt3A_519 : i32
      %convert_element_type3A_521 = arith.extui %lt3A_520 : i1 to i32
      %cond3A_522 = arith.constant 0 : i32
      %cond3A_523 = arith.cmpi ne, %convert_element_type3A_521, %cond3A_522 : i32
      scf.if %cond3A_523 {
        %dma_wait3A_524 = arith.constant 0 : i32
        %dma_wait3A_525 = tpu.memref_slice %arg7[%add3A_498, %dma_wait3A_524] : memref<25x80xi32, #tpu.memory_space<vmem>> -> memref<1x80xi32, #tpu.memory_space<vmem>>
        %dma_wait3A_526 = tpu.memref_squeeze %dma_wait3A_525 : memref<1x80xi32, #tpu.memory_space<vmem>> -> memref<80xi32, #tpu.memory_space<vmem>>
        %dma_wait3A_527 = arith.constant 0 : i32
        %dma_wait3A_528 = arith.constant 0 : i32
        %dma_wait3A_529 = tpu.memref_slice %arg12[%dma_wait3A_527, %dma_wait3A_528] : memref<10000x128xf32, #tpu.memory_space<vmem_shared>> -> memref<10000x128xf32, #tpu.memory_space<vmem_shared>>
        tpu.wait_indirect_dma semaphore(%arg19 : memref<!tpu.dma_semaphore, #tpu.memory_space<semaphore_mem>>) src(%arg10 : memref<80x128xf32, #tpu.memory_space<vmem>>) dst(%dma_wait3A_529 : memref<10000x128xf32, #tpu.memory_space<vmem_shared>>)
        %add3A_530 = arith.constant 3 : i32
        %add3A_531 = arith.addi %add3A_498, %add3A_530 : i32
        %dma_start3A_532 = arith.constant 0 : i32
        %dma_start3A_533 = tpu.memref_slice %arg6[%add3A_531, %dma_start3A_532] : memref<25x80xi32, #tpu.memory_space<vmem>> -> memref<1x80xi32, #tpu.memory_space<vmem>>
        %dma_start3A_534 = tpu.memref_squeeze %dma_start3A_533 : memref<1x80xi32, #tpu.memory_space<vmem>> -> memref<80xi32, #tpu.memory_space<vmem>>
        %dma_start3A_535 = arith.constant 0 : i32
        %dma_start3A_536 = arith.constant 0 : i32
        %dma_start3A_537 = tpu.memref_slice %arg2[%dma_start3A_535, %dma_start3A_536] : memref<10000x128xf32, #tpu.memory_space<hbm>> -> memref<10000x128xf32, #tpu.memory_space<hbm>>
        tpu.enqueue_indirect_dma source(%dma_start3A_537 : memref<10000x128xf32, #tpu.memory_space<hbm>>) target(%arg10 : memref<80x128xf32, #tpu.memory_space<vmem>>) offsets(%dma_start3A_534 : memref<80xi32, #tpu.memory_space<vmem>>) semaphore(%arg16 : memref<!tpu.dma_semaphore, #tpu.memory_space<semaphore_mem>>)
      } else {
      }
    }
    %scan3A_310 = arith.constant 8 : i32
    %dma_start3A_311 = arith.constant 24 : i32
    %dma_start3A_312 = arith.constant 0 : i32
    %dma_start3A_313 = tpu.memref_slice %arg7[%dma_start3A_311, %dma_start3A_312] : memref<25x80xi32, #tpu.memory_space<vmem>> -> memref<1x80xi32, #tpu.memory_space<vmem>>
    %dma_start3A_314 = tpu.memref_squeeze %dma_start3A_313 : memref<1x80xi32, #tpu.memory_space<vmem>> -> memref<80xi32, #tpu.memory_space<vmem>>
    %dma_start3A_315 = arith.constant 0 : i32
    %dma_start3A_316 = arith.constant 0 : i32
    %dma_start3A_317 = tpu.memref_slice %arg13[%dma_start3A_315, %dma_start3A_316] : memref<10000x16xf32, #tpu.memory_space<vmem_shared>> -> memref<10000x16xf32, #tpu.memory_space<vmem_shared>>
    tpu.enqueue_indirect_dma source(%arg11 : memref<80x16xf32, #tpu.memory_space<vmem>>) target(%dma_start3A_317 : memref<10000x16xf32, #tpu.memory_space<vmem_shared>>) offsets(%dma_start3A_314 : memref<80xi32, #tpu.memory_space<vmem>>) semaphore(%arg20 : memref<!tpu.dma_semaphore, #tpu.memory_space<semaphore_mem>>) {add = true}
    %dma_wait3A_318 = arith.constant 24 : i32
    %dma_wait3A_319 = arith.constant 0 : i32
    %dma_wait3A_320 = tpu.memref_slice %arg6[%dma_wait3A_318, %dma_wait3A_319] : memref<25x80xi32, #tpu.memory_space<vmem>> -> memref<1x80xi32, #tpu.memory_space<vmem>>
    %dma_wait3A_321 = tpu.memref_squeeze %dma_wait3A_320 : memref<1x80xi32, #tpu.memory_space<vmem>> -> memref<80xi32, #tpu.memory_space<vmem>>
    %dma_wait3A_322 = arith.constant 0 : i32
    %dma_wait3A_323 = arith.constant 0 : i32
    %dma_wait3A_324 = tpu.memref_slice %arg2[%dma_wait3A_322, %dma_wait3A_323] : memref<10000x128xf32, #tpu.memory_space<hbm>> -> memref<10000x128xf32, #tpu.memory_space<hbm>>
    tpu.wait_indirect_dma semaphore(%arg14 : memref<!tpu.dma_semaphore, #tpu.memory_space<semaphore_mem>>) src(%dma_wait3A_324 : memref<10000x128xf32, #tpu.memory_space<hbm>>) dst(%arg8 : memref<80x128xf32, #tpu.memory_space<vmem>>)
    %dma_start3A_325 = arith.constant 24 : i32
    %dma_start3A_326 = arith.constant 0 : i32
    %dma_start3A_327 = tpu.memref_slice %arg7[%dma_start3A_325, %dma_start3A_326] : memref<25x80xi32, #tpu.memory_space<vmem>> -> memref<1x80xi32, #tpu.memory_space<vmem>>
    %dma_start3A_328 = tpu.memref_squeeze %dma_start3A_327 : memref<1x80xi32, #tpu.memory_space<vmem>> -> memref<80xi32, #tpu.memory_space<vmem>>
    %dma_start3A_329 = arith.constant 0 : i32
    %dma_start3A_330 = arith.constant 0 : i32
    %dma_start3A_331 = tpu.memref_slice %arg12[%dma_start3A_329, %dma_start3A_330] : memref<10000x128xf32, #tpu.memory_space<vmem_shared>> -> memref<10000x128xf32, #tpu.memory_space<vmem_shared>>
    tpu.enqueue_indirect_dma source(%arg8 : memref<80x128xf32, #tpu.memory_space<vmem>>) target(%dma_start3A_331 : memref<10000x128xf32, #tpu.memory_space<vmem_shared>>) offsets(%dma_start3A_328 : memref<80xi32, #tpu.memory_space<vmem>>) semaphore(%arg17 : memref<!tpu.dma_semaphore, #tpu.memory_space<semaphore_mem>>) {add = true}
    %dma_wait3A_332 = arith.constant 0 : i32
    %dma_wait3A_333 = arith.constant 0 : i32
    %dma_wait3A_334 = tpu.memref_slice %arg7[%dma_wait3A_332, %dma_wait3A_333] : memref<25x80xi32, #tpu.memory_space<vmem>> -> memref<1x80xi32, #tpu.memory_space<vmem>>
    %dma_wait3A_335 = tpu.memref_squeeze %dma_wait3A_334 : memref<1x80xi32, #tpu.memory_space<vmem>> -> memref<80xi32, #tpu.memory_space<vmem>>
    %dma_wait3A_336 = arith.constant 0 : i32
    %dma_wait3A_337 = arith.constant 0 : i32
    %dma_wait3A_338 = tpu.memref_slice %arg12[%dma_wait3A_336, %dma_wait3A_337] : memref<10000x128xf32, #tpu.memory_space<vmem_shared>> -> memref<10000x128xf32, #tpu.memory_space<vmem_shared>>
    tpu.wait_indirect_dma semaphore(%arg17 : memref<!tpu.dma_semaphore, #tpu.memory_space<semaphore_mem>>) src(%arg8 : memref<80x128xf32, #tpu.memory_space<vmem>>) dst(%dma_wait3A_338 : memref<10000x128xf32, #tpu.memory_space<vmem_shared>>)
    %dma_wait3A_339 = arith.constant 0 : i32
    %dma_wait3A_340 = arith.constant 0 : i32
    %dma_wait3A_341 = tpu.memref_slice %arg7[%dma_wait3A_339, %dma_wait3A_340] : memref<25x80xi32, #tpu.memory_space<vmem>> -> memref<1x80xi32, #tpu.memory_space<vmem>>
    %dma_wait3A_342 = tpu.memref_squeeze %dma_wait3A_341 : memref<1x80xi32, #tpu.memory_space<vmem>> -> memref<80xi32, #tpu.memory_space<vmem>>
    %dma_wait3A_343 = arith.constant 0 : i32
    %dma_wait3A_344 = arith.constant 0 : i32
    %dma_wait3A_345 = tpu.memref_slice %arg12[%dma_wait3A_343, %dma_wait3A_344] : memref<10000x128xf32, #tpu.memory_space<vmem_shared>> -> memref<10000x128xf32, #tpu.memory_space<vmem_shared>>
    tpu.wait_indirect_dma semaphore(%arg18 : memref<!tpu.dma_semaphore, #tpu.memory_space<semaphore_mem>>) src(%arg9 : memref<80x128xf32, #tpu.memory_space<vmem>>) dst(%dma_wait3A_345 : memref<10000x128xf32, #tpu.memory_space<vmem_shared>>)
    %dma_wait3A_346 = arith.constant 0 : i32
    %dma_wait3A_347 = arith.constant 0 : i32
    %dma_wait3A_348 = tpu.memref_slice %arg7[%dma_wait3A_346, %dma_wait3A_347] : memref<25x80xi32, #tpu.memory_space<vmem>> -> memref<1x80xi32, #tpu.memory_space<vmem>>
    %dma_wait3A_349 = tpu.memref_squeeze %dma_wait3A_348 : memref<1x80xi32, #tpu.memory_space<vmem>> -> memref<80xi32, #tpu.memory_space<vmem>>
    %dma_wait3A_350 = arith.constant 0 : i32
    %dma_wait3A_351 = arith.constant 0 : i32
    %dma_wait3A_352 = tpu.memref_slice %arg12[%dma_wait3A_350, %dma_wait3A_351] : memref<10000x128xf32, #tpu.memory_space<vmem_shared>> -> memref<10000x128xf32, #tpu.memory_space<vmem_shared>>
    tpu.wait_indirect_dma semaphore(%arg19 : memref<!tpu.dma_semaphore, #tpu.memory_space<semaphore_mem>>) src(%arg10 : memref<80x128xf32, #tpu.memory_space<vmem>>) dst(%dma_wait3A_352 : memref<10000x128xf32, #tpu.memory_space<vmem_shared>>)
    %scan3A_353 = arith.constant 0 : i32
    %scan3A_354 = arith.constant 0 : i32
    %scan3A_355 = arith.constant 25 : i32
    %scan3A_356 = arith.addi %scan3A_354, %scan3A_355 : i32
    %scan3A_357 = arith.constant 1 : i32
    scf.for %scan3A_439 = %scan3A_354 to %scan3A_356 step %scan3A_357  : i32 {
      %dma_wait3A_440 = arith.constant 0 : i32
      %dma_wait3A_441 = arith.constant 0 : i32
      %dma_wait3A_442 = tpu.memref_slice %arg7[%dma_wait3A_440, %dma_wait3A_441] : memref<25x80xi32, #tpu.memory_space<vmem>> -> memref<1x80xi32, #tpu.memory_space<vmem>>
      %dma_wait3A_443 = tpu.memref_squeeze %dma_wait3A_442 : memref<1x80xi32, #tpu.memory_space<vmem>> -> memref<80xi32, #tpu.memory_space<vmem>>
      %dma_wait3A_444 = arith.constant 0 : i32
      %dma_wait3A_445 = arith.constant 0 : i32
      %dma_wait3A_446 = tpu.memref_slice %arg13[%dma_wait3A_444, %dma_wait3A_445] : memref<10000x16xf32, #tpu.memory_space<vmem_shared>> -> memref<10000x16xf32, #tpu.memory_space<vmem_shared>>
      tpu.wait_indirect_dma semaphore(%arg20 : memref<!tpu.dma_semaphore, #tpu.memory_space<semaphore_mem>>) src(%arg11 : memref<80x16xf32, #tpu.memory_space<vmem>>) dst(%dma_wait3A_446 : memref<10000x16xf32, #tpu.memory_space<vmem_shared>>)
    }
    %scan3A_358 = arith.constant 25 : i32
    %run_scoped3A_359 = arith.constant 0 : i32
    %run_scoped3A_360 = arith.constant 4 : i32
    "tpu.region"() ({
      %run_scoped3A_439 = tpu.sem_alloc : memref<!tpu.dma_semaphore, #tpu.memory_space<semaphore_mem>>
      %dma_start3A_440 = arith.constant 0 : i32
      %dma_start3A_441 = arith.constant 0 : i32
      %dma_start3A_442 = tpu.memref_slice %arg3[%run_scoped3A_359, %add3A, %run_scoped3A_360, %dma_start3A_440, %dma_start3A_441] : memref<2x32x5x25x80xi32, #tpu.memory_space<hbm>> -> memref<1x1x1x25x80xi32, #tpu.memory_space<hbm>>
      %dma_start3A_443 = tpu.memref_squeeze %dma_start3A_442 : memref<1x1x1x25x80xi32, #tpu.memory_space<hbm>> -> memref<25x80xi32, #tpu.memory_space<hbm>>
      %dma_start3A_444 = arith.constant 0 : i32
      %dma_start3A_445 = arith.constant 0 : i32
      %dma_start3A_446 = tpu.memref_slice %arg3[%run_scoped3A_359, %add3A, %run_scoped3A_360, %dma_start3A_444, %dma_start3A_445] : memref<2x32x5x25x80xi32, #tpu.memory_space<hbm>> -> memref<1x1x1x25x80xi32, #tpu.memory_space<hbm>>
      %dma_start3A_447 = tpu.memref_squeeze %dma_start3A_446 : memref<1x1x1x25x80xi32, #tpu.memory_space<hbm>> -> memref<25x80xi32, #tpu.memory_space<hbm>>
      tpu.enqueue_dma source(%dma_start3A_447 : memref<25x80xi32, #tpu.memory_space<hbm>>) target(%arg7 : memref<25x80xi32, #tpu.memory_space<vmem>>) target_semaphore(%run_scoped3A_439 : memref<!tpu.dma_semaphore, #tpu.memory_space<semaphore_mem>>)
      %dma_wait3A_448 = arith.constant 0 : i32
      %dma_wait3A_449 = arith.constant 0 : i32
      %dma_wait3A_450 = tpu.memref_slice %arg3[%run_scoped3A_359, %add3A, %run_scoped3A_360, %dma_wait3A_448, %dma_wait3A_449] : memref<2x32x5x25x80xi32, #tpu.memory_space<hbm>> -> memref<1x1x1x25x80xi32, #tpu.memory_space<hbm>>
      %dma_wait3A_451 = tpu.memref_squeeze %dma_wait3A_450 : memref<1x1x1x25x80xi32, #tpu.memory_space<hbm>> -> memref<25x80xi32, #tpu.memory_space<hbm>>
      %dma_wait3A_452 = arith.constant 0 : i32
      %dma_wait3A_453 = arith.constant 0 : i32
      %dma_wait3A_454 = tpu.memref_slice %arg3[%run_scoped3A_359, %add3A, %run_scoped3A_360, %dma_wait3A_452, %dma_wait3A_453] : memref<2x32x5x25x80xi32, #tpu.memory_space<hbm>> -> memref<1x1x1x25x80xi32, #tpu.memory_space<hbm>>
      %dma_wait3A_455 = tpu.memref_squeeze %dma_wait3A_454 : memref<1x1x1x25x80xi32, #tpu.memory_space<hbm>> -> memref<25x80xi32, #tpu.memory_space<hbm>>
      tpu.wait_dma2 semaphore(%run_scoped3A_439 : memref<!tpu.dma_semaphore, #tpu.memory_space<semaphore_mem>>) src(%dma_wait3A_455 : memref<25x80xi32, #tpu.memory_space<hbm>>) dst(%arg7 : memref<25x80xi32, #tpu.memory_space<vmem>>)
      tpu.yield
    }) : () -> ()
    %run_scoped3A_361 = arith.constant 1 : i32
    %run_scoped3A_362 = arith.constant 4 : i32
    "tpu.region"() ({
      %run_scoped3A_439 = tpu.sem_alloc : memref<!tpu.dma_semaphore, #tpu.memory_space<semaphore_mem>>
      %dma_start3A_440 = arith.constant 0 : i32
      %dma_start3A_441 = arith.constant 0 : i32
      %dma_start3A_442 = tpu.memref_slice %arg3[%run_scoped3A_361, %add3A, %run_scoped3A_362, %dma_start3A_440, %dma_start3A_441] : memref<2x32x5x25x80xi32, #tpu.memory_space<hbm>> -> memref<1x1x1x25x80xi32, #tpu.memory_space<hbm>>
      %dma_start3A_443 = tpu.memref_squeeze %dma_start3A_442 : memref<1x1x1x25x80xi32, #tpu.memory_space<hbm>> -> memref<25x80xi32, #tpu.memory_space<hbm>>
      %dma_start3A_444 = arith.constant 0 : i32
      %dma_start3A_445 = arith.constant 0 : i32
      %dma_start3A_446 = tpu.memref_slice %arg3[%run_scoped3A_361, %add3A, %run_scoped3A_362, %dma_start3A_444, %dma_start3A_445] : memref<2x32x5x25x80xi32, #tpu.memory_space<hbm>> -> memref<1x1x1x25x80xi32, #tpu.memory_space<hbm>>
      %dma_start3A_447 = tpu.memref_squeeze %dma_start3A_446 : memref<1x1x1x25x80xi32, #tpu.memory_space<hbm>> -> memref<25x80xi32, #tpu.memory_space<hbm>>
      tpu.enqueue_dma source(%dma_start3A_447 : memref<25x80xi32, #tpu.memory_space<hbm>>) target(%arg6 : memref<25x80xi32, #tpu.memory_space<vmem>>) target_semaphore(%run_scoped3A_439 : memref<!tpu.dma_semaphore, #tpu.memory_space<semaphore_mem>>)
      %dma_wait3A_448 = arith.constant 0 : i32
      %dma_wait3A_449 = arith.constant 0 : i32
      %dma_wait3A_450 = tpu.memref_slice %arg3[%run_scoped3A_361, %add3A, %run_scoped3A_362, %dma_wait3A_448, %dma_wait3A_449] : memref<2x32x5x25x80xi32, #tpu.memory_space<hbm>> -> memref<1x1x1x25x80xi32, #tpu.memory_space<hbm>>
      %dma_wait3A_451 = tpu.memref_squeeze %dma_wait3A_450 : memref<1x1x1x25x80xi32, #tpu.memory_space<hbm>> -> memref<25x80xi32, #tpu.memory_space<hbm>>
      %dma_wait3A_452 = arith.constant 0 : i32
      %dma_wait3A_453 = arith.constant 0 : i32
      %dma_wait3A_454 = tpu.memref_slice %arg3[%run_scoped3A_361, %add3A, %run_scoped3A_362, %dma_wait3A_452, %dma_wait3A_453] : memref<2x32x5x25x80xi32, #tpu.memory_space<hbm>> -> memref<1x1x1x25x80xi32, #tpu.memory_space<hbm>>
      %dma_wait3A_455 = tpu.memref_squeeze %dma_wait3A_454 : memref<1x1x1x25x80xi32, #tpu.memory_space<hbm>> -> memref<25x80xi32, #tpu.memory_space<hbm>>
      tpu.wait_dma2 semaphore(%run_scoped3A_439 : memref<!tpu.dma_semaphore, #tpu.memory_space<semaphore_mem>>) src(%dma_wait3A_455 : memref<25x80xi32, #tpu.memory_space<hbm>>) dst(%arg6 : memref<25x80xi32, #tpu.memory_space<vmem>>)
      tpu.yield
    }) : () -> ()
    %dma_start3A_363 = arith.constant 0 : i32
    %dma_start3A_364 = arith.constant 0 : i32
    %dma_start3A_365 = tpu.memref_slice %arg6[%dma_start3A_363, %dma_start3A_364] : memref<25x80xi32, #tpu.memory_space<vmem>> -> memref<1x80xi32, #tpu.memory_space<vmem>>
    %dma_start3A_366 = tpu.memref_squeeze %dma_start3A_365 : memref<1x80xi32, #tpu.memory_space<vmem>> -> memref<80xi32, #tpu.memory_space<vmem>>
    %dma_start3A_367 = arith.constant 0 : i32
    %dma_start3A_368 = arith.constant 0 : i32
    %dma_start3A_369 = tpu.memref_slice %arg2[%dma_start3A_367, %dma_start3A_368] : memref<10000x128xf32, #tpu.memory_space<hbm>> -> memref<10000x128xf32, #tpu.memory_space<hbm>>
    tpu.enqueue_indirect_dma source(%dma_start3A_369 : memref<10000x128xf32, #tpu.memory_space<hbm>>) target(%arg8 : memref<80x128xf32, #tpu.memory_space<vmem>>) offsets(%dma_start3A_366 : memref<80xi32, #tpu.memory_space<vmem>>) semaphore(%arg14 : memref<!tpu.dma_semaphore, #tpu.memory_space<semaphore_mem>>)
    %dma_start3A_370 = arith.constant 1 : i32
    %dma_start3A_371 = arith.constant 0 : i32
    %dma_start3A_372 = tpu.memref_slice %arg6[%dma_start3A_370, %dma_start3A_371] : memref<25x80xi32, #tpu.memory_space<vmem>> -> memref<1x80xi32, #tpu.memory_space<vmem>>
    %dma_start3A_373 = tpu.memref_squeeze %dma_start3A_372 : memref<1x80xi32, #tpu.memory_space<vmem>> -> memref<80xi32, #tpu.memory_space<vmem>>
    %dma_start3A_374 = arith.constant 0 : i32
    %dma_start3A_375 = arith.constant 0 : i32
    %dma_start3A_376 = tpu.memref_slice %arg2[%dma_start3A_374, %dma_start3A_375] : memref<10000x128xf32, #tpu.memory_space<hbm>> -> memref<10000x128xf32, #tpu.memory_space<hbm>>
    tpu.enqueue_indirect_dma source(%dma_start3A_376 : memref<10000x128xf32, #tpu.memory_space<hbm>>) target(%arg9 : memref<80x128xf32, #tpu.memory_space<vmem>>) offsets(%dma_start3A_373 : memref<80xi32, #tpu.memory_space<vmem>>) semaphore(%arg15 : memref<!tpu.dma_semaphore, #tpu.memory_space<semaphore_mem>>)
    %dma_start3A_377 = arith.constant 2 : i32
    %dma_start3A_378 = arith.constant 0 : i32
    %dma_start3A_379 = tpu.memref_slice %arg6[%dma_start3A_377, %dma_start3A_378] : memref<25x80xi32, #tpu.memory_space<vmem>> -> memref<1x80xi32, #tpu.memory_space<vmem>>
    %dma_start3A_380 = tpu.memref_squeeze %dma_start3A_379 : memref<1x80xi32, #tpu.memory_space<vmem>> -> memref<80xi32, #tpu.memory_space<vmem>>
    %dma_start3A_381 = arith.constant 0 : i32
    %dma_start3A_382 = arith.constant 0 : i32
    %dma_start3A_383 = tpu.memref_slice %arg2[%dma_start3A_381, %dma_start3A_382] : memref<10000x128xf32, #tpu.memory_space<hbm>> -> memref<10000x128xf32, #tpu.memory_space<hbm>>
    tpu.enqueue_indirect_dma source(%dma_start3A_383 : memref<10000x128xf32, #tpu.memory_space<hbm>>) target(%arg10 : memref<80x128xf32, #tpu.memory_space<vmem>>) offsets(%dma_start3A_380 : memref<80xi32, #tpu.memory_space<vmem>>) semaphore(%arg16 : memref<!tpu.dma_semaphore, #tpu.memory_space<semaphore_mem>>)
    %scan3A_384 = arith.constant 0 : i32
    %scan3A_385 = arith.constant 0 : i32
    %scan3A_386 = arith.constant 8 : i32
    %scan3A_387 = arith.addi %scan3A_385, %scan3A_386 : i32
    %scan3A_388 = arith.constant 1 : i32
    scf.for %scan3A_439 = %scan3A_385 to %scan3A_387 step %scan3A_388  : i32 {
      %mul3A_440 = arith.constant 3 : i32
      %mul3A_441 = arith.muli %mul3A_440, %scan3A_439 : i32
      %add3A_442 = arith.constant 0 : i32
      %add3A_443 = arith.addi %mul3A_441, %add3A_442 : i32
      %dma_start3A_444 = arith.constant 0 : i32
      %dma_start3A_445 = tpu.memref_slice %arg7[%add3A_443, %dma_start3A_444] : memref<25x80xi32, #tpu.memory_space<vmem>> -> memref<1x80xi32, #tpu.memory_space<vmem>>
      %dma_start3A_446 = tpu.memref_squeeze %dma_start3A_445 : memref<1x80xi32, #tpu.memory_space<vmem>> -> memref<80xi32, #tpu.memory_space<vmem>>
      %dma_start3A_447 = arith.constant 0 : i32
      %dma_start3A_448 = arith.constant 0 : i32
      %dma_start3A_449 = tpu.memref_slice %arg13[%dma_start3A_447, %dma_start3A_448] : memref<10000x16xf32, #tpu.memory_space<vmem_shared>> -> memref<10000x16xf32, #tpu.memory_space<vmem_shared>>
      tpu.enqueue_indirect_dma source(%arg11 : memref<80x16xf32, #tpu.memory_space<vmem>>) target(%dma_start3A_449 : memref<10000x16xf32, #tpu.memory_space<vmem_shared>>) offsets(%dma_start3A_446 : memref<80xi32, #tpu.memory_space<vmem>>) semaphore(%arg20 : memref<!tpu.dma_semaphore, #tpu.memory_space<semaphore_mem>>) {add = true}
      %dma_wait3A_450 = arith.constant 0 : i32
      %dma_wait3A_451 = tpu.memref_slice %arg6[%add3A_443, %dma_wait3A_450] : memref<25x80xi32, #tpu.memory_space<vmem>> -> memref<1x80xi32, #tpu.memory_space<vmem>>
      %dma_wait3A_452 = tpu.memref_squeeze %dma_wait3A_451 : memref<1x80xi32, #tpu.memory_space<vmem>> -> memref<80xi32, #tpu.memory_space<vmem>>
      %dma_wait3A_453 = arith.constant 0 : i32
      %dma_wait3A_454 = arith.constant 0 : i32
      %dma_wait3A_455 = tpu.memref_slice %arg2[%dma_wait3A_453, %dma_wait3A_454] : memref<10000x128xf32, #tpu.memory_space<hbm>> -> memref<10000x128xf32, #tpu.memory_space<hbm>>
      tpu.wait_indirect_dma semaphore(%arg14 : memref<!tpu.dma_semaphore, #tpu.memory_space<semaphore_mem>>) src(%dma_wait3A_455 : memref<10000x128xf32, #tpu.memory_space<hbm>>) dst(%arg8 : memref<80x128xf32, #tpu.memory_space<vmem>>)
      %dma_start3A_456 = arith.constant 0 : i32
      %dma_start3A_457 = tpu.memref_slice %arg7[%add3A_443, %dma_start3A_456] : memref<25x80xi32, #tpu.memory_space<vmem>> -> memref<1x80xi32, #tpu.memory_space<vmem>>
      %dma_start3A_458 = tpu.memref_squeeze %dma_start3A_457 : memref<1x80xi32, #tpu.memory_space<vmem>> -> memref<80xi32, #tpu.memory_space<vmem>>
      %dma_start3A_459 = arith.constant 0 : i32
      %dma_start3A_460 = arith.constant 0 : i32
      %dma_start3A_461 = tpu.memref_slice %arg12[%dma_start3A_459, %dma_start3A_460] : memref<10000x128xf32, #tpu.memory_space<vmem_shared>> -> memref<10000x128xf32, #tpu.memory_space<vmem_shared>>
      tpu.enqueue_indirect_dma source(%arg8 : memref<80x128xf32, #tpu.memory_space<vmem>>) target(%dma_start3A_461 : memref<10000x128xf32, #tpu.memory_space<vmem_shared>>) offsets(%dma_start3A_458 : memref<80xi32, #tpu.memory_space<vmem>>) semaphore(%arg17 : memref<!tpu.dma_semaphore, #tpu.memory_space<semaphore_mem>>) {add = true}
      %add3A_462 = arith.constant 3 : i32
      %add3A_463 = arith.addi %add3A_443, %add3A_462 : i32
      %lt3A = arith.constant 25 : i32
      %lt3A_464 = arith.cmpi slt, %add3A_463, %lt3A : i32
      %convert_element_type3A = arith.extui %lt3A_464 : i1 to i32
      %cond3A = arith.constant 0 : i32
      %cond3A_465 = arith.cmpi ne, %convert_element_type3A, %cond3A : i32
      scf.if %cond3A_465 {
        %dma_wait3A_524 = arith.constant 0 : i32
        %dma_wait3A_525 = tpu.memref_slice %arg7[%add3A_443, %dma_wait3A_524] : memref<25x80xi32, #tpu.memory_space<vmem>> -> memref<1x80xi32, #tpu.memory_space<vmem>>
        %dma_wait3A_526 = tpu.memref_squeeze %dma_wait3A_525 : memref<1x80xi32, #tpu.memory_space<vmem>> -> memref<80xi32, #tpu.memory_space<vmem>>
        %dma_wait3A_527 = arith.constant 0 : i32
        %dma_wait3A_528 = arith.constant 0 : i32
        %dma_wait3A_529 = tpu.memref_slice %arg12[%dma_wait3A_527, %dma_wait3A_528] : memref<10000x128xf32, #tpu.memory_space<vmem_shared>> -> memref<10000x128xf32, #tpu.memory_space<vmem_shared>>
        tpu.wait_indirect_dma semaphore(%arg17 : memref<!tpu.dma_semaphore, #tpu.memory_space<semaphore_mem>>) src(%arg8 : memref<80x128xf32, #tpu.memory_space<vmem>>) dst(%dma_wait3A_529 : memref<10000x128xf32, #tpu.memory_space<vmem_shared>>)
        %add3A_530 = arith.constant 3 : i32
        %add3A_531 = arith.addi %add3A_443, %add3A_530 : i32
        %dma_start3A_532 = arith.constant 0 : i32
        %dma_start3A_533 = tpu.memref_slice %arg6[%add3A_531, %dma_start3A_532] : memref<25x80xi32, #tpu.memory_space<vmem>> -> memref<1x80xi32, #tpu.memory_space<vmem>>
        %dma_start3A_534 = tpu.memref_squeeze %dma_start3A_533 : memref<1x80xi32, #tpu.memory_space<vmem>> -> memref<80xi32, #tpu.memory_space<vmem>>
        %dma_start3A_535 = arith.constant 0 : i32
        %dma_start3A_536 = arith.constant 0 : i32
        %dma_start3A_537 = tpu.memref_slice %arg2[%dma_start3A_535, %dma_start3A_536] : memref<10000x128xf32, #tpu.memory_space<hbm>> -> memref<10000x128xf32, #tpu.memory_space<hbm>>
        tpu.enqueue_indirect_dma source(%dma_start3A_537 : memref<10000x128xf32, #tpu.memory_space<hbm>>) target(%arg8 : memref<80x128xf32, #tpu.memory_space<vmem>>) offsets(%dma_start3A_534 : memref<80xi32, #tpu.memory_space<vmem>>) semaphore(%arg14 : memref<!tpu.dma_semaphore, #tpu.memory_space<semaphore_mem>>)
      } else {
      }
      %mul3A_466 = arith.constant 3 : i32
      %mul3A_467 = arith.muli %mul3A_466, %scan3A_439 : i32
      %add3A_468 = arith.constant 1 : i32
      %add3A_469 = arith.addi %mul3A_467, %add3A_468 : i32
      %dma_start3A_470 = arith.constant 0 : i32
      %dma_start3A_471 = tpu.memref_slice %arg7[%add3A_469, %dma_start3A_470] : memref<25x80xi32, #tpu.memory_space<vmem>> -> memref<1x80xi32, #tpu.memory_space<vmem>>
      %dma_start3A_472 = tpu.memref_squeeze %dma_start3A_471 : memref<1x80xi32, #tpu.memory_space<vmem>> -> memref<80xi32, #tpu.memory_space<vmem>>
      %dma_start3A_473 = arith.constant 0 : i32
      %dma_start3A_474 = arith.constant 0 : i32
      %dma_start3A_475 = tpu.memref_slice %arg13[%dma_start3A_473, %dma_start3A_474] : memref<10000x16xf32, #tpu.memory_space<vmem_shared>> -> memref<10000x16xf32, #tpu.memory_space<vmem_shared>>
      tpu.enqueue_indirect_dma source(%arg11 : memref<80x16xf32, #tpu.memory_space<vmem>>) target(%dma_start3A_475 : memref<10000x16xf32, #tpu.memory_space<vmem_shared>>) offsets(%dma_start3A_472 : memref<80xi32, #tpu.memory_space<vmem>>) semaphore(%arg20 : memref<!tpu.dma_semaphore, #tpu.memory_space<semaphore_mem>>) {add = true}
      %dma_wait3A_476 = arith.constant 0 : i32
      %dma_wait3A_477 = tpu.memref_slice %arg6[%add3A_469, %dma_wait3A_476] : memref<25x80xi32, #tpu.memory_space<vmem>> -> memref<1x80xi32, #tpu.memory_space<vmem>>
      %dma_wait3A_478 = tpu.memref_squeeze %dma_wait3A_477 : memref<1x80xi32, #tpu.memory_space<vmem>> -> memref<80xi32, #tpu.memory_space<vmem>>
      %dma_wait3A_479 = arith.constant 0 : i32
      %dma_wait3A_480 = arith.constant 0 : i32
      %dma_wait3A_481 = tpu.memref_slice %arg2[%dma_wait3A_479, %dma_wait3A_480] : memref<10000x128xf32, #tpu.memory_space<hbm>> -> memref<10000x128xf32, #tpu.memory_space<hbm>>
      tpu.wait_indirect_dma semaphore(%arg15 : memref<!tpu.dma_semaphore, #tpu.memory_space<semaphore_mem>>) src(%dma_wait3A_481 : memref<10000x128xf32, #tpu.memory_space<hbm>>) dst(%arg9 : memref<80x128xf32, #tpu.memory_space<vmem>>)
      %dma_start3A_482 = arith.constant 0 : i32
      %dma_start3A_483 = tpu.memref_slice %arg7[%add3A_469, %dma_start3A_482] : memref<25x80xi32, #tpu.memory_space<vmem>> -> memref<1x80xi32, #tpu.memory_space<vmem>>
      %dma_start3A_484 = tpu.memref_squeeze %dma_start3A_483 : memref<1x80xi32, #tpu.memory_space<vmem>> -> memref<80xi32, #tpu.memory_space<vmem>>
      %dma_start3A_485 = arith.constant 0 : i32
      %dma_start3A_486 = arith.constant 0 : i32
      %dma_start3A_487 = tpu.memref_slice %arg12[%dma_start3A_485, %dma_start3A_486] : memref<10000x128xf32, #tpu.memory_space<vmem_shared>> -> memref<10000x128xf32, #tpu.memory_space<vmem_shared>>
      tpu.enqueue_indirect_dma source(%arg9 : memref<80x128xf32, #tpu.memory_space<vmem>>) target(%dma_start3A_487 : memref<10000x128xf32, #tpu.memory_space<vmem_shared>>) offsets(%dma_start3A_484 : memref<80xi32, #tpu.memory_space<vmem>>) semaphore(%arg18 : memref<!tpu.dma_semaphore, #tpu.memory_space<semaphore_mem>>) {add = true}
      %add3A_488 = arith.constant 3 : i32
      %add3A_489 = arith.addi %add3A_469, %add3A_488 : i32
      %lt3A_490 = arith.constant 25 : i32
      %lt3A_491 = arith.cmpi slt, %add3A_489, %lt3A_490 : i32
      %convert_element_type3A_492 = arith.extui %lt3A_491 : i1 to i32
      %cond3A_493 = arith.constant 0 : i32
      %cond3A_494 = arith.cmpi ne, %convert_element_type3A_492, %cond3A_493 : i32
      scf.if %cond3A_494 {
        %dma_wait3A_524 = arith.constant 0 : i32
        %dma_wait3A_525 = tpu.memref_slice %arg7[%add3A_469, %dma_wait3A_524] : memref<25x80xi32, #tpu.memory_space<vmem>> -> memref<1x80xi32, #tpu.memory_space<vmem>>
        %dma_wait3A_526 = tpu.memref_squeeze %dma_wait3A_525 : memref<1x80xi32, #tpu.memory_space<vmem>> -> memref<80xi32, #tpu.memory_space<vmem>>
        %dma_wait3A_527 = arith.constant 0 : i32
        %dma_wait3A_528 = arith.constant 0 : i32
        %dma_wait3A_529 = tpu.memref_slice %arg12[%dma_wait3A_527, %dma_wait3A_528] : memref<10000x128xf32, #tpu.memory_space<vmem_shared>> -> memref<10000x128xf32, #tpu.memory_space<vmem_shared>>
        tpu.wait_indirect_dma semaphore(%arg18 : memref<!tpu.dma_semaphore, #tpu.memory_space<semaphore_mem>>) src(%arg9 : memref<80x128xf32, #tpu.memory_space<vmem>>) dst(%dma_wait3A_529 : memref<10000x128xf32, #tpu.memory_space<vmem_shared>>)
        %add3A_530 = arith.constant 3 : i32
        %add3A_531 = arith.addi %add3A_469, %add3A_530 : i32
        %dma_start3A_532 = arith.constant 0 : i32
        %dma_start3A_533 = tpu.memref_slice %arg6[%add3A_531, %dma_start3A_532] : memref<25x80xi32, #tpu.memory_space<vmem>> -> memref<1x80xi32, #tpu.memory_space<vmem>>
        %dma_start3A_534 = tpu.memref_squeeze %dma_start3A_533 : memref<1x80xi32, #tpu.memory_space<vmem>> -> memref<80xi32, #tpu.memory_space<vmem>>
        %dma_start3A_535 = arith.constant 0 : i32
        %dma_start3A_536 = arith.constant 0 : i32
        %dma_start3A_537 = tpu.memref_slice %arg2[%dma_start3A_535, %dma_start3A_536] : memref<10000x128xf32, #tpu.memory_space<hbm>> -> memref<10000x128xf32, #tpu.memory_space<hbm>>
        tpu.enqueue_indirect_dma source(%dma_start3A_537 : memref<10000x128xf32, #tpu.memory_space<hbm>>) target(%arg9 : memref<80x128xf32, #tpu.memory_space<vmem>>) offsets(%dma_start3A_534 : memref<80xi32, #tpu.memory_space<vmem>>) semaphore(%arg15 : memref<!tpu.dma_semaphore, #tpu.memory_space<semaphore_mem>>)
      } else {
      }
      %mul3A_495 = arith.constant 3 : i32
      %mul3A_496 = arith.muli %mul3A_495, %scan3A_439 : i32
      %add3A_497 = arith.constant 2 : i32
      %add3A_498 = arith.addi %mul3A_496, %add3A_497 : i32
      %dma_start3A_499 = arith.constant 0 : i32
      %dma_start3A_500 = tpu.memref_slice %arg7[%add3A_498, %dma_start3A_499] : memref<25x80xi32, #tpu.memory_space<vmem>> -> memref<1x80xi32, #tpu.memory_space<vmem>>
      %dma_start3A_501 = tpu.memref_squeeze %dma_start3A_500 : memref<1x80xi32, #tpu.memory_space<vmem>> -> memref<80xi32, #tpu.memory_space<vmem>>
      %dma_start3A_502 = arith.constant 0 : i32
      %dma_start3A_503 = arith.constant 0 : i32
      %dma_start3A_504 = tpu.memref_slice %arg13[%dma_start3A_502, %dma_start3A_503] : memref<10000x16xf32, #tpu.memory_space<vmem_shared>> -> memref<10000x16xf32, #tpu.memory_space<vmem_shared>>
      tpu.enqueue_indirect_dma source(%arg11 : memref<80x16xf32, #tpu.memory_space<vmem>>) target(%dma_start3A_504 : memref<10000x16xf32, #tpu.memory_space<vmem_shared>>) offsets(%dma_start3A_501 : memref<80xi32, #tpu.memory_space<vmem>>) semaphore(%arg20 : memref<!tpu.dma_semaphore, #tpu.memory_space<semaphore_mem>>) {add = true}
      %dma_wait3A_505 = arith.constant 0 : i32
      %dma_wait3A_506 = tpu.memref_slice %arg6[%add3A_498, %dma_wait3A_505] : memref<25x80xi32, #tpu.memory_space<vmem>> -> memref<1x80xi32, #tpu.memory_space<vmem>>
      %dma_wait3A_507 = tpu.memref_squeeze %dma_wait3A_506 : memref<1x80xi32, #tpu.memory_space<vmem>> -> memref<80xi32, #tpu.memory_space<vmem>>
      %dma_wait3A_508 = arith.constant 0 : i32
      %dma_wait3A_509 = arith.constant 0 : i32
      %dma_wait3A_510 = tpu.memref_slice %arg2[%dma_wait3A_508, %dma_wait3A_509] : memref<10000x128xf32, #tpu.memory_space<hbm>> -> memref<10000x128xf32, #tpu.memory_space<hbm>>
      tpu.wait_indirect_dma semaphore(%arg16 : memref<!tpu.dma_semaphore, #tpu.memory_space<semaphore_mem>>) src(%dma_wait3A_510 : memref<10000x128xf32, #tpu.memory_space<hbm>>) dst(%arg10 : memref<80x128xf32, #tpu.memory_space<vmem>>)
      %dma_start3A_511 = arith.constant 0 : i32
      %dma_start3A_512 = tpu.memref_slice %arg7[%add3A_498, %dma_start3A_511] : memref<25x80xi32, #tpu.memory_space<vmem>> -> memref<1x80xi32, #tpu.memory_space<vmem>>
      %dma_start3A_513 = tpu.memref_squeeze %dma_start3A_512 : memref<1x80xi32, #tpu.memory_space<vmem>> -> memref<80xi32, #tpu.memory_space<vmem>>
      %dma_start3A_514 = arith.constant 0 : i32
      %dma_start3A_515 = arith.constant 0 : i32
      %dma_start3A_516 = tpu.memref_slice %arg12[%dma_start3A_514, %dma_start3A_515] : memref<10000x128xf32, #tpu.memory_space<vmem_shared>> -> memref<10000x128xf32, #tpu.memory_space<vmem_shared>>
      tpu.enqueue_indirect_dma source(%arg10 : memref<80x128xf32, #tpu.memory_space<vmem>>) target(%dma_start3A_516 : memref<10000x128xf32, #tpu.memory_space<vmem_shared>>) offsets(%dma_start3A_513 : memref<80xi32, #tpu.memory_space<vmem>>) semaphore(%arg19 : memref<!tpu.dma_semaphore, #tpu.memory_space<semaphore_mem>>) {add = true}
      %add3A_517 = arith.constant 3 : i32
      %add3A_518 = arith.addi %add3A_498, %add3A_517 : i32
      %lt3A_519 = arith.constant 25 : i32
      %lt3A_520 = arith.cmpi slt, %add3A_518, %lt3A_519 : i32
      %convert_element_type3A_521 = arith.extui %lt3A_520 : i1 to i32
      %cond3A_522 = arith.constant 0 : i32
      %cond3A_523 = arith.cmpi ne, %convert_element_type3A_521, %cond3A_522 : i32
      scf.if %cond3A_523 {
        %dma_wait3A_524 = arith.constant 0 : i32
        %dma_wait3A_525 = tpu.memref_slice %arg7[%add3A_498, %dma_wait3A_524] : memref<25x80xi32, #tpu.memory_space<vmem>> -> memref<1x80xi32, #tpu.memory_space<vmem>>
        %dma_wait3A_526 = tpu.memref_squeeze %dma_wait3A_525 : memref<1x80xi32, #tpu.memory_space<vmem>> -> memref<80xi32, #tpu.memory_space<vmem>>
        %dma_wait3A_527 = arith.constant 0 : i32
        %dma_wait3A_528 = arith.constant 0 : i32
        %dma_wait3A_529 = tpu.memref_slice %arg12[%dma_wait3A_527, %dma_wait3A_528] : memref<10000x128xf32, #tpu.memory_space<vmem_shared>> -> memref<10000x128xf32, #tpu.memory_space<vmem_shared>>
        tpu.wait_indirect_dma semaphore(%arg19 : memref<!tpu.dma_semaphore, #tpu.memory_space<semaphore_mem>>) src(%arg10 : memref<80x128xf32, #tpu.memory_space<vmem>>) dst(%dma_wait3A_529 : memref<10000x128xf32, #tpu.memory_space<vmem_shared>>)
        %add3A_530 = arith.constant 3 : i32
        %add3A_531 = arith.addi %add3A_498, %add3A_530 : i32
        %dma_start3A_532 = arith.constant 0 : i32
        %dma_start3A_533 = tpu.memref_slice %arg6[%add3A_531, %dma_start3A_532] : memref<25x80xi32, #tpu.memory_space<vmem>> -> memref<1x80xi32, #tpu.memory_space<vmem>>
        %dma_start3A_534 = tpu.memref_squeeze %dma_start3A_533 : memref<1x80xi32, #tpu.memory_space<vmem>> -> memref<80xi32, #tpu.memory_space<vmem>>
        %dma_start3A_535 = arith.constant 0 : i32
        %dma_start3A_536 = arith.constant 0 : i32
        %dma_start3A_537 = tpu.memref_slice %arg2[%dma_start3A_535, %dma_start3A_536] : memref<10000x128xf32, #tpu.memory_space<hbm>> -> memref<10000x128xf32, #tpu.memory_space<hbm>>
        tpu.enqueue_indirect_dma source(%dma_start3A_537 : memref<10000x128xf32, #tpu.memory_space<hbm>>) target(%arg10 : memref<80x128xf32, #tpu.memory_space<vmem>>) offsets(%dma_start3A_534 : memref<80xi32, #tpu.memory_space<vmem>>) semaphore(%arg16 : memref<!tpu.dma_semaphore, #tpu.memory_space<semaphore_mem>>)
      } else {
      }
    }
    %scan3A_389 = arith.constant 8 : i32
    %dma_start3A_390 = arith.constant 24 : i32
    %dma_start3A_391 = arith.constant 0 : i32
    %dma_start3A_392 = tpu.memref_slice %arg7[%dma_start3A_390, %dma_start3A_391] : memref<25x80xi32, #tpu.memory_space<vmem>> -> memref<1x80xi32, #tpu.memory_space<vmem>>
    %dma_start3A_393 = tpu.memref_squeeze %dma_start3A_392 : memref<1x80xi32, #tpu.memory_space<vmem>> -> memref<80xi32, #tpu.memory_space<vmem>>
    %dma_start3A_394 = arith.constant 0 : i32
    %dma_start3A_395 = arith.constant 0 : i32
    %dma_start3A_396 = tpu.memref_slice %arg13[%dma_start3A_394, %dma_start3A_395] : memref<10000x16xf32, #tpu.memory_space<vmem_shared>> -> memref<10000x16xf32, #tpu.memory_space<vmem_shared>>
    tpu.enqueue_indirect_dma source(%arg11 : memref<80x16xf32, #tpu.memory_space<vmem>>) target(%dma_start3A_396 : memref<10000x16xf32, #tpu.memory_space<vmem_shared>>) offsets(%dma_start3A_393 : memref<80xi32, #tpu.memory_space<vmem>>) semaphore(%arg20 : memref<!tpu.dma_semaphore, #tpu.memory_space<semaphore_mem>>) {add = true}
    %dma_wait3A_397 = arith.constant 24 : i32
    %dma_wait3A_398 = arith.constant 0 : i32
    %dma_wait3A_399 = tpu.memref_slice %arg6[%dma_wait3A_397, %dma_wait3A_398] : memref<25x80xi32, #tpu.memory_space<vmem>> -> memref<1x80xi32, #tpu.memory_space<vmem>>
    %dma_wait3A_400 = tpu.memref_squeeze %dma_wait3A_399 : memref<1x80xi32, #tpu.memory_space<vmem>> -> memref<80xi32, #tpu.memory_space<vmem>>
    %dma_wait3A_401 = arith.constant 0 : i32
    %dma_wait3A_402 = arith.constant 0 : i32
    %dma_wait3A_403 = tpu.memref_slice %arg2[%dma_wait3A_401, %dma_wait3A_402] : memref<10000x128xf32, #tpu.memory_space<hbm>> -> memref<10000x128xf32, #tpu.memory_space<hbm>>
    tpu.wait_indirect_dma semaphore(%arg14 : memref<!tpu.dma_semaphore, #tpu.memory_space<semaphore_mem>>) src(%dma_wait3A_403 : memref<10000x128xf32, #tpu.memory_space<hbm>>) dst(%arg8 : memref<80x128xf32, #tpu.memory_space<vmem>>)
    %dma_start3A_404 = arith.constant 24 : i32
    %dma_start3A_405 = arith.constant 0 : i32
    %dma_start3A_406 = tpu.memref_slice %arg7[%dma_start3A_404, %dma_start3A_405] : memref<25x80xi32, #tpu.memory_space<vmem>> -> memref<1x80xi32, #tpu.memory_space<vmem>>
    %dma_start3A_407 = tpu.memref_squeeze %dma_start3A_406 : memref<1x80xi32, #tpu.memory_space<vmem>> -> memref<80xi32, #tpu.memory_space<vmem>>
    %dma_start3A_408 = arith.constant 0 : i32
    %dma_start3A_409 = arith.constant 0 : i32
    %dma_start3A_410 = tpu.memref_slice %arg12[%dma_start3A_408, %dma_start3A_409] : memref<10000x128xf32, #tpu.memory_space<vmem_shared>> -> memref<10000x128xf32, #tpu.memory_space<vmem_shared>>
    tpu.enqueue_indirect_dma source(%arg8 : memref<80x128xf32, #tpu.memory_space<vmem>>) target(%dma_start3A_410 : memref<10000x128xf32, #tpu.memory_space<vmem_shared>>) offsets(%dma_start3A_407 : memref<80xi32, #tpu.memory_space<vmem>>) semaphore(%arg17 : memref<!tpu.dma_semaphore, #tpu.memory_space<semaphore_mem>>) {add = true}
    %dma_wait3A_411 = arith.constant 0 : i32
    %dma_wait3A_412 = arith.constant 0 : i32
    %dma_wait3A_413 = tpu.memref_slice %arg7[%dma_wait3A_411, %dma_wait3A_412] : memref<25x80xi32, #tpu.memory_space<vmem>> -> memref<1x80xi32, #tpu.memory_space<vmem>>
    %dma_wait3A_414 = tpu.memref_squeeze %dma_wait3A_413 : memref<1x80xi32, #tpu.memory_space<vmem>> -> memref<80xi32, #tpu.memory_space<vmem>>
    %dma_wait3A_415 = arith.constant 0 : i32
    %dma_wait3A_416 = arith.constant 0 : i32
    %dma_wait3A_417 = tpu.memref_slice %arg12[%dma_wait3A_415, %dma_wait3A_416] : memref<10000x128xf32, #tpu.memory_space<vmem_shared>> -> memref<10000x128xf32, #tpu.memory_space<vmem_shared>>
    tpu.wait_indirect_dma semaphore(%arg17 : memref<!tpu.dma_semaphore, #tpu.memory_space<semaphore_mem>>) src(%arg8 : memref<80x128xf32, #tpu.memory_space<vmem>>) dst(%dma_wait3A_417 : memref<10000x128xf32, #tpu.memory_space<vmem_shared>>)
    %dma_wait3A_418 = arith.constant 0 : i32
    %dma_wait3A_419 = arith.constant 0 : i32
    %dma_wait3A_420 = tpu.memref_slice %arg7[%dma_wait3A_418, %dma_wait3A_419] : memref<25x80xi32, #tpu.memory_space<vmem>> -> memref<1x80xi32, #tpu.memory_space<vmem>>
    %dma_wait3A_421 = tpu.memref_squeeze %dma_wait3A_420 : memref<1x80xi32, #tpu.memory_space<vmem>> -> memref<80xi32, #tpu.memory_space<vmem>>
    %dma_wait3A_422 = arith.constant 0 : i32
    %dma_wait3A_423 = arith.constant 0 : i32
    %dma_wait3A_424 = tpu.memref_slice %arg12[%dma_wait3A_422, %dma_wait3A_423] : memref<10000x128xf32, #tpu.memory_space<vmem_shared>> -> memref<10000x128xf32, #tpu.memory_space<vmem_shared>>
    tpu.wait_indirect_dma semaphore(%arg18 : memref<!tpu.dma_semaphore, #tpu.memory_space<semaphore_mem>>) src(%arg9 : memref<80x128xf32, #tpu.memory_space<vmem>>) dst(%dma_wait3A_424 : memref<10000x128xf32, #tpu.memory_space<vmem_shared>>)
    %dma_wait3A_425 = arith.constant 0 : i32
    %dma_wait3A_426 = arith.constant 0 : i32
    %dma_wait3A_427 = tpu.memref_slice %arg7[%dma_wait3A_425, %dma_wait3A_426] : memref<25x80xi32, #tpu.memory_space<vmem>> -> memref<1x80xi32, #tpu.memory_space<vmem>>
    %dma_wait3A_428 = tpu.memref_squeeze %dma_wait3A_427 : memref<1x80xi32, #tpu.memory_space<vmem>> -> memref<80xi32, #tpu.memory_space<vmem>>
    %dma_wait3A_429 = arith.constant 0 : i32
    %dma_wait3A_430 = arith.constant 0 : i32
    %dma_wait3A_431 = tpu.memref_slice %arg12[%dma_wait3A_429, %dma_wait3A_430] : memref<10000x128xf32, #tpu.memory_space<vmem_shared>> -> memref<10000x128xf32, #tpu.memory_space<vmem_shared>>
    tpu.wait_indirect_dma semaphore(%arg19 : memref<!tpu.dma_semaphore, #tpu.memory_space<semaphore_mem>>) src(%arg10 : memref<80x128xf32, #tpu.memory_space<vmem>>) dst(%dma_wait3A_431 : memref<10000x128xf32, #tpu.memory_space<vmem_shared>>)
    %scan3A_432 = arith.constant 0 : i32
    %scan3A_433 = arith.constant 0 : i32
    %scan3A_434 = arith.constant 25 : i32
    %scan3A_435 = arith.addi %scan3A_433, %scan3A_434 : i32
    %scan3A_436 = arith.constant 1 : i32
    scf.for %scan3A_439 = %scan3A_433 to %scan3A_435 step %scan3A_436  : i32 {
      %dma_wait3A_440 = arith.constant 0 : i32
      %dma_wait3A_441 = arith.constant 0 : i32
      %dma_wait3A_442 = tpu.memref_slice %arg7[%dma_wait3A_440, %dma_wait3A_441] : memref<25x80xi32, #tpu.memory_space<vmem>> -> memref<1x80xi32, #tpu.memory_space<vmem>>
      %dma_wait3A_443 = tpu.memref_squeeze %dma_wait3A_442 : memref<1x80xi32, #tpu.memory_space<vmem>> -> memref<80xi32, #tpu.memory_space<vmem>>
      %dma_wait3A_444 = arith.constant 0 : i32
      %dma_wait3A_445 = arith.constant 0 : i32
      %dma_wait3A_446 = tpu.memref_slice %arg13[%dma_wait3A_444, %dma_wait3A_445] : memref<10000x16xf32, #tpu.memory_space<vmem_shared>> -> memref<10000x16xf32, #tpu.memory_space<vmem_shared>>
      tpu.wait_indirect_dma semaphore(%arg20 : memref<!tpu.dma_semaphore, #tpu.memory_space<semaphore_mem>>) src(%arg11 : memref<80x16xf32, #tpu.memory_space<vmem>>) dst(%dma_wait3A_446 : memref<10000x16xf32, #tpu.memory_space<vmem_shared>>)
    }
    %scan3A_437 = arith.constant 25 : i32
    %barrier3A_438 = arith.constant 0 : index
    tpu.barrier barrier_id(%barrier3A_438)
    "tpu.region"() ({
      %run_scoped3A_439 = tpu.sem_alloc : memref<!tpu.dma_semaphore, #tpu.memory_space<semaphore_mem>>
      %dma_start3A_440 = arith.constant 0 : i32
      %dma_start3A_441 = tpu.memref_slice %arg4[%arg0, %mul3A_2, %dma_start3A_440] : memref<2x10000x128xf32, #tpu.memory_space<hbm>> -> memref<1x625x128xf32, #tpu.memory_space<hbm>>
      %dma_start3A_442 = tpu.memref_squeeze %dma_start3A_441 : memref<1x625x128xf32, #tpu.memory_space<hbm>> -> memref<625x128xf32, #tpu.memory_space<hbm>>
      %dma_start3A_443 = arith.constant 0 : i32
      %dma_start3A_444 = tpu.memref_slice %arg12[%mul3A_2, %dma_start3A_443] : memref<10000x128xf32, #tpu.memory_space<vmem_shared>> -> memref<625x128xf32, #tpu.memory_space<vmem_shared>>
      tpu.enqueue_dma source(%dma_start3A_444 : memref<625x128xf32, #tpu.memory_space<vmem_shared>>) target(%dma_start3A_442 : memref<625x128xf32, #tpu.memory_space<hbm>>) target_semaphore(%run_scoped3A_439 : memref<!tpu.dma_semaphore, #tpu.memory_space<semaphore_mem>>)
      %dma_wait3A_445 = arith.constant 0 : i32
      %dma_wait3A_446 = tpu.memref_slice %arg4[%arg0, %mul3A_2, %dma_wait3A_445] : memref<2x10000x128xf32, #tpu.memory_space<hbm>> -> memref<1x625x128xf32, #tpu.memory_space<hbm>>
      %dma_wait3A_447 = tpu.memref_squeeze %dma_wait3A_446 : memref<1x625x128xf32, #tpu.memory_space<hbm>> -> memref<625x128xf32, #tpu.memory_space<hbm>>
      %dma_wait3A_448 = arith.constant 0 : i32
      %dma_wait3A_449 = tpu.memref_slice %arg12[%mul3A_2, %dma_wait3A_448] : memref<10000x128xf32, #tpu.memory_space<vmem_shared>> -> memref<625x128xf32, #tpu.memory_space<vmem_shared>>
      tpu.wait_dma2 semaphore(%run_scoped3A_439 : memref<!tpu.dma_semaphore, #tpu.memory_space<semaphore_mem>>) src(%dma_wait3A_449 : memref<625x128xf32, #tpu.memory_space<vmem_shared>>) dst(%dma_wait3A_447 : memref<625x128xf32, #tpu.memory_space<hbm>>)
      tpu.yield
    }) : () -> ()
    "tpu.region"() ({
      %run_scoped3A_439 = tpu.sem_alloc : memref<!tpu.dma_semaphore, #tpu.memory_space<semaphore_mem>>
      %dma_start3A_440 = arith.constant 0 : i32
      %dma_start3A_441 = tpu.memref_slice %arg5[%arg0, %mul3A_2, %dma_start3A_440] : memref<2x10000x16xf32, #tpu.memory_space<hbm>> -> memref<1x625x16xf32, #tpu.memory_space<hbm>>
      %dma_start3A_442 = tpu.memref_squeeze %dma_start3A_441 : memref<1x625x16xf32, #tpu.memory_space<hbm>> -> memref<625x16xf32, #tpu.memory_space<hbm>>
      %dma_start3A_443 = arith.constant 0 : i32
      %dma_start3A_444 = tpu.memref_slice %arg13[%mul3A_2, %dma_start3A_443] : memref<10000x16xf32, #tpu.memory_space<vmem_shared>> -> memref<625x16xf32, #tpu.memory_space<vmem_shared>>
      tpu.enqueue_dma source(%dma_start3A_444 : memref<625x16xf32, #tpu.memory_space<vmem_shared>>) target(%dma_start3A_442 : memref<625x16xf32, #tpu.memory_space<hbm>>) target_semaphore(%run_scoped3A_439 : memref<!tpu.dma_semaphore, #tpu.memory_space<semaphore_mem>>)
      %dma_wait3A_445 = arith.constant 0 : i32
      %dma_wait3A_446 = tpu.memref_slice %arg5[%arg0, %mul3A_2, %dma_wait3A_445] : memref<2x10000x16xf32, #tpu.memory_space<hbm>> -> memref<1x625x16xf32, #tpu.memory_space<hbm>>
      %dma_wait3A_447 = tpu.memref_squeeze %dma_wait3A_446 : memref<1x625x16xf32, #tpu.memory_space<hbm>> -> memref<625x16xf32, #tpu.memory_space<hbm>>
      %dma_wait3A_448 = arith.constant 0 : i32
      %dma_wait3A_449 = tpu.memref_slice %arg13[%mul3A_2, %dma_wait3A_448] : memref<10000x16xf32, #tpu.memory_space<vmem_shared>> -> memref<625x16xf32, #tpu.memory_space<vmem_shared>>
      tpu.wait_dma2 semaphore(%run_scoped3A_439 : memref<!tpu.dma_semaphore, #tpu.memory_space<semaphore_mem>>) src(%dma_wait3A_449 : memref<625x16xf32, #tpu.memory_space<vmem_shared>>) dst(%dma_wait3A_447 : memref<625x16xf32, #tpu.memory_space<hbm>>)
      tpu.yield
    }) : () -> ()
    return
  }
}

module attributes {stable_mosaic.version = 14 : i64} {
  func.func @_vertex_body(%arg0: i32, %arg1: memref<2000x128xf32, #tpu.memory_space<vmem>>, %arg2: memref<128x128xf32, #tpu.memory_space<vmem>>, %arg3: memref<1x128xf32, #tpu.memory_space<vmem>>, %arg4: memref<2000x128xf32, #tpu.memory_space<vmem>>) attributes {dimension_semantics = [#tpu.dimension_semantics<arbitrary>], iteration_bounds = array<i64: 5>, scalar_prefetch = 0 : i64, scratch_operands = 0 : i64, tpu.core_type = #tpu.core_type<tc>, window_params = [{transform_indices = @transform_0, window_bounds = array<i64: 2000, 128>}, {pipeline_mode = #tpu.pipeline_mode<synchronous>, transform_indices = @transform_1, window_bounds = array<i64: 128, 128>}, {pipeline_mode = #tpu.pipeline_mode<synchronous>, transform_indices = @transform_2, window_bounds = array<i64: 1, 128>}, {transform_indices = @transform_3, window_bounds = array<i64: 2000, 128>}]} {
    %get3A = arith.constant 0 : index
    %get3A_0 = arith.constant 0 : index
    %get3A_1 = vector.load %arg1[%get3A, %get3A_0] : memref<2000x128xf32, #tpu.memory_space<vmem>>, vector<2000x128xf32>
    %get3A_2 = arith.constant 0 : index
    %get3A_3 = arith.constant 0 : index
    %get3A_4 = vector.load %arg2[%get3A_2, %get3A_3] : memref<128x128xf32, #tpu.memory_space<vmem>>, vector<128x128xf32>
    %dot_general3A = arith.constant dense<0.000000e+00> : vector<2000x128xf32>
    %dot_general3A_5 = tpu.matmul %get3A_1, %get3A_4, %dot_general3A {dimension_numbers = #tpu.dot_dimension_numbers<[1], [0], [0], [1], [0, 0, 1, 1], [], []>, transpose_lhs_hint = false} : vector<2000x128xf32>, vector<128x128xf32>, vector<2000x128xf32> -> vector<2000x128xf32>
    %get3A_6 = arith.constant 0 : index
    %get3A_7 = arith.constant 0 : index
    %get3A_8 = vector.load %arg3[%get3A_6, %get3A_7] : memref<1x128xf32, #tpu.memory_space<vmem>>, vector<1x128xf32>
    %add3A = vector.broadcast %get3A_8 : vector<1x128xf32> to vector<2000x128xf32>
    %add3A_9 = arith.addf %dot_general3A_5, %add3A : vector<2000x128xf32>
    %max3A = arith.constant 0.000000e+00 : f32
    %max3A_10 = vector.broadcast %max3A : f32 to vector<2000x128xf32>
    %max3A_11 = arith.maximumf %add3A_9, %max3A_10 : vector<2000x128xf32>
    %swap3A = arith.constant 0 : index
    %swap3A_12 = arith.constant 0 : index
    %swap3A_13 = vector.load %arg4[%swap3A, %swap3A_12] : memref<2000x128xf32, #tpu.memory_space<vmem>>, vector<2000x128xf32>
    tpu.vector_store %arg4[%swap3A, %swap3A_12], %max3A_11 {strides = array<i32>} : memref<2000x128xf32, #tpu.memory_space<vmem>>, vector<2000x128xf32>,
    return
  }
  func.func @transform_0(%arg0: i32) -> (i32, i32) {
    %c0_i32 = arith.constant 0 : i32
    %c0_i32_0 = arith.constant 0 : i32
    return %arg0, %c0_i32 : i32, i32
  }
  func.func @transform_1(%arg0: i32) -> (i32, i32) {
    %c0_i32 = arith.constant 0 : i32
    %c0_i32_0 = arith.constant 0 : i32
    %c0_i32_1 = arith.constant 0 : i32
    return %c0_i32, %c0_i32_0 : i32, i32
  }
  func.func @transform_2(%arg0: i32) -> (i32, i32) {
    %c0_i32 = arith.constant 0 : i32
    %c0_i32_0 = arith.constant 0 : i32
    %c0_i32_1 = arith.constant 0 : i32
    return %c0_i32, %c0_i32_0 : i32, i32
  }
  func.func @transform_3(%arg0: i32) -> (i32, i32) {
    %c0_i32 = arith.constant 0 : i32
    %c0_i32_0 = arith.constant 0 : i32
    return %arg0, %c0_i32 : i32, i32
  }
}

module attributes {stable_mosaic.version = 14 : i64} {
  func.func @_head_body(%arg0: i32, %arg1: memref<2x2000x128xf32, #tpu.memory_space<vmem>>, %arg2: memref<2x2000x16xf32, #tpu.memory_space<vmem>>, %arg3: memref<128x128xf32, #tpu.memory_space<vmem>>, %arg4: memref<1x128xf32, #tpu.memory_space<vmem>>, %arg5: memref<128x16xf32, #tpu.memory_space<vmem>>, %arg6: memref<1x16xf32, #tpu.memory_space<vmem>>, %arg7: memref<2000x16xf32, #tpu.memory_space<vmem>>) attributes {dimension_semantics = [#tpu.dimension_semantics<arbitrary>], iteration_bounds = array<i64: 5>, scalar_prefetch = 0 : i64, scratch_operands = 0 : i64, tpu.core_type = #tpu.core_type<tc>, window_params = [{transform_indices = @transform_0, window_bounds = array<i64: 2, 2000, 128>}, {transform_indices = @transform_1, window_bounds = array<i64: 2, 2000, 16>}, {pipeline_mode = #tpu.pipeline_mode<synchronous>, transform_indices = @transform_2, window_bounds = array<i64: 128, 128>}, {pipeline_mode = #tpu.pipeline_mode<synchronous>, transform_indices = @transform_3, window_bounds = array<i64: 1, 128>}, {pipeline_mode = #tpu.pipeline_mode<synchronous>, transform_indices = @transform_4, window_bounds = array<i64: 128, 16>}, {pipeline_mode = #tpu.pipeline_mode<synchronous>, transform_indices = @transform_5, window_bounds = array<i64: 1, 16>}, {transform_indices = @transform_6, window_bounds = array<i64: 2000, 16>}]} {
    %get3A = arith.constant 0 : index
    %get3A_0 = arith.constant 0 : index
    %get3A_1 = arith.constant 0 : index
    %get3A_2 = vector.load %arg1[%get3A, %get3A_0, %get3A_1] : memref<2x2000x128xf32, #tpu.memory_space<vmem>>, vector<1x2000x128xf32>
    %get3A_3 = vector.shape_cast %get3A_2 : vector<1x2000x128xf32> to vector<2000x128xf32>
    %get3A_4 = arith.constant 1 : index
    %get3A_5 = arith.constant 0 : index
    %get3A_6 = arith.constant 0 : index
    %get3A_7 = vector.load %arg1[%get3A_4, %get3A_5, %get3A_6] : memref<2x2000x128xf32, #tpu.memory_space<vmem>>, vector<1x2000x128xf32>
    %get3A_8 = vector.shape_cast %get3A_7 : vector<1x2000x128xf32> to vector<2000x128xf32>
    %add3A = arith.addf %get3A_3, %get3A_8 : vector<2000x128xf32>
    %get3A_9 = arith.constant 0 : index
    %get3A_10 = arith.constant 0 : index
    %get3A_11 = arith.constant 0 : index
    %get3A_12 = vector.load %arg2[%get3A_9, %get3A_10, %get3A_11] : memref<2x2000x16xf32, #tpu.memory_space<vmem>>, vector<1x2000x16xf32>
    %get3A_13 = vector.shape_cast %get3A_12 : vector<1x2000x16xf32> to vector<2000x16xf32>
    %get3A_14 = arith.constant 1 : index
    %get3A_15 = arith.constant 0 : index
    %get3A_16 = arith.constant 0 : index
    %get3A_17 = vector.load %arg2[%get3A_14, %get3A_15, %get3A_16] : memref<2x2000x16xf32, #tpu.memory_space<vmem>>, vector<1x2000x16xf32>
    %get3A_18 = vector.shape_cast %get3A_17 : vector<1x2000x16xf32> to vector<2000x16xf32>
    %add3A_19 = arith.addf %get3A_13, %get3A_18 : vector<2000x16xf32>
    %reduce_max3A = arith.constant dense<0xFF800000> : vector<2000xf32>
    %reduce_max3A_20 = vector.multi_reduction <maximumf>, %add3A_19, %reduce_max3A [1] : vector<2000x16xf32> to vector<2000xf32>
    %broadcast_in_dim3A = vector.shape_cast %reduce_max3A_20 : vector<2000xf32> to vector<2000x1xf32>
    %eq3A = arith.constant 0.000000e+00 : f32
    %eq3A_21 = vector.broadcast %eq3A : f32 to vector<2000x1xf32>
    %eq3A_22 = arith.cmpf oeq, %broadcast_in_dim3A, %eq3A_21 : vector<2000x1xf32>
    %jit3A = arith.constant 1.000000e+00 : f32
    %broadcast_in_dim3A_23 = vector.broadcast %jit3A : f32 to vector<2000x1xf32>
    %select_n3A = arith.select %eq3A_22, %broadcast_in_dim3A_23, %broadcast_in_dim3A : vector<2000x1xi1>, vector<2000x1xf32>
    %div3A = vector.broadcast %select_n3A : vector<2000x1xf32> to vector<2000x128xf32>
    %div3A_24 = arith.divf %add3A, %div3A : vector<2000x128xf32>
    %get3A_25 = arith.constant 0 : index
    %get3A_26 = arith.constant 0 : index
    %get3A_27 = vector.load %arg3[%get3A_25, %get3A_26] : memref<128x128xf32, #tpu.memory_space<vmem>>, vector<128x128xf32>
    %dot_general3A = arith.constant dense<0.000000e+00> : vector<2000x128xf32>
    %dot_general3A_28 = tpu.matmul %div3A_24, %get3A_27, %dot_general3A {dimension_numbers = #tpu.dot_dimension_numbers<[1], [0], [0], [1], [0, 0, 1, 1], [], []>, transpose_lhs_hint = false} : vector<2000x128xf32>, vector<128x128xf32>, vector<2000x128xf32> -> vector<2000x128xf32>
    %get3A_29 = arith.constant 0 : index
    %get3A_30 = arith.constant 0 : index
    %get3A_31 = vector.load %arg4[%get3A_29, %get3A_30] : memref<1x128xf32, #tpu.memory_space<vmem>>, vector<1x128xf32>
    %add3A_32 = vector.broadcast %get3A_31 : vector<1x128xf32> to vector<2000x128xf32>
    %add3A_33 = arith.addf %dot_general3A_28, %add3A_32 : vector<2000x128xf32>
    %max3A = arith.constant 0.000000e+00 : f32
    %max3A_34 = vector.broadcast %max3A : f32 to vector<2000x128xf32>
    %max3A_35 = arith.maximumf %add3A_33, %max3A_34 : vector<2000x128xf32>
    %get3A_36 = arith.constant 0 : index
    %get3A_37 = arith.constant 0 : index
    %get3A_38 = vector.load %arg5[%get3A_36, %get3A_37] : memref<128x16xf32, #tpu.memory_space<vmem>>, vector<128x16xf32>
    %dot_general3A_39 = arith.constant dense<0.000000e+00> : vector<2000x16xf32>
    %dot_general3A_40 = tpu.matmul %max3A_35, %get3A_38, %dot_general3A_39 {dimension_numbers = #tpu.dot_dimension_numbers<[1], [0], [0], [1], [0, 0, 1, 1], [], []>, transpose_lhs_hint = false} : vector<2000x128xf32>, vector<128x16xf32>, vector<2000x16xf32> -> vector<2000x16xf32>
    %get3A_41 = arith.constant 0 : index
    %get3A_42 = arith.constant 0 : index
    %get3A_43 = vector.load %arg6[%get3A_41, %get3A_42] : memref<1x16xf32, #tpu.memory_space<vmem>>, vector<1x16xf32>
    %add3A_44 = vector.broadcast %get3A_43 : vector<1x16xf32> to vector<2000x16xf32>
    %add3A_45 = arith.addf %dot_general3A_40, %add3A_44 : vector<2000x16xf32>
    %swap3A = arith.constant 0 : index
    %swap3A_46 = arith.constant 0 : index
    %swap3A_47 = vector.load %arg7[%swap3A, %swap3A_46] : memref<2000x16xf32, #tpu.memory_space<vmem>>, vector<2000x16xf32>
    tpu.vector_store %arg7[%swap3A, %swap3A_46], %add3A_45 {strides = array<i32>} : memref<2000x16xf32, #tpu.memory_space<vmem>>, vector<2000x16xf32>,
    return
  }
  func.func @transform_0(%arg0: i32) -> (i32, i32, i32) {
    %c0_i32 = arith.constant 0 : i32
    %c0_i32_0 = arith.constant 0 : i32
    %c0_i32_1 = arith.constant 0 : i32
    return %c0_i32, %arg0, %c0_i32_0 : i32, i32, i32
  }
  func.func @transform_1(%arg0: i32) -> (i32, i32, i32) {
    %c0_i32 = arith.constant 0 : i32
    %c0_i32_0 = arith.constant 0 : i32
    %c0_i32_1 = arith.constant 0 : i32
    return %c0_i32, %arg0, %c0_i32_0 : i32, i32, i32
  }
  func.func @transform_2(%arg0: i32) -> (i32, i32) {
    %c0_i32 = arith.constant 0 : i32
    %c0_i32_0 = arith.constant 0 : i32
    %c0_i32_1 = arith.constant 0 : i32
    return %c0_i32, %c0_i32_0 : i32, i32
  }
  func.func @transform_3(%arg0: i32) -> (i32, i32) {
    %c0_i32 = arith.constant 0 : i32
    %c0_i32_0 = arith.constant 0 : i32
    %c0_i32_1 = arith.constant 0 : i32
    return %c0_i32, %c0_i32_0 : i32, i32
  }
  func.func @transform_4(%arg0: i32) -> (i32, i32) {
    %c0_i32 = arith.constant 0 : i32
    %c0_i32_0 = arith.constant 0 : i32
    %c0_i32_1 = arith.constant 0 : i32
    return %c0_i32, %c0_i32_0 : i32, i32
  }
  func.func @transform_5(%arg0: i32) -> (i32, i32) {
    %c0_i32 = arith.constant 0 : i32
    %c0_i32_0 = arith.constant 0 : i32
    %c0_i32_1 = arith.constant 0 : i32
    return %c0_i32, %c0_i32_0 : i32, i32
  }
  func.func @transform_6(%arg0: i32) -> (i32, i32) {
    %c0_i32 = arith.constant 0 : i32
    %c0_i32_0 = arith.constant 0 : i32
    return %arg0, %c0_i32 : i32, i32
  }
}

</mosaic_0001>

<sc_bundles>
// kernel: kernel.5.cloned.1.call-start
scs
__scs_entry_jumppad:
0x0: {  	(pc) =	sbr.rel $0x88, $3  }
0x1: {  	(tag) =	ssettag $0x0;
	lr =	simm.s32 $0x1  }
0x2: {  	[smem:$0x3F99] =	sst lr;
	_ =	strace $0xD0000000  }
0x3: {  	_ = 	snop  }
0x4: {  	_ = 	snop  }
0x5: {  	_ = 	snop  }
0x6: {  	_ = 	snop  }
0x7: {  	_ = 	snop  }
__scs_overlays_trampoline_lowered:
0x8: {  	[smem:$0x3FA8] =	sst s0  }
0x9: {  	[smem:$0x3FA9] =	sst s1  }
0xa: {  	[smem:$0x3FAA] =	sst s2  }
0xb: {  	[smem:$0x3FAB] =	sst s3  }
0xc: {  	[smem:$0x3FAC] =	sst s4  }
0xd: {  	[smem:$0x3FAD] =	sst s5  }
0xe: {  	[smem:$0x3FAE] =	sst s6  }
0xf: {  	[smem:$0x3FAF] =	sst s7  }
0x10: {  	[smem:$0x3FB0] =	sst s8  }
0x11: {  	[smem:$0x3FB1] =	sst s9;
	s0 =	simm.s32 @!p0 $0x0  }
0x12: {  	s1 =	sld [smem:$0x3F97];
	s0 =	simm.s32 @p0 $0x1  }
0x13: {  	[smem:$0x3FB2] =	sst s0;
	s0 =	simm.s32 @!p1 $0x0  }
0x14: {  	s2 =	sld [smem:$0x3F96];
	s0 =	simm.s32 @p1 $0x1  }
0x15: {  	[smem:$0x3FB3] =	sst s0;
	s0 =	simm.s32 @!p2 $0x0  }
0x16: {  	s3 =	sld [smem:$0x3FDB];
	s0 =	simm.s32 @p2 $0x1  }
0x17: {  	s4 =	simm.s32 $0x1BF5;
	[smem:$0x3FB5] =	sst s0  }
0x18: {  	s0 =	sld [smem:$0x3F98];
	_ =	swait.ge [sflag:s4], $0x0  }
0x19: {  	s7 =	sld [smem:$0x3F99]  }
0x1a: {  	s8 =	sadd.s32 $0xFFFFE003, lr  }
0x1b: {  	s9 =	sadd.s32 $0xFFFFFEF7, lr;
	s5 =	simm.s32 $0xFFFFFFFF;
	p2 =	slt.u32 s8, $0xFFFFF086  }
0x1c: {  	p1 =	slt.u32 s9, $0xF7A;
	s5 =	simm.s32 @!p2 $0x0  }
0x1d: {  	s5 =	simm.s32 @p1 $0x1;
	p0 =	seq.s32 s7, s2  }
0x1e: {  	s7 =	smul.u32 @!p0 $0xF7A, s2;
	p2 =	seq.s32 @!p0 s5, $0x0  }
0x1f: {  	s9 =	smul.u32 $0xF7A, s1;
	s8 =	simm.s32 @!p0 $0x1BF5;
	p2 =	por !p2, p0  }
0x20: {  	[sflag:s8] =	ssyncset.s32 @!p0 $0xFFFFF086;
	s6 =	sadd.s32 @!p0 s3, s7;
	s7 =	simm.s32 @!p0 $0x108  }
0x21: {  	s3 =	sadd.s32 s3, s9;
	s6 =	sadd.s32 @!p0 $0x88, s6;
	s7 =	simm.s32 @p2 $0x1082  }
0x22: {  	[simem:s7], [sflag:s8] =	dma.local @!p0 [hbm:s6], $0xF7A  }
0x23: {  	s9 =	sor.u32 $0xD0000000, s2;
	s6 =	simm.s32 $0x108;
	_ =	swait.ge @!p0 [sflag:s8], $0x0  }
0x24: {  	s3 =	sadd.s32 $0x88, s3;
	s6 =	simm.s32 @!p1 $0x1082;
	[sflag:s4] =	ssyncset.s32 $0xFFFFF086  }
0x25: {  	[simem:s6], [sflag:s4] =	dma.local [hbm:s3], $0xF7A  }
0x26: {  	[smem:$0x3F99] =	sst s1;
	(tag) =	ssettag s2;
	_ =	strace s9  }
0x27: {  	s1 =	sld [smem:$0x3FA9]  }
0x28: {  	s2 =	sld [smem:$0x3FAA]  }
0x29: {  	s4 =	sld [smem:$0x3FAC]  }
0x2a: {  	p0 =	seq.s32 s5, $0x0;
	s5 =	sld [smem:$0x3FAD]  }
0x2b: {  	s6 =	sld [smem:$0x3FAE]  }
0x2c: {  	s7 =	sld [smem:$0x3FAF]  }
0x2d: {  	s3 =	simm.s32 $0x108;
	s8 =	sld [smem:$0x3FB0]  }
0x2e: {  	s3 =	simm.s32 @!p0 $0x1082;
	s9 =	sld [smem:$0x3FB1]  }
0x2f: {  	lr =	sadd.s32 s0, s3;
	s0 =	sld [smem:$0x3FA8]  }
0x30: {  	s3 =	sld [smem:$0x3FAB]  }
0x31: {  	[smem:$0x3FB4] =	sst s10  }
0x32: {  	s10 =	sld [smem:$0x3FB2];
	_ =	sdelay $0x3  }
0x33: {  	p0 =	seq.s32 s10, $0x1;
	s10 =	sld [smem:$0x3FB4];
	_ =	sdelay $0x3  }
0x34: {  	[smem:$0x3FB4] =	sst s10  }
0x35: {  	s10 =	sld [smem:$0x3FB3];
	_ =	sdelay $0x3  }
0x36: {  	p1 =	seq.s32 s10, $0x1;
	s10 =	sld [smem:$0x3FB4];
	_ =	sdelay $0x3  }
0x37: {  	[smem:$0x3FB4] =	sst s10  }
0x38: {  	s10 =	sld [smem:$0x3FB5]  }
0x39: {  	_ = 	snop;
	(pc) =	sbr.ind lr, $3  }
0x3a: {  	_ = 	snop  }
0x3b: {  	_ = 	snop  }
0x3c: {  	p2 =	seq.s32 s10, $0x1;
	s10 =	sld [smem:$0x3FB4]  }
0x3d: {  	_ =	shalt  }
0x3e: {  	_ =	shalt  }
0x3f: {  	_ =	shalt  }
0x40: {  	_ =	shalt  }
0x41: {  	_ =	shalt  }
0x42: {  	_ =	shalt  }
0x43: {  	_ =	shalt  }
0x44: {  	_ =	shalt  }
0x45: {  	_ =	shalt  }
0x46: {  	_ =	shalt  }
0x47: {  	_ =	shalt  }
0x48: {  	_ =	shalt  }
0x49: {  	_ =	shalt  }
0x4a: {  	_ =	shalt  }
0x4b: {  	_ =	shalt  }
0x4c: {  	_ =	shalt  }
0x4d: {  	_ =	shalt  }
0x4e: {  	_ =	shalt  }
0x4f: {  	_ =	shalt  }
0x50: {  	_ =	shalt  }
0x51: {  	_ =	shalt  }
0x52: {  	_ =	shalt  }
0x53: {  	_ =	shalt  }
0x54: {  	_ =	shalt  }
0x55: {  	_ =	shalt  }
0x56: {  	_ =	shalt  }
0x57: {  	_ =	shalt  }
0x58: {  	_ =	shalt  }
0x59: {  	_ =	shalt  }
0x5a: {  	_ =	shalt  }
0x5b: {  	_ =	shalt  }
0x5c: {  	_ =	shalt  }
0x5d: {  	_ =	shalt  }
0x5e: {  	_ =	shalt  }
0x5f: {  	_ =	shalt  }
0x60: {  	_ =	shalt  }
0x61: {  	_ =	shalt  }
0x62: {  	_ =	shalt  }
0x63: {  	_ =	shalt  }
0x64: {  	_ =	shalt  }
0x65: {  	_ =	shalt  }
0x66: {  	_ =	shalt  }
0x67: {  	_ =	shalt  }
0x68: {  	_ =	shalt  }
0x69: {  	_ =	shalt  }
0x6a: {  	_ =	shalt  }
0x6b: {  	_ =	shalt  }
0x6c: {  	_ =	shalt  }
0x6d: {  	_ =	shalt  }
0x6e: {  	_ =	shalt  }
0x6f: {  	_ =	shalt  }
0x70: {  	_ =	shalt  }
0x71: {  	_ =	shalt  }
0x72: {  	_ =	shalt  }
0x73: {  	_ =	shalt  }
0x74: {  	_ =	shalt  }
0x75: {  	_ =	shalt  }
0x76: {  	_ =	shalt  }
0x77: {  	_ =	shalt  }
0x78: {  	_ =	shalt  }
0x79: {  	_ =	shalt  }
0x7a: {  	_ =	shalt  }
0x7b: {  	_ =	shalt  }
0x7c: {  	_ =	shalt  }
0x7d: {  	_ =	shalt  }
0x7e: {  	_ =	shalt  }
0x7f: {  	_ =	shalt  }
0x80: {  	_ =	shalt  }
0x81: {  	_ =	shalt  }
0x82: {  	_ =	shalt  }
0x83: {  	_ =	shalt  }
0x84: {  	_ =	shalt  }
0x85: {  	_ =	shalt  }
0x86: {  	_ =	shalt  }
0x87: {  	_ =	shalt  }
.Lfunc_end0:
.L_simem_size_0:
called_computation_lowered:
.L_overlay_start_0:
0x88: {  	s2 =	sld [smem:$0x3FD9]  }
0x89: {  	s3 =	sld [smem:$0x3FFE];
	_ =	sdelay $0x1  }
0x8a: {  	s1 =	srdreg.scid  }
0x8b: {  	s0 =	sand.u32 $0x1, s1  }
0x8c: {  	s16 =	sshll.u32 s0, $0xA;
	s2 =	sadd.s32 s3, s2  }
0x8d: {  	s2 =	sadd.s32 s2, s16  }
0x8e: {  	[smem:$0x3FC0] =	sst s2  }
0x8f: {  	_ = 	snop  }
0x90: {  	(tm) =	ssettm $0x1  }
0x91: {  	s17 =	sld [smem:$0x3FFB];
	_ =	sdelay $0x3  }
0x92: {  	_ =	strace s17  }
0x93: {  	s2 =	sld [smem:$0x3FFC];
	_ =	sdelay $0x3  }
0x94: {  	_ =	strace s2  }
0x95: {  	s2 =	sld [smem:$0x3FFD];
	_ =	sdelay $0x3  }
0x96: {  	_ =	strace s2  }
0x97: {  	_ =	strace $0x8FFFFFFF  }
0x98: {  	s18 =	sld [smem:$0x3FDB];
	_ =	sdelay $0x1  }
0x99: {  	s19 =	simm.s32 $_scs_section_size  }
0x9a: {  	s4 =	simm.s32 $_size__tile_overlayer_lowered;
	s5 =	simm.s32 $_tile_overlayer_lowered  }
0x9b: {  	s22 =	simm.s32 $0x1BFF;
	s21 =	sshll.u32 s5, $0x1;
	s2 =	sadd.s32 s19, s18  }
0x9c: {  	s6 =	simm.s32 $0x0;
	s20 =	sshll.u32 s4, $0x1;
	s4 =	sadd.s32 s21, s2  }
0x9d: {  	[timem:s6], [sflag:s22] =	dma.local [hbm:s4], s20  }
0x9e: {  	_ =	swait.ge [sflag:s22], s20  }
0x9f: {  	s3 =	ssub.s32 $0x0, s20;
	[sflag:s22] =	ssyncset.done $0x0  }
0xa0: {  	[sflag:s22] =	ssyncadd.s32 s3;
	_ =	sdelay $0x1  }
0xa1: {  	s23 =	simm.s32 $0x1B8B  }
0xa2: {  	_ =	swait.ge [sflag:s23], $0x1  }
0xa3: {  	[sflag:s23] =	ssyncset.done $0x0  }
0xa4: {  	s25 =	simm.s32 $0x1B8E;
	s24 =	sld [smem:$0x3FFE];
	[sflag:s23] =	ssyncadd.s32 $0xFFFFFFFF  }
0xa5: {  	s26 =	simm.s32 $execute0_lowered;
	[smem:$0x3FD2] =	sst s25  }
0xa6: {  	s4 =	sshll.u32 s26, $0x1;
	_ =	strace $0x80000046;
	[dreg:$0x1] =	wrdreg $0xFFFFFFFF  }
0xa7: {  	s28 =	simm.s32 $_size_execute0_lowered;
	s2 =	sadd.s32 s2, s4;
	[dreg:$0x0] =	wrdreg $0x0  }
0xa8: {  	s4 =	sshll.u32 s28, $0x1;
	[dreg:$0x2] =	wrdreg s2  }
0xa9: {  	[dreg:$0x3] =	wrdreg s4  }
0xaa: {  	[dreg:$0x4] =	wrdreg $0xC0  }
0xab: {  	_ =	task [dreg:s6], $0x5FFFF  }
0xac: {  	[dreg:$0x1] =	wrdreg $0xFFFFFFFF  }
0xad: {  	[dreg:$0x0] =	wrdreg $0x60  }
0xae: {  	[dreg:$0x2] =	wrdreg s24  }
0xaf: {  	[dreg:$0x3] =	wrdreg $0x8CA00  }
0xb0: {  	[dreg:$0x4] =	wrdreg $0x1C5200  }
0xb1: {  	[dreg:$0x5] =	wrdreg $0x9  }
0xb2: {  	_ =	task.clear_ibuf [dreg:s6], $0x6FFFF;
	_ =	strace $0x90000046  }
0xb3: {  	s29 =	simm.s32 $0x9;
	_ =	strace $0x80000048  }
0xb4: {  	_ =	swait.ge [sflag:s29], $0x1  }
0xb5: {  	[sflag:s29] =	ssyncadd.s32 $0xFFFFFFFF  }
0xb6: {  	_ =	strace $0x90000048  }
0xb7: {  	_ =	sfence  }
0xb8: {  	s30 =	sld [smem:$0x0];
	_ =	sdelay $0x2  }
0xb9: {  	s31 =	sshll.u32 s1, $0xD;
	s1 =	sshrl.u32 s1, $0x2  }
0xba: {  	s3 =	sand.u32 $0x4000, s31;
	s1 =	sadd.s32 s1, s30  }
0xbb: {  	s0 =	sor.u32 s3, s0;
	s1 =	sshll.u32 s1, $0x11  }
0xbc: {  	s0 =	sor.u32 s1, s0  }
0xbd: {  	s0 =	sadd.s32 $0x8F2B, s0  }
0xbe: {  	[sflag:s0] =	ssyncadd.remote.s32 $0x1  }
0xbf: {  	_ =	sfence.sel $0xFFFF  }
0xc0: {  	[dreg:$0x0] =	wrdreg $0xFFFFFFFF;
	(pc) =	sbr.abs _section_cstart, $3  }
0xc1: {  	[dreg:$0x1] =	wrdreg $0xFFFFFFFF  }
0xc2: {  	_ =	task.clear_ibuf [dreg:s6], $0x2FFFF;
	_ =	strace $0x9FFFFFFF  }
0xc3: {  	(tm) =	ssettm $0x7FFFFFFF  }
tec
execute0_lowered:
.L_overlay_start_1:
0x0: {  	(tag) =	ssettag $0x1  }
0x1: {  	s0 =	srdreg.scid;
	s4 =	rddreg [dreg:$0x0]  }
0x2: {  	s10 =	stileid.u32;
	s2 =	rddreg [dreg:$0x1]  }
0x3: {  	s3 =	rddreg [dreg:$0x2];
	s5 =	simm.s32 $0x0;
	s28 =	simm.s32 $0xF00  }
0x4: {  	s29 =	simm.s32 $0xF50;
	s30 =	simm.s32 $0x7;
	s6 =	smul.u32 $0x13880, s10  }
0x5: {  	s31 =	simm.s32 $0x0;
	s0 =	sand.u32 $0x1, s0;
	s8 =	smul.u32 $0x2710, s10  }
0x6: {  	s1 =	sshll.u32 s10, $0x1;
	[smem:$0x7FF] =	sst s5;
	s10 =	smul.u32 $0x271, s10  }
0x7: {  	s5 =	sadd.s32 $0x15400, s4;
	s1 =	sor.u32 s0, s1;
	s7 =	smul.u32 $0x138800, s0  }
0x8: {  	_ =	strace $0x80000047;
	s9 =	smul.u32 $0x27100, s0;
	s0 =	ssub.s32 $0x2, s0  }
0x9: {  	s1 =	smul.u32 $0x2710, s1;
	s13 =	sshrl.u32 s0, $0x1;
	s14 =	sadd.s32 $0x50, s10  }
0xa: {  	s17 =	sadd.s32 $0xA0, s10;
	s12 =	sadd.s32 $0xF0, s10;
	s21 =	sadd.s32 $0x140, s10  }
0xb: {  	s24 =	sadd.s32 $0x190, s10;
	s26 =	sadd.s32 $0x1E0, s10;
	s7 =	sadd.s32 s6, s7  }
0xc: {  	s9 =	sadd.s32 s8, s9;
	s0 =	ssub.s32 s0, s13;
	s6 =	sadd.s32 s6, s2  }
0xd: {  	s15 =	sshll.u32 s14, $0x7;
	s18 =	sshll.u32 s17, $0x7;
	s19 =	sshll.u32 s12, $0x7  }
0xe: {  	s20 =	sshll.u32 s12, $0x4;
	s1 =	sshrl.u32 s1, $0x3;
	s7 =	sshrl.u32 s7, $0x3  }
0xf: {  	s9 =	sshrl.u32 s9, $0x3;
	s0 =	smax.u32 s0, $0x1;
	s1 =	sadd.s32 s1, s4  }
0x10: {  	s11 =	sadd.s32 s7, s4;
	s4 =	sadd.s32 s9, s4;
	s7 =	sadd.s32 s8, s3  }
0x11: {  	s9 =	sshll.u32 s14, $0x4;
	s8 =	sadd.s32 s15, s2;
	[dreg:$0x1e] =	wrdreg s0  }
0x12: {  	s22 =	sshll.u32 s21, $0x7;
	[dreg:$0x4] =	wrdreg s8;
	s16 =	sadd.s32 s9, s3  }
0x13: {  	s25 =	sshll.u32 s24, $0x7;
	s9 =	sadd.s32 s18, s2;
	[dreg:$0x5] =	wrdreg s16  }
0x14: {  	s8 =	sshll.u32 s17, $0x4;
	s17 =	sadd.s32 $0xB640, s1;
	[dreg:$0x6] =	wrdreg s9  }
0x15: {  	s12 =	sshll.u32 s26, $0x4;
	s18 =	sadd.s32 $0x1AFA, s1;
	[dreg:$0x13] =	wrdreg s17  }
0x16: {  	s13 =	sadd.s32 $0x230, s10;
	s8 =	sadd.s32 s8, s3;
	[dreg:$0x14] =	wrdreg s18  }
0x17: {  	s10 =	simm.s32 $0x7D0;
	s16 =	sadd.s32 $0x1A00, s1;
	[dreg:$0x7] =	wrdreg s8  }
0x18: {  	s9 =	sshll.u32 s21, $0x4;
	s21 =	sadd.s32 $0xB834, s1;
	[dreg:$0x12] =	wrdreg s16  }
0x19: {  	s14 =	sshll.u32 s13, $0x7;
	s8 =	sadd.s32 s19, s2;
	[dreg:$0x17] =	wrdreg s21  }
0x1a: {  	s17 =	simm.s32 $0x5FA0;
	s23 =	sadd.s32 s9, s3;
	[dreg:$0x8] =	wrdreg s8  }
0x1b: {  	s18 =	simm.s32 $0x1;
	s9 =	sadd.s32 s25, s2;
	[dreg:$0xb] =	wrdreg s23  }
0x1c: {  	s19 =	sadd.s32 $0xB73A, s1;
	s25 =	sadd.s32 $0x46400, s11;
	[dreg:$0xc] =	wrdreg s9  }
0x1d: {  	s11 =	simm.s32 $0x8;
	s16 =	simm.s32 $0xA0;
	[dreg:$0x15] =	wrdreg s19  }
0x1e: {  	s21 =	simm.s32 $0x5;
	s8 =	sadd.s32 s20, s3;
	[dreg:$0x1c] =	wrdreg s25  }
0x1f: {  	s9 =	sshll.u32 s26, $0x7;
	s20 =	sadd.s32 $0x1BF4, s1;
	[dreg:$0x9] =	wrdreg s8  }
0x20: {  	s23 =	sadd.s32 $0xB92E, s1;
	s26 =	sadd.s32 $0x3C600, s4;
	[dreg:$0x16] =	wrdreg s20  }
0x21: {  	s19 =	simm.s32 $0x4;
	s25 =	simm.s32 $0x780;
	[dreg:$0x19] =	wrdreg s23  }
0x22: {  	s8 =	sadd.s32 s22, s2;
	s22 =	sadd.s32 $0x1CEE, s1;
	[dreg:$0x1d] =	wrdreg s26  }
0x23: {  	s20 =	simm.s32 $0x2;
	s23 =	simm.s32 $0x6;
	[dreg:$0xa] =	wrdreg s8  }
0x24: {  	s8 =	sshll.u32 s24, $0x4;
	[dreg:$0x18] =	wrdreg s22;
	s24 =	sadd.s32 $0x1DE8, s1  }
0x25: {  	s26 =	simm.s32 $0xEB0;
	s1 =	sadd.s32 $0xBA28, s1;
	[dreg:$0x1a] =	wrdreg s24  }
0x26: {  	s22 =	simm.s32 $0x3;
	s8 =	sadd.s32 s8, s3;
	[dreg:$0x1b] =	wrdreg s1  }
0x27: {  	s24 =	simm.s32 $0xE60;
	[dreg:$0xd] =	wrdreg s8;
	s8 =	sadd.s32 s9, s2  }
0x28: {  	s9 =	sshll.u32 s13, $0x4;
	[dreg:$0xe] =	wrdreg s8;
	s8 =	sadd.s32 s12, s3  }
0x29: {  	s13 =	simm.s32 $0xFA0;
	s15 =	sadd.s32 s9, s3;
	[dreg:$0xf] =	wrdreg s8  }
0x2a: {  	s12 =	simm.s32 $0x50;
	s8 =	sadd.s32 s14, s2;
	[dreg:$0x11] =	wrdreg s15  }
0x2b: {  	v0 =	vimm.f32 $0.0e+00;
	v1 =	vimm.f32 $1.000000000e+00;
	s14 =	simm.s32 $0x37A0;
	s15 =	simm.s32 $0x87A0;
	[dreg:$0x10] =	wrdreg s8  }
.LBB2_1:
0x2c: {  	s0 =	simm.s32 $0x0;
	s1 =	rddreg [dreg:$0x12]  }
0x2d: {  	[tilespmem:s10], [sflag:$0x8] =	stream.linear.gather [hbm4b:s1+s0], $0x7D0, $0x38;
	[tilespmem:$0x1EC30] =	vst v63  }
0x2e: {  	_ =	swait.ge [sflag:s11], $0x7D0  }
0x2f: {  	[sflag:s11] =	ssyncset.done $0x0  }
0x30: {  	s9 =	rddreg [dreg:$0x13];
	[sflag:s11] =	ssyncadd.s32 $0xFFFFF830  }
0x31: {  	[tilespmem:s0], [sflag:$0x8] =	stream.linear.gather [hbm4b:s9+s0], $0x7D0, $0x38;
	[tilespmem:$0x1EC30] =	vst v63  }
0x32: {  	_ =	swait.ge [sflag:s11], $0x7D0  }
0x33: {  	[sflag:s11] =	ssyncset.done $0x0  }
0x34: {  	[sflag:s11] =	ssyncadd.s32 $0xFFFFF830  }
0x35: {  	[tilespmem:s13], [sflag:$0x1] =	stream.indirect.gather [hbm4b:s5+s12], $0x80, s0, s12, $0xb8;
	[tilespmem:$0x1EC30] =	vst v63  }
0x36: {  	s0 =	simm.s32 $0x37E0  }
0x37: {  	[tilespmem:s0+$0xFFFFFFD0] =	vst v0  }
0x38: {  	[tilespmem:s0+$0xFFFFFFE0] =	vst v0  }
0x39: {  	[tilespmem:s0+$0xFFFFFFF0] =	vst v0  }
0x3a: {  	[tilespmem:s0+$0x0] =	vst v0  }
0x3b: {  	[tilespmem:s0+$0x10] =	vst v0  }
0x3c: {  	[tilespmem:s0+$0x20] =	vst v0  }
0x3d: {  	[tilespmem:s0+$0x30] =	vst v0  }
0x3e: {  	s8 =	simm.s32 $0x0;
	s1 =	simm.s32 $0x40;
	[tilespmem:s0+$0xFFFFFFC0] =	vst v0  }
.LBB2_2:
0x3f: {  	p0 =	sne.s32 s1, $0x13C0;
	[tilespmem:s8+$0x87A0] =	vst v0;
	s0 =	sadd.s32 $0x80, s0  }
0x40: {  	[tilespmem:s0+$0xFFFFFFD0] =	vst v0  }
0x41: {  	[tilespmem:s0+$0xFFFFFFE0] =	vst v0  }
0x42: {  	[tilespmem:s0+$0xFFFFFFF0] =	vst v0  }
.Ltmp0:
0x43: {  	[tilespmem:s0+$0x0] =	vst v0;
	(pc) =	sbr.rel @p0 .LBB2_2-.Ltmp0, $4  }
0x44: {  	[tilespmem:s0+$0x10] =	vst v0  }
0x45: {  	[tilespmem:s0+$0x20] =	vst v0  }
0x46: {  	[tilespmem:s0+$0x30] =	vst v0  }
0x47: {  	s8 =	sshra.s32 s1, $0x2;
	s1 =	sadd.s32 $0x40, s1;
	[tilespmem:s0+$0xFFFFFFC0] =	vst v0  }
0x48: {  	[tilespmem:s8+$0x87A0] =	vst v0  }
0x49: {  	[spmem:s6] =	stream.linear.scatter [tilespmem:s14], [sflag:$0x8], $0x2800, $0x38;
	[tilespmem:$0x1EC30] =	vst v63  }
0x4a: {  	_ =	swait.ge [sflag:s11], $0x2800  }
0x4b: {  	[sflag:s11] =	ssyncset.done $0x0  }
0x4c: {  	[sflag:s11] =	ssyncadd.s32 $0xFFFFD800  }
0x4d: {  	[spmem:s7] =	stream.linear.scatter [tilespmem:s15], [sflag:$0x8], $0x500, $0x38;
	[tilespmem:$0x1EC30] =	vst v63  }
0x4e: {  	_ =	swait.ge [sflag:s11], $0x500  }
0x4f: {  	[sflag:s11] =	ssyncset.done $0x0  }
0x50: {  	s0 =	rddreg [dreg:$0x4];
	[sflag:s11] =	ssyncadd.s32 $0xFFFFFB00  }
0x51: {  	[spmem:s0] =	stream.linear.scatter [tilespmem:s14], [sflag:$0x8], $0x2800, $0x38;
	[tilespmem:$0x1EC30] =	vst v63  }
0x52: {  	_ =	swait.ge [sflag:s11], $0x2800  }
0x53: {  	[sflag:s11] =	ssyncset.done $0x0  }
0x54: {  	s9 =	rddreg [dreg:$0x5];
	[sflag:s11] =	ssyncadd.s32 $0xFFFFD800  }
0x55: {  	[spmem:s9] =	stream.linear.scatter [tilespmem:s15], [sflag:$0x8], $0x500, $0x38;
	[tilespmem:$0x1EC30] =	vst v63  }
0x56: {  	_ =	swait.ge [sflag:s11], $0x500  }
0x57: {  	[sflag:s11] =	ssyncset.done $0x0  }
0x58: {  	s1 =	rddreg [dreg:$0x6];
	[sflag:s11] =	ssyncadd.s32 $0xFFFFFB00  }
0x59: {  	[spmem:s1] =	stream.linear.scatter [tilespmem:s14], [sflag:$0x8], $0x2800, $0x38;
	[tilespmem:$0x1EC30] =	vst v63  }
0x5a: {  	_ =	swait.ge [sflag:s11], $0x2800  }
0x5b: {  	[sflag:s11] =	ssyncset.done $0x0  }
0x5c: {  	s4 =	rddreg [dreg:$0x7];
	[sflag:s11] =	ssyncadd.s32 $0xFFFFD800  }
0x5d: {  	[spmem:s4] =	stream.linear.scatter [tilespmem:s15], [sflag:$0x8], $0x500, $0x38;
	[tilespmem:$0x1EC30] =	vst v63  }
0x5e: {  	_ =	swait.ge [sflag:s11], $0x500  }
0x5f: {  	[sflag:s11] =	ssyncset.done $0x0  }
0x60: {  	s8 =	rddreg [dreg:$0x8];
	[sflag:s11] =	ssyncadd.s32 $0xFFFFFB00  }
0x61: {  	[spmem:s8] =	stream.linear.scatter [tilespmem:s14], [sflag:$0x8], $0x2800, $0x38;
	[tilespmem:$0x1EC30] =	vst v63  }
0x62: {  	_ =	swait.ge [sflag:s11], $0x2800  }
0x63: {  	[sflag:s11] =	ssyncset.done $0x0  }
0x64: {  	s9 =	rddreg [dreg:$0x9];
	[sflag:s11] =	ssyncadd.s32 $0xFFFFD800  }
0x65: {  	[spmem:s9] =	stream.linear.scatter [tilespmem:s15], [sflag:$0x8], $0x500, $0x38;
	[tilespmem:$0x1EC30] =	vst v63  }
0x66: {  	_ =	swait.ge [sflag:s11], $0x500  }
0x67: {  	[sflag:s11] =	ssyncset.done $0x0  }
0x68: {  	s1 =	rddreg [dreg:$0xa];
	[sflag:s11] =	ssyncadd.s32 $0xFFFFFB00  }
0x69: {  	[spmem:s1] =	stream.linear.scatter [tilespmem:s14], [sflag:$0x8], $0x2800, $0x38;
	[tilespmem:$0x1EC30] =	vst v63  }
0x6a: {  	_ =	swait.ge [sflag:s11], $0x2800  }
0x6b: {  	[sflag:s11] =	ssyncset.done $0x0  }
0x6c: {  	s4 =	rddreg [dreg:$0xb];
	[sflag:s11] =	ssyncadd.s32 $0xFFFFD800  }
0x6d: {  	[spmem:s4] =	stream.linear.scatter [tilespmem:s15], [sflag:$0x8], $0x500, $0x38;
	[tilespmem:$0x1EC30] =	vst v63  }
0x6e: {  	_ =	swait.ge [sflag:s11], $0x500  }
0x6f: {  	[sflag:s11] =	ssyncset.done $0x0  }
0x70: {  	s8 =	rddreg [dreg:$0xc];
	[sflag:s11] =	ssyncadd.s32 $0xFFFFFB00  }
0x71: {  	[spmem:s8] =	stream.linear.scatter [tilespmem:s14], [sflag:$0x8], $0x2800, $0x38;
	[tilespmem:$0x1EC30] =	vst v63  }
0x72: {  	_ =	swait.ge [sflag:s11], $0x2800  }
0x73: {  	[sflag:s11] =	ssyncset.done $0x0  }
0x74: {  	s9 =	rddreg [dreg:$0xd];
	[sflag:s11] =	ssyncadd.s32 $0xFFFFD800  }
0x75: {  	[spmem:s9] =	stream.linear.scatter [tilespmem:s15], [sflag:$0x8], $0x500, $0x38;
	[tilespmem:$0x1EC30] =	vst v63  }
0x76: {  	_ =	swait.ge [sflag:s11], $0x500  }
0x77: {  	[sflag:s11] =	ssyncset.done $0x0  }
0x78: {  	s1 =	rddreg [dreg:$0xe];
	[sflag:s11] =	ssyncadd.s32 $0xFFFFFB00  }
0x79: {  	[spmem:s1] =	stream.linear.scatter [tilespmem:s14], [sflag:$0x8], $0x2800, $0x38;
	[tilespmem:$0x1EC30] =	vst v63  }
0x7a: {  	_ =	swait.ge [sflag:s11], $0x2800  }
0x7b: {  	[sflag:s11] =	ssyncset.done $0x0  }
0x7c: {  	s4 =	rddreg [dreg:$0xf];
	[sflag:s11] =	ssyncadd.s32 $0xFFFFD800  }
0x7d: {  	[spmem:s4] =	stream.linear.scatter [tilespmem:s15], [sflag:$0x8], $0x500, $0x38;
	[tilespmem:$0x1EC30] =	vst v63  }
0x7e: {  	_ =	swait.ge [sflag:s11], $0x500  }
0x7f: {  	[sflag:s11] =	ssyncset.done $0x0  }
0x80: {  	s8 =	rddreg [dreg:$0x10];
	[sflag:s11] =	ssyncadd.s32 $0xFFFFFB00  }
0x81: {  	[spmem:s8] =	stream.linear.scatter [tilespmem:s14], [sflag:$0x8], $0x2080, $0x38;
	[tilespmem:$0x1EC30] =	vst v63  }
0x82: {  	_ =	swait.ge [sflag:s11], $0x2080  }
0x83: {  	[sflag:s11] =	ssyncset.done $0x0  }
0x84: {  	s9 =	rddreg [dreg:$0x11];
	[sflag:s11] =	ssyncadd.s32 $0xFFFFDF80  }
0x85: {  	[spmem:s9] =	stream.linear.scatter [tilespmem:s15], [sflag:$0x8], $0x410, $0x38;
	[tilespmem:$0x1EC30] =	vst v63  }
0x86: {  	_ =	swait.ge [sflag:s11], $0x410  }
0x87: {  	[sflag:s11] =	ssyncset.done $0x0  }
0x88: {  	s0 =	simm.s32 $0x40;
	s1 =	simm.s32 $0x0;
	[sflag:s11] =	ssyncadd.s32 $0xFFFFFBF0  }
.LBB2_4:
0x89: {  	p0 =	sne.s32 s0, $0x13C0;
	[tilespmem:s1+$0x87A0] =	vst v1;
	s1 =	smov.u32 s0;
	s0 =	sadd.s32 $0x40, s0  }
.Ltmp1:
0x8a: {  	(pc) =	sbr.rel @p0 .LBB2_4-.Ltmp1, $2  }
0x8b: {  	_ =	sdelay $0x2  }
0x8c: {  	s1 =	sshra.s32 s1, $0x2  }
0x8d: {  	[tilespmem:s1+$0x87A0] =	vst v1  }
0x8e: {  	[bflag:$0x0] =	sbarrier.arrive $0xFFFF  }
0x8f: {  	[tilespmem:s14], [sflag:$0x2] =	stream.indirect.gather [hbm4b:s5+s12], $0x80, s12, s12, $0xb8;
	[tilespmem:$0x1EC30] =	vst v63  }
0x90: {  	_ = 	snop  }
0x91: {  	[tilespmem:s17], [sflag:$0x3] =	stream.indirect.gather [hbm4b:s5+s12], $0x80, s16, s12, $0xb8;
	[tilespmem:$0x1EC30] =	vst v63  }
0x92: {  	s0 =	simm.s32 $0x7D0  }
0x93: {  	[spmem:s3] =	stream.indirect.scatter.add.f32 [tilespmem:s15], [sflag:$0x7], $0x10, s0, s12, $0xb8;
	[tilespmem:$0x1EC30] =	vst v63  }
0x94: {  	_ =	swait.ge [sflag:s18], $0x2800  }
0x95: {  	[sflag:s18] =	ssyncset.done $0x0  }
0x96: {  	[sflag:s18] =	ssyncadd.s32 $0xFFFFD800  }
0x97: {  	[spmem:s2] =	stream.indirect.scatter.add.f32 [tilespmem:s13], [sflag:$0x4], $0x80, s0, s12, $0xb8;
	[tilespmem:$0x1EC30] =	vst v63  }
0x98: {  	_ =	swait.ge [sflag:s19], $0x2800  }
0x99: {  	[sflag:s19] =	ssyncset.done $0x0  }
0x9a: {  	s1 =	simm.s32 $0xF0;
	[sflag:s19] =	ssyncadd.s32 $0xFFFFD800  }
0x9b: {  	[tilespmem:s13], [sflag:$0x1] =	stream.indirect.gather [hbm4b:s5+s12], $0x80, s1, s12, $0xb8;
	[tilespmem:$0x1EC30] =	vst v63  }
0x9c: {  	s4 =	simm.s32 $0x820  }
0x9d: {  	[spmem:s3] =	stream.indirect.scatter.add.f32 [tilespmem:s15], [sflag:$0x7], $0x10, s4, s12, $0xb8;
	[tilespmem:$0x1EC30] =	vst v63  }
0x9e: {  	_ =	swait.ge [sflag:s20], $0x2800  }
0x9f: {  	[sflag:s20] =	ssyncset.done $0x0  }
0xa0: {  	[sflag:s20] =	ssyncadd.s32 $0xFFFFD800  }
0xa1: {  	[spmem:s2] =	stream.indirect.scatter.add.f32 [tilespmem:s14], [sflag:$0x5], $0x80, s4, s12, $0xb8;
	[tilespmem:$0x1EC30] =	vst v63  }
0xa2: {  	_ =	swait.ge [sflag:s21], $0x2800  }
0xa3: {  	[sflag:s21] =	ssyncset.done $0x0  }
0xa4: {  	s8 =	simm.s32 $0x140;
	[sflag:s21] =	ssyncadd.s32 $0xFFFFD800  }
0xa5: {  	[tilespmem:s14], [sflag:$0x2] =	stream.indirect.gather [hbm4b:s5+s12], $0x80, s8, s12, $0xb8;
	[tilespmem:$0x1EC30] =	vst v63  }
0xa6: {  	s9 =	simm.s32 $0x870  }
0xa7: {  	[spmem:s3] =	stream.indirect.scatter.add.f32 [tilespmem:s15], [sflag:$0x7], $0x10, s9, s12, $0xb8;
	[tilespmem:$0x1EC30] =	vst v63  }
0xa8: {  	_ =	swait.ge [sflag:s22], $0x2800  }
0xa9: {  	[sflag:s22] =	ssyncset.done $0x0  }
0xaa: {  	[sflag:s22] =	ssyncadd.s32 $0xFFFFD800  }
0xab: {  	[spmem:s2] =	stream.indirect.scatter.add.f32 [tilespmem:s17], [sflag:$0x6], $0x80, s9, s12, $0xb8;
	[tilespmem:$0x1EC30] =	vst v63  }
0xac: {  	_ =	swait.ge [sflag:s23], $0x2800  }
0xad: {  	s0 =	simm.s32 $0x780;
	[sflag:s23] =	ssyncset.done $0x0  }
0xae: {  	s1 =	simm.s32 $0xF0;
	s4 =	simm.s32 $0x190;
	[sflag:s23] =	ssyncadd.s32 $0xFFFFD800  }
.LBB2_6:
0xaf: {  	[tilespmem:s17], [sflag:$0x3] =	stream.indirect.gather [hbm4b:s5+s12], $0x80, s4, s12, $0xb8;
	[tilespmem:$0x1EC30] =	vst v63  }
0xb0: {  	s4 =	smov.u32 s0  }
0xb1: {  	s9 =	sadd.s32 $0x3C0, s0;
	s8 =	sshra.s32 s4, $0x2;
	s4 =	sadd.s32 $0x7D0, s1  }
0xb2: {  	[spmem:s3] =	stream.indirect.scatter.add.f32 [tilespmem:s15], [sflag:$0x7], $0x10, s4, s12, $0xb8;
	[tilespmem:$0x1EC30] =	vst v63  }
0xb3: {  	p0 =	sne.s32 s0, $0x1680;
	_ =	swait.ge [sflag:s18], $0x2800  }
0xb4: {  	[sflag:s18] =	ssyncset.done $0x0  }
0xb5: {  	[sflag:s18] =	ssyncadd.s32 $0xFFFFD800  }
0xb6: {  	[spmem:s2] =	stream.indirect.scatter.add.f32 [tilespmem:s13], [sflag:$0x4], $0x80, s4, s12, $0xb8;
	[tilespmem:$0x1EC30] =	vst v63  }
0xb7: {  	_ =	swait.ge [sflag:s19], $0x2800  }
0xb8: {  	[sflag:s19] =	ssyncset.done $0x0  }
0xb9: {  	s0 =	sadd.s32 $0xF0, s1;
	[sflag:s19] =	ssyncadd.s32 $0xFFFFD800  }
0xba: {  	[tilespmem:s13], [sflag:$0x1] =	stream.indirect.gather [hbm4b:s5+s12], $0x80, s0, s12, $0xb8;
	[tilespmem:$0x1EC30] =	vst v63  }
0xbb: {  	s0 =	sadd.s32 $0x820, s1  }
0xbc: {  	[spmem:s3] =	stream.indirect.scatter.add.f32 [tilespmem:s15], [sflag:$0x7], $0x10, s0, s12, $0xb8;
	[tilespmem:$0x1EC30] =	vst v63  }
0xbd: {  	_ =	swait.ge [sflag:s20], $0x2800  }
0xbe: {  	[sflag:s20] =	ssyncset.done $0x0  }
0xbf: {  	[sflag:s20] =	ssyncadd.s32 $0xFFFFD800  }
0xc0: {  	[spmem:s2] =	stream.indirect.scatter.add.f32 [tilespmem:s14], [sflag:$0x5], $0x80, s0, s12, $0xb8;
	[tilespmem:$0x1EC30] =	vst v63  }
0xc1: {  	_ =	swait.ge [sflag:s21], $0x2800  }
0xc2: {  	[sflag:s21] =	ssyncset.done $0x0  }
0xc3: {  	s0 =	sadd.s32 $0x140, s1;
	[sflag:s21] =	ssyncadd.s32 $0xFFFFD800  }
0xc4: {  	[tilespmem:s14], [sflag:$0x2] =	stream.indirect.gather [hbm4b:s5+s12], $0x80, s0, s12, $0xb8;
	[tilespmem:$0x1EC30] =	vst v63  }
0xc5: {  	s0 =	sadd.s32 $0x870, s1  }
0xc6: {  	[spmem:s3] =	stream.indirect.scatter.add.f32 [tilespmem:s15], [sflag:$0x7], $0x10, s0, s12, $0xb8;
	[tilespmem:$0x1EC30] =	vst v63  }
0xc7: {  	_ =	swait.ge [sflag:s22], $0x2800  }
0xc8: {  	[sflag:s22] =	ssyncset.done $0x0  }
.Ltmp2:
0xc9: {  	[sflag:s22] =	ssyncadd.s32 $0xFFFFD800;
	(pc) =	sbr.rel @p0 .LBB2_6-.Ltmp2, $4  }
0xca: {  	[spmem:s2] =	stream.indirect.scatter.add.f32 [tilespmem:s17], [sflag:$0x6], $0x80, s0, s12, $0xb8;
	[tilespmem:$0x1EC30] =	vst v63  }
0xcb: {  	_ =	swait.ge [sflag:s23], $0x2800  }
0xcc: {  	s4 =	sadd.s32 $0x190, s1;
	[sflag:s23] =	ssyncset.done $0x0  }
0xcd: {  	s1 =	smov.u32 s8;
	s0 =	smov.u32 s9;
	[sflag:s23] =	ssyncadd.s32 $0xFFFFD800  }
0xce: {  	[tilespmem:s17], [sflag:$0x3] =	stream.indirect.gather [hbm4b:s5+s12], $0x80, s4, s12, $0xb8;
	[tilespmem:$0x1EC30] =	vst v63  }
0xcf: {  	s0 =	sadd.s32 $0x7D0, s1  }
0xd0: {  	[spmem:s3] =	stream.indirect.scatter.add.f32 [tilespmem:s15], [sflag:$0x7], $0x10, s0, s12, $0xb8;
	[tilespmem:$0x1EC30] =	vst v63  }
0xd1: {  	_ =	swait.ge [sflag:s18], $0x2800  }
0xd2: {  	[sflag:s18] =	ssyncset.done $0x0  }
0xd3: {  	[sflag:s18] =	ssyncadd.s32 $0xFFFFD800  }
0xd4: {  	[spmem:s2] =	stream.indirect.scatter.add.f32 [tilespmem:s13], [sflag:$0x4], $0x80, s0, s12, $0xb8;
	[tilespmem:$0x1EC30] =	vst v63  }
0xd5: {  	_ =	swait.ge [sflag:s19], $0x2800  }
0xd6: {  	[sflag:s19] =	ssyncset.done $0x0  }
0xd7: {  	s4 =	sadd.s32 $0xF0, s1;
	[sflag:s19] =	ssyncadd.s32 $0xFFFFD800  }
0xd8: {  	[tilespmem:s13], [sflag:$0x1] =	stream.indirect.gather [hbm4b:s5+s12], $0x80, s4, s12, $0xb8;
	[tilespmem:$0x1EC30] =	vst v63  }
0xd9: {  	s8 =	sadd.s32 $0x820, s1  }
0xda: {  	[spmem:s3] =	stream.indirect.scatter.add.f32 [tilespmem:s15], [sflag:$0x7], $0x10, s8, s12, $0xb8;
	[tilespmem:$0x1EC30] =	vst v63  }
0xdb: {  	_ =	swait.ge [sflag:s20], $0x2800  }
0xdc: {  	[sflag:s20] =	ssyncset.done $0x0  }
0xdd: {  	[sflag:s20] =	ssyncadd.s32 $0xFFFFD800  }
0xde: {  	[spmem:s2] =	stream.indirect.scatter.add.f32 [tilespmem:s14], [sflag:$0x5], $0x80, s8, s12, $0xb8;
	[tilespmem:$0x1EC30] =	vst v63  }
0xdf: {  	_ =	swait.ge [sflag:s21], $0x2800  }
0xe0: {  	[sflag:s21] =	ssyncset.done $0x0  }
0xe1: {  	s9 =	sadd.s32 $0x140, s1;
	[sflag:s21] =	ssyncadd.s32 $0xFFFFD800  }
0xe2: {  	[tilespmem:s14], [sflag:$0x2] =	stream.indirect.gather [hbm4b:s5+s12], $0x80, s9, s12, $0xb8;
	[tilespmem:$0x1EC30] =	vst v63  }
0xe3: {  	s4 =	sadd.s32 $0x870, s1  }
0xe4: {  	[spmem:s3] =	stream.indirect.scatter.add.f32 [tilespmem:s15], [sflag:$0x7], $0x10, s4, s12, $0xb8;
	[tilespmem:$0x1EC30] =	vst v63  }
0xe5: {  	_ =	swait.ge [sflag:s22], $0x2800  }
0xe6: {  	[sflag:s22] =	ssyncset.done $0x0  }
0xe7: {  	[sflag:s22] =	ssyncadd.s32 $0xFFFFD800  }
0xe8: {  	[spmem:s2] =	stream.indirect.scatter.add.f32 [tilespmem:s17], [sflag:$0x6], $0x80, s4, s12, $0xb8;
	[tilespmem:$0x1EC30] =	vst v63  }
0xe9: {  	_ =	swait.ge [sflag:s23], $0x2800  }
0xea: {  	[sflag:s23] =	ssyncset.done $0x0  }
0xeb: {  	s8 =	sadd.s32 $0x190, s1;
	[sflag:s23] =	ssyncadd.s32 $0xFFFFD800  }
0xec: {  	[tilespmem:s17], [sflag:$0x3] =	stream.indirect.gather [hbm4b:s5+s12], $0x80, s8, s12, $0xb8;
	[tilespmem:$0x1EC30] =	vst v63  }
0xed: {  	_ = 	snop  }
0xee: {  	[spmem:s3] =	stream.indirect.scatter.add.f32 [tilespmem:s15], [sflag:$0x7], $0x10, s24, s12, $0xb8;
	[tilespmem:$0x1EC30] =	vst v63  }
0xef: {  	_ =	swait.ge [sflag:s18], $0x2800  }
0xf0: {  	[sflag:s18] =	ssyncset.done $0x0  }
0xf1: {  	[sflag:s18] =	ssyncadd.s32 $0xFFFFD800  }
0xf2: {  	[spmem:s2] =	stream.indirect.scatter.add.f32 [tilespmem:s13], [sflag:$0x4], $0x80, s24, s12, $0xb8;
	[tilespmem:$0x1EC30] =	vst v63  }
0xf3: {  	_ =	swait.ge [sflag:s19], $0x2800  }
0xf4: {  	[sflag:s19] =	ssyncset.done $0x0  }
0xf5: {  	[sflag:s19] =	ssyncadd.s32 $0xFFFFD800  }
0xf6: {  	[tilespmem:s13], [sflag:$0x1] =	stream.indirect.gather [hbm4b:s5+s12], $0x80, s25, s12, $0xb8;
	[tilespmem:$0x1EC30] =	vst v63  }
0xf7: {  	_ = 	snop  }
0xf8: {  	[spmem:s3] =	stream.indirect.scatter.add.f32 [tilespmem:s15], [sflag:$0x7], $0x10, s26, s12, $0xb8;
	[tilespmem:$0x1EC30] =	vst v63  }
0xf9: {  	_ =	swait.ge [sflag:s20], $0x2800  }
0xfa: {  	[sflag:s20] =	ssyncset.done $0x0  }
0xfb: {  	[sflag:s20] =	ssyncadd.s32 $0xFFFFD800  }
0xfc: {  	[spmem:s2] =	stream.indirect.scatter.add.f32 [tilespmem:s14], [sflag:$0x5], $0x80, s26, s12, $0xb8;
	[tilespmem:$0x1EC30] =	vst v63  }
0xfd: {  	_ = 	snop  }
0xfe: {  	[spmem:s3] =	stream.indirect.scatter.add.f32 [tilespmem:s15], [sflag:$0x7], $0x10, s28, s12, $0xb8;
	[tilespmem:$0x1EC30] =	vst v63  }
0xff: {  	_ =	swait.ge [sflag:s22], $0x2800  }
0x100: {  	[sflag:s22] =	ssyncset.done $0x0  }
0x101: {  	[sflag:s22] =	ssyncadd.s32 $0xFFFFD800  }
0x102: {  	[spmem:s2] =	stream.indirect.scatter.add.f32 [tilespmem:s17], [sflag:$0x6], $0x80, s28, s12, $0xb8;
	[tilespmem:$0x1EC30] =	vst v63  }
0x103: {  	_ = 	snop  }
0x104: {  	[spmem:s3] =	stream.indirect.scatter.add.f32 [tilespmem:s15], [sflag:$0x7], $0x10, s29, s12, $0xb8;
	[tilespmem:$0x1EC30] =	vst v63  }
0x105: {  	_ =	swait.ge [sflag:s18], $0x2800  }
0x106: {  	[sflag:s18] =	ssyncset.done $0x0  }
0x107: {  	[sflag:s18] =	ssyncadd.s32 $0xFFFFD800  }
0x108: {  	[spmem:s2] =	stream.indirect.scatter.add.f32 [tilespmem:s13], [sflag:$0x4], $0x80, s29, s12, $0xb8;
	[tilespmem:$0x1EC30] =	vst v63  }
0x109: {  	_ =	swait.ge [sflag:s19], $0x2800  }
0x10a: {  	[sflag:s19] =	ssyncset.done $0x0  }
0x10b: {  	[sflag:s19] =	ssyncadd.s32 $0xFFFFD800  }
0x10c: {  	_ =	swait.ge [sflag:s21], $0x2800  }
0x10d: {  	[sflag:s21] =	ssyncset.done $0x0  }
0x10e: {  	[sflag:s21] =	ssyncadd.s32 $0xFFFFD800  }
0x10f: {  	_ =	swait.ge [sflag:s23], $0x2800  }
0x110: {  	[sflag:s23] =	ssyncset.done $0x0  }
0x111: {  	[sflag:s23] =	ssyncadd.s32 $0xFFFFD800  }
0x112: {  	_ =	swait.ge [sflag:s30], $0x500  }
0x113: {  	[sflag:s30] =	ssyncset.done $0x0  }
0x114: {  	[sflag:s30] =	ssyncadd.s32 $0xFFFFFB00  }
0x115: {  	_ =	swait.ge [sflag:s30], $0x500  }
0x116: {  	[sflag:s30] =	ssyncset.done $0x0  }
0x117: {  	[sflag:s30] =	ssyncadd.s32 $0xFFFFFB00  }
0x118: {  	_ =	swait.ge [sflag:s30], $0x500  }
0x119: {  	[sflag:s30] =	ssyncset.done $0x0  }
0x11a: {  	[sflag:s30] =	ssyncadd.s32 $0xFFFFFB00  }
0x11b: {  	_ =	swait.ge [sflag:s30], $0x500  }
0x11c: {  	[sflag:s30] =	ssyncset.done $0x0  }
0x11d: {  	[sflag:s30] =	ssyncadd.s32 $0xFFFFFB00  }
0x11e: {  	_ =	swait.ge [sflag:s30], $0x500  }
0x11f: {  	[sflag:s30] =	ssyncset.done $0x0  }
0x120: {  	[sflag:s30] =	ssyncadd.s32 $0xFFFFFB00  }
0x121: {  	_ =	swait.ge [sflag:s30], $0x500  }
0x122: {  	[sflag:s30] =	ssyncset.done $0x0  }
0x123: {  	[sflag:s30] =	ssyncadd.s32 $0xFFFFFB00  }
0x124: {  	_ =	swait.ge [sflag:s30], $0x500  }
0x125: {  	[sflag:s30] =	ssyncset.done $0x0  }
0x126: {  	[sflag:s30] =	ssyncadd.s32 $0xFFFFFB00  }
0x127: {  	_ =	swait.ge [sflag:s30], $0x500  }
0x128: {  	[sflag:s30] =	ssyncset.done $0x0  }
0x129: {  	[sflag:s30] =	ssyncadd.s32 $0xFFFFFB00  }
0x12a: {  	_ =	swait.ge [sflag:s30], $0x500  }
0x12b: {  	[sflag:s30] =	ssyncset.done $0x0  }
0x12c: {  	[sflag:s30] =	ssyncadd.s32 $0xFFFFFB00  }
0x12d: {  	_ =	swait.ge [sflag:s30], $0x500  }
0x12e: {  	[sflag:s30] =	ssyncset.done $0x0  }
0x12f: {  	[sflag:s30] =	ssyncadd.s32 $0xFFFFFB00  }
0x130: {  	_ =	swait.ge [sflag:s30], $0x500  }
0x131: {  	[sflag:s30] =	ssyncset.done $0x0  }
0x132: {  	[sflag:s30] =	ssyncadd.s32 $0xFFFFFB00  }
0x133: {  	_ =	swait.ge [sflag:s30], $0x500  }
0x134: {  	[sflag:s30] =	ssyncset.done $0x0  }
0x135: {  	[sflag:s30] =	ssyncadd.s32 $0xFFFFFB00  }
0x136: {  	_ =	swait.ge [sflag:s30], $0x500  }
0x137: {  	[sflag:s30] =	ssyncset.done $0x0  }
0x138: {  	[sflag:s30] =	ssyncadd.s32 $0xFFFFFB00  }
0x139: {  	_ =	swait.ge [sflag:s30], $0x500  }
0x13a: {  	[sflag:s30] =	ssyncset.done $0x0  }
0x13b: {  	[sflag:s30] =	ssyncadd.s32 $0xFFFFFB00  }
0x13c: {  	_ =	swait.ge [sflag:s30], $0x500  }
0x13d: {  	[sflag:s30] =	ssyncset.done $0x0  }
0x13e: {  	[sflag:s30] =	ssyncadd.s32 $0xFFFFFB00  }
0x13f: {  	_ =	swait.ge [sflag:s30], $0x500  }
0x140: {  	[sflag:s30] =	ssyncset.done $0x0  }
0x141: {  	[sflag:s30] =	ssyncadd.s32 $0xFFFFFB00  }
0x142: {  	_ =	swait.ge [sflag:s30], $0x500  }
0x143: {  	[sflag:s30] =	ssyncset.done $0x0  }
0x144: {  	[sflag:s30] =	ssyncadd.s32 $0xFFFFFB00  }
0x145: {  	_ =	swait.ge [sflag:s30], $0x500  }
0x146: {  	[sflag:s30] =	ssyncset.done $0x0  }
0x147: {  	[sflag:s30] =	ssyncadd.s32 $0xFFFFFB00  }
0x148: {  	_ =	swait.ge [sflag:s30], $0x500  }
0x149: {  	[sflag:s30] =	ssyncset.done $0x0  }
0x14a: {  	[sflag:s30] =	ssyncadd.s32 $0xFFFFFB00  }
0x14b: {  	_ =	swait.ge [sflag:s30], $0x500  }
0x14c: {  	[sflag:s30] =	ssyncset.done $0x0  }
0x14d: {  	[sflag:s30] =	ssyncadd.s32 $0xFFFFFB00  }
0x14e: {  	_ =	swait.ge [sflag:s30], $0x500  }
0x14f: {  	[sflag:s30] =	ssyncset.done $0x0  }
0x150: {  	[sflag:s30] =	ssyncadd.s32 $0xFFFFFB00  }
0x151: {  	_ =	swait.ge [sflag:s30], $0x500  }
0x152: {  	[sflag:s30] =	ssyncset.done $0x0  }
0x153: {  	[sflag:s30] =	ssyncadd.s32 $0xFFFFFB00  }
0x154: {  	_ =	swait.ge [sflag:s30], $0x500  }
0x155: {  	[sflag:s30] =	ssyncset.done $0x0  }
0x156: {  	[sflag:s30] =	ssyncadd.s32 $0xFFFFFB00  }
0x157: {  	_ =	swait.ge [sflag:s30], $0x500  }
0x158: {  	[sflag:s30] =	ssyncset.done $0x0  }
0x159: {  	[sflag:s30] =	ssyncadd.s32 $0xFFFFFB00  }
0x15a: {  	_ =	swait.ge [sflag:s30], $0x500  }
0x15b: {  	[sflag:s30] =	ssyncset.done $0x0  }
0x15c: {  	s9 =	simm.s32 $0x0;
	s4 =	rddreg [dreg:$0x14];
	[sflag:s30] =	ssyncadd.s32 $0xFFFFFB00  }
0x15d: {  	[tilespmem:s10], [sflag:$0x8] =	stream.linear.gather [hbm4b:s4+s9], $0x7D0, $0x38;
	[tilespmem:$0x1EC30] =	vst v63  }
0x15e: {  	_ =	swait.ge [sflag:s11], $0x7D0  }
0x15f: {  	[sflag:s11] =	ssyncset.done $0x0  }
0x160: {  	s8 =	rddreg [dreg:$0x15];
	[sflag:s11] =	ssyncadd.s32 $0xFFFFF830  }
0x161: {  	[tilespmem:s9], [sflag:$0x8] =	stream.linear.gather [hbm4b:s8+s9], $0x7D0, $0x38;
	[tilespmem:$0x1EC30] =	vst v63  }
0x162: {  	_ =	swait.ge [sflag:s11], $0x7D0  }
0x163: {  	[sflag:s11] =	ssyncset.done $0x0  }
0x164: {  	[sflag:s11] =	ssyncadd.s32 $0xFFFFF830  }
0x165: {  	[tilespmem:s13], [sflag:$0x1] =	stream.indirect.gather [hbm4b:s5+s12], $0x80, s9, s12, $0xb8;
	[tilespmem:$0x1EC30] =	vst v63  }
0x166: {  	_ = 	snop  }
0x167: {  	[tilespmem:s14], [sflag:$0x2] =	stream.indirect.gather [hbm4b:s5+s12], $0x80, s12, s12, $0xb8;
	[tilespmem:$0x1EC30] =	vst v63  }
0x168: {  	_ = 	snop  }
0x169: {  	[tilespmem:s17], [sflag:$0x3] =	stream.indirect.gather [hbm4b:s5+s12], $0x80, s16, s12, $0xb8;
	[tilespmem:$0x1EC30] =	vst v63  }
0x16a: {  	s9 =	simm.s32 $0x7D0  }
0x16b: {  	[spmem:s3] =	stream.indirect.scatter.add.f32 [tilespmem:s15], [sflag:$0x7], $0x10, s9, s12, $0xb8;
	[tilespmem:$0x1EC30] =	vst v63  }
0x16c: {  	_ =	swait.ge [sflag:s18], $0x2800  }
0x16d: {  	[sflag:s18] =	ssyncset.done $0x0  }
0x16e: {  	[sflag:s18] =	ssyncadd.s32 $0xFFFFD800  }
0x16f: {  	[spmem:s2] =	stream.indirect.scatter.add.f32 [tilespmem:s13], [sflag:$0x4], $0x80, s9, s12, $0xb8;
	[tilespmem:$0x1EC30] =	vst v63  }
0x170: {  	_ =	swait.ge [sflag:s19], $0x2800  }
0x171: {  	[sflag:s19] =	ssyncset.done $0x0  }
0x172: {  	s1 =	simm.s32 $0xF0;
	[sflag:s19] =	ssyncadd.s32 $0xFFFFD800  }
0x173: {  	[tilespmem:s13], [sflag:$0x1] =	stream.indirect.gather [hbm4b:s5+s12], $0x80, s1, s12, $0xb8;
	[tilespmem:$0x1EC30] =	vst v63  }
0x174: {  	s4 =	simm.s32 $0x820  }
0x175: {  	[spmem:s3] =	stream.indirect.scatter.add.f32 [tilespmem:s15], [sflag:$0x7], $0x10, s4, s12, $0xb8;
	[tilespmem:$0x1EC30] =	vst v63  }
0x176: {  	_ =	swait.ge [sflag:s20], $0x2800  }
0x177: {  	[sflag:s20] =	ssyncset.done $0x0  }
0x178: {  	[sflag:s20] =	ssyncadd.s32 $0xFFFFD800  }
0x179: {  	[spmem:s2] =	stream.indirect.scatter.add.f32 [tilespmem:s14], [sflag:$0x5], $0x80, s4, s12, $0xb8;
	[tilespmem:$0x1EC30] =	vst v63  }
0x17a: {  	_ =	swait.ge [sflag:s21], $0x2800  }
0x17b: {  	[sflag:s21] =	ssyncset.done $0x0  }
0x17c: {  	s8 =	simm.s32 $0x140;
	[sflag:s21] =	ssyncadd.s32 $0xFFFFD800  }
0x17d: {  	[tilespmem:s14], [sflag:$0x2] =	stream.indirect.gather [hbm4b:s5+s12], $0x80, s8, s12, $0xb8;
	[tilespmem:$0x1EC30] =	vst v63  }
0x17e: {  	s9 =	simm.s32 $0x870  }
0x17f: {  	[spmem:s3] =	stream.indirect.scatter.add.f32 [tilespmem:s15], [sflag:$0x7], $0x10, s9, s12, $0xb8;
	[tilespmem:$0x1EC30] =	vst v63  }
0x180: {  	_ =	swait.ge [sflag:s22], $0x2800  }
0x181: {  	[sflag:s22] =	ssyncset.done $0x0  }
0x182: {  	[sflag:s22] =	ssyncadd.s32 $0xFFFFD800  }
0x183: {  	[spmem:s2] =	stream.indirect.scatter.add.f32 [tilespmem:s17], [sflag:$0x6], $0x80, s9, s12, $0xb8;
	[tilespmem:$0x1EC30] =	vst v63  }
0x184: {  	_ =	swait.ge [sflag:s23], $0x2800  }
0x185: {  	s1 =	simm.s32 $0xF0;
	[sflag:s23] =	ssyncset.done $0x0  }
0x186: {  	s4 =	simm.s32 $0x190;
	s9 =	simm.s32 $0x780;
	[sflag:s23] =	ssyncadd.s32 $0xFFFFD800  }
.LBB2_8:
0x187: {  	[tilespmem:s17], [sflag:$0x3] =	stream.indirect.gather [hbm4b:s5+s12], $0x80, s4, s12, $0xb8;
	[tilespmem:$0x1EC30] =	vst v63  }
0x188: {  	s0 =	smov.u32 s9  }
0x189: {  	s4 =	sadd.s32 $0x7D0, s1;
	s8 =	sshra.s32 s0, $0x2;
	s0 =	sadd.s32 $0x3C0, s9  }
0x18a: {  	[spmem:s3] =	stream.indirect.scatter.add.f32 [tilespmem:s15], [sflag:$0x7], $0x10, s4, s12, $0xb8;
	[tilespmem:$0x1EC30] =	vst v63  }
0x18b: {  	p0 =	sne.s32 s9, $0x1680;
	_ =	swait.ge [sflag:s18], $0x2800  }
0x18c: {  	[sflag:s18] =	ssyncset.done $0x0  }
0x18d: {  	[sflag:s18] =	ssyncadd.s32 $0xFFFFD800  }
0x18e: {  	[spmem:s2] =	stream.indirect.scatter.add.f32 [tilespmem:s13], [sflag:$0x4], $0x80, s4, s12, $0xb8;
	[tilespmem:$0x1EC30] =	vst v63  }
0x18f: {  	_ =	swait.ge [sflag:s19], $0x2800  }
0x190: {  	[sflag:s19] =	ssyncset.done $0x0  }
0x191: {  	s4 =	sadd.s32 $0xF0, s1;
	[sflag:s19] =	ssyncadd.s32 $0xFFFFD800  }
0x192: {  	[tilespmem:s13], [sflag:$0x1] =	stream.indirect.gather [hbm4b:s5+s12], $0x80, s4, s12, $0xb8;
	[tilespmem:$0x1EC30] =	vst v63  }
0x193: {  	s4 =	sadd.s32 $0x820, s1  }
0x194: {  	[spmem:s3] =	stream.indirect.scatter.add.f32 [tilespmem:s15], [sflag:$0x7], $0x10, s4, s12, $0xb8;
	[tilespmem:$0x1EC30] =	vst v63  }
0x195: {  	_ =	swait.ge [sflag:s20], $0x2800  }
0x196: {  	[sflag:s20] =	ssyncset.done $0x0  }
0x197: {  	[sflag:s20] =	ssyncadd.s32 $0xFFFFD800  }
0x198: {  	[spmem:s2] =	stream.indirect.scatter.add.f32 [tilespmem:s14], [sflag:$0x5], $0x80, s4, s12, $0xb8;
	[tilespmem:$0x1EC30] =	vst v63  }
0x199: {  	_ =	swait.ge [sflag:s21], $0x2800  }
0x19a: {  	[sflag:s21] =	ssyncset.done $0x0  }
0x19b: {  	s4 =	sadd.s32 $0x140, s1;
	[sflag:s21] =	ssyncadd.s32 $0xFFFFD800  }
0x19c: {  	[tilespmem:s14], [sflag:$0x2] =	stream.indirect.gather [hbm4b:s5+s12], $0x80, s4, s12, $0xb8;
	[tilespmem:$0x1EC30] =	vst v63  }
0x19d: {  	s4 =	sadd.s32 $0x870, s1  }
0x19e: {  	[spmem:s3] =	stream.indirect.scatter.add.f32 [tilespmem:s15], [sflag:$0x7], $0x10, s4, s12, $0xb8;
	[tilespmem:$0x1EC30] =	vst v63  }
0x19f: {  	_ =	swait.ge [sflag:s22], $0x2800  }
0x1a0: {  	[sflag:s22] =	ssyncset.done $0x0  }
.Ltmp3:
0x1a1: {  	[sflag:s22] =	ssyncadd.s32 $0xFFFFD800;
	(pc) =	sbr.rel @p0 .LBB2_8-.Ltmp3, $4  }
0x1a2: {  	[spmem:s2] =	stream.indirect.scatter.add.f32 [tilespmem:s17], [sflag:$0x6], $0x80, s4, s12, $0xb8;
	[tilespmem:$0x1EC30] =	vst v63  }
0x1a3: {  	_ =	swait.ge [sflag:s23], $0x2800  }
0x1a4: {  	s9 =	smov.u32 s0;
	[sflag:s23] =	ssyncset.done $0x0  }
0x1a5: {  	s4 =	sadd.s32 $0x190, s1;
	s1 =	smov.u32 s8;
	[sflag:s23] =	ssyncadd.s32 $0xFFFFD800  }
0x1a6: {  	[tilespmem:s17], [sflag:$0x3] =	stream.indirect.gather [hbm4b:s5+s12], $0x80, s4, s12, $0xb8;
	[tilespmem:$0x1EC30] =	vst v63  }
0x1a7: {  	s0 =	sadd.s32 $0x7D0, s1  }
0x1a8: {  	[spmem:s3] =	stream.indirect.scatter.add.f32 [tilespmem:s15], [sflag:$0x7], $0x10, s0, s12, $0xb8;
	[tilespmem:$0x1EC30] =	vst v63  }
0x1a9: {  	_ =	swait.ge [sflag:s18], $0x2800  }
0x1aa: {  	[sflag:s18] =	ssyncset.done $0x0  }
0x1ab: {  	[sflag:s18] =	ssyncadd.s32 $0xFFFFD800  }
0x1ac: {  	[spmem:s2] =	stream.indirect.scatter.add.f32 [tilespmem:s13], [sflag:$0x4], $0x80, s0, s12, $0xb8;
	[tilespmem:$0x1EC30] =	vst v63  }
0x1ad: {  	_ =	swait.ge [sflag:s19], $0x2800  }
0x1ae: {  	[sflag:s19] =	ssyncset.done $0x0  }
0x1af: {  	s4 =	sadd.s32 $0xF0, s1;
	[sflag:s19] =	ssyncadd.s32 $0xFFFFD800  }
0x1b0: {  	[tilespmem:s13], [sflag:$0x1] =	stream.indirect.gather [hbm4b:s5+s12], $0x80, s4, s12, $0xb8;
	[tilespmem:$0x1EC30] =	vst v63  }
0x1b1: {  	s8 =	sadd.s32 $0x820, s1  }
0x1b2: {  	[spmem:s3] =	stream.indirect.scatter.add.f32 [tilespmem:s15], [sflag:$0x7], $0x10, s8, s12, $0xb8;
	[tilespmem:$0x1EC30] =	vst v63  }
0x1b3: {  	_ =	swait.ge [sflag:s20], $0x2800  }
0x1b4: {  	[sflag:s20] =	ssyncset.done $0x0  }
0x1b5: {  	[sflag:s20] =	ssyncadd.s32 $0xFFFFD800  }
0x1b6: {  	[spmem:s2] =	stream.indirect.scatter.add.f32 [tilespmem:s14], [sflag:$0x5], $0x80, s8, s12, $0xb8;
	[tilespmem:$0x1EC30] =	vst v63  }
0x1b7: {  	_ =	swait.ge [sflag:s21], $0x2800  }
0x1b8: {  	[sflag:s21] =	ssyncset.done $0x0  }
0x1b9: {  	s9 =	sadd.s32 $0x140, s1;
	[sflag:s21] =	ssyncadd.s32 $0xFFFFD800  }
0x1ba: {  	[tilespmem:s14], [sflag:$0x2] =	stream.indirect.gather [hbm4b:s5+s12], $0x80, s9, s12, $0xb8;
	[tilespmem:$0x1EC30] =	vst v63  }
0x1bb: {  	s4 =	sadd.s32 $0x870, s1  }
0x1bc: {  	[spmem:s3] =	stream.indirect.scatter.add.f32 [tilespmem:s15], [sflag:$0x7], $0x10, s4, s12, $0xb8;
	[tilespmem:$0x1EC30] =	vst v63  }
0x1bd: {  	_ =	swait.ge [sflag:s22], $0x2800  }
0x1be: {  	[sflag:s22] =	ssyncset.done $0x0  }
0x1bf: {  	[sflag:s22] =	ssyncadd.s32 $0xFFFFD800  }
0x1c0: {  	[spmem:s2] =	stream.indirect.scatter.add.f32 [tilespmem:s17], [sflag:$0x6], $0x80, s4, s12, $0xb8;
	[tilespmem:$0x1EC30] =	vst v63  }
0x1c1: {  	_ =	swait.ge [sflag:s23], $0x2800  }
0x1c2: {  	[sflag:s23] =	ssyncset.done $0x0  }
0x1c3: {  	s8 =	sadd.s32 $0x190, s1;
	[sflag:s23] =	ssyncadd.s32 $0xFFFFD800  }
0x1c4: {  	[tilespmem:s17], [sflag:$0x3] =	stream.indirect.gather [hbm4b:s5+s12], $0x80, s8, s12, $0xb8;
	[tilespmem:$0x1EC30] =	vst v63  }
0x1c5: {  	_ = 	snop  }
0x1c6: {  	[spmem:s3] =	stream.indirect.scatter.add.f32 [tilespmem:s15], [sflag:$0x7], $0x10, s24, s12, $0xb8;
	[tilespmem:$0x1EC30] =	vst v63  }
0x1c7: {  	_ =	swait.ge [sflag:s18], $0x2800  }
0x1c8: {  	[sflag:s18] =	ssyncset.done $0x0  }
0x1c9: {  	[sflag:s18] =	ssyncadd.s32 $0xFFFFD800  }
0x1ca: {  	[spmem:s2] =	stream.indirect.scatter.add.f32 [tilespmem:s13], [sflag:$0x4], $0x80, s24, s12, $0xb8;
	[tilespmem:$0x1EC30] =	vst v63  }
0x1cb: {  	_ =	swait.ge [sflag:s19], $0x2800  }
0x1cc: {  	[sflag:s19] =	ssyncset.done $0x0  }
0x1cd: {  	[sflag:s19] =	ssyncadd.s32 $0xFFFFD800  }
0x1ce: {  	[tilespmem:s13], [sflag:$0x1] =	stream.indirect.gather [hbm4b:s5+s12], $0x80, s25, s12, $0xb8;
	[tilespmem:$0x1EC30] =	vst v63  }
0x1cf: {  	_ = 	snop  }
0x1d0: {  	[spmem:s3] =	stream.indirect.scatter.add.f32 [tilespmem:s15], [sflag:$0x7], $0x10, s26, s12, $0xb8;
	[tilespmem:$0x1EC30] =	vst v63  }
0x1d1: {  	_ =	swait.ge [sflag:s20], $0x2800  }
0x1d2: {  	[sflag:s20] =	ssyncset.done $0x0  }
0x1d3: {  	[sflag:s20] =	ssyncadd.s32 $0xFFFFD800  }
0x1d4: {  	[spmem:s2] =	stream.indirect.scatter.add.f32 [tilespmem:s14], [sflag:$0x5], $0x80, s26, s12, $0xb8;
	[tilespmem:$0x1EC30] =	vst v63  }
0x1d5: {  	_ = 	snop  }
0x1d6: {  	[spmem:s3] =	stream.indirect.scatter.add.f32 [tilespmem:s15], [sflag:$0x7], $0x10, s28, s12, $0xb8;
	[tilespmem:$0x1EC30] =	vst v63  }
0x1d7: {  	_ =	swait.ge [sflag:s22], $0x2800  }
0x1d8: {  	[sflag:s22] =	ssyncset.done $0x0  }
0x1d9: {  	[sflag:s22] =	ssyncadd.s32 $0xFFFFD800  }
0x1da: {  	[spmem:s2] =	stream.indirect.scatter.add.f32 [tilespmem:s17], [sflag:$0x6], $0x80, s28, s12, $0xb8;
	[tilespmem:$0x1EC30] =	vst v63  }
0x1db: {  	_ = 	snop  }
0x1dc: {  	[spmem:s3] =	stream.indirect.scatter.add.f32 [tilespmem:s15], [sflag:$0x7], $0x10, s29, s12, $0xb8;
	[tilespmem:$0x1EC30] =	vst v63  }
0x1dd: {  	_ =	swait.ge [sflag:s18], $0x2800  }
0x1de: {  	[sflag:s18] =	ssyncset.done $0x0  }
0x1df: {  	[sflag:s18] =	ssyncadd.s32 $0xFFFFD800  }
0x1e0: {  	[spmem:s2] =	stream.indirect.scatter.add.f32 [tilespmem:s13], [sflag:$0x4], $0x80, s29, s12, $0xb8;
	[tilespmem:$0x1EC30] =	vst v63  }
0x1e1: {  	_ =	swait.ge [sflag:s19], $0x2800  }
0x1e2: {  	[sflag:s19] =	ssyncset.done $0x0  }
0x1e3: {  	[sflag:s19] =	ssyncadd.s32 $0xFFFFD800  }
0x1e4: {  	_ =	swait.ge [sflag:s21], $0x2800  }
0x1e5: {  	[sflag:s21] =	ssyncset.done $0x0  }
0x1e6: {  	[sflag:s21] =	ssyncadd.s32 $0xFFFFD800  }
0x1e7: {  	_ =	swait.ge [sflag:s23], $0x2800  }
0x1e8: {  	[sflag:s23] =	ssyncset.done $0x0  }
0x1e9: {  	[sflag:s23] =	ssyncadd.s32 $0xFFFFD800  }
0x1ea: {  	_ =	swait.ge [sflag:s30], $0x500  }
0x1eb: {  	[sflag:s30] =	ssyncset.done $0x0  }
0x1ec: {  	[sflag:s30] =	ssyncadd.s32 $0xFFFFFB00  }
0x1ed: {  	_ =	swait.ge [sflag:s30], $0x500  }
0x1ee: {  	[sflag:s30] =	ssyncset.done $0x0  }
0x1ef: {  	[sflag:s30] =	ssyncadd.s32 $0xFFFFFB00  }
0x1f0: {  	_ =	swait.ge [sflag:s30], $0x500  }
0x1f1: {  	[sflag:s30] =	ssyncset.done $0x0  }
0x1f2: {  	[sflag:s30] =	ssyncadd.s32 $0xFFFFFB00  }
0x1f3: {  	_ =	swait.ge [sflag:s30], $0x500  }
0x1f4: {  	[sflag:s30] =	ssyncset.done $0x0  }
0x1f5: {  	[sflag:s30] =	ssyncadd.s32 $0xFFFFFB00  }
0x1f6: {  	_ =	swait.ge [sflag:s30], $0x500  }
0x1f7: {  	[sflag:s30] =	ssyncset.done $0x0  }
0x1f8: {  	[sflag:s30] =	ssyncadd.s32 $0xFFFFFB00  }
0x1f9: {  	_ =	swait.ge [sflag:s30], $0x500  }
0x1fa: {  	[sflag:s30] =	ssyncset.done $0x0  }
0x1fb: {  	[sflag:s30] =	ssyncadd.s32 $0xFFFFFB00  }
0x1fc: {  	_ =	swait.ge [sflag:s30], $0x500  }
0x1fd: {  	[sflag:s30] =	ssyncset.done $0x0  }
0x1fe: {  	[sflag:s30] =	ssyncadd.s32 $0xFFFFFB00  }
0x1ff: {  	_ =	swait.ge [sflag:s30], $0x500  }
0x200: {  	[sflag:s30] =	ssyncset.done $0x0  }
0x201: {  	[sflag:s30] =	ssyncadd.s32 $0xFFFFFB00  }
0x202: {  	_ =	swait.ge [sflag:s30], $0x500  }
0x203: {  	[sflag:s30] =	ssyncset.done $0x0  }
0x204: {  	[sflag:s30] =	ssyncadd.s32 $0xFFFFFB00  }
0x205: {  	_ =	swait.ge [sflag:s30], $0x500  }
0x206: {  	[sflag:s30] =	ssyncset.done $0x0  }
0x207: {  	[sflag:s30] =	ssyncadd.s32 $0xFFFFFB00  }
0x208: {  	_ =	swait.ge [sflag:s30], $0x500  }
0x209: {  	[sflag:s30] =	ssyncset.done $0x0  }
0x20a: {  	[sflag:s30] =	ssyncadd.s32 $0xFFFFFB00  }
0x20b: {  	_ =	swait.ge [sflag:s30], $0x500  }
0x20c: {  	[sflag:s30] =	ssyncset.done $0x0  }
0x20d: {  	[sflag:s30] =	ssyncadd.s32 $0xFFFFFB00  }
0x20e: {  	_ =	swait.ge [sflag:s30], $0x500  }
0x20f: {  	[sflag:s30] =	ssyncset.done $0x0  }
0x210: {  	[sflag:s30] =	ssyncadd.s32 $0xFFFFFB00  }
0x211: {  	_ =	swait.ge [sflag:s30], $0x500  }
0x212: {  	[sflag:s30] =	ssyncset.done $0x0  }
0x213: {  	[sflag:s30] =	ssyncadd.s32 $0xFFFFFB00  }
0x214: {  	_ =	swait.ge [sflag:s30], $0x500  }
0x215: {  	[sflag:s30] =	ssyncset.done $0x0  }
0x216: {  	[sflag:s30] =	ssyncadd.s32 $0xFFFFFB00  }
0x217: {  	_ =	swait.ge [sflag:s30], $0x500  }
0x218: {  	[sflag:s30] =	ssyncset.done $0x0  }
0x219: {  	[sflag:s30] =	ssyncadd.s32 $0xFFFFFB00  }
0x21a: {  	_ =	swait.ge [sflag:s30], $0x500  }
0x21b: {  	[sflag:s30] =	ssyncset.done $0x0  }
0x21c: {  	[sflag:s30] =	ssyncadd.s32 $0xFFFFFB00  }
0x21d: {  	_ =	swait.ge [sflag:s30], $0x500  }
0x21e: {  	[sflag:s30] =	ssyncset.done $0x0  }
0x21f: {  	[sflag:s30] =	ssyncadd.s32 $0xFFFFFB00  }
0x220: {  	_ =	swait.ge [sflag:s30], $0x500  }
0x221: {  	[sflag:s30] =	ssyncset.done $0x0  }
0x222: {  	[sflag:s30] =	ssyncadd.s32 $0xFFFFFB00  }
0x223: {  	_ =	swait.ge [sflag:s30], $0x500  }
0x224: {  	[sflag:s30] =	ssyncset.done $0x0  }
0x225: {  	[sflag:s30] =	ssyncadd.s32 $0xFFFFFB00  }
0x226: {  	_ =	swait.ge [sflag:s30], $0x500  }
0x227: {  	[sflag:s30] =	ssyncset.done $0x0  }
0x228: {  	[sflag:s30] =	ssyncadd.s32 $0xFFFFFB00  }
0x229: {  	_ =	swait.ge [sflag:s30], $0x500  }
0x22a: {  	[sflag:s30] =	ssyncset.done $0x0  }
0x22b: {  	[sflag:s30] =	ssyncadd.s32 $0xFFFFFB00  }
0x22c: {  	_ =	swait.ge [sflag:s30], $0x500  }
0x22d: {  	[sflag:s30] =	ssyncset.done $0x0  }
0x22e: {  	[sflag:s30] =	ssyncadd.s32 $0xFFFFFB00  }
0x22f: {  	_ =	swait.ge [sflag:s30], $0x500  }
0x230: {  	[sflag:s30] =	ssyncset.done $0x0  }
0x231: {  	[sflag:s30] =	ssyncadd.s32 $0xFFFFFB00  }
0x232: {  	_ =	swait.ge [sflag:s30], $0x500  }
0x233: {  	[sflag:s30] =	ssyncset.done $0x0  }
0x234: {  	s9 =	simm.s32 $0x0;
	s4 =	rddreg [dreg:$0x16];
	[sflag:s30] =	ssyncadd.s32 $0xFFFFFB00  }
0x235: {  	[tilespmem:s10], [sflag:$0x8] =	stream.linear.gather [hbm4b:s4+s9], $0x7D0, $0x38;
	[tilespmem:$0x1EC30] =	vst v63  }
0x236: {  	_ =	swait.ge [sflag:s11], $0x7D0  }
0x237: {  	[sflag:s11] =	ssyncset.done $0x0  }
0x238: {  	s8 =	rddreg [dreg:$0x17];
	[sflag:s11] =	ssyncadd.s32 $0xFFFFF830  }
0x239: {  	[tilespmem:s9], [sflag:$0x8] =	stream.linear.gather [hbm4b:s8+s9], $0x7D0, $0x38;
	[tilespmem:$0x1EC30] =	vst v63  }
0x23a: {  	_ =	swait.ge [sflag:s11], $0x7D0  }
0x23b: {  	[sflag:s11] =	ssyncset.done $0x0  }
0x23c: {  	[sflag:s11] =	ssyncadd.s32 $0xFFFFF830  }
0x23d: {  	[tilespmem:s13], [sflag:$0x1] =	stream.indirect.gather [hbm4b:s5+s12], $0x80, s9, s12, $0xb8;
	[tilespmem:$0x1EC30] =	vst v63  }
0x23e: {  	_ = 	snop  }
0x23f: {  	[tilespmem:s14], [sflag:$0x2] =	stream.indirect.gather [hbm4b:s5+s12], $0x80, s12, s12, $0xb8;
	[tilespmem:$0x1EC30] =	vst v63  }
0x240: {  	_ = 	snop  }
0x241: {  	[tilespmem:s17], [sflag:$0x3] =	stream.indirect.gather [hbm4b:s5+s12], $0x80, s16, s12, $0xb8;
	[tilespmem:$0x1EC30] =	vst v63  }
0x242: {  	s9 =	simm.s32 $0x7D0  }
0x243: {  	[spmem:s3] =	stream.indirect.scatter.add.f32 [tilespmem:s15], [sflag:$0x7], $0x10, s9, s12, $0xb8;
	[tilespmem:$0x1EC30] =	vst v63  }
0x244: {  	_ =	swait.ge [sflag:s18], $0x2800  }
0x245: {  	[sflag:s18] =	ssyncset.done $0x0  }
0x246: {  	[sflag:s18] =	ssyncadd.s32 $0xFFFFD800  }
0x247: {  	[spmem:s2] =	stream.indirect.scatter.add.f32 [tilespmem:s13], [sflag:$0x4], $0x80, s9, s12, $0xb8;
	[tilespmem:$0x1EC30] =	vst v63  }
0x248: {  	_ =	swait.ge [sflag:s19], $0x2800  }
0x249: {  	[sflag:s19] =	ssyncset.done $0x0  }
0x24a: {  	s1 =	simm.s32 $0xF0;
	[sflag:s19] =	ssyncadd.s32 $0xFFFFD800  }
0x24b: {  	[tilespmem:s13], [sflag:$0x1] =	stream.indirect.gather [hbm4b:s5+s12], $0x80, s1, s12, $0xb8;
	[tilespmem:$0x1EC30] =	vst v63  }
0x24c: {  	s4 =	simm.s32 $0x820  }
0x24d: {  	[spmem:s3] =	stream.indirect.scatter.add.f32 [tilespmem:s15], [sflag:$0x7], $0x10, s4, s12, $0xb8;
	[tilespmem:$0x1EC30] =	vst v63  }
0x24e: {  	_ =	swait.ge [sflag:s20], $0x2800  }
0x24f: {  	[sflag:s20] =	ssyncset.done $0x0  }
0x250: {  	[sflag:s20] =	ssyncadd.s32 $0xFFFFD800  }
0x251: {  	[spmem:s2] =	stream.indirect.scatter.add.f32 [tilespmem:s14], [sflag:$0x5], $0x80, s4, s12, $0xb8;
	[tilespmem:$0x1EC30] =	vst v63  }
0x252: {  	_ =	swait.ge [sflag:s21], $0x2800  }
0x253: {  	[sflag:s21] =	ssyncset.done $0x0  }
0x254: {  	s8 =	simm.s32 $0x140;
	[sflag:s21] =	ssyncadd.s32 $0xFFFFD800  }
0x255: {  	[tilespmem:s14], [sflag:$0x2] =	stream.indirect.gather [hbm4b:s5+s12], $0x80, s8, s12, $0xb8;
	[tilespmem:$0x1EC30] =	vst v63  }
0x256: {  	s9 =	simm.s32 $0x870  }
0x257: {  	[spmem:s3] =	stream.indirect.scatter.add.f32 [tilespmem:s15], [sflag:$0x7], $0x10, s9, s12, $0xb8;
	[tilespmem:$0x1EC30] =	vst v63  }
0x258: {  	_ =	swait.ge [sflag:s22], $0x2800  }
0x259: {  	[sflag:s22] =	ssyncset.done $0x0  }
0x25a: {  	[sflag:s22] =	ssyncadd.s32 $0xFFFFD800  }
0x25b: {  	[spmem:s2] =	stream.indirect.scatter.add.f32 [tilespmem:s17], [sflag:$0x6], $0x80, s9, s12, $0xb8;
	[tilespmem:$0x1EC30] =	vst v63  }
0x25c: {  	_ =	swait.ge [sflag:s23], $0x2800  }
0x25d: {  	s1 =	simm.s32 $0xF0;
	[sflag:s23] =	ssyncset.done $0x0  }
0x25e: {  	s4 =	simm.s32 $0x190;
	s9 =	simm.s32 $0x780;
	[sflag:s23] =	ssyncadd.s32 $0xFFFFD800  }
.LBB2_10:
0x25f: {  	[tilespmem:s17], [sflag:$0x3] =	stream.indirect.gather [hbm4b:s5+s12], $0x80, s4, s12, $0xb8;
	[tilespmem:$0x1EC30] =	vst v63  }
0x260: {  	s0 =	smov.u32 s9  }
0x261: {  	s4 =	sadd.s32 $0x7D0, s1;
	s8 =	sshra.s32 s0, $0x2;
	s0 =	sadd.s32 $0x3C0, s9  }
0x262: {  	[spmem:s3] =	stream.indirect.scatter.add.f32 [tilespmem:s15], [sflag:$0x7], $0x10, s4, s12, $0xb8;
	[tilespmem:$0x1EC30] =	vst v63  }
0x263: {  	p0 =	sne.s32 s9, $0x1680;
	_ =	swait.ge [sflag:s18], $0x2800  }
0x264: {  	[sflag:s18] =	ssyncset.done $0x0  }
0x265: {  	[sflag:s18] =	ssyncadd.s32 $0xFFFFD800  }
0x266: {  	[spmem:s2] =	stream.indirect.scatter.add.f32 [tilespmem:s13], [sflag:$0x4], $0x80, s4, s12, $0xb8;
	[tilespmem:$0x1EC30] =	vst v63  }
0x267: {  	_ =	swait.ge [sflag:s19], $0x2800  }
0x268: {  	[sflag:s19] =	ssyncset.done $0x0  }
0x269: {  	s4 =	sadd.s32 $0xF0, s1;
	[sflag:s19] =	ssyncadd.s32 $0xFFFFD800  }
0x26a: {  	[tilespmem:s13], [sflag:$0x1] =	stream.indirect.gather [hbm4b:s5+s12], $0x80, s4, s12, $0xb8;
	[tilespmem:$0x1EC30] =	vst v63  }
0x26b: {  	s4 =	sadd.s32 $0x820, s1  }
0x26c: {  	[spmem:s3] =	stream.indirect.scatter.add.f32 [tilespmem:s15], [sflag:$0x7], $0x10, s4, s12, $0xb8;
	[tilespmem:$0x1EC30] =	vst v63  }
0x26d: {  	_ =	swait.ge [sflag:s20], $0x2800  }
0x26e: {  	[sflag:s20] =	ssyncset.done $0x0  }
0x26f: {  	[sflag:s20] =	ssyncadd.s32 $0xFFFFD800  }
0x270: {  	[spmem:s2] =	stream.indirect.scatter.add.f32 [tilespmem:s14], [sflag:$0x5], $0x80, s4, s12, $0xb8;
	[tilespmem:$0x1EC30] =	vst v63  }
0x271: {  	_ =	swait.ge [sflag:s21], $0x2800  }
0x272: {  	[sflag:s21] =	ssyncset.done $0x0  }
0x273: {  	s4 =	sadd.s32 $0x140, s1;
	[sflag:s21] =	ssyncadd.s32 $0xFFFFD800  }
0x274: {  	[tilespmem:s14], [sflag:$0x2] =	stream.indirect.gather [hbm4b:s5+s12], $0x80, s4, s12, $0xb8;
	[tilespmem:$0x1EC30] =	vst v63  }
0x275: {  	s4 =	sadd.s32 $0x870, s1  }
0x276: {  	[spmem:s3] =	stream.indirect.scatter.add.f32 [tilespmem:s15], [sflag:$0x7], $0x10, s4, s12, $0xb8;
	[tilespmem:$0x1EC30] =	vst v63  }
0x277: {  	_ =	swait.ge [sflag:s22], $0x2800  }
0x278: {  	[sflag:s22] =	ssyncset.done $0x0  }
.Ltmp4:
0x279: {  	[sflag:s22] =	ssyncadd.s32 $0xFFFFD800;
	(pc) =	sbr.rel @p0 .LBB2_10-.Ltmp4, $4  }
0x27a: {  	[spmem:s2] =	stream.indirect.scatter.add.f32 [tilespmem:s17], [sflag:$0x6], $0x80, s4, s12, $0xb8;
	[tilespmem:$0x1EC30] =	vst v63  }
0x27b: {  	_ =	swait.ge [sflag:s23], $0x2800  }
0x27c: {  	s9 =	smov.u32 s0;
	[sflag:s23] =	ssyncset.done $0x0  }
0x27d: {  	s4 =	sadd.s32 $0x190, s1;
	s1 =	smov.u32 s8;
	[sflag:s23] =	ssyncadd.s32 $0xFFFFD800  }
0x27e: {  	[tilespmem:s17], [sflag:$0x3] =	stream.indirect.gather [hbm4b:s5+s12], $0x80, s4, s12, $0xb8;
	[tilespmem:$0x1EC30] =	vst v63  }
0x27f: {  	s0 =	sadd.s32 $0x7D0, s1  }
0x280: {  	[spmem:s3] =	stream.indirect.scatter.add.f32 [tilespmem:s15], [sflag:$0x7], $0x10, s0, s12, $0xb8;
	[tilespmem:$0x1EC30] =	vst v63  }
0x281: {  	_ =	swait.ge [sflag:s18], $0x2800  }
0x282: {  	[sflag:s18] =	ssyncset.done $0x0  }
0x283: {  	[sflag:s18] =	ssyncadd.s32 $0xFFFFD800  }
0x284: {  	[spmem:s2] =	stream.indirect.scatter.add.f32 [tilespmem:s13], [sflag:$0x4], $0x80, s0, s12, $0xb8;
	[tilespmem:$0x1EC30] =	vst v63  }
0x285: {  	_ =	swait.ge [sflag:s19], $0x2800  }
0x286: {  	[sflag:s19] =	ssyncset.done $0x0  }
0x287: {  	s4 =	sadd.s32 $0xF0, s1;
	[sflag:s19] =	ssyncadd.s32 $0xFFFFD800  }
0x288: {  	[tilespmem:s13], [sflag:$0x1] =	stream.indirect.gather [hbm4b:s5+s12], $0x80, s4, s12, $0xb8;
	[tilespmem:$0x1EC30] =	vst v63  }
0x289: {  	s8 =	sadd.s32 $0x820, s1  }
0x28a: {  	[spmem:s3] =	stream.indirect.scatter.add.f32 [tilespmem:s15], [sflag:$0x7], $0x10, s8, s12, $0xb8;
	[tilespmem:$0x1EC30] =	vst v63  }
0x28b: {  	_ =	swait.ge [sflag:s20], $0x2800  }
0x28c: {  	[sflag:s20] =	ssyncset.done $0x0  }
0x28d: {  	[sflag:s20] =	ssyncadd.s32 $0xFFFFD800  }
0x28e: {  	[spmem:s2] =	stream.indirect.scatter.add.f32 [tilespmem:s14], [sflag:$0x5], $0x80, s8, s12, $0xb8;
	[tilespmem:$0x1EC30] =	vst v63  }
0x28f: {  	_ =	swait.ge [sflag:s21], $0x2800  }
0x290: {  	[sflag:s21] =	ssyncset.done $0x0  }
0x291: {  	s9 =	sadd.s32 $0x140, s1;
	[sflag:s21] =	ssyncadd.s32 $0xFFFFD800  }
0x292: {  	[tilespmem:s14], [sflag:$0x2] =	stream.indirect.gather [hbm4b:s5+s12], $0x80, s9, s12, $0xb8;
	[tilespmem:$0x1EC30] =	vst v63  }
0x293: {  	s4 =	sadd.s32 $0x870, s1  }
0x294: {  	[spmem:s3] =	stream.indirect.scatter.add.f32 [tilespmem:s15], [sflag:$0x7], $0x10, s4, s12, $0xb8;
	[tilespmem:$0x1EC30] =	vst v63  }
0x295: {  	_ =	swait.ge [sflag:s22], $0x2800  }
0x296: {  	[sflag:s22] =	ssyncset.done $0x0  }
0x297: {  	[sflag:s22] =	ssyncadd.s32 $0xFFFFD800  }
0x298: {  	[spmem:s2] =	stream.indirect.scatter.add.f32 [tilespmem:s17], [sflag:$0x6], $0x80, s4, s12, $0xb8;
	[tilespmem:$0x1EC30] =	vst v63  }
0x299: {  	_ =	swait.ge [sflag:s23], $0x2800  }
0x29a: {  	[sflag:s23] =	ssyncset.done $0x0  }
0x29b: {  	s8 =	sadd.s32 $0x190, s1;
	[sflag:s23] =	ssyncadd.s32 $0xFFFFD800  }
0x29c: {  	[tilespmem:s17], [sflag:$0x3] =	stream.indirect.gather [hbm4b:s5+s12], $0x80, s8, s12, $0xb8;
	[tilespmem:$0x1EC30] =	vst v63  }
0x29d: {  	_ = 	snop  }
0x29e: {  	[spmem:s3] =	stream.indirect.scatter.add.f32 [tilespmem:s15], [sflag:$0x7], $0x10, s24, s12, $0xb8;
	[tilespmem:$0x1EC30] =	vst v63  }
0x29f: {  	_ =	swait.ge [sflag:s18], $0x2800  }
0x2a0: {  	[sflag:s18] =	ssyncset.done $0x0  }
0x2a1: {  	[sflag:s18] =	ssyncadd.s32 $0xFFFFD800  }
0x2a2: {  	[spmem:s2] =	stream.indirect.scatter.add.f32 [tilespmem:s13], [sflag:$0x4], $0x80, s24, s12, $0xb8;
	[tilespmem:$0x1EC30] =	vst v63  }
0x2a3: {  	_ =	swait.ge [sflag:s19], $0x2800  }
0x2a4: {  	[sflag:s19] =	ssyncset.done $0x0  }
0x2a5: {  	[sflag:s19] =	ssyncadd.s32 $0xFFFFD800  }
0x2a6: {  	[tilespmem:s13], [sflag:$0x1] =	stream.indirect.gather [hbm4b:s5+s12], $0x80, s25, s12, $0xb8;
	[tilespmem:$0x1EC30] =	vst v63  }
0x2a7: {  	_ = 	snop  }
0x2a8: {  	[spmem:s3] =	stream.indirect.scatter.add.f32 [tilespmem:s15], [sflag:$0x7], $0x10, s26, s12, $0xb8;
	[tilespmem:$0x1EC30] =	vst v63  }
0x2a9: {  	_ =	swait.ge [sflag:s20], $0x2800  }
0x2aa: {  	[sflag:s20] =	ssyncset.done $0x0  }
0x2ab: {  	[sflag:s20] =	ssyncadd.s32 $0xFFFFD800  }
0x2ac: {  	[spmem:s2] =	stream.indirect.scatter.add.f32 [tilespmem:s14], [sflag:$0x5], $0x80, s26, s12, $0xb8;
	[tilespmem:$0x1EC30] =	vst v63  }
0x2ad: {  	_ = 	snop  }
0x2ae: {  	[spmem:s3] =	stream.indirect.scatter.add.f32 [tilespmem:s15], [sflag:$0x7], $0x10, s28, s12, $0xb8;
	[tilespmem:$0x1EC30] =	vst v63  }
0x2af: {  	_ =	swait.ge [sflag:s22], $0x2800  }
0x2b0: {  	[sflag:s22] =	ssyncset.done $0x0  }
0x2b1: {  	[sflag:s22] =	ssyncadd.s32 $0xFFFFD800  }
0x2b2: {  	[spmem:s2] =	stream.indirect.scatter.add.f32 [tilespmem:s17], [sflag:$0x6], $0x80, s28, s12, $0xb8;
	[tilespmem:$0x1EC30] =	vst v63  }
0x2b3: {  	_ = 	snop  }
0x2b4: {  	[spmem:s3] =	stream.indirect.scatter.add.f32 [tilespmem:s15], [sflag:$0x7], $0x10, s29, s12, $0xb8;
	[tilespmem:$0x1EC30] =	vst v63  }
0x2b5: {  	_ =	swait.ge [sflag:s18], $0x2800  }
0x2b6: {  	[sflag:s18] =	ssyncset.done $0x0  }
0x2b7: {  	[sflag:s18] =	ssyncadd.s32 $0xFFFFD800  }
0x2b8: {  	[spmem:s2] =	stream.indirect.scatter.add.f32 [tilespmem:s13], [sflag:$0x4], $0x80, s29, s12, $0xb8;
	[tilespmem:$0x1EC30] =	vst v63  }
0x2b9: {  	_ =	swait.ge [sflag:s19], $0x2800  }
0x2ba: {  	[sflag:s19] =	ssyncset.done $0x0  }
0x2bb: {  	[sflag:s19] =	ssyncadd.s32 $0xFFFFD800  }
0x2bc: {  	_ =	swait.ge [sflag:s21], $0x2800  }
0x2bd: {  	[sflag:s21] =	ssyncset.done $0x0  }
0x2be: {  	[sflag:s21] =	ssyncadd.s32 $0xFFFFD800  }
0x2bf: {  	_ =	swait.ge [sflag:s23], $0x2800  }
0x2c0: {  	[sflag:s23] =	ssyncset.done $0x0  }
0x2c1: {  	[sflag:s23] =	ssyncadd.s32 $0xFFFFD800  }
0x2c2: {  	_ =	swait.ge [sflag:s30], $0x500  }
0x2c3: {  	[sflag:s30] =	ssyncset.done $0x0  }
0x2c4: {  	[sflag:s30] =	ssyncadd.s32 $0xFFFFFB00  }
0x2c5: {  	_ =	swait.ge [sflag:s30], $0x500  }
0x2c6: {  	[sflag:s30] =	ssyncset.done $0x0  }
0x2c7: {  	[sflag:s30] =	ssyncadd.s32 $0xFFFFFB00  }
0x2c8: {  	_ =	swait.ge [sflag:s30], $0x500  }
0x2c9: {  	[sflag:s30] =	ssyncset.done $0x0  }
0x2ca: {  	[sflag:s30] =	ssyncadd.s32 $0xFFFFFB00  }
0x2cb: {  	_ =	swait.ge [sflag:s30], $0x500  }
0x2cc: {  	[sflag:s30] =	ssyncset.done $0x0  }
0x2cd: {  	[sflag:s30] =	ssyncadd.s32 $0xFFFFFB00  }
0x2ce: {  	_ =	swait.ge [sflag:s30], $0x500  }
0x2cf: {  	[sflag:s30] =	ssyncset.done $0x0  }
0x2d0: {  	[sflag:s30] =	ssyncadd.s32 $0xFFFFFB00  }
0x2d1: {  	_ =	swait.ge [sflag:s30], $0x500  }
0x2d2: {  	[sflag:s30] =	ssyncset.done $0x0  }
0x2d3: {  	[sflag:s30] =	ssyncadd.s32 $0xFFFFFB00  }
0x2d4: {  	_ =	swait.ge [sflag:s30], $0x500  }
0x2d5: {  	[sflag:s30] =	ssyncset.done $0x0  }
0x2d6: {  	[sflag:s30] =	ssyncadd.s32 $0xFFFFFB00  }
0x2d7: {  	_ =	swait.ge [sflag:s30], $0x500  }
0x2d8: {  	[sflag:s30] =	ssyncset.done $0x0  }
0x2d9: {  	[sflag:s30] =	ssyncadd.s32 $0xFFFFFB00  }
0x2da: {  	_ =	swait.ge [sflag:s30], $0x500  }
0x2db: {  	[sflag:s30] =	ssyncset.done $0x0  }
0x2dc: {  	[sflag:s30] =	ssyncadd.s32 $0xFFFFFB00  }
0x2dd: {  	_ =	swait.ge [sflag:s30], $0x500  }
0x2de: {  	[sflag:s30] =	ssyncset.done $0x0  }
0x2df: {  	[sflag:s30] =	ssyncadd.s32 $0xFFFFFB00  }
0x2e0: {  	_ =	swait.ge [sflag:s30], $0x500  }
0x2e1: {  	[sflag:s30] =	ssyncset.done $0x0  }
0x2e2: {  	[sflag:s30] =	ssyncadd.s32 $0xFFFFFB00  }
0x2e3: {  	_ =	swait.ge [sflag:s30], $0x500  }
0x2e4: {  	[sflag:s30] =	ssyncset.done $0x0  }
0x2e5: {  	[sflag:s30] =	ssyncadd.s32 $0xFFFFFB00  }
0x2e6: {  	_ =	swait.ge [sflag:s30], $0x500  }
0x2e7: {  	[sflag:s30] =	ssyncset.done $0x0  }
0x2e8: {  	[sflag:s30] =	ssyncadd.s32 $0xFFFFFB00  }
0x2e9: {  	_ =	swait.ge [sflag:s30], $0x500  }
0x2ea: {  	[sflag:s30] =	ssyncset.done $0x0  }
0x2eb: {  	[sflag:s30] =	ssyncadd.s32 $0xFFFFFB00  }
0x2ec: {  	_ =	swait.ge [sflag:s30], $0x500  }
0x2ed: {  	[sflag:s30] =	ssyncset.done $0x0  }
0x2ee: {  	[sflag:s30] =	ssyncadd.s32 $0xFFFFFB00  }
0x2ef: {  	_ =	swait.ge [sflag:s30], $0x500  }
0x2f0: {  	[sflag:s30] =	ssyncset.done $0x0  }
0x2f1: {  	[sflag:s30] =	ssyncadd.s32 $0xFFFFFB00  }
0x2f2: {  	_ =	swait.ge [sflag:s30], $0x500  }
0x2f3: {  	[sflag:s30] =	ssyncset.done $0x0  }
0x2f4: {  	[sflag:s30] =	ssyncadd.s32 $0xFFFFFB00  }
0x2f5: {  	_ =	swait.ge [sflag:s30], $0x500  }
0x2f6: {  	[sflag:s30] =	ssyncset.done $0x0  }
0x2f7: {  	[sflag:s30] =	ssyncadd.s32 $0xFFFFFB00  }
0x2f8: {  	_ =	swait.ge [sflag:s30], $0x500  }
0x2f9: {  	[sflag:s30] =	ssyncset.done $0x0  }
0x2fa: {  	[sflag:s30] =	ssyncadd.s32 $0xFFFFFB00  }
0x2fb: {  	_ =	swait.ge [sflag:s30], $0x500  }
0x2fc: {  	[sflag:s30] =	ssyncset.done $0x0  }
0x2fd: {  	[sflag:s30] =	ssyncadd.s32 $0xFFFFFB00  }
0x2fe: {  	_ =	swait.ge [sflag:s30], $0x500  }
0x2ff: {  	[sflag:s30] =	ssyncset.done $0x0  }
0x300: {  	[sflag:s30] =	ssyncadd.s32 $0xFFFFFB00  }
0x301: {  	_ =	swait.ge [sflag:s30], $0x500  }
0x302: {  	[sflag:s30] =	ssyncset.done $0x0  }
0x303: {  	[sflag:s30] =	ssyncadd.s32 $0xFFFFFB00  }
0x304: {  	_ =	swait.ge [sflag:s30], $0x500  }
0x305: {  	[sflag:s30] =	ssyncset.done $0x0  }
0x306: {  	[sflag:s30] =	ssyncadd.s32 $0xFFFFFB00  }
0x307: {  	_ =	swait.ge [sflag:s30], $0x500  }
0x308: {  	[sflag:s30] =	ssyncset.done $0x0  }
0x309: {  	[sflag:s30] =	ssyncadd.s32 $0xFFFFFB00  }
0x30a: {  	_ =	swait.ge [sflag:s30], $0x500  }
0x30b: {  	[sflag:s30] =	ssyncset.done $0x0  }
0x30c: {  	s9 =	simm.s32 $0x0;
	s4 =	rddreg [dreg:$0x18];
	[sflag:s30] =	ssyncadd.s32 $0xFFFFFB00  }
0x30d: {  	[tilespmem:s10], [sflag:$0x8] =	stream.linear.gather [hbm4b:s4+s9], $0x7D0, $0x38;
	[tilespmem:$0x1EC30] =	vst v63  }
0x30e: {  	_ =	swait.ge [sflag:s11], $0x7D0  }
0x30f: {  	[sflag:s11] =	ssyncset.done $0x0  }
0x310: {  	s8 =	rddreg [dreg:$0x19];
	[sflag:s11] =	ssyncadd.s32 $0xFFFFF830  }
0x311: {  	[tilespmem:s9], [sflag:$0x8] =	stream.linear.gather [hbm4b:s8+s9], $0x7D0, $0x38;
	[tilespmem:$0x1EC30] =	vst v63  }
0x312: {  	_ =	swait.ge [sflag:s11], $0x7D0  }
0x313: {  	[sflag:s11] =	ssyncset.done $0x0  }
0x314: {  	[sflag:s11] =	ssyncadd.s32 $0xFFFFF830  }
0x315: {  	[tilespmem:s13], [sflag:$0x1] =	stream.indirect.gather [hbm4b:s5+s12], $0x80, s9, s12, $0xb8;
	[tilespmem:$0x1EC30] =	vst v63  }
0x316: {  	_ = 	snop  }
0x317: {  	[tilespmem:s14], [sflag:$0x2] =	stream.indirect.gather [hbm4b:s5+s12], $0x80, s12, s12, $0xb8;
	[tilespmem:$0x1EC30] =	vst v63  }
0x318: {  	_ = 	snop  }
0x319: {  	[tilespmem:s17], [sflag:$0x3] =	stream.indirect.gather [hbm4b:s5+s12], $0x80, s16, s12, $0xb8;
	[tilespmem:$0x1EC30] =	vst v63  }
0x31a: {  	s9 =	simm.s32 $0x7D0  }
0x31b: {  	[spmem:s3] =	stream.indirect.scatter.add.f32 [tilespmem:s15], [sflag:$0x7], $0x10, s9, s12, $0xb8;
	[tilespmem:$0x1EC30] =	vst v63  }
0x31c: {  	_ =	swait.ge [sflag:s18], $0x2800  }
0x31d: {  	[sflag:s18] =	ssyncset.done $0x0  }
0x31e: {  	[sflag:s18] =	ssyncadd.s32 $0xFFFFD800  }
0x31f: {  	[spmem:s2] =	stream.indirect.scatter.add.f32 [tilespmem:s13], [sflag:$0x4], $0x80, s9, s12, $0xb8;
	[tilespmem:$0x1EC30] =	vst v63  }
0x320: {  	_ =	swait.ge [sflag:s19], $0x2800  }
0x321: {  	[sflag:s19] =	ssyncset.done $0x0  }
0x322: {  	s1 =	simm.s32 $0xF0;
	[sflag:s19] =	ssyncadd.s32 $0xFFFFD800  }
0x323: {  	[tilespmem:s13], [sflag:$0x1] =	stream.indirect.gather [hbm4b:s5+s12], $0x80, s1, s12, $0xb8;
	[tilespmem:$0x1EC30] =	vst v63  }
0x324: {  	s4 =	simm.s32 $0x820  }
0x325: {  	[spmem:s3] =	stream.indirect.scatter.add.f32 [tilespmem:s15], [sflag:$0x7], $0x10, s4, s12, $0xb8;
	[tilespmem:$0x1EC30] =	vst v63  }
0x326: {  	_ =	swait.ge [sflag:s20], $0x2800  }
0x327: {  	[sflag:s20] =	ssyncset.done $0x0  }
0x328: {  	[sflag:s20] =	ssyncadd.s32 $0xFFFFD800  }
0x329: {  	[spmem:s2] =	stream.indirect.scatter.add.f32 [tilespmem:s14], [sflag:$0x5], $0x80, s4, s12, $0xb8;
	[tilespmem:$0x1EC30] =	vst v63  }
0x32a: {  	_ =	swait.ge [sflag:s21], $0x2800  }
0x32b: {  	[sflag:s21] =	ssyncset.done $0x0  }
0x32c: {  	s8 =	simm.s32 $0x140;
	[sflag:s21] =	ssyncadd.s32 $0xFFFFD800  }
0x32d: {  	[tilespmem:s14], [sflag:$0x2] =	stream.indirect.gather [hbm4b:s5+s12], $0x80, s8, s12, $0xb8;
	[tilespmem:$0x1EC30] =	vst v63  }
0x32e: {  	s9 =	simm.s32 $0x870  }
0x32f: {  	[spmem:s3] =	stream.indirect.scatter.add.f32 [tilespmem:s15], [sflag:$0x7], $0x10, s9, s12, $0xb8;
	[tilespmem:$0x1EC30] =	vst v63  }
0x330: {  	_ =	swait.ge [sflag:s22], $0x2800  }
0x331: {  	[sflag:s22] =	ssyncset.done $0x0  }
0x332: {  	[sflag:s22] =	ssyncadd.s32 $0xFFFFD800  }
0x333: {  	[spmem:s2] =	stream.indirect.scatter.add.f32 [tilespmem:s17], [sflag:$0x6], $0x80, s9, s12, $0xb8;
	[tilespmem:$0x1EC30] =	vst v63  }
0x334: {  	_ =	swait.ge [sflag:s23], $0x2800  }
0x335: {  	s1 =	simm.s32 $0xF0;
	[sflag:s23] =	ssyncset.done $0x0  }
0x336: {  	s4 =	simm.s32 $0x190;
	s9 =	simm.s32 $0x780;
	[sflag:s23] =	ssyncadd.s32 $0xFFFFD800  }
.LBB2_12:
0x337: {  	[tilespmem:s17], [sflag:$0x3] =	stream.indirect.gather [hbm4b:s5+s12], $0x80, s4, s12, $0xb8;
	[tilespmem:$0x1EC30] =	vst v63  }
0x338: {  	s0 =	smov.u32 s9  }
0x339: {  	s4 =	sadd.s32 $0x7D0, s1;
	s8 =	sshra.s32 s0, $0x2;
	s0 =	sadd.s32 $0x3C0, s9  }
0x33a: {  	[spmem:s3] =	stream.indirect.scatter.add.f32 [tilespmem:s15], [sflag:$0x7], $0x10, s4, s12, $0xb8;
	[tilespmem:$0x1EC30] =	vst v63  }
0x33b: {  	p0 =	sne.s32 s9, $0x1680;
	_ =	swait.ge [sflag:s18], $0x2800  }
0x33c: {  	[sflag:s18] =	ssyncset.done $0x0  }
0x33d: {  	[sflag:s18] =	ssyncadd.s32 $0xFFFFD800  }
0x33e: {  	[spmem:s2] =	stream.indirect.scatter.add.f32 [tilespmem:s13], [sflag:$0x4], $0x80, s4, s12, $0xb8;
	[tilespmem:$0x1EC30] =	vst v63  }
0x33f: {  	_ =	swait.ge [sflag:s19], $0x2800  }
0x340: {  	[sflag:s19] =	ssyncset.done $0x0  }
0x341: {  	s4 =	sadd.s32 $0xF0, s1;
	[sflag:s19] =	ssyncadd.s32 $0xFFFFD800  }
0x342: {  	[tilespmem:s13], [sflag:$0x1] =	stream.indirect.gather [hbm4b:s5+s12], $0x80, s4, s12, $0xb8;
	[tilespmem:$0x1EC30] =	vst v63  }
0x343: {  	s4 =	sadd.s32 $0x820, s1  }
0x344: {  	[spmem:s3] =	stream.indirect.scatter.add.f32 [tilespmem:s15], [sflag:$0x7], $0x10, s4, s12, $0xb8;
	[tilespmem:$0x1EC30] =	vst v63  }
0x345: {  	_ =	swait.ge [sflag:s20], $0x2800  }
0x346: {  	[sflag:s20] =	ssyncset.done $0x0  }
0x347: {  	[sflag:s20] =	ssyncadd.s32 $0xFFFFD800  }
0x348: {  	[spmem:s2] =	stream.indirect.scatter.add.f32 [tilespmem:s14], [sflag:$0x5], $0x80, s4, s12, $0xb8;
	[tilespmem:$0x1EC30] =	vst v63  }
0x349: {  	_ =	swait.ge [sflag:s21], $0x2800  }
0x34a: {  	[sflag:s21] =	ssyncset.done $0x0  }
0x34b: {  	s4 =	sadd.s32 $0x140, s1;
	[sflag:s21] =	ssyncadd.s32 $0xFFFFD800  }
0x34c: {  	[tilespmem:s14], [sflag:$0x2] =	stream.indirect.gather [hbm4b:s5+s12], $0x80, s4, s12, $0xb8;
	[tilespmem:$0x1EC30] =	vst v63  }
0x34d: {  	s4 =	sadd.s32 $0x870, s1  }
0x34e: {  	[spmem:s3] =	stream.indirect.scatter.add.f32 [tilespmem:s15], [sflag:$0x7], $0x10, s4, s12, $0xb8;
	[tilespmem:$0x1EC30] =	vst v63  }
0x34f: {  	_ =	swait.ge [sflag:s22], $0x2800  }
0x350: {  	[sflag:s22] =	ssyncset.done $0x0  }
.Ltmp5:
0x351: {  	[sflag:s22] =	ssyncadd.s32 $0xFFFFD800;
	(pc) =	sbr.rel @p0 .LBB2_12-.Ltmp5, $4  }
0x352: {  	[spmem:s2] =	stream.indirect.scatter.add.f32 [tilespmem:s17], [sflag:$0x6], $0x80, s4, s12, $0xb8;
	[tilespmem:$0x1EC30] =	vst v63  }
0x353: {  	_ =	swait.ge [sflag:s23], $0x2800  }
0x354: {  	s9 =	smov.u32 s0;
	[sflag:s23] =	ssyncset.done $0x0  }
0x355: {  	s4 =	sadd.s32 $0x190, s1;
	s1 =	smov.u32 s8;
	[sflag:s23] =	ssyncadd.s32 $0xFFFFD800  }
0x356: {  	[tilespmem:s17], [sflag:$0x3] =	stream.indirect.gather [hbm4b:s5+s12], $0x80, s4, s12, $0xb8;
	[tilespmem:$0x1EC30] =	vst v63  }
0x357: {  	s0 =	sadd.s32 $0x7D0, s1  }
0x358: {  	[spmem:s3] =	stream.indirect.scatter.add.f32 [tilespmem:s15], [sflag:$0x7], $0x10, s0, s12, $0xb8;
	[tilespmem:$0x1EC30] =	vst v63  }
0x359: {  	_ =	swait.ge [sflag:s18], $0x2800  }
0x35a: {  	[sflag:s18] =	ssyncset.done $0x0  }
0x35b: {  	[sflag:s18] =	ssyncadd.s32 $0xFFFFD800  }
0x35c: {  	[spmem:s2] =	stream.indirect.scatter.add.f32 [tilespmem:s13], [sflag:$0x4], $0x80, s0, s12, $0xb8;
	[tilespmem:$0x1EC30] =	vst v63  }
0x35d: {  	_ =	swait.ge [sflag:s19], $0x2800  }
0x35e: {  	[sflag:s19] =	ssyncset.done $0x0  }
0x35f: {  	s4 =	sadd.s32 $0xF0, s1;
	[sflag:s19] =	ssyncadd.s32 $0xFFFFD800  }
0x360: {  	[tilespmem:s13], [sflag:$0x1] =	stream.indirect.gather [hbm4b:s5+s12], $0x80, s4, s12, $0xb8;
	[tilespmem:$0x1EC30] =	vst v63  }
0x361: {  	s8 =	sadd.s32 $0x820, s1  }
0x362: {  	[spmem:s3] =	stream.indirect.scatter.add.f32 [tilespmem:s15], [sflag:$0x7], $0x10, s8, s12, $0xb8;
	[tilespmem:$0x1EC30] =	vst v63  }
0x363: {  	_ =	swait.ge [sflag:s20], $0x2800  }
0x364: {  	[sflag:s20] =	ssyncset.done $0x0  }
0x365: {  	[sflag:s20] =	ssyncadd.s32 $0xFFFFD800  }
0x366: {  	[spmem:s2] =	stream.indirect.scatter.add.f32 [tilespmem:s14], [sflag:$0x5], $0x80, s8, s12, $0xb8;
	[tilespmem:$0x1EC30] =	vst v63  }
0x367: {  	_ =	swait.ge [sflag:s21], $0x2800  }
0x368: {  	[sflag:s21] =	ssyncset.done $0x0  }
0x369: {  	s9 =	sadd.s32 $0x140, s1;
	[sflag:s21] =	ssyncadd.s32 $0xFFFFD800  }
0x36a: {  	[tilespmem:s14], [sflag:$0x2] =	stream.indirect.gather [hbm4b:s5+s12], $0x80, s9, s12, $0xb8;
	[tilespmem:$0x1EC30] =	vst v63  }
0x36b: {  	s4 =	sadd.s32 $0x870, s1  }
0x36c: {  	[spmem:s3] =	stream.indirect.scatter.add.f32 [tilespmem:s15], [sflag:$0x7], $0x10, s4, s12, $0xb8;
	[tilespmem:$0x1EC30] =	vst v63  }
0x36d: {  	_ =	swait.ge [sflag:s22], $0x2800  }
0x36e: {  	[sflag:s22] =	ssyncset.done $0x0  }
0x36f: {  	[sflag:s22] =	ssyncadd.s32 $0xFFFFD800  }
0x370: {  	[spmem:s2] =	stream.indirect.scatter.add.f32 [tilespmem:s17], [sflag:$0x6], $0x80, s4, s12, $0xb8;
	[tilespmem:$0x1EC30] =	vst v63  }
0x371: {  	_ =	swait.ge [sflag:s23], $0x2800  }
0x372: {  	[sflag:s23] =	ssyncset.done $0x0  }
0x373: {  	s8 =	sadd.s32 $0x190, s1;
	[sflag:s23] =	ssyncadd.s32 $0xFFFFD800  }
0x374: {  	[tilespmem:s17], [sflag:$0x3] =	stream.indirect.gather [hbm4b:s5+s12], $0x80, s8, s12, $0xb8;
	[tilespmem:$0x1EC30] =	vst v63  }
0x375: {  	_ = 	snop  }
0x376: {  	[spmem:s3] =	stream.indirect.scatter.add.f32 [tilespmem:s15], [sflag:$0x7], $0x10, s24, s12, $0xb8;
	[tilespmem:$0x1EC30] =	vst v63  }
0x377: {  	_ =	swait.ge [sflag:s18], $0x2800  }
0x378: {  	[sflag:s18] =	ssyncset.done $0x0  }
0x379: {  	[sflag:s18] =	ssyncadd.s32 $0xFFFFD800  }
0x37a: {  	[spmem:s2] =	stream.indirect.scatter.add.f32 [tilespmem:s13], [sflag:$0x4], $0x80, s24, s12, $0xb8;
	[tilespmem:$0x1EC30] =	vst v63  }
0x37b: {  	_ =	swait.ge [sflag:s19], $0x2800  }
0x37c: {  	[sflag:s19] =	ssyncset.done $0x0  }
0x37d: {  	[sflag:s19] =	ssyncadd.s32 $0xFFFFD800  }
0x37e: {  	[tilespmem:s13], [sflag:$0x1] =	stream.indirect.gather [hbm4b:s5+s12], $0x80, s25, s12, $0xb8;
	[tilespmem:$0x1EC30] =	vst v63  }
0x37f: {  	_ = 	snop  }
0x380: {  	[spmem:s3] =	stream.indirect.scatter.add.f32 [tilespmem:s15], [sflag:$0x7], $0x10, s26, s12, $0xb8;
	[tilespmem:$0x1EC30] =	vst v63  }
0x381: {  	_ =	swait.ge [sflag:s20], $0x2800  }
0x382: {  	[sflag:s20] =	ssyncset.done $0x0  }
0x383: {  	[sflag:s20] =	ssyncadd.s32 $0xFFFFD800  }
0x384: {  	[spmem:s2] =	stream.indirect.scatter.add.f32 [tilespmem:s14], [sflag:$0x5], $0x80, s26, s12, $0xb8;
	[tilespmem:$0x1EC30] =	vst v63  }
0x385: {  	_ = 	snop  }
0x386: {  	[spmem:s3] =	stream.indirect.scatter.add.f32 [tilespmem:s15], [sflag:$0x7], $0x10, s28, s12, $0xb8;
	[tilespmem:$0x1EC30] =	vst v63  }
0x387: {  	_ =	swait.ge [sflag:s22], $0x2800  }
0x388: {  	[sflag:s22] =	ssyncset.done $0x0  }
0x389: {  	[sflag:s22] =	ssyncadd.s32 $0xFFFFD800  }
0x38a: {  	[spmem:s2] =	stream.indirect.scatter.add.f32 [tilespmem:s17], [sflag:$0x6], $0x80, s28, s12, $0xb8;
	[tilespmem:$0x1EC30] =	vst v63  }
0x38b: {  	_ = 	snop  }
0x38c: {  	[spmem:s3] =	stream.indirect.scatter.add.f32 [tilespmem:s15], [sflag:$0x7], $0x10, s29, s12, $0xb8;
	[tilespmem:$0x1EC30] =	vst v63  }
0x38d: {  	_ =	swait.ge [sflag:s18], $0x2800  }
0x38e: {  	[sflag:s18] =	ssyncset.done $0x0  }
0x38f: {  	[sflag:s18] =	ssyncadd.s32 $0xFFFFD800  }
0x390: {  	[spmem:s2] =	stream.indirect.scatter.add.f32 [tilespmem:s13], [sflag:$0x4], $0x80, s29, s12, $0xb8;
	[tilespmem:$0x1EC30] =	vst v63  }
0x391: {  	_ =	swait.ge [sflag:s19], $0x2800  }
0x392: {  	[sflag:s19] =	ssyncset.done $0x0  }
0x393: {  	[sflag:s19] =	ssyncadd.s32 $0xFFFFD800  }
0x394: {  	_ =	swait.ge [sflag:s21], $0x2800  }
0x395: {  	[sflag:s21] =	ssyncset.done $0x0  }
0x396: {  	[sflag:s21] =	ssyncadd.s32 $0xFFFFD800  }
0x397: {  	_ =	swait.ge [sflag:s23], $0x2800  }
0x398: {  	[sflag:s23] =	ssyncset.done $0x0  }
0x399: {  	[sflag:s23] =	ssyncadd.s32 $0xFFFFD800  }
0x39a: {  	_ =	swait.ge [sflag:s30], $0x500  }
0x39b: {  	[sflag:s30] =	ssyncset.done $0x0  }
0x39c: {  	[sflag:s30] =	ssyncadd.s32 $0xFFFFFB00  }
0x39d: {  	_ =	swait.ge [sflag:s30], $0x500  }
0x39e: {  	[sflag:s30] =	ssyncset.done $0x0  }
0x39f: {  	[sflag:s30] =	ssyncadd.s32 $0xFFFFFB00  }
0x3a0: {  	_ =	swait.ge [sflag:s30], $0x500  }
0x3a1: {  	[sflag:s30] =	ssyncset.done $0x0  }
0x3a2: {  	[sflag:s30] =	ssyncadd.s32 $0xFFFFFB00  }
0x3a3: {  	_ =	swait.ge [sflag:s30], $0x500  }
0x3a4: {  	[sflag:s30] =	ssyncset.done $0x0  }
0x3a5: {  	[sflag:s30] =	ssyncadd.s32 $0xFFFFFB00  }
0x3a6: {  	_ =	swait.ge [sflag:s30], $0x500  }
0x3a7: {  	[sflag:s30] =	ssyncset.done $0x0  }
0x3a8: {  	[sflag:s30] =	ssyncadd.s32 $0xFFFFFB00  }
0x3a9: {  	_ =	swait.ge [sflag:s30], $0x500  }
0x3aa: {  	[sflag:s30] =	ssyncset.done $0x0  }
0x3ab: {  	[sflag:s30] =	ssyncadd.s32 $0xFFFFFB00  }
0x3ac: {  	_ =	swait.ge [sflag:s30], $0x500  }
0x3ad: {  	[sflag:s30] =	ssyncset.done $0x0  }
0x3ae: {  	[sflag:s30] =	ssyncadd.s32 $0xFFFFFB00  }
0x3af: {  	_ =	swait.ge [sflag:s30], $0x500  }
0x3b0: {  	[sflag:s30] =	ssyncset.done $0x0  }
0x3b1: {  	[sflag:s30] =	ssyncadd.s32 $0xFFFFFB00  }
0x3b2: {  	_ =	swait.ge [sflag:s30], $0x500  }
0x3b3: {  	[sflag:s30] =	ssyncset.done $0x0  }
0x3b4: {  	[sflag:s30] =	ssyncadd.s32 $0xFFFFFB00  }
0x3b5: {  	_ =	swait.ge [sflag:s30], $0x500  }
0x3b6: {  	[sflag:s30] =	ssyncset.done $0x0  }
0x3b7: {  	[sflag:s30] =	ssyncadd.s32 $0xFFFFFB00  }
0x3b8: {  	_ =	swait.ge [sflag:s30], $0x500  }
0x3b9: {  	[sflag:s30] =	ssyncset.done $0x0  }
0x3ba: {  	[sflag:s30] =	ssyncadd.s32 $0xFFFFFB00  }
0x3bb: {  	_ =	swait.ge [sflag:s30], $0x500  }
0x3bc: {  	[sflag:s30] =	ssyncset.done $0x0  }
0x3bd: {  	[sflag:s30] =	ssyncadd.s32 $0xFFFFFB00  }
0x3be: {  	_ =	swait.ge [sflag:s30], $0x500  }
0x3bf: {  	[sflag:s30] =	ssyncset.done $0x0  }
0x3c0: {  	[sflag:s30] =	ssyncadd.s32 $0xFFFFFB00  }
0x3c1: {  	_ =	swait.ge [sflag:s30], $0x500  }
0x3c2: {  	[sflag:s30] =	ssyncset.done $0x0  }
0x3c3: {  	[sflag:s30] =	ssyncadd.s32 $0xFFFFFB00  }
0x3c4: {  	_ =	swait.ge [sflag:s30], $0x500  }
0x3c5: {  	[sflag:s30] =	ssyncset.done $0x0  }
0x3c6: {  	[sflag:s30] =	ssyncadd.s32 $0xFFFFFB00  }
0x3c7: {  	_ =	swait.ge [sflag:s30], $0x500  }
0x3c8: {  	[sflag:s30] =	ssyncset.done $0x0  }
0x3c9: {  	[sflag:s30] =	ssyncadd.s32 $0xFFFFFB00  }
0x3ca: {  	_ =	swait.ge [sflag:s30], $0x500  }
0x3cb: {  	[sflag:s30] =	ssyncset.done $0x0  }
0x3cc: {  	[sflag:s30] =	ssyncadd.s32 $0xFFFFFB00  }
0x3cd: {  	_ =	swait.ge [sflag:s30], $0x500  }
0x3ce: {  	[sflag:s30] =	ssyncset.done $0x0  }
0x3cf: {  	[sflag:s30] =	ssyncadd.s32 $0xFFFFFB00  }
0x3d0: {  	_ =	swait.ge [sflag:s30], $0x500  }
0x3d1: {  	[sflag:s30] =	ssyncset.done $0x0  }
0x3d2: {  	[sflag:s30] =	ssyncadd.s32 $0xFFFFFB00  }
0x3d3: {  	_ =	swait.ge [sflag:s30], $0x500  }
0x3d4: {  	[sflag:s30] =	ssyncset.done $0x0  }
0x3d5: {  	[sflag:s30] =	ssyncadd.s32 $0xFFFFFB00  }
0x3d6: {  	_ =	swait.ge [sflag:s30], $0x500  }
0x3d7: {  	[sflag:s30] =	ssyncset.done $0x0  }
0x3d8: {  	[sflag:s30] =	ssyncadd.s32 $0xFFFFFB00  }
0x3d9: {  	_ =	swait.ge [sflag:s30], $0x500  }
0x3da: {  	[sflag:s30] =	ssyncset.done $0x0  }
0x3db: {  	[sflag:s30] =	ssyncadd.s32 $0xFFFFFB00  }
0x3dc: {  	_ =	swait.ge [sflag:s30], $0x500  }
0x3dd: {  	[sflag:s30] =	ssyncset.done $0x0  }
0x3de: {  	[sflag:s30] =	ssyncadd.s32 $0xFFFFFB00  }
0x3df: {  	_ =	swait.ge [sflag:s30], $0x500  }
0x3e0: {  	[sflag:s30] =	ssyncset.done $0x0  }
0x3e1: {  	[sflag:s30] =	ssyncadd.s32 $0xFFFFFB00  }
0x3e2: {  	_ =	swait.ge [sflag:s30], $0x500  }
0x3e3: {  	[sflag:s30] =	ssyncset.done $0x0  }
0x3e4: {  	s9 =	simm.s32 $0x0;
	s4 =	rddreg [dreg:$0x1a];
	[sflag:s30] =	ssyncadd.s32 $0xFFFFFB00  }
0x3e5: {  	[tilespmem:s10], [sflag:$0x8] =	stream.linear.gather [hbm4b:s4+s9], $0x7D0, $0x38;
	[tilespmem:$0x1EC30] =	vst v63  }
0x3e6: {  	_ =	swait.ge [sflag:s11], $0x7D0  }
0x3e7: {  	[sflag:s11] =	ssyncset.done $0x0  }
0x3e8: {  	s8 =	rddreg [dreg:$0x1b];
	[sflag:s11] =	ssyncadd.s32 $0xFFFFF830  }
0x3e9: {  	[tilespmem:s9], [sflag:$0x8] =	stream.linear.gather [hbm4b:s8+s9], $0x7D0, $0x38;
	[tilespmem:$0x1EC30] =	vst v63  }
0x3ea: {  	_ =	swait.ge [sflag:s11], $0x7D0  }
0x3eb: {  	[sflag:s11] =	ssyncset.done $0x0  }
0x3ec: {  	[sflag:s11] =	ssyncadd.s32 $0xFFFFF830  }
0x3ed: {  	[tilespmem:s13], [sflag:$0x1] =	stream.indirect.gather [hbm4b:s5+s12], $0x80, s9, s12, $0xb8;
	[tilespmem:$0x1EC30] =	vst v63  }
0x3ee: {  	_ = 	snop  }
0x3ef: {  	[tilespmem:s14], [sflag:$0x2] =	stream.indirect.gather [hbm4b:s5+s12], $0x80, s12, s12, $0xb8;
	[tilespmem:$0x1EC30] =	vst v63  }
0x3f0: {  	_ = 	snop  }
0x3f1: {  	[tilespmem:s17], [sflag:$0x3] =	stream.indirect.gather [hbm4b:s5+s12], $0x80, s16, s12, $0xb8;
	[tilespmem:$0x1EC30] =	vst v63  }
0x3f2: {  	s9 =	simm.s32 $0x7D0  }
0x3f3: {  	[spmem:s3] =	stream.indirect.scatter.add.f32 [tilespmem:s15], [sflag:$0x7], $0x10, s9, s12, $0xb8;
	[tilespmem:$0x1EC30] =	vst v63  }
0x3f4: {  	_ =	swait.ge [sflag:s18], $0x2800  }
0x3f5: {  	[sflag:s18] =	ssyncset.done $0x0  }
0x3f6: {  	[sflag:s18] =	ssyncadd.s32 $0xFFFFD800  }
0x3f7: {  	[spmem:s2] =	stream.indirect.scatter.add.f32 [tilespmem:s13], [sflag:$0x4], $0x80, s9, s12, $0xb8;
	[tilespmem:$0x1EC30] =	vst v63  }
0x3f8: {  	_ =	swait.ge [sflag:s19], $0x2800  }
0x3f9: {  	[sflag:s19] =	ssyncset.done $0x0  }
0x3fa: {  	s1 =	simm.s32 $0xF0;
	[sflag:s19] =	ssyncadd.s32 $0xFFFFD800  }
0x3fb: {  	[tilespmem:s13], [sflag:$0x1] =	stream.indirect.gather [hbm4b:s5+s12], $0x80, s1, s12, $0xb8;
	[tilespmem:$0x1EC30] =	vst v63  }
0x3fc: {  	s4 =	simm.s32 $0x820  }
0x3fd: {  	[spmem:s3] =	stream.indirect.scatter.add.f32 [tilespmem:s15], [sflag:$0x7], $0x10, s4, s12, $0xb8;
	[tilespmem:$0x1EC30] =	vst v63  }
0x3fe: {  	_ =	swait.ge [sflag:s20], $0x2800  }
0x3ff: {  	[sflag:s20] =	ssyncset.done $0x0  }
0x400: {  	[sflag:s20] =	ssyncadd.s32 $0xFFFFD800  }
0x401: {  	[spmem:s2] =	stream.indirect.scatter.add.f32 [tilespmem:s14], [sflag:$0x5], $0x80, s4, s12, $0xb8;
	[tilespmem:$0x1EC30] =	vst v63  }
0x402: {  	_ =	swait.ge [sflag:s21], $0x2800  }
0x403: {  	[sflag:s21] =	ssyncset.done $0x0  }
0x404: {  	s8 =	simm.s32 $0x140;
	[sflag:s21] =	ssyncadd.s32 $0xFFFFD800  }
0x405: {  	[tilespmem:s14], [sflag:$0x2] =	stream.indirect.gather [hbm4b:s5+s12], $0x80, s8, s12, $0xb8;
	[tilespmem:$0x1EC30] =	vst v63  }
0x406: {  	s9 =	simm.s32 $0x870  }
0x407: {  	[spmem:s3] =	stream.indirect.scatter.add.f32 [tilespmem:s15], [sflag:$0x7], $0x10, s9, s12, $0xb8;
	[tilespmem:$0x1EC30] =	vst v63  }
0x408: {  	_ =	swait.ge [sflag:s22], $0x2800  }
0x409: {  	[sflag:s22] =	ssyncset.done $0x0  }
0x40a: {  	[sflag:s22] =	ssyncadd.s32 $0xFFFFD800  }
0x40b: {  	[spmem:s2] =	stream.indirect.scatter.add.f32 [tilespmem:s17], [sflag:$0x6], $0x80, s9, s12, $0xb8;
	[tilespmem:$0x1EC30] =	vst v63  }
0x40c: {  	_ =	swait.ge [sflag:s23], $0x2800  }
0x40d: {  	s1 =	simm.s32 $0xF0;
	[sflag:s23] =	ssyncset.done $0x0  }
0x40e: {  	s4 =	simm.s32 $0x190;
	s9 =	simm.s32 $0x780;
	[sflag:s23] =	ssyncadd.s32 $0xFFFFD800  }
.LBB2_14:
0x40f: {  	[tilespmem:s17], [sflag:$0x3] =	stream.indirect.gather [hbm4b:s5+s12], $0x80, s4, s12, $0xb8;
	[tilespmem:$0x1EC30] =	vst v63  }
0x410: {  	s0 =	smov.u32 s9  }
0x411: {  	s4 =	sadd.s32 $0x7D0, s1;
	s8 =	sshra.s32 s0, $0x2;
	s0 =	sadd.s32 $0x3C0, s9  }
0x412: {  	[spmem:s3] =	stream.indirect.scatter.add.f32 [tilespmem:s15], [sflag:$0x7], $0x10, s4, s12, $0xb8;
	[tilespmem:$0x1EC30] =	vst v63  }
0x413: {  	p0 =	sne.s32 s9, $0x1680;
	_ =	swait.ge [sflag:s18], $0x2800  }
0x414: {  	[sflag:s18] =	ssyncset.done $0x0  }
0x415: {  	[sflag:s18] =	ssyncadd.s32 $0xFFFFD800  }
0x416: {  	[spmem:s2] =	stream.indirect.scatter.add.f32 [tilespmem:s13], [sflag:$0x4], $0x80, s4, s12, $0xb8;
	[tilespmem:$0x1EC30] =	vst v63  }
0x417: {  	_ =	swait.ge [sflag:s19], $0x2800  }
0x418: {  	[sflag:s19] =	ssyncset.done $0x0  }
0x419: {  	s4 =	sadd.s32 $0xF0, s1;
	[sflag:s19] =	ssyncadd.s32 $0xFFFFD800  }
0x41a: {  	[tilespmem:s13], [sflag:$0x1] =	stream.indirect.gather [hbm4b:s5+s12], $0x80, s4, s12, $0xb8;
	[tilespmem:$0x1EC30] =	vst v63  }
0x41b: {  	s4 =	sadd.s32 $0x820, s1  }
0x41c: {  	[spmem:s3] =	stream.indirect.scatter.add.f32 [tilespmem:s15], [sflag:$0x7], $0x10, s4, s12, $0xb8;
	[tilespmem:$0x1EC30] =	vst v63  }
0x41d: {  	_ =	swait.ge [sflag:s20], $0x2800  }
0x41e: {  	[sflag:s20] =	ssyncset.done $0x0  }
0x41f: {  	[sflag:s20] =	ssyncadd.s32 $0xFFFFD800  }
0x420: {  	[spmem:s2] =	stream.indirect.scatter.add.f32 [tilespmem:s14], [sflag:$0x5], $0x80, s4, s12, $0xb8;
	[tilespmem:$0x1EC30] =	vst v63  }
0x421: {  	_ =	swait.ge [sflag:s21], $0x2800  }
0x422: {  	[sflag:s21] =	ssyncset.done $0x0  }
0x423: {  	s4 =	sadd.s32 $0x140, s1;
	[sflag:s21] =	ssyncadd.s32 $0xFFFFD800  }
0x424: {  	[tilespmem:s14], [sflag:$0x2] =	stream.indirect.gather [hbm4b:s5+s12], $0x80, s4, s12, $0xb8;
	[tilespmem:$0x1EC30] =	vst v63  }
0x425: {  	s4 =	sadd.s32 $0x870, s1  }
0x426: {  	[spmem:s3] =	stream.indirect.scatter.add.f32 [tilespmem:s15], [sflag:$0x7], $0x10, s4, s12, $0xb8;
	[tilespmem:$0x1EC30] =	vst v63  }
0x427: {  	_ =	swait.ge [sflag:s22], $0x2800  }
0x428: {  	[sflag:s22] =	ssyncset.done $0x0  }
.Ltmp6:
0x429: {  	[sflag:s22] =	ssyncadd.s32 $0xFFFFD800;
	(pc) =	sbr.rel @p0 .LBB2_14-.Ltmp6, $4  }
0x42a: {  	[spmem:s2] =	stream.indirect.scatter.add.f32 [tilespmem:s17], [sflag:$0x6], $0x80, s4, s12, $0xb8;
	[tilespmem:$0x1EC30] =	vst v63  }
0x42b: {  	_ =	swait.ge [sflag:s23], $0x2800  }
0x42c: {  	s9 =	smov.u32 s0;
	[sflag:s23] =	ssyncset.done $0x0  }
0x42d: {  	s4 =	sadd.s32 $0x190, s1;
	s1 =	smov.u32 s8;
	[sflag:s23] =	ssyncadd.s32 $0xFFFFD800  }
0x42e: {  	[tilespmem:s17], [sflag:$0x3] =	stream.indirect.gather [hbm4b:s5+s12], $0x80, s4, s12, $0xb8;
	[tilespmem:$0x1EC30] =	vst v63  }
0x42f: {  	s0 =	sadd.s32 $0x7D0, s1  }
0x430: {  	[spmem:s3] =	stream.indirect.scatter.add.f32 [tilespmem:s15], [sflag:$0x7], $0x10, s0, s12, $0xb8;
	[tilespmem:$0x1EC30] =	vst v63  }
0x431: {  	_ =	swait.ge [sflag:s18], $0x2800  }
0x432: {  	[sflag:s18] =	ssyncset.done $0x0  }
0x433: {  	[sflag:s18] =	ssyncadd.s32 $0xFFFFD800  }
0x434: {  	[spmem:s2] =	stream.indirect.scatter.add.f32 [tilespmem:s13], [sflag:$0x4], $0x80, s0, s12, $0xb8;
	[tilespmem:$0x1EC30] =	vst v63  }
0x435: {  	_ =	swait.ge [sflag:s19], $0x2800  }
0x436: {  	[sflag:s19] =	ssyncset.done $0x0  }
0x437: {  	s9 =	sadd.s32 $0xF0, s1;
	[sflag:s19] =	ssyncadd.s32 $0xFFFFD800  }
0x438: {  	[tilespmem:s13], [sflag:$0x1] =	stream.indirect.gather [hbm4b:s5+s12], $0x80, s9, s12, $0xb8;
	[tilespmem:$0x1EC30] =	vst v63  }
0x439: {  	s4 =	sadd.s32 $0x820, s1  }
0x43a: {  	[spmem:s3] =	stream.indirect.scatter.add.f32 [tilespmem:s15], [sflag:$0x7], $0x10, s4, s12, $0xb8;
	[tilespmem:$0x1EC30] =	vst v63  }
0x43b: {  	_ =	swait.ge [sflag:s20], $0x2800  }
0x43c: {  	[sflag:s20] =	ssyncset.done $0x0  }
0x43d: {  	[sflag:s20] =	ssyncadd.s32 $0xFFFFD800  }
0x43e: {  	[spmem:s2] =	stream.indirect.scatter.add.f32 [tilespmem:s14], [sflag:$0x5], $0x80, s4, s12, $0xb8;
	[tilespmem:$0x1EC30] =	vst v63  }
0x43f: {  	_ =	swait.ge [sflag:s21], $0x2800  }
0x440: {  	[sflag:s21] =	ssyncset.done $0x0  }
0x441: {  	s8 =	sadd.s32 $0x140, s1;
	[sflag:s21] =	ssyncadd.s32 $0xFFFFD800  }
0x442: {  	[tilespmem:s14], [sflag:$0x2] =	stream.indirect.gather [hbm4b:s5+s12], $0x80, s8, s12, $0xb8;
	[tilespmem:$0x1EC30] =	vst v63  }
0x443: {  	s9 =	sadd.s32 $0x870, s1  }
0x444: {  	[spmem:s3] =	stream.indirect.scatter.add.f32 [tilespmem:s15], [sflag:$0x7], $0x10, s9, s12, $0xb8;
	[tilespmem:$0x1EC30] =	vst v63  }
0x445: {  	_ =	swait.ge [sflag:s22], $0x2800  }
0x446: {  	[sflag:s22] =	ssyncset.done $0x0  }
0x447: {  	[sflag:s22] =	ssyncadd.s32 $0xFFFFD800  }
0x448: {  	[spmem:s2] =	stream.indirect.scatter.add.f32 [tilespmem:s17], [sflag:$0x6], $0x80, s9, s12, $0xb8;
	[tilespmem:$0x1EC30] =	vst v63  }
0x449: {  	_ =	swait.ge [sflag:s23], $0x2800  }
0x44a: {  	[sflag:s23] =	ssyncset.done $0x0  }
0x44b: {  	s1 =	sadd.s32 $0x190, s1;
	[sflag:s23] =	ssyncadd.s32 $0xFFFFD800  }
0x44c: {  	[tilespmem:s17], [sflag:$0x3] =	stream.indirect.gather [hbm4b:s5+s12], $0x80, s1, s12, $0xb8;
	[tilespmem:$0x1EC30] =	vst v63  }
0x44d: {  	_ = 	snop  }
0x44e: {  	[spmem:s3] =	stream.indirect.scatter.add.f32 [tilespmem:s15], [sflag:$0x7], $0x10, s24, s12, $0xb8;
	[tilespmem:$0x1EC30] =	vst v63  }
0x44f: {  	_ =	swait.ge [sflag:s18], $0x2800  }
0x450: {  	[sflag:s18] =	ssyncset.done $0x0  }
0x451: {  	[sflag:s18] =	ssyncadd.s32 $0xFFFFD800  }
0x452: {  	[spmem:s2] =	stream.indirect.scatter.add.f32 [tilespmem:s13], [sflag:$0x4], $0x80, s24, s12, $0xb8;
	[tilespmem:$0x1EC30] =	vst v63  }
0x453: {  	_ =	swait.ge [sflag:s19], $0x2800  }
0x454: {  	[sflag:s19] =	ssyncset.done $0x0  }
0x455: {  	[sflag:s19] =	ssyncadd.s32 $0xFFFFD800  }
0x456: {  	[tilespmem:s13], [sflag:$0x1] =	stream.indirect.gather [hbm4b:s5+s12], $0x80, s25, s12, $0xb8;
	[tilespmem:$0x1EC30] =	vst v63  }
0x457: {  	_ = 	snop  }
0x458: {  	[spmem:s3] =	stream.indirect.scatter.add.f32 [tilespmem:s15], [sflag:$0x7], $0x10, s26, s12, $0xb8;
	[tilespmem:$0x1EC30] =	vst v63  }
0x459: {  	_ =	swait.ge [sflag:s20], $0x2800  }
0x45a: {  	[sflag:s20] =	ssyncset.done $0x0  }
0x45b: {  	[sflag:s20] =	ssyncadd.s32 $0xFFFFD800  }
0x45c: {  	[spmem:s2] =	stream.indirect.scatter.add.f32 [tilespmem:s14], [sflag:$0x5], $0x80, s26, s12, $0xb8;
	[tilespmem:$0x1EC30] =	vst v63  }
0x45d: {  	_ = 	snop  }
0x45e: {  	[spmem:s3] =	stream.indirect.scatter.add.f32 [tilespmem:s15], [sflag:$0x7], $0x10, s28, s12, $0xb8;
	[tilespmem:$0x1EC30] =	vst v63  }
0x45f: {  	_ =	swait.ge [sflag:s22], $0x2800  }
0x460: {  	[sflag:s22] =	ssyncset.done $0x0  }
0x461: {  	[sflag:s22] =	ssyncadd.s32 $0xFFFFD800  }
0x462: {  	[spmem:s2] =	stream.indirect.scatter.add.f32 [tilespmem:s17], [sflag:$0x6], $0x80, s28, s12, $0xb8;
	[tilespmem:$0x1EC30] =	vst v63  }
0x463: {  	_ = 	snop  }
0x464: {  	[spmem:s3] =	stream.indirect.scatter.add.f32 [tilespmem:s15], [sflag:$0x7], $0x10, s29, s12, $0xb8;
	[tilespmem:$0x1EC30] =	vst v63  }
0x465: {  	_ =	swait.ge [sflag:s18], $0x2800  }
0x466: {  	[sflag:s18] =	ssyncset.done $0x0  }
0x467: {  	[sflag:s18] =	ssyncadd.s32 $0xFFFFD800  }
0x468: {  	[spmem:s2] =	stream.indirect.scatter.add.f32 [tilespmem:s13], [sflag:$0x4], $0x80, s29, s12, $0xb8;
	[tilespmem:$0x1EC30] =	vst v63  }
0x469: {  	_ =	swait.ge [sflag:s19], $0x2800  }
0x46a: {  	[sflag:s19] =	ssyncset.done $0x0  }
0x46b: {  	[sflag:s19] =	ssyncadd.s32 $0xFFFFD800  }
0x46c: {  	_ =	swait.ge [sflag:s21], $0x2800  }
0x46d: {  	[sflag:s21] =	ssyncset.done $0x0  }
0x46e: {  	[sflag:s21] =	ssyncadd.s32 $0xFFFFD800  }
0x46f: {  	_ =	swait.ge [sflag:s23], $0x2800  }
0x470: {  	[sflag:s23] =	ssyncset.done $0x0  }
0x471: {  	[sflag:s23] =	ssyncadd.s32 $0xFFFFD800  }
0x472: {  	_ =	swait.ge [sflag:s30], $0x500  }
0x473: {  	[sflag:s30] =	ssyncset.done $0x0  }
0x474: {  	[sflag:s30] =	ssyncadd.s32 $0xFFFFFB00  }
0x475: {  	_ =	swait.ge [sflag:s30], $0x500  }
0x476: {  	[sflag:s30] =	ssyncset.done $0x0  }
0x477: {  	[sflag:s30] =	ssyncadd.s32 $0xFFFFFB00  }
0x478: {  	_ =	swait.ge [sflag:s30], $0x500  }
0x479: {  	[sflag:s30] =	ssyncset.done $0x0  }
0x47a: {  	[sflag:s30] =	ssyncadd.s32 $0xFFFFFB00  }
0x47b: {  	_ =	swait.ge [sflag:s30], $0x500  }
0x47c: {  	[sflag:s30] =	ssyncset.done $0x0  }
0x47d: {  	[sflag:s30] =	ssyncadd.s32 $0xFFFFFB00  }
0x47e: {  	_ =	swait.ge [sflag:s30], $0x500  }
0x47f: {  	[sflag:s30] =	ssyncset.done $0x0  }
0x480: {  	[sflag:s30] =	ssyncadd.s32 $0xFFFFFB00  }
0x481: {  	_ =	swait.ge [sflag:s30], $0x500  }
0x482: {  	[sflag:s30] =	ssyncset.done $0x0  }
0x483: {  	[sflag:s30] =	ssyncadd.s32 $0xFFFFFB00  }
0x484: {  	_ =	swait.ge [sflag:s30], $0x500  }
0x485: {  	[sflag:s30] =	ssyncset.done $0x0  }
0x486: {  	[sflag:s30] =	ssyncadd.s32 $0xFFFFFB00  }
0x487: {  	_ =	swait.ge [sflag:s30], $0x500  }
0x488: {  	[sflag:s30] =	ssyncset.done $0x0  }
0x489: {  	[sflag:s30] =	ssyncadd.s32 $0xFFFFFB00  }
0x48a: {  	_ =	swait.ge [sflag:s30], $0x500  }
0x48b: {  	[sflag:s30] =	ssyncset.done $0x0  }
0x48c: {  	[sflag:s30] =	ssyncadd.s32 $0xFFFFFB00  }
0x48d: {  	_ =	swait.ge [sflag:s30], $0x500  }
0x48e: {  	[sflag:s30] =	ssyncset.done $0x0  }
0x48f: {  	[sflag:s30] =	ssyncadd.s32 $0xFFFFFB00  }
0x490: {  	_ =	swait.ge [sflag:s30], $0x500  }
0x491: {  	[sflag:s30] =	ssyncset.done $0x0  }
0x492: {  	[sflag:s30] =	ssyncadd.s32 $0xFFFFFB00  }
0x493: {  	_ =	swait.ge [sflag:s30], $0x500  }
0x494: {  	[sflag:s30] =	ssyncset.done $0x0  }
0x495: {  	[sflag:s30] =	ssyncadd.s32 $0xFFFFFB00  }
0x496: {  	_ =	swait.ge [sflag:s30], $0x500  }
0x497: {  	[sflag:s30] =	ssyncset.done $0x0  }
0x498: {  	[sflag:s30] =	ssyncadd.s32 $0xFFFFFB00  }
0x499: {  	_ =	swait.ge [sflag:s30], $0x500  }
0x49a: {  	[sflag:s30] =	ssyncset.done $0x0  }
0x49b: {  	[sflag:s30] =	ssyncadd.s32 $0xFFFFFB00  }
0x49c: {  	_ =	swait.ge [sflag:s30], $0x500  }
0x49d: {  	[sflag:s30] =	ssyncset.done $0x0  }
0x49e: {  	[sflag:s30] =	ssyncadd.s32 $0xFFFFFB00  }
0x49f: {  	_ =	swait.ge [sflag:s30], $0x500  }
0x4a0: {  	[sflag:s30] =	ssyncset.done $0x0  }
0x4a1: {  	[sflag:s30] =	ssyncadd.s32 $0xFFFFFB00  }
0x4a2: {  	_ =	swait.ge [sflag:s30], $0x500  }
0x4a3: {  	[sflag:s30] =	ssyncset.done $0x0  }
0x4a4: {  	[sflag:s30] =	ssyncadd.s32 $0xFFFFFB00  }
0x4a5: {  	_ =	swait.ge [sflag:s30], $0x500  }
0x4a6: {  	[sflag:s30] =	ssyncset.done $0x0  }
0x4a7: {  	[sflag:s30] =	ssyncadd.s32 $0xFFFFFB00  }
0x4a8: {  	_ =	swait.ge [sflag:s30], $0x500  }
0x4a9: {  	[sflag:s30] =	ssyncset.done $0x0  }
0x4aa: {  	[sflag:s30] =	ssyncadd.s32 $0xFFFFFB00  }
0x4ab: {  	_ =	swait.ge [sflag:s30], $0x500  }
0x4ac: {  	[sflag:s30] =	ssyncset.done $0x0  }
0x4ad: {  	[sflag:s30] =	ssyncadd.s32 $0xFFFFFB00  }
0x4ae: {  	_ =	swait.ge [sflag:s30], $0x500  }
0x4af: {  	[sflag:s30] =	ssyncset.done $0x0  }
0x4b0: {  	[sflag:s30] =	ssyncadd.s32 $0xFFFFFB00  }
0x4b1: {  	_ =	swait.ge [sflag:s30], $0x500  }
0x4b2: {  	[sflag:s30] =	ssyncset.done $0x0  }
0x4b3: {  	[sflag:s30] =	ssyncadd.s32 $0xFFFFFB00  }
0x4b4: {  	_ =	swait.ge [sflag:s30], $0x500  }
0x4b5: {  	[sflag:s30] =	ssyncset.done $0x0  }
0x4b6: {  	[sflag:s30] =	ssyncadd.s32 $0xFFFFFB00  }
0x4b7: {  	_ =	swait.ge [sflag:s30], $0x500  }
0x4b8: {  	[sflag:s30] =	ssyncset.done $0x0  }
0x4b9: {  	[sflag:s30] =	ssyncadd.s32 $0xFFFFFB00  }
0x4ba: {  	_ =	swait.ge [sflag:s30], $0x500  }
0x4bb: {  	[sflag:s30] =	ssyncset.done $0x0  }
0x4bc: {  	s4 =	stileid.u32;
	[sflag:s30] =	ssyncadd.s32 $0xFFFFFB00  }
0x4bd: {  	s0 =	sshll.u32 s4, $0x6;
	[bflag:$0x0] =	sbarrier.arrive $0xFFFF  }
0x4be: {  	s0 =	sor.u32 $0x1C08, s0;
	s8 =	sshrl.u32 s6, $0x3;
	s9 =	rddreg [dreg:$0x1c]  }
0x4bf: {  	[hbm:s9], [sflag:s0] =	dma.local [spmem:s8], $0x2710  }
0x4c0: {  	_ =	swait.ge [sflag:s11], $0x2710  }
0x4c1: {  	[sflag:s11] =	ssyncset.done $0x0  }
0x4c2: {  	s4 =	sshrl.u32 s7, $0x3;
	s8 =	rddreg [dreg:$0x1d];
	[sflag:s11] =	ssyncadd.s32 $0xFFFFD8F0  }
0x4c3: {  	[hbm:s8], [sflag:s0] =	dma.local [spmem:s4], $0x4E2  }
0x4c4: {  	_ =	swait.ge [sflag:s11], $0x4E2  }
0x4c5: {  	s31 =	sadd.s32 $0x1, s31;
	s9 =	rddreg [dreg:$0x1e]  }
0x4c6: {  	p0 =	sne.s32 s31, s9  }
.Ltmp7:
0x4c7: {  	_ = 	snop;
	(pc) =	sbr.rel @p0 .LBB2_1-.Ltmp7, $3  }
0x4c8: {  	_ =	sdelay $0x1  }
0x4c9: {  	[sflag:s11] =	ssyncset.done $0x0  }
0x4ca: {  	[sflag:s11] =	ssyncadd.s32 $0xFFFFFB1E  }
0x4cb: {  	_ =	sfence.sel $0x180000  }
0x4cc: {  	[bflag:$0x0] =	sbarrier.arrive $0xFFFF  }
0x4cd: {  	_ =	strace $0x90000047  }
0x4ce: {  	s0 =	stileid.u32;
	[bflag:$0x2] =	sbarrier.arrive $0xFFFF  }
0x4cf: {  	p0 =	sne.s32 s0, $0x0;
	s0 =	rddreg [dreg:$0x3]  }
0x4d0: {  	s0 =	sadd.s32 @!p0 $0x100000, s0  }
0x4d1: {  	[sflag:s0] =	ssyncadd.tile.s32 @!p0 $0x1;
	_ =	shalt  }
.Lfunc_end2:
_tile_overlayer_lowered:
.L_overlay_start_2:
0x4d2: {  	(tag) =	ssettag $0x2  }
0x4d3: {  	s0 =	rddreg [dreg:$0x0];
	s2 =	stileid.u32  }
0x4d4: {  	s1 =	rddreg [dreg:$0x1];
	p0 =	sne.s32 s2, $0x0  }
0x4d5: {  	s3 =	rddreg [dreg:$0x2];
	[bflag:$0x3] =	sbarrier.arrive $0xFFFF;
	s2 =	simm.s32 @!p0 $0x1C08  }
0x4d6: {  	[timem:s3], [sflag:s2] =	dma.local @!p0 [hbm:s0], s1  }
0x4d7: {  	s0 =	simm.s32 @!p0 $0x8  }
0x4d8: {  	_ =	swait.ge @!p0 [sflag:s0], s1  }
0x4d9: {  	s1 =	ssub.s32 @!p0 $0x0, s1;
	[sflag:s0] =	ssyncset.done @!p0 $0x0  }
0x4da: {  	[sflag:s0] =	ssyncadd.s32 @!p0 s1  }
0x4db: {  	[bflag:$0x3] =	sbarrier.arrive $0xFFFF  }
0x4dc: {  	_ =	shalt  }

</sc_bundles>
